<compile_context>
chip_gen: v7x
topology: tpu7x:2x2x1
jax: 0.10.2.dev20260603
libtpu: 0.0.44.dev20260713+nightly
codegen_flags: <defaults>
</compile_context>

<pallas_src>
import jax
import jax.numpy as jnp
from jax import lax
from jax.experimental import pallas as pl
from jax.experimental.pallas import tpu as pltpu
from jax.experimental.pallas import tpu_sc as plsc

B, L, D = 16, 4096, 768
NSEG = 128
LANES = 16
DH = D // 2
JV = DH // LANES
CHUNK = 64
NCHUNK = L // CHUNK


def _body(x_hbm, idx_hbm, out_hbm, xb0, xb1, ib, acc, cnt, sem0, sem1, semi,
          sm_bnd, sm_seg, bndv, segv):
    c = lax.axis_index("c")
    s = lax.axis_index("s")
    b = c * 8 + s % 8
    dh = s // 8

    zero16 = jnp.zeros((LANES,), jnp.float32)
    col0 = dh * DH

    def xsrc(ch):
        return x_hbm.at[b, pl.ds(ch * CHUNK, CHUNK), pl.ds(col0, DH)]

    pltpu.make_async_copy(xsrc(0), xb0, sem0).start()
    idx_cp = pltpu.make_async_copy(idx_hbm.at[b, :], ib, semi)
    idx_cp.start()

    def zero_row(r, _):
        for j in range(JV):
            acc[r, pl.ds(j * LANES, LANES)] = zero16
        cnt[r, pl.ds(0, LANES)] = zero16
        return 0
    lax.fori_loop(0, NSEG, zero_row, 0)

    idx_cp.wait()

    def flush(cur_seg, run_len, accs):
        @pl.when(cur_seg >= 0)
        def _():
            rl = run_len.astype(jnp.float32)
            plsc.addupdate(cnt.at[cur_seg, pl.ds(0, LANES)],
                           jnp.broadcast_to(rl, (LANES,)))
            for j in range(JV):
                plsc.addupdate(acc.at[cur_seg, pl.ds(j * LANES, LANES)],
                               accs[j])

    iota16 = lax.iota(jnp.int32, LANES)

    def scan_runs(ch, prev_last):
        c0 = ch * CHUNK
        nb = jnp.int32(0)
        prev = prev_last
        for g in range(CHUNK // LANES):
            idv = ib[pl.ds(c0 + g * LANES, LANES)]
            sh = idv.at[jnp.maximum(iota16 - 1, 0)].get(
                mode="promise_in_bounds")
            pv = jnp.where(iota16 == 0, prev, sh)
            chg = idv != pv
            if g == 0:
                chg = chg | (iota16 == 0)
            pos = plsc.cumsum(chg.astype(jnp.int32))
            slot = pos + (nb - 1)
            plsc.store_scatter(bndv, [slot], iota16 + g * LANES, mask=chg)
            plsc.store_scatter(segv, [slot], idv, mask=chg)
            nb = nb + pos[LANES - 1]
            prev = idv[LANES - 1]
        plsc.store_scatter(bndv, [jnp.broadcast_to(nb, (LANES,))],
                           jnp.full((LANES,), CHUNK, jnp.int32),
                           mask=iota16 == 0)

        def batch(bi, _):
            off = pl.multiple_of(bi * LANES, LANES)
            bv = bndv[pl.ds(off, LANES)]
            sv = segv[pl.ds(off, LANES)]
            for l in range(LANES):
                sm_bnd[off + l] = bv[l]
                sm_seg[off + l] = sv[l]
            return 0
        lax.fori_loop(0, (nb + LANES) // LANES, batch, 0)
        return nb, prev

    def process(xb, ch, carry):
        cur_seg, run_len, accs, prev_last = carry
        nruns, prev_last = scan_runs(ch, prev_last)

        def run_body(k, rc):
            cur_seg, run_len, accs = rc
            st = sm_bnd[k]
            en = sm_bnd[k + 1]
            seg = sm_seg[k]
            changed = seg != cur_seg

            @pl.when(changed)
            def _():
                flush(cur_seg, run_len, accs)

            keep = jnp.broadcast_to(~changed, (LANES,))
            accs = tuple(jnp.where(keep, a, 0.0) for a in accs)
            run_len = jnp.where(changed, 0, run_len)

            def tok(t, accs):
                return tuple(accs[j] + xb[t, pl.ds(j * LANES, LANES)]
                             for j in range(JV))
            accs = lax.fori_loop(st, en, tok, accs)
            return (seg, run_len + (en - st), accs)

        rc = lax.fori_loop(0, nruns, run_body, (cur_seg, run_len, accs))
        return (*rc, prev_last)

    def pair_body(p, carry):
        ch0 = 2 * p
        pltpu.make_async_copy(xsrc(ch0 + 1), xb1, sem1).start()
        pltpu.make_async_copy(xsrc(ch0), xb0, sem0).wait()
        carry = process(xb0, ch0, carry)
        @pl.when(p < NCHUNK // 2 - 1)
        def _():
            pltpu.make_async_copy(xsrc(ch0 + 2), xb0, sem0).start()
        pltpu.make_async_copy(xsrc(ch0 + 1), xb1, sem1).wait()
        carry = process(xb1, ch0 + 1, carry)
        return carry

    zero_accs = tuple(zero16 for _ in range(JV))
    init = (jnp.int32(-1), jnp.int32(0), zero_accs, jnp.int32(-1))
    cur_seg, run_len, accs, _ = lax.fori_loop(0, NCHUNK // 2, pair_body, init)
    flush(cur_seg, run_len, accs)

    def fin_row(r, _):
        rinv = 1.0 / jnp.maximum(cnt[r, pl.ds(0, LANES)], 1.0)
        for j in range(JV):
            acc[r, pl.ds(j * LANES, LANES)] = (
                acc[r, pl.ds(j * LANES, LANES)] * rinv)
        return 0

    lax.fori_loop(0, NSEG // 2, fin_row, 0)
    out_cp = pltpu.make_async_copy(
        acc.at[pl.ds(0, NSEG // 2), :],
        out_hbm.at[b, pl.ds(0, NSEG // 2), pl.ds(col0, DH)], semi)
    out_cp.start()
    lax.fori_loop(NSEG // 2, NSEG, fin_row, 0)
    pltpu.sync_copy(acc.at[pl.ds(NSEG // 2, NSEG // 2), :],
                    out_hbm.at[b, pl.ds(NSEG // 2, NSEG // 2),
                               pl.ds(col0, DH)])
    out_cp.wait()


def kernel(x, sentence_idx):
    mesh = plsc.VectorSubcoreMesh(core_axis_name="c", subcore_axis_name="s")
    f = pl.kernel(
        _body,
        out_type=jax.ShapeDtypeStruct((B, NSEG, D), jnp.float32),
        mesh=mesh,
        compiler_params=pltpu.CompilerParams(needs_layout_passes=False),
        scratch_types=[
            pltpu.VMEM((CHUNK, DH), jnp.float32),
            pltpu.VMEM((CHUNK, DH), jnp.float32),
            pltpu.VMEM((L,), jnp.int32),
            pltpu.VMEM((NSEG, DH), jnp.float32),
            pltpu.VMEM((NSEG, LANES), jnp.float32),
            pltpu.SemaphoreType.DMA,
            pltpu.SemaphoreType.DMA,
            pltpu.SemaphoreType.DMA,
            pltpu.SMEM((CHUNK + LANES,), jnp.int32),
            pltpu.SMEM((CHUNK + LANES,), jnp.int32),
            pltpu.VMEM((CHUNK + LANES,), jnp.int32),
            pltpu.VMEM((CHUNK + LANES,), jnp.int32),
        ],
    )
    return f(x, sentence_idx.astype(jnp.int32))

# --- scband reference (transcript-rebuilt; emitter-appended) ---
"""Pipeline reference for scband-sentence-gather-90288802497333 (READ-ONLY COPY).

The authoritative reference and input builder live on the scoring server;
editing this copy changes nothing except your own understanding.
"""

import jax, jax.numpy as jnp
import numpy as np

B, L, D = 16, 4096, 768
NUM_SENTENCES = 128

def setup_inputs(seed: int = 0) -> dict:
    key = jax.random.key(seed)
    k1, k2 = jax.random.split(key)
    x = jax.random.normal(k1, (B, L, D), dtype=jnp.float32)
    sentence_idx = jnp.sort(jax.random.randint(k2, (B, L), 0, NUM_SENTENCES), axis=-1)
    return {"x": x, "sentence_idx": sentence_idx}

def reference(x, sentence_idx):
    # SentenceGather with pool='avg': for each batch sample, average the token
    # embeddings belonging to each sentence id (segment mean per sample).
    # Torch returns a list of variable-length [n_sent_b, D] tensors; here we
    # return the fixed-shape padded equivalent [B, NUM_SENTENCES, D] where
    # segment s of sample b holds mean(x[b, sentence_idx[b]==s]). Empty
    # segments (skipped by the torch loop) are zeros.
    def per_sample(xb, idxb):
        sums = jax.ops.segment_sum(xb, idxb, num_segments=NUM_SENTENCES)
        counts = jax.ops.segment_sum(jnp.ones((xb.shape[0],), xb.dtype), idxb, num_segments=NUM_SENTENCES)
        return sums / jnp.maximum(counts, 1.0)[:, None]
    return jax.vmap(per_sample)(x, sentence_idx)

if __name__ == "__main__":
    import jax
    _d = setup_inputs()
    print(jax.jit(kernel)(*tuple(_d.values())))

</pallas_src>

<mosaic_0001>
#map = affine_map<(d0, d1) -> (0, 0, 0)>
#map1 = affine_map<(d0, d1) -> (0, 0)>
module attributes {stable_mosaic.version = 14 : i64} {
  func.func @_body(%arg0: i32, %arg1: i32, %arg2: memref<16x4096x768xf32, #tpu.memory_space<hbm>>, %arg3: memref<16x4096xi32, #tpu.memory_space<hbm>>, %arg4: memref<16x128x768xf32, #tpu.memory_space<hbm>>, %arg5: memref<64x384xf32, #tpu.memory_space<vmem>>, %arg6: memref<64x384xf32, #tpu.memory_space<vmem>>, %arg7: memref<4096xi32, #tpu.memory_space<vmem>>, %arg8: memref<128x384xf32, #tpu.memory_space<vmem>>, %arg9: memref<128x16xf32, #tpu.memory_space<vmem>>, %arg10: memref<!tpu.dma_semaphore, #tpu.memory_space<semaphore_mem>>, %arg11: memref<!tpu.dma_semaphore, #tpu.memory_space<semaphore_mem>>, %arg12: memref<!tpu.dma_semaphore, #tpu.memory_space<semaphore_mem>>, %arg13: memref<80xi32, #tpu.memory_space<smem>>, %arg14: memref<80xi32, #tpu.memory_space<smem>>, %arg15: memref<80xi32, #tpu.memory_space<vmem>>, %arg16: memref<80xi32, #tpu.memory_space<vmem>>) attributes {dimension_semantics = [#tpu.dimension_semantics<core_parallel>, #tpu.dimension_semantics<subcore_parallel>], iteration_bounds = array<i64: 2, 16>, scalar_prefetch = 0 : i64, scratch_operands = 12 : i64, tpu.core_type = #tpu.core_type<sc_vector_subcore>, window_params = [{transform_indices = #map}, {transform_indices = #map1}, {transform_indices = #map}]} {
    %mul3A = arith.constant 8 : i32
    %mul3A_0 = arith.muli %arg0, %mul3A : i32
    %jit3A = arith.constant 8 : i32
    %eq3A = arith.constant 0 : i32
    %eq3A_1 = arith.cmpi eq, %jit3A, %eq3A : i32
    %jit3A_2 = arith.constant 1 : i32
    %select_n3A = arith.select %eq3A_1, %jit3A_2, %jit3A : i32
    %rem3A = arith.remsi %arg1, %select_n3A : i32
    %ne3A = arith.constant 0 : i32
    %ne3A_3 = arith.cmpi ne, %rem3A, %ne3A : i32
    %lt3A = arith.constant 0 : i32
    %lt3A_4 = arith.cmpi slt, %rem3A, %lt3A : i32
    %lt3A_5 = arith.constant 0 : i32
    %lt3A_6 = arith.cmpi slt, %select_n3A, %lt3A_5 : i32
    %ne3A_7 = arith.xori %lt3A_4, %lt3A_6 : i1
    %and3A = arith.andi %ne3A_7, %ne3A_3 : i1
    %add3A = arith.addi %rem3A, %select_n3A : i32
    %select_n3A_8 = arith.select %and3A, %add3A, %rem3A : i32
    %add3A_9 = arith.addi %mul3A_0, %select_n3A_8 : i32
    %jit3A_10 = arith.constant 8 : i32
    %div3A = arith.divsi %arg1, %jit3A_10 : i32
    %sign3A = arith.constant 0 : i32
    %sign3A_11 = arith.cmpi sgt, %arg1, %sign3A : i32
    %sign3A_12 = arith.extui %sign3A_11 : i1 to i32
    %sign3A_13 = arith.constant 0 : i32
    %sign3A_14 = arith.cmpi slt, %arg1, %sign3A_13 : i32
    %sign3A_15 = arith.extui %sign3A_14 : i1 to i32
    %sign3A_16 = arith.subi %sign3A_12, %sign3A_15 : i32
    %sign3A_17 = arith.constant 0 : i32
    %sign3A_18 = arith.cmpi sgt, %jit3A_10, %sign3A_17 : i32
    %sign3A_19 = arith.extui %sign3A_18 : i1 to i32
    %sign3A_20 = arith.constant 0 : i32
    %sign3A_21 = arith.cmpi slt, %jit3A_10, %sign3A_20 : i32
    %sign3A_22 = arith.extui %sign3A_21 : i1 to i32
    %sign3A_23 = arith.subi %sign3A_19, %sign3A_22 : i32
    %ne3A_24 = arith.cmpi ne, %sign3A_16, %sign3A_23 : i32
    %rem3A_25 = arith.remsi %arg1, %jit3A_10 : i32
    %ne3A_26 = arith.constant 0 : i32
    %ne3A_27 = arith.cmpi ne, %rem3A_25, %ne3A_26 : i32
    %and3A_28 = arith.andi %ne3A_24, %ne3A_27 : i1
    %sub3A = arith.constant 1 : i32
    %sub3A_29 = arith.subi %div3A, %sub3A : i32
    %select_n3A_30 = arith.select %and3A_28, %sub3A_29, %div3A : i32
    %broadcast_in_dim3A = arith.constant 0.000000e+00 : f32
    %broadcast_in_dim3A_31 = vector.broadcast %broadcast_in_dim3A : f32 to vector<16xf32>
    %mul3A_32 = arith.constant 384 : i32
    %mul3A_33 = arith.muli %select_n3A_30, %mul3A_32 : i32
    %dma_start3A = arith.constant 0 : i32
    %dma_start3A_34 = tpu.memref_slice %arg2[%add3A_9, %dma_start3A, %mul3A_33] : memref<16x4096x768xf32, #tpu.memory_space<hbm>> -> memref<1x64x384xf32, #tpu.memory_space<hbm>>
    %dma_start3A_35 = tpu.memref_squeeze %dma_start3A_34 : memref<1x64x384xf32, #tpu.memory_space<hbm>> -> memref<64x384xf32, #tpu.memory_space<hbm>>
    %dma_start3A_36 = arith.constant 0 : i32
    %dma_start3A_37 = tpu.memref_slice %arg2[%add3A_9, %dma_start3A_36, %mul3A_33] : memref<16x4096x768xf32, #tpu.memory_space<hbm>> -> memref<1x64x384xf32, #tpu.memory_space<hbm>>
    %dma_start3A_38 = tpu.memref_squeeze %dma_start3A_37 : memref<1x64x384xf32, #tpu.memory_space<hbm>> -> memref<64x384xf32, #tpu.memory_space<hbm>>
    tpu.enqueue_dma source(%dma_start3A_38 : memref<64x384xf32, #tpu.memory_space<hbm>>) target(%arg5 : memref<64x384xf32, #tpu.memory_space<vmem>>) target_semaphore(%arg10 : memref<!tpu.dma_semaphore, #tpu.memory_space<semaphore_mem>>)
    %dma_start3A_39 = arith.constant 0 : i32
    %dma_start3A_40 = tpu.memref_slice %arg3[%add3A_9, %dma_start3A_39] : memref<16x4096xi32, #tpu.memory_space<hbm>> -> memref<1x4096xi32, #tpu.memory_space<hbm>>
    %dma_start3A_41 = tpu.memref_squeeze %dma_start3A_40 : memref<1x4096xi32, #tpu.memory_space<hbm>> -> memref<4096xi32, #tpu.memory_space<hbm>>
    %dma_start3A_42 = arith.constant 0 : i32
    %dma_start3A_43 = tpu.memref_slice %arg3[%add3A_9, %dma_start3A_42] : memref<16x4096xi32, #tpu.memory_space<hbm>> -> memref<1x4096xi32, #tpu.memory_space<hbm>>
    %dma_start3A_44 = tpu.memref_squeeze %dma_start3A_43 : memref<1x4096xi32, #tpu.memory_space<hbm>> -> memref<4096xi32, #tpu.memory_space<hbm>>
    tpu.enqueue_dma source(%dma_start3A_44 : memref<4096xi32, #tpu.memory_space<hbm>>) target(%arg7 : memref<4096xi32, #tpu.memory_space<vmem>>) target_semaphore(%arg12 : memref<!tpu.dma_semaphore, #tpu.memory_space<semaphore_mem>>)
    %scan3A = arith.constant 0 : i32
    %scan3A_45 = arith.constant 0 : i32
    %scan3A_46 = arith.constant 128 : i32
    %scan3A_47 = arith.addi %scan3A_45, %scan3A_46 : i32
    %scan3A_48 = arith.constant 1 : i32
    %scan3A_49 = scf.for %scan3A_105 = %scan3A_45 to %scan3A_47 step %scan3A_48 iter_args(%scan3A_106 = %scan3A) -> (i32)  : i32 {
      %swap3A = arith.index_cast %scan3A_105 : i32 to index
      %swap3A_107 = arith.constant 0 : index
      %swap3A_108 = tpu.vector_load %arg8[%swap3A, %swap3A_107] {strides = array<i32>} : memref<128x384xf32, #tpu.memory_space<vmem>>, vector<16xf32>,
      tpu.vector_store %arg8[%swap3A, %swap3A_107], %broadcast_in_dim3A_31 {strides = array<i32>} : memref<128x384xf32, #tpu.memory_space<vmem>>, vector<16xf32>,
      %swap3A_109 = arith.index_cast %scan3A_105 : i32 to index
      %swap3A_110 = arith.constant 16 : index
      %swap3A_111 = tpu.vector_load %arg8[%swap3A_109, %swap3A_110] {strides = array<i32>} : memref<128x384xf32, #tpu.memory_space<vmem>>, vector<16xf32>,
      tpu.vector_store %arg8[%swap3A_109, %swap3A_110], %broadcast_in_dim3A_31 {strides = array<i32>} : memref<128x384xf32, #tpu.memory_space<vmem>>, vector<16xf32>,
      %swap3A_112 = arith.index_cast %scan3A_105 : i32 to index
      %swap3A_113 = arith.constant 32 : index
      %swap3A_114 = tpu.vector_load %arg8[%swap3A_112, %swap3A_113] {strides = array<i32>} : memref<128x384xf32, #tpu.memory_space<vmem>>, vector<16xf32>,
      tpu.vector_store %arg8[%swap3A_112, %swap3A_113], %broadcast_in_dim3A_31 {strides = array<i32>} : memref<128x384xf32, #tpu.memory_space<vmem>>, vector<16xf32>,
      %swap3A_115 = arith.index_cast %scan3A_105 : i32 to index
      %swap3A_116 = arith.constant 48 : index
      %swap3A_117 = tpu.vector_load %arg8[%swap3A_115, %swap3A_116] {strides = array<i32>} : memref<128x384xf32, #tpu.memory_space<vmem>>, vector<16xf32>,
      tpu.vector_store %arg8[%swap3A_115, %swap3A_116], %broadcast_in_dim3A_31 {strides = array<i32>} : memref<128x384xf32, #tpu.memory_space<vmem>>, vector<16xf32>,
      %swap3A_118 = arith.index_cast %scan3A_105 : i32 to index
      %swap3A_119 = arith.constant 64 : index
      %swap3A_120 = tpu.vector_load %arg8[%swap3A_118, %swap3A_119] {strides = array<i32>} : memref<128x384xf32, #tpu.memory_space<vmem>>, vector<16xf32>,
      tpu.vector_store %arg8[%swap3A_118, %swap3A_119], %broadcast_in_dim3A_31 {strides = array<i32>} : memref<128x384xf32, #tpu.memory_space<vmem>>, vector<16xf32>,
      %swap3A_121 = arith.index_cast %scan3A_105 : i32 to index
      %swap3A_122 = arith.constant 80 : index
      %swap3A_123 = tpu.vector_load %arg8[%swap3A_121, %swap3A_122] {strides = array<i32>} : memref<128x384xf32, #tpu.memory_space<vmem>>, vector<16xf32>,
      tpu.vector_store %arg8[%swap3A_121, %swap3A_122], %broadcast_in_dim3A_31 {strides = array<i32>} : memref<128x384xf32, #tpu.memory_space<vmem>>, vector<16xf32>,
      %swap3A_124 = arith.index_cast %scan3A_105 : i32 to index
      %swap3A_125 = arith.constant 96 : index
      %swap3A_126 = tpu.vector_load %arg8[%swap3A_124, %swap3A_125] {strides = array<i32>} : memref<128x384xf32, #tpu.memory_space<vmem>>, vector<16xf32>,
      tpu.vector_store %arg8[%swap3A_124, %swap3A_125], %broadcast_in_dim3A_31 {strides = array<i32>} : memref<128x384xf32, #tpu.memory_space<vmem>>, vector<16xf32>,
      %swap3A_127 = arith.index_cast %scan3A_105 : i32 to index
      %swap3A_128 = arith.constant 112 : index
      %swap3A_129 = tpu.vector_load %arg8[%swap3A_127, %swap3A_128] {strides = array<i32>} : memref<128x384xf32, #tpu.memory_space<vmem>>, vector<16xf32>,
      tpu.vector_store %arg8[%swap3A_127, %swap3A_128], %broadcast_in_dim3A_31 {strides = array<i32>} : memref<128x384xf32, #tpu.memory_space<vmem>>, vector<16xf32>,
      %swap3A_130 = arith.index_cast %scan3A_105 : i32 to index
      %swap3A_131 = arith.constant 128 : index
      %swap3A_132 = tpu.vector_load %arg8[%swap3A_130, %swap3A_131] {strides = array<i32>} : memref<128x384xf32, #tpu.memory_space<vmem>>, vector<16xf32>,
      tpu.vector_store %arg8[%swap3A_130, %swap3A_131], %broadcast_in_dim3A_31 {strides = array<i32>} : memref<128x384xf32, #tpu.memory_space<vmem>>, vector<16xf32>,
      %swap3A_133 = arith.index_cast %scan3A_105 : i32 to index
      %swap3A_134 = arith.constant 144 : index
      %swap3A_135 = tpu.vector_load %arg8[%swap3A_133, %swap3A_134] {strides = array<i32>} : memref<128x384xf32, #tpu.memory_space<vmem>>, vector<16xf32>,
      tpu.vector_store %arg8[%swap3A_133, %swap3A_134], %broadcast_in_dim3A_31 {strides = array<i32>} : memref<128x384xf32, #tpu.memory_space<vmem>>, vector<16xf32>,
      %swap3A_136 = arith.index_cast %scan3A_105 : i32 to index
      %swap3A_137 = arith.constant 160 : index
      %swap3A_138 = tpu.vector_load %arg8[%swap3A_136, %swap3A_137] {strides = array<i32>} : memref<128x384xf32, #tpu.memory_space<vmem>>, vector<16xf32>,
      tpu.vector_store %arg8[%swap3A_136, %swap3A_137], %broadcast_in_dim3A_31 {strides = array<i32>} : memref<128x384xf32, #tpu.memory_space<vmem>>, vector<16xf32>,
      %swap3A_139 = arith.index_cast %scan3A_105 : i32 to index
      %swap3A_140 = arith.constant 176 : index
      %swap3A_141 = tpu.vector_load %arg8[%swap3A_139, %swap3A_140] {strides = array<i32>} : memref<128x384xf32, #tpu.memory_space<vmem>>, vector<16xf32>,
      tpu.vector_store %arg8[%swap3A_139, %swap3A_140], %broadcast_in_dim3A_31 {strides = array<i32>} : memref<128x384xf32, #tpu.memory_space<vmem>>, vector<16xf32>,
      %swap3A_142 = arith.index_cast %scan3A_105 : i32 to index
      %swap3A_143 = arith.constant 192 : index
      %swap3A_144 = tpu.vector_load %arg8[%swap3A_142, %swap3A_143] {strides = array<i32>} : memref<128x384xf32, #tpu.memory_space<vmem>>, vector<16xf32>,
      tpu.vector_store %arg8[%swap3A_142, %swap3A_143], %broadcast_in_dim3A_31 {strides = array<i32>} : memref<128x384xf32, #tpu.memory_space<vmem>>, vector<16xf32>,
      %swap3A_145 = arith.index_cast %scan3A_105 : i32 to index
      %swap3A_146 = arith.constant 208 : index
      %swap3A_147 = tpu.vector_load %arg8[%swap3A_145, %swap3A_146] {strides = array<i32>} : memref<128x384xf32, #tpu.memory_space<vmem>>, vector<16xf32>,
      tpu.vector_store %arg8[%swap3A_145, %swap3A_146], %broadcast_in_dim3A_31 {strides = array<i32>} : memref<128x384xf32, #tpu.memory_space<vmem>>, vector<16xf32>,
      %swap3A_148 = arith.index_cast %scan3A_105 : i32 to index
      %swap3A_149 = arith.constant 224 : index
      %swap3A_150 = tpu.vector_load %arg8[%swap3A_148, %swap3A_149] {strides = array<i32>} : memref<128x384xf32, #tpu.memory_space<vmem>>, vector<16xf32>,
      tpu.vector_store %arg8[%swap3A_148, %swap3A_149], %broadcast_in_dim3A_31 {strides = array<i32>} : memref<128x384xf32, #tpu.memory_space<vmem>>, vector<16xf32>,
      %swap3A_151 = arith.index_cast %scan3A_105 : i32 to index
      %swap3A_152 = arith.constant 240 : index
      %swap3A_153 = tpu.vector_load %arg8[%swap3A_151, %swap3A_152] {strides = array<i32>} : memref<128x384xf32, #tpu.memory_space<vmem>>, vector<16xf32>,
      tpu.vector_store %arg8[%swap3A_151, %swap3A_152], %broadcast_in_dim3A_31 {strides = array<i32>} : memref<128x384xf32, #tpu.memory_space<vmem>>, vector<16xf32>,
      %swap3A_154 = arith.index_cast %scan3A_105 : i32 to index
      %swap3A_155 = arith.constant 256 : index
      %swap3A_156 = tpu.vector_load %arg8[%swap3A_154, %swap3A_155] {strides = array<i32>} : memref<128x384xf32, #tpu.memory_space<vmem>>, vector<16xf32>,
      tpu.vector_store %arg8[%swap3A_154, %swap3A_155], %broadcast_in_dim3A_31 {strides = array<i32>} : memref<128x384xf32, #tpu.memory_space<vmem>>, vector<16xf32>,
      %swap3A_157 = arith.index_cast %scan3A_105 : i32 to index
      %swap3A_158 = arith.constant 272 : index
      %swap3A_159 = tpu.vector_load %arg8[%swap3A_157, %swap3A_158] {strides = array<i32>} : memref<128x384xf32, #tpu.memory_space<vmem>>, vector<16xf32>,
      tpu.vector_store %arg8[%swap3A_157, %swap3A_158], %broadcast_in_dim3A_31 {strides = array<i32>} : memref<128x384xf32, #tpu.memory_space<vmem>>, vector<16xf32>,
      %swap3A_160 = arith.index_cast %scan3A_105 : i32 to index
      %swap3A_161 = arith.constant 288 : index
      %swap3A_162 = tpu.vector_load %arg8[%swap3A_160, %swap3A_161] {strides = array<i32>} : memref<128x384xf32, #tpu.memory_space<vmem>>, vector<16xf32>,
      tpu.vector_store %arg8[%swap3A_160, %swap3A_161], %broadcast_in_dim3A_31 {strides = array<i32>} : memref<128x384xf32, #tpu.memory_space<vmem>>, vector<16xf32>,
      %swap3A_163 = arith.index_cast %scan3A_105 : i32 to index
      %swap3A_164 = arith.constant 304 : index
      %swap3A_165 = tpu.vector_load %arg8[%swap3A_163, %swap3A_164] {strides = array<i32>} : memref<128x384xf32, #tpu.memory_space<vmem>>, vector<16xf32>,
      tpu.vector_store %arg8[%swap3A_163, %swap3A_164], %broadcast_in_dim3A_31 {strides = array<i32>} : memref<128x384xf32, #tpu.memory_space<vmem>>, vector<16xf32>,
      %swap3A_166 = arith.index_cast %scan3A_105 : i32 to index
      %swap3A_167 = arith.constant 320 : index
      %swap3A_168 = tpu.vector_load %arg8[%swap3A_166, %swap3A_167] {strides = array<i32>} : memref<128x384xf32, #tpu.memory_space<vmem>>, vector<16xf32>,
      tpu.vector_store %arg8[%swap3A_166, %swap3A_167], %broadcast_in_dim3A_31 {strides = array<i32>} : memref<128x384xf32, #tpu.memory_space<vmem>>, vector<16xf32>,
      %swap3A_169 = arith.index_cast %scan3A_105 : i32 to index
      %swap3A_170 = arith.constant 336 : index
      %swap3A_171 = tpu.vector_load %arg8[%swap3A_169, %swap3A_170] {strides = array<i32>} : memref<128x384xf32, #tpu.memory_space<vmem>>, vector<16xf32>,
      tpu.vector_store %arg8[%swap3A_169, %swap3A_170], %broadcast_in_dim3A_31 {strides = array<i32>} : memref<128x384xf32, #tpu.memory_space<vmem>>, vector<16xf32>,
      %swap3A_172 = arith.index_cast %scan3A_105 : i32 to index
      %swap3A_173 = arith.constant 352 : index
      %swap3A_174 = tpu.vector_load %arg8[%swap3A_172, %swap3A_173] {strides = array<i32>} : memref<128x384xf32, #tpu.memory_space<vmem>>, vector<16xf32>,
      tpu.vector_store %arg8[%swap3A_172, %swap3A_173], %broadcast_in_dim3A_31 {strides = array<i32>} : memref<128x384xf32, #tpu.memory_space<vmem>>, vector<16xf32>,
      %swap3A_175 = arith.index_cast %scan3A_105 : i32 to index
      %swap3A_176 = arith.constant 368 : index
      %swap3A_177 = tpu.vector_load %arg8[%swap3A_175, %swap3A_176] {strides = array<i32>} : memref<128x384xf32, #tpu.memory_space<vmem>>, vector<16xf32>,
      tpu.vector_store %arg8[%swap3A_175, %swap3A_176], %broadcast_in_dim3A_31 {strides = array<i32>} : memref<128x384xf32, #tpu.memory_space<vmem>>, vector<16xf32>,
      %swap3A_178 = arith.index_cast %scan3A_105 : i32 to index
      %swap3A_179 = arith.constant 0 : index
      %swap3A_180 = tpu.vector_load %arg9[%swap3A_178, %swap3A_179] {strides = array<i32>} : memref<128x16xf32, #tpu.memory_space<vmem>>, vector<16xf32>,
      tpu.vector_store %arg9[%swap3A_178, %swap3A_179], %broadcast_in_dim3A_31 {strides = array<i32>} : memref<128x16xf32, #tpu.memory_space<vmem>>, vector<16xf32>,
      %scan3A_181 = arith.constant 0 : i32
      scf.yield %scan3A_181 : i32
    }
    %scan3A_50 = arith.constant 128 : i32
    %dma_wait3A = arith.constant 0 : i32
    %dma_wait3A_51 = tpu.memref_slice %arg3[%add3A_9, %dma_wait3A] : memref<16x4096xi32, #tpu.memory_space<hbm>> -> memref<1x4096xi32, #tpu.memory_space<hbm>>
    %dma_wait3A_52 = tpu.memref_squeeze %dma_wait3A_51 : memref<1x4096xi32, #tpu.memory_space<hbm>> -> memref<4096xi32, #tpu.memory_space<hbm>>
    %dma_wait3A_53 = arith.constant 0 : i32
    %dma_wait3A_54 = tpu.memref_slice %arg3[%add3A_9, %dma_wait3A_53] : memref<16x4096xi32, #tpu.memory_space<hbm>> -> memref<1x4096xi32, #tpu.memory_space<hbm>>
    %dma_wait3A_55 = tpu.memref_squeeze %dma_wait3A_54 : memref<1x4096xi32, #tpu.memory_space<hbm>> -> memref<4096xi32, #tpu.memory_space<hbm>>
    tpu.wait_dma2 semaphore(%arg12 : memref<!tpu.dma_semaphore, #tpu.memory_space<semaphore_mem>>) src(%dma_wait3A_55 : memref<4096xi32, #tpu.memory_space<hbm>>) dst(%arg7 : memref<4096xi32, #tpu.memory_space<vmem>>)
    %iota3A = tpu.iota {dimensions = array<i32: 0>} : vector<16xi32>
    %scan3A_56 = arith.constant -1 : i32
    %scan3A_57 = arith.constant 0 : i32
    %scan3A_58 = arith.constant -1 : i32
    %scan3A_59 = arith.constant 0 : i32
    %scan3A_60 = arith.constant 32 : i32
    %scan3A_61 = arith.addi %scan3A_59, %scan3A_60 : i32
    %scan3A_62 = arith.constant 1 : i32
    %scan3A_63:27 = scf.for %scan3A_105 = %scan3A_59 to %scan3A_61 step %scan3A_62 iter_args(%scan3A_106 = %scan3A_56, %scan3A_107 = %scan3A_57, %scan3A_108 = %broadcast_in_dim3A_31, %scan3A_109 = %broadcast_in_dim3A_31, %scan3A_110 = %broadcast_in_dim3A_31, %scan3A_111 = %broadcast_in_dim3A_31, %scan3A_112 = %broadcast_in_dim3A_31, %scan3A_113 = %broadcast_in_dim3A_31, %scan3A_114 = %broadcast_in_dim3A_31, %scan3A_115 = %broadcast_in_dim3A_31, %scan3A_116 = %broadcast_in_dim3A_31, %scan3A_117 = %broadcast_in_dim3A_31, %scan3A_118 = %broadcast_in_dim3A_31, %scan3A_119 = %broadcast_in_dim3A_31, %scan3A_120 = %broadcast_in_dim3A_31, %scan3A_121 = %broadcast_in_dim3A_31, %scan3A_122 = %broadcast_in_dim3A_31, %scan3A_123 = %broadcast_in_dim3A_31, %scan3A_124 = %broadcast_in_dim3A_31, %scan3A_125 = %broadcast_in_dim3A_31, %scan3A_126 = %broadcast_in_dim3A_31, %scan3A_127 = %broadcast_in_dim3A_31, %scan3A_128 = %broadcast_in_dim3A_31, %scan3A_129 = %broadcast_in_dim3A_31, %scan3A_130 = %broadcast_in_dim3A_31, %scan3A_131 = %broadcast_in_dim3A_31, %scan3A_132 = %scan3A_58) -> (i32, i32, vector<16xf32>, vector<16xf32>, vector<16xf32>, vector<16xf32>, vector<16xf32>, vector<16xf32>, vector<16xf32>, vector<16xf32>, vector<16xf32>, vector<16xf32>, vector<16xf32>, vector<16xf32>, vector<16xf32>, vector<16xf32>, vector<16xf32>, vector<16xf32>, vector<16xf32>, vector<16xf32>, vector<16xf32>, vector<16xf32>, vector<16xf32>, vector<16xf32>, vector<16xf32>, vector<16xf32>, i32)  : i32 {
      %mul3A_133 = arith.constant 2 : i32
      %mul3A_134 = arith.muli %mul3A_133, %scan3A_105 : i32
      %add3A_135 = arith.constant 1 : i32
      %add3A_136 = arith.addi %mul3A_134, %add3A_135 : i32
      %mul3A_137 = arith.constant 64 : i32
      %mul3A_138 = arith.muli %add3A_136, %mul3A_137 : i32
      %dma_start3A_139 = tpu.memref_slice %arg2[%add3A_9, %mul3A_138, %mul3A_33] : memref<16x4096x768xf32, #tpu.memory_space<hbm>> -> memref<1x64x384xf32, #tpu.memory_space<hbm>>
      %dma_start3A_140 = tpu.memref_squeeze %dma_start3A_139 : memref<1x64x384xf32, #tpu.memory_space<hbm>> -> memref<64x384xf32, #tpu.memory_space<hbm>>
      %dma_start3A_141 = tpu.memref_slice %arg2[%add3A_9, %mul3A_138, %mul3A_33] : memref<16x4096x768xf32, #tpu.memory_space<hbm>> -> memref<1x64x384xf32, #tpu.memory_space<hbm>>
      %dma_start3A_142 = tpu.memref_squeeze %dma_start3A_141 : memref<1x64x384xf32, #tpu.memory_space<hbm>> -> memref<64x384xf32, #tpu.memory_space<hbm>>
      tpu.enqueue_dma source(%dma_start3A_142 : memref<64x384xf32, #tpu.memory_space<hbm>>) target(%arg6 : memref<64x384xf32, #tpu.memory_space<vmem>>) target_semaphore(%arg11 : memref<!tpu.dma_semaphore, #tpu.memory_space<semaphore_mem>>)
      %mul3A_143 = arith.constant 64 : i32
      %mul3A_144 = arith.muli %mul3A_134, %mul3A_143 : i32
      %dma_wait3A_145 = tpu.memref_slice %arg2[%add3A_9, %mul3A_144, %mul3A_33] : memref<16x4096x768xf32, #tpu.memory_space<hbm>> -> memref<1x64x384xf32, #tpu.memory_space<hbm>>
      %dma_wait3A_146 = tpu.memref_squeeze %dma_wait3A_145 : memref<1x64x384xf32, #tpu.memory_space<hbm>> -> memref<64x384xf32, #tpu.memory_space<hbm>>
      %dma_wait3A_147 = tpu.memref_slice %arg2[%add3A_9, %mul3A_144, %mul3A_33] : memref<16x4096x768xf32, #tpu.memory_space<hbm>> -> memref<1x64x384xf32, #tpu.memory_space<hbm>>
      %dma_wait3A_148 = tpu.memref_squeeze %dma_wait3A_147 : memref<1x64x384xf32, #tpu.memory_space<hbm>> -> memref<64x384xf32, #tpu.memory_space<hbm>>
      tpu.wait_dma2 semaphore(%arg10 : memref<!tpu.dma_semaphore, #tpu.memory_space<semaphore_mem>>) src(%dma_wait3A_148 : memref<64x384xf32, #tpu.memory_space<hbm>>) dst(%arg5 : memref<64x384xf32, #tpu.memory_space<vmem>>)
      %mul3A_149 = arith.constant 64 : i32
      %mul3A_150 = arith.muli %mul3A_134, %mul3A_149 : i32
      %add3A_151 = arith.constant 0 : i32
      %add3A_152 = arith.addi %mul3A_150, %add3A_151 : i32
      %get3A = arith.index_cast %add3A_152 : i32 to index
      %get3A_153 = tpu.vector_load %arg7[%get3A] {strides = array<i32>} : memref<4096xi32, #tpu.memory_space<vmem>>, vector<16xi32>,
      %sub3A_154 = arith.constant 1 : i32
      %sub3A_155 = vector.broadcast %sub3A_154 : i32 to vector<16xi32>
      %sub3A_156 = arith.subi %iota3A, %sub3A_155 : vector<16xi32>
      %max3A = arith.constant 0 : i32
      %max3A_157 = vector.broadcast %max3A : i32 to vector<16xi32>
      %max3A_158 = arith.maxsi %sub3A_156, %max3A_157 : vector<16xi32>
      %lt3A_159 = arith.constant 0 : i32
      %lt3A_160 = vector.broadcast %lt3A_159 : i32 to vector<16xi32>
      %lt3A_161 = arith.cmpi slt, %max3A_158, %lt3A_160 : vector<16xi32>
      %add3A_162 = arith.constant 16 : i32
      %add3A_163 = vector.broadcast %add3A_162 : i32 to vector<16xi32>
      %add3A_164 = arith.addi %max3A_158, %add3A_163 : vector<16xi32>
      %select_n3A_165 = arith.select %lt3A_161, %add3A_164, %max3A_158 : vector<16xi1>, vector<16xi32>
      %broadcast_in_dim3A_166 = vector.shape_cast %select_n3A_165 : vector<16xi32> to vector<16x1xi32>
      %gather3A = vector.shape_cast %broadcast_in_dim3A_166 : vector<16x1xi32> to vector<16xi32>
      %gather3A_167 = tpu.dynamic_gather %get3A_153[%gather3A] in [0] : vector<16xi32>, vector<16xi32> -> vector<16xi32>
      %eq3A_168 = arith.constant 0 : i32
      %eq3A_169 = vector.broadcast %eq3A_168 : i32 to vector<16xi32>
      %eq3A_170 = arith.cmpi eq, %iota3A, %eq3A_169 : vector<16xi32>
      %broadcast_in_dim3A_171 = vector.broadcast %scan3A_132 : i32 to vector<16xi32>
      %select_n3A_172 = arith.select %eq3A_170, %broadcast_in_dim3A_171, %gather3A_167 : vector<16xi1>, vector<16xi32>
      %ne3A_173 = arith.cmpi ne, %get3A_153, %select_n3A_172 : vector<16xi32>
      %eq3A_174 = arith.constant 0 : i32
      %eq3A_175 = vector.broadcast %eq3A_174 : i32 to vector<16xi32>
      %eq3A_176 = arith.cmpi eq, %iota3A, %eq3A_175 : vector<16xi32>
      %or3A = arith.ori %ne3A_173, %eq3A_176 : vector<16xi1>
      %convert_element_type3A_177 = arith.extui %or3A : vector<16xi1> to vector<16xi32>
      %broadcast_in_dim3A_178 = arith.constant true
      %broadcast_in_dim3A_179 = vector.broadcast %broadcast_in_dim3A_178 : i1 to vector<16xi1>
      %masked_cumsum3A = tpu.scan <sum>, %convert_element_type3A_177 masked %broadcast_in_dim3A_179 : vector<16xi32>, vector<16xi1> -> vector<16xi32>
      %sub3A_180 = arith.constant 0 : i32
      %sub3A_181 = arith.constant 1 : i32
      %sub3A_182 = arith.subi %sub3A_180, %sub3A_181 : i32
      %add3A_183 = vector.broadcast %sub3A_182 : i32 to vector<16xi32>
      %add3A_184 = arith.addi %masked_cumsum3A, %add3A_183 : vector<16xi32>
      %add3A_185 = arith.constant 0 : i32
      %add3A_186 = vector.broadcast %add3A_185 : i32 to vector<16xi32>
      %add3A_187 = arith.addi %iota3A, %add3A_186 : vector<16xi32>
      tpu.vector_store_idx %arg15[%add3A_184], %add3A_187 masked %or3A : memref<80xi32, #tpu.memory_space<vmem>>[vector<16xi32>], vector<16xi32>, vector<16xi1>
      tpu.vector_store_idx %arg16[%add3A_184], %get3A_153 masked %or3A : memref<80xi32, #tpu.memory_space<vmem>>[vector<16xi32>], vector<16xi32>, vector<16xi1>
      %slice3A = vector.extract_strided_slice %masked_cumsum3A {offsets = [15], sizes = [1], strides = [1]} : vector<16xi32> to vector<1xi32>
      %squeeze3A = vector.extract %slice3A[0] : i32 from vector<1xi32>
      %add3A_188 = arith.constant 0 : i32
      %add3A_189 = arith.addi %add3A_188, %squeeze3A : i32
      %slice3A_190 = vector.extract_strided_slice %get3A_153 {offsets = [15], sizes = [1], strides = [1]} : vector<16xi32> to vector<1xi32>
      %squeeze3A_191 = vector.extract %slice3A_190[0] : i32 from vector<1xi32>
      %add3A_192 = arith.constant 16 : i32
      %add3A_193 = arith.addi %mul3A_150, %add3A_192 : i32
      %get3A_194 = arith.index_cast %add3A_193 : i32 to index
      %get3A_195 = tpu.vector_load %arg7[%get3A_194] {strides = array<i32>} : memref<4096xi32, #tpu.memory_space<vmem>>, vector<16xi32>,
      %sub3A_196 = arith.constant 1 : i32
      %sub3A_197 = vector.broadcast %sub3A_196 : i32 to vector<16xi32>
      %sub3A_198 = arith.subi %iota3A, %sub3A_197 : vector<16xi32>
      %max3A_199 = arith.constant 0 : i32
      %max3A_200 = vector.broadcast %max3A_199 : i32 to vector<16xi32>
      %max3A_201 = arith.maxsi %sub3A_198, %max3A_200 : vector<16xi32>
      %lt3A_202 = arith.constant 0 : i32
      %lt3A_203 = vector.broadcast %lt3A_202 : i32 to vector<16xi32>
      %lt3A_204 = arith.cmpi slt, %max3A_201, %lt3A_203 : vector<16xi32>
      %add3A_205 = arith.constant 16 : i32
      %add3A_206 = vector.broadcast %add3A_205 : i32 to vector<16xi32>
      %add3A_207 = arith.addi %max3A_201, %add3A_206 : vector<16xi32>
      %select_n3A_208 = arith.select %lt3A_204, %add3A_207, %max3A_201 : vector<16xi1>, vector<16xi32>
      %broadcast_in_dim3A_209 = vector.shape_cast %select_n3A_208 : vector<16xi32> to vector<16x1xi32>
      %gather3A_210 = vector.shape_cast %broadcast_in_dim3A_209 : vector<16x1xi32> to vector<16xi32>
      %gather3A_211 = tpu.dynamic_gather %get3A_195[%gather3A_210] in [0] : vector<16xi32>, vector<16xi32> -> vector<16xi32>
      %eq3A_212 = arith.constant 0 : i32
      %eq3A_213 = vector.broadcast %eq3A_212 : i32 to vector<16xi32>
      %eq3A_214 = arith.cmpi eq, %iota3A, %eq3A_213 : vector<16xi32>
      %broadcast_in_dim3A_215 = vector.broadcast %squeeze3A_191 : i32 to vector<16xi32>
      %select_n3A_216 = arith.select %eq3A_214, %broadcast_in_dim3A_215, %gather3A_211 : vector<16xi1>, vector<16xi32>
      %ne3A_217 = arith.cmpi ne, %get3A_195, %select_n3A_216 : vector<16xi32>
      %convert_element_type3A_218 = arith.extui %ne3A_217 : vector<16xi1> to vector<16xi32>
      %broadcast_in_dim3A_219 = arith.constant true
      %broadcast_in_dim3A_220 = vector.broadcast %broadcast_in_dim3A_219 : i1 to vector<16xi1>
      %masked_cumsum3A_221 = tpu.scan <sum>, %convert_element_type3A_218 masked %broadcast_in_dim3A_220 : vector<16xi32>, vector<16xi1> -> vector<16xi32>
      %sub3A_222 = arith.constant 1 : i32
      %sub3A_223 = arith.subi %add3A_189, %sub3A_222 : i32
      %add3A_224 = vector.broadcast %sub3A_223 : i32 to vector<16xi32>
      %add3A_225 = arith.addi %masked_cumsum3A_221, %add3A_224 : vector<16xi32>
      %add3A_226 = arith.constant 16 : i32
      %add3A_227 = vector.broadcast %add3A_226 : i32 to vector<16xi32>
      %add3A_228 = arith.addi %iota3A, %add3A_227 : vector<16xi32>
      tpu.vector_store_idx %arg15[%add3A_225], %add3A_228 masked %ne3A_217 : memref<80xi32, #tpu.memory_space<vmem>>[vector<16xi32>], vector<16xi32>, vector<16xi1>
      tpu.vector_store_idx %arg16[%add3A_225], %get3A_195 masked %ne3A_217 : memref<80xi32, #tpu.memory_space<vmem>>[vector<16xi32>], vector<16xi32>, vector<16xi1>
      %slice3A_229 = vector.extract_strided_slice %masked_cumsum3A_221 {offsets = [15], sizes = [1], strides = [1]} : vector<16xi32> to vector<1xi32>
      %squeeze3A_230 = vector.extract %slice3A_229[0] : i32 from vector<1xi32>
      %add3A_231 = arith.addi %add3A_189, %squeeze3A_230 : i32
      %slice3A_232 = vector.extract_strided_slice %get3A_195 {offsets = [15], sizes = [1], strides = [1]} : vector<16xi32> to vector<1xi32>
      %squeeze3A_233 = vector.extract %slice3A_232[0] : i32 from vector<1xi32>
      %add3A_234 = arith.constant 32 : i32
      %add3A_235 = arith.addi %mul3A_150, %add3A_234 : i32
      %get3A_236 = arith.index_cast %add3A_235 : i32 to index
      %get3A_237 = tpu.vector_load %arg7[%get3A_236] {strides = array<i32>} : memref<4096xi32, #tpu.memory_space<vmem>>, vector<16xi32>,
      %sub3A_238 = arith.constant 1 : i32
      %sub3A_239 = vector.broadcast %sub3A_238 : i32 to vector<16xi32>
      %sub3A_240 = arith.subi %iota3A, %sub3A_239 : vector<16xi32>
      %max3A_241 = arith.constant 0 : i32
      %max3A_242 = vector.broadcast %max3A_241 : i32 to vector<16xi32>
      %max3A_243 = arith.maxsi %sub3A_240, %max3A_242 : vector<16xi32>
      %lt3A_244 = arith.constant 0 : i32
      %lt3A_245 = vector.broadcast %lt3A_244 : i32 to vector<16xi32>
      %lt3A_246 = arith.cmpi slt, %max3A_243, %lt3A_245 : vector<16xi32>
      %add3A_247 = arith.constant 16 : i32
      %add3A_248 = vector.broadcast %add3A_247 : i32 to vector<16xi32>
      %add3A_249 = arith.addi %max3A_243, %add3A_248 : vector<16xi32>
      %select_n3A_250 = arith.select %lt3A_246, %add3A_249, %max3A_243 : vector<16xi1>, vector<16xi32>
      %broadcast_in_dim3A_251 = vector.shape_cast %select_n3A_250 : vector<16xi32> to vector<16x1xi32>
      %gather3A_252 = vector.shape_cast %broadcast_in_dim3A_251 : vector<16x1xi32> to vector<16xi32>
      %gather3A_253 = tpu.dynamic_gather %get3A_237[%gather3A_252] in [0] : vector<16xi32>, vector<16xi32> -> vector<16xi32>
      %eq3A_254 = arith.constant 0 : i32
      %eq3A_255 = vector.broadcast %eq3A_254 : i32 to vector<16xi32>
      %eq3A_256 = arith.cmpi eq, %iota3A, %eq3A_255 : vector<16xi32>
      %broadcast_in_dim3A_257 = vector.broadcast %squeeze3A_233 : i32 to vector<16xi32>
      %select_n3A_258 = arith.select %eq3A_256, %broadcast_in_dim3A_257, %gather3A_253 : vector<16xi1>, vector<16xi32>
      %ne3A_259 = arith.cmpi ne, %get3A_237, %select_n3A_258 : vector<16xi32>
      %convert_element_type3A_260 = arith.extui %ne3A_259 : vector<16xi1> to vector<16xi32>
      %broadcast_in_dim3A_261 = arith.constant true
      %broadcast_in_dim3A_262 = vector.broadcast %broadcast_in_dim3A_261 : i1 to vector<16xi1>
      %masked_cumsum3A_263 = tpu.scan <sum>, %convert_element_type3A_260 masked %broadcast_in_dim3A_262 : vector<16xi32>, vector<16xi1> -> vector<16xi32>
      %sub3A_264 = arith.constant 1 : i32
      %sub3A_265 = arith.subi %add3A_231, %sub3A_264 : i32
      %add3A_266 = vector.broadcast %sub3A_265 : i32 to vector<16xi32>
      %add3A_267 = arith.addi %masked_cumsum3A_263, %add3A_266 : vector<16xi32>
      %add3A_268 = arith.constant 32 : i32
      %add3A_269 = vector.broadcast %add3A_268 : i32 to vector<16xi32>
      %add3A_270 = arith.addi %iota3A, %add3A_269 : vector<16xi32>
      tpu.vector_store_idx %arg15[%add3A_267], %add3A_270 masked %ne3A_259 : memref<80xi32, #tpu.memory_space<vmem>>[vector<16xi32>], vector<16xi32>, vector<16xi1>
      tpu.vector_store_idx %arg16[%add3A_267], %get3A_237 masked %ne3A_259 : memref<80xi32, #tpu.memory_space<vmem>>[vector<16xi32>], vector<16xi32>, vector<16xi1>
      %slice3A_271 = vector.extract_strided_slice %masked_cumsum3A_263 {offsets = [15], sizes = [1], strides = [1]} : vector<16xi32> to vector<1xi32>
      %squeeze3A_272 = vector.extract %slice3A_271[0] : i32 from vector<1xi32>
      %add3A_273 = arith.addi %add3A_231, %squeeze3A_272 : i32
      %slice3A_274 = vector.extract_strided_slice %get3A_237 {offsets = [15], sizes = [1], strides = [1]} : vector<16xi32> to vector<1xi32>
      %squeeze3A_275 = vector.extract %slice3A_274[0] : i32 from vector<1xi32>
      %add3A_276 = arith.constant 48 : i32
      %add3A_277 = arith.addi %mul3A_150, %add3A_276 : i32
      %get3A_278 = arith.index_cast %add3A_277 : i32 to index
      %get3A_279 = tpu.vector_load %arg7[%get3A_278] {strides = array<i32>} : memref<4096xi32, #tpu.memory_space<vmem>>, vector<16xi32>,
      %sub3A_280 = arith.constant 1 : i32
      %sub3A_281 = vector.broadcast %sub3A_280 : i32 to vector<16xi32>
      %sub3A_282 = arith.subi %iota3A, %sub3A_281 : vector<16xi32>
      %max3A_283 = arith.constant 0 : i32
      %max3A_284 = vector.broadcast %max3A_283 : i32 to vector<16xi32>
      %max3A_285 = arith.maxsi %sub3A_282, %max3A_284 : vector<16xi32>
      %lt3A_286 = arith.constant 0 : i32
      %lt3A_287 = vector.broadcast %lt3A_286 : i32 to vector<16xi32>
      %lt3A_288 = arith.cmpi slt, %max3A_285, %lt3A_287 : vector<16xi32>
      %add3A_289 = arith.constant 16 : i32
      %add3A_290 = vector.broadcast %add3A_289 : i32 to vector<16xi32>
      %add3A_291 = arith.addi %max3A_285, %add3A_290 : vector<16xi32>
      %select_n3A_292 = arith.select %lt3A_288, %add3A_291, %max3A_285 : vector<16xi1>, vector<16xi32>
      %broadcast_in_dim3A_293 = vector.shape_cast %select_n3A_292 : vector<16xi32> to vector<16x1xi32>
      %gather3A_294 = vector.shape_cast %broadcast_in_dim3A_293 : vector<16x1xi32> to vector<16xi32>
      %gather3A_295 = tpu.dynamic_gather %get3A_279[%gather3A_294] in [0] : vector<16xi32>, vector<16xi32> -> vector<16xi32>
      %eq3A_296 = arith.constant 0 : i32
      %eq3A_297 = vector.broadcast %eq3A_296 : i32 to vector<16xi32>
      %eq3A_298 = arith.cmpi eq, %iota3A, %eq3A_297 : vector<16xi32>
      %broadcast_in_dim3A_299 = vector.broadcast %squeeze3A_275 : i32 to vector<16xi32>
      %select_n3A_300 = arith.select %eq3A_298, %broadcast_in_dim3A_299, %gather3A_295 : vector<16xi1>, vector<16xi32>
      %ne3A_301 = arith.cmpi ne, %get3A_279, %select_n3A_300 : vector<16xi32>
      %convert_element_type3A_302 = arith.extui %ne3A_301 : vector<16xi1> to vector<16xi32>
      %broadcast_in_dim3A_303 = arith.constant true
      %broadcast_in_dim3A_304 = vector.broadcast %broadcast_in_dim3A_303 : i1 to vector<16xi1>
      %masked_cumsum3A_305 = tpu.scan <sum>, %convert_element_type3A_302 masked %broadcast_in_dim3A_304 : vector<16xi32>, vector<16xi1> -> vector<16xi32>
      %sub3A_306 = arith.constant 1 : i32
      %sub3A_307 = arith.subi %add3A_273, %sub3A_306 : i32
      %add3A_308 = vector.broadcast %sub3A_307 : i32 to vector<16xi32>
      %add3A_309 = arith.addi %masked_cumsum3A_305, %add3A_308 : vector<16xi32>
      %add3A_310 = arith.constant 48 : i32
      %add3A_311 = vector.broadcast %add3A_310 : i32 to vector<16xi32>
      %add3A_312 = arith.addi %iota3A, %add3A_311 : vector<16xi32>
      tpu.vector_store_idx %arg15[%add3A_309], %add3A_312 masked %ne3A_301 : memref<80xi32, #tpu.memory_space<vmem>>[vector<16xi32>], vector<16xi32>, vector<16xi1>
      tpu.vector_store_idx %arg16[%add3A_309], %get3A_279 masked %ne3A_301 : memref<80xi32, #tpu.memory_space<vmem>>[vector<16xi32>], vector<16xi32>, vector<16xi1>
      %slice3A_313 = vector.extract_strided_slice %masked_cumsum3A_305 {offsets = [15], sizes = [1], strides = [1]} : vector<16xi32> to vector<1xi32>
      %squeeze3A_314 = vector.extract %slice3A_313[0] : i32 from vector<1xi32>
      %add3A_315 = arith.addi %add3A_273, %squeeze3A_314 : i32
      %slice3A_316 = vector.extract_strided_slice %get3A_279 {offsets = [15], sizes = [1], strides = [1]} : vector<16xi32> to vector<1xi32>
      %squeeze3A_317 = vector.extract %slice3A_316[0] : i32 from vector<1xi32>
      %broadcast_in_dim3A_318 = vector.broadcast %add3A_315 : i32 to vector<16xi32>
      %broadcast_in_dim3A_319 = arith.constant 64 : i32
      %broadcast_in_dim3A_320 = vector.broadcast %broadcast_in_dim3A_319 : i32 to vector<16xi32>
      %eq3A_321 = arith.constant 0 : i32
      %eq3A_322 = vector.broadcast %eq3A_321 : i32 to vector<16xi32>
      %eq3A_323 = arith.cmpi eq, %iota3A, %eq3A_322 : vector<16xi32>
      tpu.vector_store_idx %arg15[%broadcast_in_dim3A_318], %broadcast_in_dim3A_320 masked %eq3A_323 : memref<80xi32, #tpu.memory_space<vmem>>[vector<16xi32>], vector<16xi32>, vector<16xi1>
      %add3A_324 = arith.constant 16 : i32
      %add3A_325 = arith.addi %add3A_315, %add3A_324 : i32
      %jit3A_326 = arith.constant 16 : i32
      %div3A_327 = arith.divsi %add3A_325, %jit3A_326 : i32
      %sign3A_328 = arith.constant 0 : i32
      %sign3A_329 = arith.cmpi sgt, %add3A_325, %sign3A_328 : i32
      %sign3A_330 = arith.extui %sign3A_329 : i1 to i32
      %sign3A_331 = arith.constant 0 : i32
      %sign3A_332 = arith.cmpi slt, %add3A_325, %sign3A_331 : i32
      %sign3A_333 = arith.extui %sign3A_332 : i1 to i32
      %sign3A_334 = arith.subi %sign3A_330, %sign3A_333 : i32
      %sign3A_335 = arith.constant 0 : i32
      %sign3A_336 = arith.cmpi sgt, %jit3A_326, %sign3A_335 : i32
      %sign3A_337 = arith.extui %sign3A_336 : i1 to i32
      %sign3A_338 = arith.constant 0 : i32
      %sign3A_339 = arith.cmpi slt, %jit3A_326, %sign3A_338 : i32
      %sign3A_340 = arith.extui %sign3A_339 : i1 to i32
      %sign3A_341 = arith.subi %sign3A_337, %sign3A_340 : i32
      %ne3A_342 = arith.cmpi ne, %sign3A_334, %sign3A_341 : i32
      %rem3A_343 = arith.remsi %add3A_325, %jit3A_326 : i32
      %ne3A_344 = arith.constant 0 : i32
      %ne3A_345 = arith.cmpi ne, %rem3A_343, %ne3A_344 : i32
      %and3A_346 = arith.andi %ne3A_342, %ne3A_345 : i1
      %sub3A_347 = arith.constant 1 : i32
      %sub3A_348 = arith.subi %div3A_327, %sub3A_347 : i32
      %select_n3A_349 = arith.select %and3A_346, %sub3A_348, %div3A_327 : i32
      %while3A = arith.constant 0 : i32
      %while3A_350 = arith.constant 0 : i32
      %while3A_351 = arith.subi %select_n3A_349, %while3A : i32
      %while3A_352 = arith.addi %while3A, %while3A_351 : i32
      %while3A_353 = arith.constant 1 : i32
      %while3A_354 = arith.divsi %while3A_351, %while3A_353 : i32
      %while3A_355 = arith.muli %while3A_354, %while3A_353 : i32
      %while3A_356 = arith.addi %while3A, %while3A_355 : i32
      %while3A_357 = arith.constant 1 : i32
      %while3A_358 = scf.for %while3A_618 = %while3A to %while3A_356 step %while3A_357 iter_args(%while3A_619 = %while3A_350) -> (i32)  : i32 {
        %mul3A_620 = arith.constant 16 : i32
        %mul3A_621 = arith.muli %while3A_618, %mul3A_620 : i32
        %multiple_of3A = tpu.assume_multiple %mul3A_621, 16 : i32
        %get3A_622 = arith.index_cast %multiple_of3A : i32 to index
        %get3A_623 = tpu.vector_load %arg15[%get3A_622] {strides = array<i32>} : memref<80xi32, #tpu.memory_space<vmem>>, vector<16xi32>,
        %get3A_624 = arith.index_cast %multiple_of3A : i32 to index
        %get3A_625 = tpu.vector_load %arg16[%get3A_624] {strides = array<i32>} : memref<80xi32, #tpu.memory_space<vmem>>, vector<16xi32>,
        %slice3A_626 = vector.extract_strided_slice %get3A_623 {offsets = [0], sizes = [1], strides = [1]} : vector<16xi32> to vector<1xi32>
        %squeeze3A_627 = vector.extract %slice3A_626[0] : i32 from vector<1xi32>
        %add3A_628 = arith.constant 0 : i32
        %add3A_629 = arith.addi %multiple_of3A, %add3A_628 : i32
        %swap3A = arith.index_cast %add3A_629 : i32 to index
        %swap3A_630 = memref.load %arg13[%swap3A] : memref<80xi32, #tpu.memory_space<smem>>
        memref.store %squeeze3A_627, %arg13[%swap3A] : memref<80xi32, #tpu.memory_space<smem>>
        %slice3A_631 = vector.extract_strided_slice %get3A_625 {offsets = [0], sizes = [1], strides = [1]} : vector<16xi32> to vector<1xi32>
        %squeeze3A_632 = vector.extract %slice3A_631[0] : i32 from vector<1xi32>
        %add3A_633 = arith.constant 0 : i32
        %add3A_634 = arith.addi %multiple_of3A, %add3A_633 : i32
        %swap3A_635 = arith.index_cast %add3A_634 : i32 to index
        %swap3A_636 = memref.load %arg14[%swap3A_635] : memref<80xi32, #tpu.memory_space<smem>>
        memref.store %squeeze3A_632, %arg14[%swap3A_635] : memref<80xi32, #tpu.memory_space<smem>>
        %slice3A_637 = vector.extract_strided_slice %get3A_623 {offsets = [1], sizes = [1], strides = [1]} : vector<16xi32> to vector<1xi32>
        %squeeze3A_638 = vector.extract %slice3A_637[0] : i32 from vector<1xi32>
        %add3A_639 = arith.constant 1 : i32
        %add3A_640 = arith.addi %multiple_of3A, %add3A_639 : i32
        %swap3A_641 = arith.index_cast %add3A_640 : i32 to index
        %swap3A_642 = memref.load %arg13[%swap3A_641] : memref<80xi32, #tpu.memory_space<smem>>
        memref.store %squeeze3A_638, %arg13[%swap3A_641] : memref<80xi32, #tpu.memory_space<smem>>
        %slice3A_643 = vector.extract_strided_slice %get3A_625 {offsets = [1], sizes = [1], strides = [1]} : vector<16xi32> to vector<1xi32>
        %squeeze3A_644 = vector.extract %slice3A_643[0] : i32 from vector<1xi32>
        %add3A_645 = arith.constant 1 : i32
        %add3A_646 = arith.addi %multiple_of3A, %add3A_645 : i32
        %swap3A_647 = arith.index_cast %add3A_646 : i32 to index
        %swap3A_648 = memref.load %arg14[%swap3A_647] : memref<80xi32, #tpu.memory_space<smem>>
        memref.store %squeeze3A_644, %arg14[%swap3A_647] : memref<80xi32, #tpu.memory_space<smem>>
        %slice3A_649 = vector.extract_strided_slice %get3A_623 {offsets = [2], sizes = [1], strides = [1]} : vector<16xi32> to vector<1xi32>
        %squeeze3A_650 = vector.extract %slice3A_649[0] : i32 from vector<1xi32>
        %add3A_651 = arith.constant 2 : i32
        %add3A_652 = arith.addi %multiple_of3A, %add3A_651 : i32
        %swap3A_653 = arith.index_cast %add3A_652 : i32 to index
        %swap3A_654 = memref.load %arg13[%swap3A_653] : memref<80xi32, #tpu.memory_space<smem>>
        memref.store %squeeze3A_650, %arg13[%swap3A_653] : memref<80xi32, #tpu.memory_space<smem>>
        %slice3A_655 = vector.extract_strided_slice %get3A_625 {offsets = [2], sizes = [1], strides = [1]} : vector<16xi32> to vector<1xi32>
        %squeeze3A_656 = vector.extract %slice3A_655[0] : i32 from vector<1xi32>
        %add3A_657 = arith.constant 2 : i32
        %add3A_658 = arith.addi %multiple_of3A, %add3A_657 : i32
        %swap3A_659 = arith.index_cast %add3A_658 : i32 to index
        %swap3A_660 = memref.load %arg14[%swap3A_659] : memref<80xi32, #tpu.memory_space<smem>>
        memref.store %squeeze3A_656, %arg14[%swap3A_659] : memref<80xi32, #tpu.memory_space<smem>>
        %slice3A_661 = vector.extract_strided_slice %get3A_623 {offsets = [3], sizes = [1], strides = [1]} : vector<16xi32> to vector<1xi32>
        %squeeze3A_662 = vector.extract %slice3A_661[0] : i32 from vector<1xi32>
        %add3A_663 = arith.constant 3 : i32
        %add3A_664 = arith.addi %multiple_of3A, %add3A_663 : i32
        %swap3A_665 = arith.index_cast %add3A_664 : i32 to index
        %swap3A_666 = memref.load %arg13[%swap3A_665] : memref<80xi32, #tpu.memory_space<smem>>
        memref.store %squeeze3A_662, %arg13[%swap3A_665] : memref<80xi32, #tpu.memory_space<smem>>
        %slice3A_667 = vector.extract_strided_slice %get3A_625 {offsets = [3], sizes = [1], strides = [1]} : vector<16xi32> to vector<1xi32>
        %squeeze3A_668 = vector.extract %slice3A_667[0] : i32 from vector<1xi32>
        %add3A_669 = arith.constant 3 : i32
        %add3A_670 = arith.addi %multiple_of3A, %add3A_669 : i32
        %swap3A_671 = arith.index_cast %add3A_670 : i32 to index
        %swap3A_672 = memref.load %arg14[%swap3A_671] : memref<80xi32, #tpu.memory_space<smem>>
        memref.store %squeeze3A_668, %arg14[%swap3A_671] : memref<80xi32, #tpu.memory_space<smem>>
        %slice3A_673 = vector.extract_strided_slice %get3A_623 {offsets = [4], sizes = [1], strides = [1]} : vector<16xi32> to vector<1xi32>
        %squeeze3A_674 = vector.extract %slice3A_673[0] : i32 from vector<1xi32>
        %add3A_675 = arith.constant 4 : i32
        %add3A_676 = arith.addi %multiple_of3A, %add3A_675 : i32
        %swap3A_677 = arith.index_cast %add3A_676 : i32 to index
        %swap3A_678 = memref.load %arg13[%swap3A_677] : memref<80xi32, #tpu.memory_space<smem>>
        memref.store %squeeze3A_674, %arg13[%swap3A_677] : memref<80xi32, #tpu.memory_space<smem>>
        %slice3A_679 = vector.extract_strided_slice %get3A_625 {offsets = [4], sizes = [1], strides = [1]} : vector<16xi32> to vector<1xi32>
        %squeeze3A_680 = vector.extract %slice3A_679[0] : i32 from vector<1xi32>
        %add3A_681 = arith.constant 4 : i32
        %add3A_682 = arith.addi %multiple_of3A, %add3A_681 : i32
        %swap3A_683 = arith.index_cast %add3A_682 : i32 to index
        %swap3A_684 = memref.load %arg14[%swap3A_683] : memref<80xi32, #tpu.memory_space<smem>>
        memref.store %squeeze3A_680, %arg14[%swap3A_683] : memref<80xi32, #tpu.memory_space<smem>>
        %slice3A_685 = vector.extract_strided_slice %get3A_623 {offsets = [5], sizes = [1], strides = [1]} : vector<16xi32> to vector<1xi32>
        %squeeze3A_686 = vector.extract %slice3A_685[0] : i32 from vector<1xi32>
        %add3A_687 = arith.constant 5 : i32
        %add3A_688 = arith.addi %multiple_of3A, %add3A_687 : i32
        %swap3A_689 = arith.index_cast %add3A_688 : i32 to index
        %swap3A_690 = memref.load %arg13[%swap3A_689] : memref<80xi32, #tpu.memory_space<smem>>
        memref.store %squeeze3A_686, %arg13[%swap3A_689] : memref<80xi32, #tpu.memory_space<smem>>
        %slice3A_691 = vector.extract_strided_slice %get3A_625 {offsets = [5], sizes = [1], strides = [1]} : vector<16xi32> to vector<1xi32>
        %squeeze3A_692 = vector.extract %slice3A_691[0] : i32 from vector<1xi32>
        %add3A_693 = arith.constant 5 : i32
        %add3A_694 = arith.addi %multiple_of3A, %add3A_693 : i32
        %swap3A_695 = arith.index_cast %add3A_694 : i32 to index
        %swap3A_696 = memref.load %arg14[%swap3A_695] : memref<80xi32, #tpu.memory_space<smem>>
        memref.store %squeeze3A_692, %arg14[%swap3A_695] : memref<80xi32, #tpu.memory_space<smem>>
        %slice3A_697 = vector.extract_strided_slice %get3A_623 {offsets = [6], sizes = [1], strides = [1]} : vector<16xi32> to vector<1xi32>
        %squeeze3A_698 = vector.extract %slice3A_697[0] : i32 from vector<1xi32>
        %add3A_699 = arith.constant 6 : i32
        %add3A_700 = arith.addi %multiple_of3A, %add3A_699 : i32
        %swap3A_701 = arith.index_cast %add3A_700 : i32 to index
        %swap3A_702 = memref.load %arg13[%swap3A_701] : memref<80xi32, #tpu.memory_space<smem>>
        memref.store %squeeze3A_698, %arg13[%swap3A_701] : memref<80xi32, #tpu.memory_space<smem>>
        %slice3A_703 = vector.extract_strided_slice %get3A_625 {offsets = [6], sizes = [1], strides = [1]} : vector<16xi32> to vector<1xi32>
        %squeeze3A_704 = vector.extract %slice3A_703[0] : i32 from vector<1xi32>
        %add3A_705 = arith.constant 6 : i32
        %add3A_706 = arith.addi %multiple_of3A, %add3A_705 : i32
        %swap3A_707 = arith.index_cast %add3A_706 : i32 to index
        %swap3A_708 = memref.load %arg14[%swap3A_707] : memref<80xi32, #tpu.memory_space<smem>>
        memref.store %squeeze3A_704, %arg14[%swap3A_707] : memref<80xi32, #tpu.memory_space<smem>>
        %slice3A_709 = vector.extract_strided_slice %get3A_623 {offsets = [7], sizes = [1], strides = [1]} : vector<16xi32> to vector<1xi32>
        %squeeze3A_710 = vector.extract %slice3A_709[0] : i32 from vector<1xi32>
        %add3A_711 = arith.constant 7 : i32
        %add3A_712 = arith.addi %multiple_of3A, %add3A_711 : i32
        %swap3A_713 = arith.index_cast %add3A_712 : i32 to index
        %swap3A_714 = memref.load %arg13[%swap3A_713] : memref<80xi32, #tpu.memory_space<smem>>
        memref.store %squeeze3A_710, %arg13[%swap3A_713] : memref<80xi32, #tpu.memory_space<smem>>
        %slice3A_715 = vector.extract_strided_slice %get3A_625 {offsets = [7], sizes = [1], strides = [1]} : vector<16xi32> to vector<1xi32>
        %squeeze3A_716 = vector.extract %slice3A_715[0] : i32 from vector<1xi32>
        %add3A_717 = arith.constant 7 : i32
        %add3A_718 = arith.addi %multiple_of3A, %add3A_717 : i32
        %swap3A_719 = arith.index_cast %add3A_718 : i32 to index
        %swap3A_720 = memref.load %arg14[%swap3A_719] : memref<80xi32, #tpu.memory_space<smem>>
        memref.store %squeeze3A_716, %arg14[%swap3A_719] : memref<80xi32, #tpu.memory_space<smem>>
        %slice3A_721 = vector.extract_strided_slice %get3A_623 {offsets = [8], sizes = [1], strides = [1]} : vector<16xi32> to vector<1xi32>
        %squeeze3A_722 = vector.extract %slice3A_721[0] : i32 from vector<1xi32>
        %add3A_723 = arith.constant 8 : i32
        %add3A_724 = arith.addi %multiple_of3A, %add3A_723 : i32
        %swap3A_725 = arith.index_cast %add3A_724 : i32 to index
        %swap3A_726 = memref.load %arg13[%swap3A_725] : memref<80xi32, #tpu.memory_space<smem>>
        memref.store %squeeze3A_722, %arg13[%swap3A_725] : memref<80xi32, #tpu.memory_space<smem>>
        %slice3A_727 = vector.extract_strided_slice %get3A_625 {offsets = [8], sizes = [1], strides = [1]} : vector<16xi32> to vector<1xi32>
        %squeeze3A_728 = vector.extract %slice3A_727[0] : i32 from vector<1xi32>
        %add3A_729 = arith.constant 8 : i32
        %add3A_730 = arith.addi %multiple_of3A, %add3A_729 : i32
        %swap3A_731 = arith.index_cast %add3A_730 : i32 to index
        %swap3A_732 = memref.load %arg14[%swap3A_731] : memref<80xi32, #tpu.memory_space<smem>>
        memref.store %squeeze3A_728, %arg14[%swap3A_731] : memref<80xi32, #tpu.memory_space<smem>>
        %slice3A_733 = vector.extract_strided_slice %get3A_623 {offsets = [9], sizes = [1], strides = [1]} : vector<16xi32> to vector<1xi32>
        %squeeze3A_734 = vector.extract %slice3A_733[0] : i32 from vector<1xi32>
        %add3A_735 = arith.constant 9 : i32
        %add3A_736 = arith.addi %multiple_of3A, %add3A_735 : i32
        %swap3A_737 = arith.index_cast %add3A_736 : i32 to index
        %swap3A_738 = memref.load %arg13[%swap3A_737] : memref<80xi32, #tpu.memory_space<smem>>
        memref.store %squeeze3A_734, %arg13[%swap3A_737] : memref<80xi32, #tpu.memory_space<smem>>
        %slice3A_739 = vector.extract_strided_slice %get3A_625 {offsets = [9], sizes = [1], strides = [1]} : vector<16xi32> to vector<1xi32>
        %squeeze3A_740 = vector.extract %slice3A_739[0] : i32 from vector<1xi32>
        %add3A_741 = arith.constant 9 : i32
        %add3A_742 = arith.addi %multiple_of3A, %add3A_741 : i32
        %swap3A_743 = arith.index_cast %add3A_742 : i32 to index
        %swap3A_744 = memref.load %arg14[%swap3A_743] : memref<80xi32, #tpu.memory_space<smem>>
        memref.store %squeeze3A_740, %arg14[%swap3A_743] : memref<80xi32, #tpu.memory_space<smem>>
        %slice3A_745 = vector.extract_strided_slice %get3A_623 {offsets = [10], sizes = [1], strides = [1]} : vector<16xi32> to vector<1xi32>
        %squeeze3A_746 = vector.extract %slice3A_745[0] : i32 from vector<1xi32>
        %add3A_747 = arith.constant 10 : i32
        %add3A_748 = arith.addi %multiple_of3A, %add3A_747 : i32
        %swap3A_749 = arith.index_cast %add3A_748 : i32 to index
        %swap3A_750 = memref.load %arg13[%swap3A_749] : memref<80xi32, #tpu.memory_space<smem>>
        memref.store %squeeze3A_746, %arg13[%swap3A_749] : memref<80xi32, #tpu.memory_space<smem>>
        %slice3A_751 = vector.extract_strided_slice %get3A_625 {offsets = [10], sizes = [1], strides = [1]} : vector<16xi32> to vector<1xi32>
        %squeeze3A_752 = vector.extract %slice3A_751[0] : i32 from vector<1xi32>
        %add3A_753 = arith.constant 10 : i32
        %add3A_754 = arith.addi %multiple_of3A, %add3A_753 : i32
        %swap3A_755 = arith.index_cast %add3A_754 : i32 to index
        %swap3A_756 = memref.load %arg14[%swap3A_755] : memref<80xi32, #tpu.memory_space<smem>>
        memref.store %squeeze3A_752, %arg14[%swap3A_755] : memref<80xi32, #tpu.memory_space<smem>>
        %slice3A_757 = vector.extract_strided_slice %get3A_623 {offsets = [11], sizes = [1], strides = [1]} : vector<16xi32> to vector<1xi32>
        %squeeze3A_758 = vector.extract %slice3A_757[0] : i32 from vector<1xi32>
        %add3A_759 = arith.constant 11 : i32
        %add3A_760 = arith.addi %multiple_of3A, %add3A_759 : i32
        %swap3A_761 = arith.index_cast %add3A_760 : i32 to index
        %swap3A_762 = memref.load %arg13[%swap3A_761] : memref<80xi32, #tpu.memory_space<smem>>
        memref.store %squeeze3A_758, %arg13[%swap3A_761] : memref<80xi32, #tpu.memory_space<smem>>
        %slice3A_763 = vector.extract_strided_slice %get3A_625 {offsets = [11], sizes = [1], strides = [1]} : vector<16xi32> to vector<1xi32>
        %squeeze3A_764 = vector.extract %slice3A_763[0] : i32 from vector<1xi32>
        %add3A_765 = arith.constant 11 : i32
        %add3A_766 = arith.addi %multiple_of3A, %add3A_765 : i32
        %swap3A_767 = arith.index_cast %add3A_766 : i32 to index
        %swap3A_768 = memref.load %arg14[%swap3A_767] : memref<80xi32, #tpu.memory_space<smem>>
        memref.store %squeeze3A_764, %arg14[%swap3A_767] : memref<80xi32, #tpu.memory_space<smem>>
        %slice3A_769 = vector.extract_strided_slice %get3A_623 {offsets = [12], sizes = [1], strides = [1]} : vector<16xi32> to vector<1xi32>
        %squeeze3A_770 = vector.extract %slice3A_769[0] : i32 from vector<1xi32>
        %add3A_771 = arith.constant 12 : i32
        %add3A_772 = arith.addi %multiple_of3A, %add3A_771 : i32
        %swap3A_773 = arith.index_cast %add3A_772 : i32 to index
        %swap3A_774 = memref.load %arg13[%swap3A_773] : memref<80xi32, #tpu.memory_space<smem>>
        memref.store %squeeze3A_770, %arg13[%swap3A_773] : memref<80xi32, #tpu.memory_space<smem>>
        %slice3A_775 = vector.extract_strided_slice %get3A_625 {offsets = [12], sizes = [1], strides = [1]} : vector<16xi32> to vector<1xi32>
        %squeeze3A_776 = vector.extract %slice3A_775[0] : i32 from vector<1xi32>
        %add3A_777 = arith.constant 12 : i32
        %add3A_778 = arith.addi %multiple_of3A, %add3A_777 : i32
        %swap3A_779 = arith.index_cast %add3A_778 : i32 to index
        %swap3A_780 = memref.load %arg14[%swap3A_779] : memref<80xi32, #tpu.memory_space<smem>>
        memref.store %squeeze3A_776, %arg14[%swap3A_779] : memref<80xi32, #tpu.memory_space<smem>>
        %slice3A_781 = vector.extract_strided_slice %get3A_623 {offsets = [13], sizes = [1], strides = [1]} : vector<16xi32> to vector<1xi32>
        %squeeze3A_782 = vector.extract %slice3A_781[0] : i32 from vector<1xi32>
        %add3A_783 = arith.constant 13 : i32
        %add3A_784 = arith.addi %multiple_of3A, %add3A_783 : i32
        %swap3A_785 = arith.index_cast %add3A_784 : i32 to index
        %swap3A_786 = memref.load %arg13[%swap3A_785] : memref<80xi32, #tpu.memory_space<smem>>
        memref.store %squeeze3A_782, %arg13[%swap3A_785] : memref<80xi32, #tpu.memory_space<smem>>
        %slice3A_787 = vector.extract_strided_slice %get3A_625 {offsets = [13], sizes = [1], strides = [1]} : vector<16xi32> to vector<1xi32>
        %squeeze3A_788 = vector.extract %slice3A_787[0] : i32 from vector<1xi32>
        %add3A_789 = arith.constant 13 : i32
        %add3A_790 = arith.addi %multiple_of3A, %add3A_789 : i32
        %swap3A_791 = arith.index_cast %add3A_790 : i32 to index
        %swap3A_792 = memref.load %arg14[%swap3A_791] : memref<80xi32, #tpu.memory_space<smem>>
        memref.store %squeeze3A_788, %arg14[%swap3A_791] : memref<80xi32, #tpu.memory_space<smem>>
        %slice3A_793 = vector.extract_strided_slice %get3A_623 {offsets = [14], sizes = [1], strides = [1]} : vector<16xi32> to vector<1xi32>
        %squeeze3A_794 = vector.extract %slice3A_793[0] : i32 from vector<1xi32>
        %add3A_795 = arith.constant 14 : i32
        %add3A_796 = arith.addi %multiple_of3A, %add3A_795 : i32
        %swap3A_797 = arith.index_cast %add3A_796 : i32 to index
        %swap3A_798 = memref.load %arg13[%swap3A_797] : memref<80xi32, #tpu.memory_space<smem>>
        memref.store %squeeze3A_794, %arg13[%swap3A_797] : memref<80xi32, #tpu.memory_space<smem>>
        %slice3A_799 = vector.extract_strided_slice %get3A_625 {offsets = [14], sizes = [1], strides = [1]} : vector<16xi32> to vector<1xi32>
        %squeeze3A_800 = vector.extract %slice3A_799[0] : i32 from vector<1xi32>
        %add3A_801 = arith.constant 14 : i32
        %add3A_802 = arith.addi %multiple_of3A, %add3A_801 : i32
        %swap3A_803 = arith.index_cast %add3A_802 : i32 to index
        %swap3A_804 = memref.load %arg14[%swap3A_803] : memref<80xi32, #tpu.memory_space<smem>>
        memref.store %squeeze3A_800, %arg14[%swap3A_803] : memref<80xi32, #tpu.memory_space<smem>>
        %slice3A_805 = vector.extract_strided_slice %get3A_623 {offsets = [15], sizes = [1], strides = [1]} : vector<16xi32> to vector<1xi32>
        %squeeze3A_806 = vector.extract %slice3A_805[0] : i32 from vector<1xi32>
        %add3A_807 = arith.constant 15 : i32
        %add3A_808 = arith.addi %multiple_of3A, %add3A_807 : i32
        %swap3A_809 = arith.index_cast %add3A_808 : i32 to index
        %swap3A_810 = memref.load %arg13[%swap3A_809] : memref<80xi32, #tpu.memory_space<smem>>
        memref.store %squeeze3A_806, %arg13[%swap3A_809] : memref<80xi32, #tpu.memory_space<smem>>
        %slice3A_811 = vector.extract_strided_slice %get3A_625 {offsets = [15], sizes = [1], strides = [1]} : vector<16xi32> to vector<1xi32>
        %squeeze3A_812 = vector.extract %slice3A_811[0] : i32 from vector<1xi32>
        %add3A_813 = arith.constant 15 : i32
        %add3A_814 = arith.addi %multiple_of3A, %add3A_813 : i32
        %swap3A_815 = arith.index_cast %add3A_814 : i32 to index
        %swap3A_816 = memref.load %arg14[%swap3A_815] : memref<80xi32, #tpu.memory_space<smem>>
        memref.store %squeeze3A_812, %arg14[%swap3A_815] : memref<80xi32, #tpu.memory_space<smem>>
        %while3A_817 = arith.constant 0 : i32
        scf.yield %while3A_817 : i32
      }
      %while3A_359 = arith.constant 1 : i32
      %while3A_360 = scf.for %while3A_618 = %while3A_356 to %while3A_352 step %while3A_359 iter_args(%while3A_619 = %while3A_358) -> (i32)  : i32 {
        %mul3A_620 = arith.constant 16 : i32
        %mul3A_621 = arith.muli %while3A_618, %mul3A_620 : i32
        %multiple_of3A = tpu.assume_multiple %mul3A_621, 16 : i32
        %get3A_622 = arith.index_cast %multiple_of3A : i32 to index
        %get3A_623 = tpu.vector_load %arg15[%get3A_622] {strides = array<i32>} : memref<80xi32, #tpu.memory_space<vmem>>, vector<16xi32>,
        %get3A_624 = arith.index_cast %multiple_of3A : i32 to index
        %get3A_625 = tpu.vector_load %arg16[%get3A_624] {strides = array<i32>} : memref<80xi32, #tpu.memory_space<vmem>>, vector<16xi32>,
        %slice3A_626 = vector.extract_strided_slice %get3A_623 {offsets = [0], sizes = [1], strides = [1]} : vector<16xi32> to vector<1xi32>
        %squeeze3A_627 = vector.extract %slice3A_626[0] : i32 from vector<1xi32>
        %add3A_628 = arith.constant 0 : i32
        %add3A_629 = arith.addi %multiple_of3A, %add3A_628 : i32
        %swap3A = arith.index_cast %add3A_629 : i32 to index
        %swap3A_630 = memref.load %arg13[%swap3A] : memref<80xi32, #tpu.memory_space<smem>>
        memref.store %squeeze3A_627, %arg13[%swap3A] : memref<80xi32, #tpu.memory_space<smem>>
        %slice3A_631 = vector.extract_strided_slice %get3A_625 {offsets = [0], sizes = [1], strides = [1]} : vector<16xi32> to vector<1xi32>
        %squeeze3A_632 = vector.extract %slice3A_631[0] : i32 from vector<1xi32>
        %add3A_633 = arith.constant 0 : i32
        %add3A_634 = arith.addi %multiple_of3A, %add3A_633 : i32
        %swap3A_635 = arith.index_cast %add3A_634 : i32 to index
        %swap3A_636 = memref.load %arg14[%swap3A_635] : memref<80xi32, #tpu.memory_space<smem>>
        memref.store %squeeze3A_632, %arg14[%swap3A_635] : memref<80xi32, #tpu.memory_space<smem>>
        %slice3A_637 = vector.extract_strided_slice %get3A_623 {offsets = [1], sizes = [1], strides = [1]} : vector<16xi32> to vector<1xi32>
        %squeeze3A_638 = vector.extract %slice3A_637[0] : i32 from vector<1xi32>
        %add3A_639 = arith.constant 1 : i32
        %add3A_640 = arith.addi %multiple_of3A, %add3A_639 : i32
        %swap3A_641 = arith.index_cast %add3A_640 : i32 to index
        %swap3A_642 = memref.load %arg13[%swap3A_641] : memref<80xi32, #tpu.memory_space<smem>>
        memref.store %squeeze3A_638, %arg13[%swap3A_641] : memref<80xi32, #tpu.memory_space<smem>>
        %slice3A_643 = vector.extract_strided_slice %get3A_625 {offsets = [1], sizes = [1], strides = [1]} : vector<16xi32> to vector<1xi32>
        %squeeze3A_644 = vector.extract %slice3A_643[0] : i32 from vector<1xi32>
        %add3A_645 = arith.constant 1 : i32
        %add3A_646 = arith.addi %multiple_of3A, %add3A_645 : i32
        %swap3A_647 = arith.index_cast %add3A_646 : i32 to index
        %swap3A_648 = memref.load %arg14[%swap3A_647] : memref<80xi32, #tpu.memory_space<smem>>
        memref.store %squeeze3A_644, %arg14[%swap3A_647] : memref<80xi32, #tpu.memory_space<smem>>
        %slice3A_649 = vector.extract_strided_slice %get3A_623 {offsets = [2], sizes = [1], strides = [1]} : vector<16xi32> to vector<1xi32>
        %squeeze3A_650 = vector.extract %slice3A_649[0] : i32 from vector<1xi32>
        %add3A_651 = arith.constant 2 : i32
        %add3A_652 = arith.addi %multiple_of3A, %add3A_651 : i32
        %swap3A_653 = arith.index_cast %add3A_652 : i32 to index
        %swap3A_654 = memref.load %arg13[%swap3A_653] : memref<80xi32, #tpu.memory_space<smem>>
        memref.store %squeeze3A_650, %arg13[%swap3A_653] : memref<80xi32, #tpu.memory_space<smem>>
        %slice3A_655 = vector.extract_strided_slice %get3A_625 {offsets = [2], sizes = [1], strides = [1]} : vector<16xi32> to vector<1xi32>
        %squeeze3A_656 = vector.extract %slice3A_655[0] : i32 from vector<1xi32>
        %add3A_657 = arith.constant 2 : i32
        %add3A_658 = arith.addi %multiple_of3A, %add3A_657 : i32
        %swap3A_659 = arith.index_cast %add3A_658 : i32 to index
        %swap3A_660 = memref.load %arg14[%swap3A_659] : memref<80xi32, #tpu.memory_space<smem>>
        memref.store %squeeze3A_656, %arg14[%swap3A_659] : memref<80xi32, #tpu.memory_space<smem>>
        %slice3A_661 = vector.extract_strided_slice %get3A_623 {offsets = [3], sizes = [1], strides = [1]} : vector<16xi32> to vector<1xi32>
        %squeeze3A_662 = vector.extract %slice3A_661[0] : i32 from vector<1xi32>
        %add3A_663 = arith.constant 3 : i32
        %add3A_664 = arith.addi %multiple_of3A, %add3A_663 : i32
        %swap3A_665 = arith.index_cast %add3A_664 : i32 to index
        %swap3A_666 = memref.load %arg13[%swap3A_665] : memref<80xi32, #tpu.memory_space<smem>>
        memref.store %squeeze3A_662, %arg13[%swap3A_665] : memref<80xi32, #tpu.memory_space<smem>>
        %slice3A_667 = vector.extract_strided_slice %get3A_625 {offsets = [3], sizes = [1], strides = [1]} : vector<16xi32> to vector<1xi32>
        %squeeze3A_668 = vector.extract %slice3A_667[0] : i32 from vector<1xi32>
        %add3A_669 = arith.constant 3 : i32
        %add3A_670 = arith.addi %multiple_of3A, %add3A_669 : i32
        %swap3A_671 = arith.index_cast %add3A_670 : i32 to index
        %swap3A_672 = memref.load %arg14[%swap3A_671] : memref<80xi32, #tpu.memory_space<smem>>
        memref.store %squeeze3A_668, %arg14[%swap3A_671] : memref<80xi32, #tpu.memory_space<smem>>
        %slice3A_673 = vector.extract_strided_slice %get3A_623 {offsets = [4], sizes = [1], strides = [1]} : vector<16xi32> to vector<1xi32>
        %squeeze3A_674 = vector.extract %slice3A_673[0] : i32 from vector<1xi32>
        %add3A_675 = arith.constant 4 : i32
        %add3A_676 = arith.addi %multiple_of3A, %add3A_675 : i32
        %swap3A_677 = arith.index_cast %add3A_676 : i32 to index
        %swap3A_678 = memref.load %arg13[%swap3A_677] : memref<80xi32, #tpu.memory_space<smem>>
        memref.store %squeeze3A_674, %arg13[%swap3A_677] : memref<80xi32, #tpu.memory_space<smem>>
        %slice3A_679 = vector.extract_strided_slice %get3A_625 {offsets = [4], sizes = [1], strides = [1]} : vector<16xi32> to vector<1xi32>
        %squeeze3A_680 = vector.extract %slice3A_679[0] : i32 from vector<1xi32>
        %add3A_681 = arith.constant 4 : i32
        %add3A_682 = arith.addi %multiple_of3A, %add3A_681 : i32
        %swap3A_683 = arith.index_cast %add3A_682 : i32 to index
        %swap3A_684 = memref.load %arg14[%swap3A_683] : memref<80xi32, #tpu.memory_space<smem>>
        memref.store %squeeze3A_680, %arg14[%swap3A_683] : memref<80xi32, #tpu.memory_space<smem>>
        %slice3A_685 = vector.extract_strided_slice %get3A_623 {offsets = [5], sizes = [1], strides = [1]} : vector<16xi32> to vector<1xi32>
        %squeeze3A_686 = vector.extract %slice3A_685[0] : i32 from vector<1xi32>
        %add3A_687 = arith.constant 5 : i32
        %add3A_688 = arith.addi %multiple_of3A, %add3A_687 : i32
        %swap3A_689 = arith.index_cast %add3A_688 : i32 to index
        %swap3A_690 = memref.load %arg13[%swap3A_689] : memref<80xi32, #tpu.memory_space<smem>>
        memref.store %squeeze3A_686, %arg13[%swap3A_689] : memref<80xi32, #tpu.memory_space<smem>>
        %slice3A_691 = vector.extract_strided_slice %get3A_625 {offsets = [5], sizes = [1], strides = [1]} : vector<16xi32> to vector<1xi32>
        %squeeze3A_692 = vector.extract %slice3A_691[0] : i32 from vector<1xi32>
        %add3A_693 = arith.constant 5 : i32
        %add3A_694 = arith.addi %multiple_of3A, %add3A_693 : i32
        %swap3A_695 = arith.index_cast %add3A_694 : i32 to index
        %swap3A_696 = memref.load %arg14[%swap3A_695] : memref<80xi32, #tpu.memory_space<smem>>
        memref.store %squeeze3A_692, %arg14[%swap3A_695] : memref<80xi32, #tpu.memory_space<smem>>
        %slice3A_697 = vector.extract_strided_slice %get3A_623 {offsets = [6], sizes = [1], strides = [1]} : vector<16xi32> to vector<1xi32>
        %squeeze3A_698 = vector.extract %slice3A_697[0] : i32 from vector<1xi32>
        %add3A_699 = arith.constant 6 : i32
        %add3A_700 = arith.addi %multiple_of3A, %add3A_699 : i32
        %swap3A_701 = arith.index_cast %add3A_700 : i32 to index
        %swap3A_702 = memref.load %arg13[%swap3A_701] : memref<80xi32, #tpu.memory_space<smem>>
        memref.store %squeeze3A_698, %arg13[%swap3A_701] : memref<80xi32, #tpu.memory_space<smem>>
        %slice3A_703 = vector.extract_strided_slice %get3A_625 {offsets = [6], sizes = [1], strides = [1]} : vector<16xi32> to vector<1xi32>
        %squeeze3A_704 = vector.extract %slice3A_703[0] : i32 from vector<1xi32>
        %add3A_705 = arith.constant 6 : i32
        %add3A_706 = arith.addi %multiple_of3A, %add3A_705 : i32
        %swap3A_707 = arith.index_cast %add3A_706 : i32 to index
        %swap3A_708 = memref.load %arg14[%swap3A_707] : memref<80xi32, #tpu.memory_space<smem>>
        memref.store %squeeze3A_704, %arg14[%swap3A_707] : memref<80xi32, #tpu.memory_space<smem>>
        %slice3A_709 = vector.extract_strided_slice %get3A_623 {offsets = [7], sizes = [1], strides = [1]} : vector<16xi32> to vector<1xi32>
        %squeeze3A_710 = vector.extract %slice3A_709[0] : i32 from vector<1xi32>
        %add3A_711 = arith.constant 7 : i32
        %add3A_712 = arith.addi %multiple_of3A, %add3A_711 : i32
        %swap3A_713 = arith.index_cast %add3A_712 : i32 to index
        %swap3A_714 = memref.load %arg13[%swap3A_713] : memref<80xi32, #tpu.memory_space<smem>>
        memref.store %squeeze3A_710, %arg13[%swap3A_713] : memref<80xi32, #tpu.memory_space<smem>>
        %slice3A_715 = vector.extract_strided_slice %get3A_625 {offsets = [7], sizes = [1], strides = [1]} : vector<16xi32> to vector<1xi32>
        %squeeze3A_716 = vector.extract %slice3A_715[0] : i32 from vector<1xi32>
        %add3A_717 = arith.constant 7 : i32
        %add3A_718 = arith.addi %multiple_of3A, %add3A_717 : i32
        %swap3A_719 = arith.index_cast %add3A_718 : i32 to index
        %swap3A_720 = memref.load %arg14[%swap3A_719] : memref<80xi32, #tpu.memory_space<smem>>
        memref.store %squeeze3A_716, %arg14[%swap3A_719] : memref<80xi32, #tpu.memory_space<smem>>
        %slice3A_721 = vector.extract_strided_slice %get3A_623 {offsets = [8], sizes = [1], strides = [1]} : vector<16xi32> to vector<1xi32>
        %squeeze3A_722 = vector.extract %slice3A_721[0] : i32 from vector<1xi32>
        %add3A_723 = arith.constant 8 : i32
        %add3A_724 = arith.addi %multiple_of3A, %add3A_723 : i32
        %swap3A_725 = arith.index_cast %add3A_724 : i32 to index
        %swap3A_726 = memref.load %arg13[%swap3A_725] : memref<80xi32, #tpu.memory_space<smem>>
        memref.store %squeeze3A_722, %arg13[%swap3A_725] : memref<80xi32, #tpu.memory_space<smem>>
        %slice3A_727 = vector.extract_strided_slice %get3A_625 {offsets = [8], sizes = [1], strides = [1]} : vector<16xi32> to vector<1xi32>
        %squeeze3A_728 = vector.extract %slice3A_727[0] : i32 from vector<1xi32>
        %add3A_729 = arith.constant 8 : i32
        %add3A_730 = arith.addi %multiple_of3A, %add3A_729 : i32
        %swap3A_731 = arith.index_cast %add3A_730 : i32 to index
        %swap3A_732 = memref.load %arg14[%swap3A_731] : memref<80xi32, #tpu.memory_space<smem>>
        memref.store %squeeze3A_728, %arg14[%swap3A_731] : memref<80xi32, #tpu.memory_space<smem>>
        %slice3A_733 = vector.extract_strided_slice %get3A_623 {offsets = [9], sizes = [1], strides = [1]} : vector<16xi32> to vector<1xi32>
        %squeeze3A_734 = vector.extract %slice3A_733[0] : i32 from vector<1xi32>
        %add3A_735 = arith.constant 9 : i32
        %add3A_736 = arith.addi %multiple_of3A, %add3A_735 : i32
        %swap3A_737 = arith.index_cast %add3A_736 : i32 to index
        %swap3A_738 = memref.load %arg13[%swap3A_737] : memref<80xi32, #tpu.memory_space<smem>>
        memref.store %squeeze3A_734, %arg13[%swap3A_737] : memref<80xi32, #tpu.memory_space<smem>>
        %slice3A_739 = vector.extract_strided_slice %get3A_625 {offsets = [9], sizes = [1], strides = [1]} : vector<16xi32> to vector<1xi32>
        %squeeze3A_740 = vector.extract %slice3A_739[0] : i32 from vector<1xi32>
        %add3A_741 = arith.constant 9 : i32
        %add3A_742 = arith.addi %multiple_of3A, %add3A_741 : i32
        %swap3A_743 = arith.index_cast %add3A_742 : i32 to index
        %swap3A_744 = memref.load %arg14[%swap3A_743] : memref<80xi32, #tpu.memory_space<smem>>
        memref.store %squeeze3A_740, %arg14[%swap3A_743] : memref<80xi32, #tpu.memory_space<smem>>
        %slice3A_745 = vector.extract_strided_slice %get3A_623 {offsets = [10], sizes = [1], strides = [1]} : vector<16xi32> to vector<1xi32>
        %squeeze3A_746 = vector.extract %slice3A_745[0] : i32 from vector<1xi32>
        %add3A_747 = arith.constant 10 : i32
        %add3A_748 = arith.addi %multiple_of3A, %add3A_747 : i32
        %swap3A_749 = arith.index_cast %add3A_748 : i32 to index
        %swap3A_750 = memref.load %arg13[%swap3A_749] : memref<80xi32, #tpu.memory_space<smem>>
        memref.store %squeeze3A_746, %arg13[%swap3A_749] : memref<80xi32, #tpu.memory_space<smem>>
        %slice3A_751 = vector.extract_strided_slice %get3A_625 {offsets = [10], sizes = [1], strides = [1]} : vector<16xi32> to vector<1xi32>
        %squeeze3A_752 = vector.extract %slice3A_751[0] : i32 from vector<1xi32>
        %add3A_753 = arith.constant 10 : i32
        %add3A_754 = arith.addi %multiple_of3A, %add3A_753 : i32
        %swap3A_755 = arith.index_cast %add3A_754 : i32 to index
        %swap3A_756 = memref.load %arg14[%swap3A_755] : memref<80xi32, #tpu.memory_space<smem>>
        memref.store %squeeze3A_752, %arg14[%swap3A_755] : memref<80xi32, #tpu.memory_space<smem>>
        %slice3A_757 = vector.extract_strided_slice %get3A_623 {offsets = [11], sizes = [1], strides = [1]} : vector<16xi32> to vector<1xi32>
        %squeeze3A_758 = vector.extract %slice3A_757[0] : i32 from vector<1xi32>
        %add3A_759 = arith.constant 11 : i32
        %add3A_760 = arith.addi %multiple_of3A, %add3A_759 : i32
        %swap3A_761 = arith.index_cast %add3A_760 : i32 to index
        %swap3A_762 = memref.load %arg13[%swap3A_761] : memref<80xi32, #tpu.memory_space<smem>>
        memref.store %squeeze3A_758, %arg13[%swap3A_761] : memref<80xi32, #tpu.memory_space<smem>>
        %slice3A_763 = vector.extract_strided_slice %get3A_625 {offsets = [11], sizes = [1], strides = [1]} : vector<16xi32> to vector<1xi32>
        %squeeze3A_764 = vector.extract %slice3A_763[0] : i32 from vector<1xi32>
        %add3A_765 = arith.constant 11 : i32
        %add3A_766 = arith.addi %multiple_of3A, %add3A_765 : i32
        %swap3A_767 = arith.index_cast %add3A_766 : i32 to index
        %swap3A_768 = memref.load %arg14[%swap3A_767] : memref<80xi32, #tpu.memory_space<smem>>
        memref.store %squeeze3A_764, %arg14[%swap3A_767] : memref<80xi32, #tpu.memory_space<smem>>
        %slice3A_769 = vector.extract_strided_slice %get3A_623 {offsets = [12], sizes = [1], strides = [1]} : vector<16xi32> to vector<1xi32>
        %squeeze3A_770 = vector.extract %slice3A_769[0] : i32 from vector<1xi32>
        %add3A_771 = arith.constant 12 : i32
        %add3A_772 = arith.addi %multiple_of3A, %add3A_771 : i32
        %swap3A_773 = arith.index_cast %add3A_772 : i32 to index
        %swap3A_774 = memref.load %arg13[%swap3A_773] : memref<80xi32, #tpu.memory_space<smem>>
        memref.store %squeeze3A_770, %arg13[%swap3A_773] : memref<80xi32, #tpu.memory_space<smem>>
        %slice3A_775 = vector.extract_strided_slice %get3A_625 {offsets = [12], sizes = [1], strides = [1]} : vector<16xi32> to vector<1xi32>
        %squeeze3A_776 = vector.extract %slice3A_775[0] : i32 from vector<1xi32>
        %add3A_777 = arith.constant 12 : i32
        %add3A_778 = arith.addi %multiple_of3A, %add3A_777 : i32
        %swap3A_779 = arith.index_cast %add3A_778 : i32 to index
        %swap3A_780 = memref.load %arg14[%swap3A_779] : memref<80xi32, #tpu.memory_space<smem>>
        memref.store %squeeze3A_776, %arg14[%swap3A_779] : memref<80xi32, #tpu.memory_space<smem>>
        %slice3A_781 = vector.extract_strided_slice %get3A_623 {offsets = [13], sizes = [1], strides = [1]} : vector<16xi32> to vector<1xi32>
        %squeeze3A_782 = vector.extract %slice3A_781[0] : i32 from vector<1xi32>
        %add3A_783 = arith.constant 13 : i32
        %add3A_784 = arith.addi %multiple_of3A, %add3A_783 : i32
        %swap3A_785 = arith.index_cast %add3A_784 : i32 to index
        %swap3A_786 = memref.load %arg13[%swap3A_785] : memref<80xi32, #tpu.memory_space<smem>>
        memref.store %squeeze3A_782, %arg13[%swap3A_785] : memref<80xi32, #tpu.memory_space<smem>>
        %slice3A_787 = vector.extract_strided_slice %get3A_625 {offsets = [13], sizes = [1], strides = [1]} : vector<16xi32> to vector<1xi32>
        %squeeze3A_788 = vector.extract %slice3A_787[0] : i32 from vector<1xi32>
        %add3A_789 = arith.constant 13 : i32
        %add3A_790 = arith.addi %multiple_of3A, %add3A_789 : i32
        %swap3A_791 = arith.index_cast %add3A_790 : i32 to index
        %swap3A_792 = memref.load %arg14[%swap3A_791] : memref<80xi32, #tpu.memory_space<smem>>
        memref.store %squeeze3A_788, %arg14[%swap3A_791] : memref<80xi32, #tpu.memory_space<smem>>
        %slice3A_793 = vector.extract_strided_slice %get3A_623 {offsets = [14], sizes = [1], strides = [1]} : vector<16xi32> to vector<1xi32>
        %squeeze3A_794 = vector.extract %slice3A_793[0] : i32 from vector<1xi32>
        %add3A_795 = arith.constant 14 : i32
        %add3A_796 = arith.addi %multiple_of3A, %add3A_795 : i32
        %swap3A_797 = arith.index_cast %add3A_796 : i32 to index
        %swap3A_798 = memref.load %arg13[%swap3A_797] : memref<80xi32, #tpu.memory_space<smem>>
        memref.store %squeeze3A_794, %arg13[%swap3A_797] : memref<80xi32, #tpu.memory_space<smem>>
        %slice3A_799 = vector.extract_strided_slice %get3A_625 {offsets = [14], sizes = [1], strides = [1]} : vector<16xi32> to vector<1xi32>
        %squeeze3A_800 = vector.extract %slice3A_799[0] : i32 from vector<1xi32>
        %add3A_801 = arith.constant 14 : i32
        %add3A_802 = arith.addi %multiple_of3A, %add3A_801 : i32
        %swap3A_803 = arith.index_cast %add3A_802 : i32 to index
        %swap3A_804 = memref.load %arg14[%swap3A_803] : memref<80xi32, #tpu.memory_space<smem>>
        memref.store %squeeze3A_800, %arg14[%swap3A_803] : memref<80xi32, #tpu.memory_space<smem>>
        %slice3A_805 = vector.extract_strided_slice %get3A_623 {offsets = [15], sizes = [1], strides = [1]} : vector<16xi32> to vector<1xi32>
        %squeeze3A_806 = vector.extract %slice3A_805[0] : i32 from vector<1xi32>
        %add3A_807 = arith.constant 15 : i32
        %add3A_808 = arith.addi %multiple_of3A, %add3A_807 : i32
        %swap3A_809 = arith.index_cast %add3A_808 : i32 to index
        %swap3A_810 = memref.load %arg13[%swap3A_809] : memref<80xi32, #tpu.memory_space<smem>>
        memref.store %squeeze3A_806, %arg13[%swap3A_809] : memref<80xi32, #tpu.memory_space<smem>>
        %slice3A_811 = vector.extract_strided_slice %get3A_625 {offsets = [15], sizes = [1], strides = [1]} : vector<16xi32> to vector<1xi32>
        %squeeze3A_812 = vector.extract %slice3A_811[0] : i32 from vector<1xi32>
        %add3A_813 = arith.constant 15 : i32
        %add3A_814 = arith.addi %multiple_of3A, %add3A_813 : i32
        %swap3A_815 = arith.index_cast %add3A_814 : i32 to index
        %swap3A_816 = memref.load %arg14[%swap3A_815] : memref<80xi32, #tpu.memory_space<smem>>
        memref.store %squeeze3A_812, %arg14[%swap3A_815] : memref<80xi32, #tpu.memory_space<smem>>
        %while3A_817 = arith.constant 0 : i32
        scf.yield %while3A_817 : i32
      }
      %while3A_361 = arith.constant 0 : i32
      %while3A_362 = arith.subi %add3A_315, %while3A_361 : i32
      %while3A_363 = arith.addi %while3A_361, %while3A_362 : i32
      %while3A_364 = arith.constant 1 : i32
      %while3A_365 = arith.divsi %while3A_362, %while3A_364 : i32
      %while3A_366 = arith.muli %while3A_365, %while3A_364 : i32
      %while3A_367 = arith.addi %while3A_361, %while3A_366 : i32
      %while3A_368 = arith.constant 1 : i32
      %while3A_369:26 = scf.for %while3A_618 = %while3A_361 to %while3A_367 step %while3A_368 iter_args(%while3A_619 = %scan3A_106, %while3A_620 = %scan3A_107, %while3A_621 = %scan3A_108, %while3A_622 = %scan3A_109, %while3A_623 = %scan3A_110, %while3A_624 = %scan3A_111, %while3A_625 = %scan3A_112, %while3A_626 = %scan3A_113, %while3A_627 = %scan3A_114, %while3A_628 = %scan3A_115, %while3A_629 = %scan3A_116, %while3A_630 = %scan3A_117, %while3A_631 = %scan3A_118, %while3A_632 = %scan3A_119, %while3A_633 = %scan3A_120, %while3A_634 = %scan3A_121, %while3A_635 = %scan3A_122, %while3A_636 = %scan3A_123, %while3A_637 = %scan3A_124, %while3A_638 = %scan3A_125, %while3A_639 = %scan3A_126, %while3A_640 = %scan3A_127, %while3A_641 = %scan3A_128, %while3A_642 = %scan3A_129, %while3A_643 = %scan3A_130, %while3A_644 = %scan3A_131) -> (i32, i32, vector<16xf32>, vector<16xf32>, vector<16xf32>, vector<16xf32>, vector<16xf32>, vector<16xf32>, vector<16xf32>, vector<16xf32>, vector<16xf32>, vector<16xf32>, vector<16xf32>, vector<16xf32>, vector<16xf32>, vector<16xf32>, vector<16xf32>, vector<16xf32>, vector<16xf32>, vector<16xf32>, vector<16xf32>, vector<16xf32>, vector<16xf32>, vector<16xf32>, vector<16xf32>, vector<16xf32>)  : i32 {
        %get3A_645 = arith.index_cast %while3A_618 : i32 to index
        %get3A_646 = memref.load %arg13[%get3A_645] : memref<80xi32, #tpu.memory_space<smem>>
        %add3A_647 = arith.constant 1 : i32
        %add3A_648 = arith.addi %while3A_618, %add3A_647 : i32
        %get3A_649 = arith.index_cast %add3A_648 : i32 to index
        %get3A_650 = memref.load %arg13[%get3A_649] : memref<80xi32, #tpu.memory_space<smem>>
        %get3A_651 = arith.index_cast %while3A_618 : i32 to index
        %get3A_652 = memref.load %arg14[%get3A_651] : memref<80xi32, #tpu.memory_space<smem>>
        %ne3A_653 = arith.cmpi ne, %get3A_652, %while3A_619 : i32
        %convert_element_type3A_654 = arith.extui %ne3A_653 : i1 to i32
        %cond3A_655 = arith.constant 0 : i32
        %cond3A_656 = arith.cmpi ne, %convert_element_type3A_654, %cond3A_655 : i32
        scf.if %cond3A_656 {
          %ge3A_745 = arith.constant 0 : i32
          %ge3A_746 = arith.cmpi sge, %while3A_619, %ge3A_745 : i32
          %convert_element_type3A_747 = arith.extui %ge3A_746 : i1 to i32
          %cond3A_748 = arith.constant 0 : i32
          %cond3A_749 = arith.cmpi ne, %convert_element_type3A_747, %cond3A_748 : i32
          scf.if %cond3A_749 {
            %convert_element_type3A_750 = arith.sitofp %while3A_620 : i32 to f32
            %broadcast_in_dim3A_751 = vector.broadcast %convert_element_type3A_750 : f32 to vector<16xf32>
            %swap3A = arith.index_cast %while3A_619 : i32 to index
            %swap3A_752 = arith.constant 0 : index
            %swap3A_753 = tpu.vector_load %arg9[%swap3A, %swap3A_752] {strides = array<i32>} : memref<128x16xf32, #tpu.memory_space<vmem>>, vector<16xf32>,
            tpu.vector_store %arg9[%swap3A, %swap3A_752], %broadcast_in_dim3A_751 {add = true, strides = array<i32>} : memref<128x16xf32, #tpu.memory_space<vmem>>, vector<16xf32>,
            %swap3A_754 = arith.index_cast %while3A_619 : i32 to index
            %swap3A_755 = arith.constant 0 : index
            %swap3A_756 = tpu.vector_load %arg8[%swap3A_754, %swap3A_755] {strides = array<i32>} : memref<128x384xf32, #tpu.memory_space<vmem>>, vector<16xf32>,
            tpu.vector_store %arg8[%swap3A_754, %swap3A_755], %while3A_621 {add = true, strides = array<i32>} : memref<128x384xf32, #tpu.memory_space<vmem>>, vector<16xf32>,
            %swap3A_757 = arith.index_cast %while3A_619 : i32 to index
            %swap3A_758 = arith.constant 16 : index
            %swap3A_759 = tpu.vector_load %arg8[%swap3A_757, %swap3A_758] {strides = array<i32>} : memref<128x384xf32, #tpu.memory_space<vmem>>, vector<16xf32>,
            tpu.vector_store %arg8[%swap3A_757, %swap3A_758], %while3A_622 {add = true, strides = array<i32>} : memref<128x384xf32, #tpu.memory_space<vmem>>, vector<16xf32>,
            %swap3A_760 = arith.index_cast %while3A_619 : i32 to index
            %swap3A_761 = arith.constant 32 : index
            %swap3A_762 = tpu.vector_load %arg8[%swap3A_760, %swap3A_761] {strides = array<i32>} : memref<128x384xf32, #tpu.memory_space<vmem>>, vector<16xf32>,
            tpu.vector_store %arg8[%swap3A_760, %swap3A_761], %while3A_623 {add = true, strides = array<i32>} : memref<128x384xf32, #tpu.memory_space<vmem>>, vector<16xf32>,
            %swap3A_763 = arith.index_cast %while3A_619 : i32 to index
            %swap3A_764 = arith.constant 48 : index
            %swap3A_765 = tpu.vector_load %arg8[%swap3A_763, %swap3A_764] {strides = array<i32>} : memref<128x384xf32, #tpu.memory_space<vmem>>, vector<16xf32>,
            tpu.vector_store %arg8[%swap3A_763, %swap3A_764], %while3A_624 {add = true, strides = array<i32>} : memref<128x384xf32, #tpu.memory_space<vmem>>, vector<16xf32>,
            %swap3A_766 = arith.index_cast %while3A_619 : i32 to index
            %swap3A_767 = arith.constant 64 : index
            %swap3A_768 = tpu.vector_load %arg8[%swap3A_766, %swap3A_767] {strides = array<i32>} : memref<128x384xf32, #tpu.memory_space<vmem>>, vector<16xf32>,
            tpu.vector_store %arg8[%swap3A_766, %swap3A_767], %while3A_625 {add = true, strides = array<i32>} : memref<128x384xf32, #tpu.memory_space<vmem>>, vector<16xf32>,
            %swap3A_769 = arith.index_cast %while3A_619 : i32 to index
            %swap3A_770 = arith.constant 80 : index
            %swap3A_771 = tpu.vector_load %arg8[%swap3A_769, %swap3A_770] {strides = array<i32>} : memref<128x384xf32, #tpu.memory_space<vmem>>, vector<16xf32>,
            tpu.vector_store %arg8[%swap3A_769, %swap3A_770], %while3A_626 {add = true, strides = array<i32>} : memref<128x384xf32, #tpu.memory_space<vmem>>, vector<16xf32>,
            %swap3A_772 = arith.index_cast %while3A_619 : i32 to index
            %swap3A_773 = arith.constant 96 : index
            %swap3A_774 = tpu.vector_load %arg8[%swap3A_772, %swap3A_773] {strides = array<i32>} : memref<128x384xf32, #tpu.memory_space<vmem>>, vector<16xf32>,
            tpu.vector_store %arg8[%swap3A_772, %swap3A_773], %while3A_627 {add = true, strides = array<i32>} : memref<128x384xf32, #tpu.memory_space<vmem>>, vector<16xf32>,
            %swap3A_775 = arith.index_cast %while3A_619 : i32 to index
            %swap3A_776 = arith.constant 112 : index
            %swap3A_777 = tpu.vector_load %arg8[%swap3A_775, %swap3A_776] {strides = array<i32>} : memref<128x384xf32, #tpu.memory_space<vmem>>, vector<16xf32>,
            tpu.vector_store %arg8[%swap3A_775, %swap3A_776], %while3A_628 {add = true, strides = array<i32>} : memref<128x384xf32, #tpu.memory_space<vmem>>, vector<16xf32>,
            %swap3A_778 = arith.index_cast %while3A_619 : i32 to index
            %swap3A_779 = arith.constant 128 : index
            %swap3A_780 = tpu.vector_load %arg8[%swap3A_778, %swap3A_779] {strides = array<i32>} : memref<128x384xf32, #tpu.memory_space<vmem>>, vector<16xf32>,
            tpu.vector_store %arg8[%swap3A_778, %swap3A_779], %while3A_629 {add = true, strides = array<i32>} : memref<128x384xf32, #tpu.memory_space<vmem>>, vector<16xf32>,
            %swap3A_781 = arith.index_cast %while3A_619 : i32 to index
            %swap3A_782 = arith.constant 144 : index
            %swap3A_783 = tpu.vector_load %arg8[%swap3A_781, %swap3A_782] {strides = array<i32>} : memref<128x384xf32, #tpu.memory_space<vmem>>, vector<16xf32>,
            tpu.vector_store %arg8[%swap3A_781, %swap3A_782], %while3A_630 {add = true, strides = array<i32>} : memref<128x384xf32, #tpu.memory_space<vmem>>, vector<16xf32>,
            %swap3A_784 = arith.index_cast %while3A_619 : i32 to index
            %swap3A_785 = arith.constant 160 : index
            %swap3A_786 = tpu.vector_load %arg8[%swap3A_784, %swap3A_785] {strides = array<i32>} : memref<128x384xf32, #tpu.memory_space<vmem>>, vector<16xf32>,
            tpu.vector_store %arg8[%swap3A_784, %swap3A_785], %while3A_631 {add = true, strides = array<i32>} : memref<128x384xf32, #tpu.memory_space<vmem>>, vector<16xf32>,
            %swap3A_787 = arith.index_cast %while3A_619 : i32 to index
            %swap3A_788 = arith.constant 176 : index
            %swap3A_789 = tpu.vector_load %arg8[%swap3A_787, %swap3A_788] {strides = array<i32>} : memref<128x384xf32, #tpu.memory_space<vmem>>, vector<16xf32>,
            tpu.vector_store %arg8[%swap3A_787, %swap3A_788], %while3A_632 {add = true, strides = array<i32>} : memref<128x384xf32, #tpu.memory_space<vmem>>, vector<16xf32>,
            %swap3A_790 = arith.index_cast %while3A_619 : i32 to index
            %swap3A_791 = arith.constant 192 : index
            %swap3A_792 = tpu.vector_load %arg8[%swap3A_790, %swap3A_791] {strides = array<i32>} : memref<128x384xf32, #tpu.memory_space<vmem>>, vector<16xf32>,
            tpu.vector_store %arg8[%swap3A_790, %swap3A_791], %while3A_633 {add = true, strides = array<i32>} : memref<128x384xf32, #tpu.memory_space<vmem>>, vector<16xf32>,
            %swap3A_793 = arith.index_cast %while3A_619 : i32 to index
            %swap3A_794 = arith.constant 208 : index
            %swap3A_795 = tpu.vector_load %arg8[%swap3A_793, %swap3A_794] {strides = array<i32>} : memref<128x384xf32, #tpu.memory_space<vmem>>, vector<16xf32>,
            tpu.vector_store %arg8[%swap3A_793, %swap3A_794], %while3A_634 {add = true, strides = array<i32>} : memref<128x384xf32, #tpu.memory_space<vmem>>, vector<16xf32>,
            %swap3A_796 = arith.index_cast %while3A_619 : i32 to index
            %swap3A_797 = arith.constant 224 : index
            %swap3A_798 = tpu.vector_load %arg8[%swap3A_796, %swap3A_797] {strides = array<i32>} : memref<128x384xf32, #tpu.memory_space<vmem>>, vector<16xf32>,
            tpu.vector_store %arg8[%swap3A_796, %swap3A_797], %while3A_635 {add = true, strides = array<i32>} : memref<128x384xf32, #tpu.memory_space<vmem>>, vector<16xf32>,
            %swap3A_799 = arith.index_cast %while3A_619 : i32 to index
            %swap3A_800 = arith.constant 240 : index
            %swap3A_801 = tpu.vector_load %arg8[%swap3A_799, %swap3A_800] {strides = array<i32>} : memref<128x384xf32, #tpu.memory_space<vmem>>, vector<16xf32>,
            tpu.vector_store %arg8[%swap3A_799, %swap3A_800], %while3A_636 {add = true, strides = array<i32>} : memref<128x384xf32, #tpu.memory_space<vmem>>, vector<16xf32>,
            %swap3A_802 = arith.index_cast %while3A_619 : i32 to index
            %swap3A_803 = arith.constant 256 : index
            %swap3A_804 = tpu.vector_load %arg8[%swap3A_802, %swap3A_803] {strides = array<i32>} : memref<128x384xf32, #tpu.memory_space<vmem>>, vector<16xf32>,
            tpu.vector_store %arg8[%swap3A_802, %swap3A_803], %while3A_637 {add = true, strides = array<i32>} : memref<128x384xf32, #tpu.memory_space<vmem>>, vector<16xf32>,
            %swap3A_805 = arith.index_cast %while3A_619 : i32 to index
            %swap3A_806 = arith.constant 272 : index
            %swap3A_807 = tpu.vector_load %arg8[%swap3A_805, %swap3A_806] {strides = array<i32>} : memref<128x384xf32, #tpu.memory_space<vmem>>, vector<16xf32>,
            tpu.vector_store %arg8[%swap3A_805, %swap3A_806], %while3A_638 {add = true, strides = array<i32>} : memref<128x384xf32, #tpu.memory_space<vmem>>, vector<16xf32>,
            %swap3A_808 = arith.index_cast %while3A_619 : i32 to index
            %swap3A_809 = arith.constant 288 : index
            %swap3A_810 = tpu.vector_load %arg8[%swap3A_808, %swap3A_809] {strides = array<i32>} : memref<128x384xf32, #tpu.memory_space<vmem>>, vector<16xf32>,
            tpu.vector_store %arg8[%swap3A_808, %swap3A_809], %while3A_639 {add = true, strides = array<i32>} : memref<128x384xf32, #tpu.memory_space<vmem>>, vector<16xf32>,
            %swap3A_811 = arith.index_cast %while3A_619 : i32 to index
            %swap3A_812 = arith.constant 304 : index
            %swap3A_813 = tpu.vector_load %arg8[%swap3A_811, %swap3A_812] {strides = array<i32>} : memref<128x384xf32, #tpu.memory_space<vmem>>, vector<16xf32>,
            tpu.vector_store %arg8[%swap3A_811, %swap3A_812], %while3A_640 {add = true, strides = array<i32>} : memref<128x384xf32, #tpu.memory_space<vmem>>, vector<16xf32>,
            %swap3A_814 = arith.index_cast %while3A_619 : i32 to index
            %swap3A_815 = arith.constant 320 : index
            %swap3A_816 = tpu.vector_load %arg8[%swap3A_814, %swap3A_815] {strides = array<i32>} : memref<128x384xf32, #tpu.memory_space<vmem>>, vector<16xf32>,
            tpu.vector_store %arg8[%swap3A_814, %swap3A_815], %while3A_641 {add = true, strides = array<i32>} : memref<128x384xf32, #tpu.memory_space<vmem>>, vector<16xf32>,
            %swap3A_817 = arith.index_cast %while3A_619 : i32 to index
            %swap3A_818 = arith.constant 336 : index
            %swap3A_819 = tpu.vector_load %arg8[%swap3A_817, %swap3A_818] {strides = array<i32>} : memref<128x384xf32, #tpu.memory_space<vmem>>, vector<16xf32>,
            tpu.vector_store %arg8[%swap3A_817, %swap3A_818], %while3A_642 {add = true, strides = array<i32>} : memref<128x384xf32, #tpu.memory_space<vmem>>, vector<16xf32>,
            %swap3A_820 = arith.index_cast %while3A_619 : i32 to index
            %swap3A_821 = arith.constant 352 : index
            %swap3A_822 = tpu.vector_load %arg8[%swap3A_820, %swap3A_821] {strides = array<i32>} : memref<128x384xf32, #tpu.memory_space<vmem>>, vector<16xf32>,
            tpu.vector_store %arg8[%swap3A_820, %swap3A_821], %while3A_643 {add = true, strides = array<i32>} : memref<128x384xf32, #tpu.memory_space<vmem>>, vector<16xf32>,
            %swap3A_823 = arith.index_cast %while3A_619 : i32 to index
            %swap3A_824 = arith.constant 368 : index
            %swap3A_825 = tpu.vector_load %arg8[%swap3A_823, %swap3A_824] {strides = array<i32>} : memref<128x384xf32, #tpu.memory_space<vmem>>, vector<16xf32>,
            tpu.vector_store %arg8[%swap3A_823, %swap3A_824], %while3A_644 {add = true, strides = array<i32>} : memref<128x384xf32, #tpu.memory_space<vmem>>, vector<16xf32>,
          } else {
          }
        } else {
        }
        %not3A = arith.constant true
        %not3A_657 = arith.xori %ne3A_653, %not3A : i1
        %broadcast_in_dim3A_658 = vector.broadcast %not3A_657 : i1 to vector<16xi1>
        %jit3A_659 = arith.constant 0.000000e+00 : f32
        %broadcast_in_dim3A_660 = vector.broadcast %jit3A_659 : f32 to vector<16xf32>
        %select_n3A_661 = arith.select %broadcast_in_dim3A_658, %while3A_621, %broadcast_in_dim3A_660 : vector<16xi1>, vector<16xf32>
        %jit3A_662 = arith.constant 0.000000e+00 : f32
        %broadcast_in_dim3A_663 = vector.broadcast %jit3A_662 : f32 to vector<16xf32>
        %select_n3A_664 = arith.select %broadcast_in_dim3A_658, %while3A_622, %broadcast_in_dim3A_663 : vector<16xi1>, vector<16xf32>
        %jit3A_665 = arith.constant 0.000000e+00 : f32
        %broadcast_in_dim3A_666 = vector.broadcast %jit3A_665 : f32 to vector<16xf32>
        %select_n3A_667 = arith.select %broadcast_in_dim3A_658, %while3A_623, %broadcast_in_dim3A_666 : vector<16xi1>, vector<16xf32>
        %jit3A_668 = arith.constant 0.000000e+00 : f32
        %broadcast_in_dim3A_669 = vector.broadcast %jit3A_668 : f32 to vector<16xf32>
        %select_n3A_670 = arith.select %broadcast_in_dim3A_658, %while3A_624, %broadcast_in_dim3A_669 : vector<16xi1>, vector<16xf32>
        %jit3A_671 = arith.constant 0.000000e+00 : f32
        %broadcast_in_dim3A_672 = vector.broadcast %jit3A_671 : f32 to vector<16xf32>
        %select_n3A_673 = arith.select %broadcast_in_dim3A_658, %while3A_625, %broadcast_in_dim3A_672 : vector<16xi1>, vector<16xf32>
        %jit3A_674 = arith.constant 0.000000e+00 : f32
        %broadcast_in_dim3A_675 = vector.broadcast %jit3A_674 : f32 to vector<16xf32>
        %select_n3A_676 = arith.select %broadcast_in_dim3A_658, %while3A_626, %broadcast_in_dim3A_675 : vector<16xi1>, vector<16xf32>
        %jit3A_677 = arith.constant 0.000000e+00 : f32
        %broadcast_in_dim3A_678 = vector.broadcast %jit3A_677 : f32 to vector<16xf32>
        %select_n3A_679 = arith.select %broadcast_in_dim3A_658, %while3A_627, %broadcast_in_dim3A_678 : vector<16xi1>, vector<16xf32>
        %jit3A_680 = arith.constant 0.000000e+00 : f32
        %broadcast_in_dim3A_681 = vector.broadcast %jit3A_680 : f32 to vector<16xf32>
        %select_n3A_682 = arith.select %broadcast_in_dim3A_658, %while3A_628, %broadcast_in_dim3A_681 : vector<16xi1>, vector<16xf32>
        %jit3A_683 = arith.constant 0.000000e+00 : f32
        %broadcast_in_dim3A_684 = vector.broadcast %jit3A_683 : f32 to vector<16xf32>
        %select_n3A_685 = arith.select %broadcast_in_dim3A_658, %while3A_629, %broadcast_in_dim3A_684 : vector<16xi1>, vector<16xf32>
        %jit3A_686 = arith.constant 0.000000e+00 : f32
        %broadcast_in_dim3A_687 = vector.broadcast %jit3A_686 : f32 to vector<16xf32>
        %select_n3A_688 = arith.select %broadcast_in_dim3A_658, %while3A_630, %broadcast_in_dim3A_687 : vector<16xi1>, vector<16xf32>
        %jit3A_689 = arith.constant 0.000000e+00 : f32
        %broadcast_in_dim3A_690 = vector.broadcast %jit3A_689 : f32 to vector<16xf32>
        %select_n3A_691 = arith.select %broadcast_in_dim3A_658, %while3A_631, %broadcast_in_dim3A_690 : vector<16xi1>, vector<16xf32>
        %jit3A_692 = arith.constant 0.000000e+00 : f32
        %broadcast_in_dim3A_693 = vector.broadcast %jit3A_692 : f32 to vector<16xf32>
        %select_n3A_694 = arith.select %broadcast_in_dim3A_658, %while3A_632, %broadcast_in_dim3A_693 : vector<16xi1>, vector<16xf32>
        %jit3A_695 = arith.constant 0.000000e+00 : f32
        %broadcast_in_dim3A_696 = vector.broadcast %jit3A_695 : f32 to vector<16xf32>
        %select_n3A_697 = arith.select %broadcast_in_dim3A_658, %while3A_633, %broadcast_in_dim3A_696 : vector<16xi1>, vector<16xf32>
        %jit3A_698 = arith.constant 0.000000e+00 : f32
        %broadcast_in_dim3A_699 = vector.broadcast %jit3A_698 : f32 to vector<16xf32>
        %select_n3A_700 = arith.select %broadcast_in_dim3A_658, %while3A_634, %broadcast_in_dim3A_699 : vector<16xi1>, vector<16xf32>
        %jit3A_701 = arith.constant 0.000000e+00 : f32
        %broadcast_in_dim3A_702 = vector.broadcast %jit3A_701 : f32 to vector<16xf32>
        %select_n3A_703 = arith.select %broadcast_in_dim3A_658, %while3A_635, %broadcast_in_dim3A_702 : vector<16xi1>, vector<16xf32>
        %jit3A_704 = arith.constant 0.000000e+00 : f32
        %broadcast_in_dim3A_705 = vector.broadcast %jit3A_704 : f32 to vector<16xf32>
        %select_n3A_706 = arith.select %broadcast_in_dim3A_658, %while3A_636, %broadcast_in_dim3A_705 : vector<16xi1>, vector<16xf32>
        %jit3A_707 = arith.constant 0.000000e+00 : f32
        %broadcast_in_dim3A_708 = vector.broadcast %jit3A_707 : f32 to vector<16xf32>
        %select_n3A_709 = arith.select %broadcast_in_dim3A_658, %while3A_637, %broadcast_in_dim3A_708 : vector<16xi1>, vector<16xf32>
        %jit3A_710 = arith.constant 0.000000e+00 : f32
        %broadcast_in_dim3A_711 = vector.broadcast %jit3A_710 : f32 to vector<16xf32>
        %select_n3A_712 = arith.select %broadcast_in_dim3A_658, %while3A_638, %broadcast_in_dim3A_711 : vector<16xi1>, vector<16xf32>
        %jit3A_713 = arith.constant 0.000000e+00 : f32
        %broadcast_in_dim3A_714 = vector.broadcast %jit3A_713 : f32 to vector<16xf32>
        %select_n3A_715 = arith.select %broadcast_in_dim3A_658, %while3A_639, %broadcast_in_dim3A_714 : vector<16xi1>, vector<16xf32>
        %jit3A_716 = arith.constant 0.000000e+00 : f32
        %broadcast_in_dim3A_717 = vector.broadcast %jit3A_716 : f32 to vector<16xf32>
        %select_n3A_718 = arith.select %broadcast_in_dim3A_658, %while3A_640, %broadcast_in_dim3A_717 : vector<16xi1>, vector<16xf32>
        %jit3A_719 = arith.constant 0.000000e+00 : f32
        %broadcast_in_dim3A_720 = vector.broadcast %jit3A_719 : f32 to vector<16xf32>
        %select_n3A_721 = arith.select %broadcast_in_dim3A_658, %while3A_641, %broadcast_in_dim3A_720 : vector<16xi1>, vector<16xf32>
        %jit3A_722 = arith.constant 0.000000e+00 : f32
        %broadcast_in_dim3A_723 = vector.broadcast %jit3A_722 : f32 to vector<16xf32>
        %select_n3A_724 = arith.select %broadcast_in_dim3A_658, %while3A_642, %broadcast_in_dim3A_723 : vector<16xi1>, vector<16xf32>
        %jit3A_725 = arith.constant 0.000000e+00 : f32
        %broadcast_in_dim3A_726 = vector.broadcast %jit3A_725 : f32 to vector<16xf32>
        %select_n3A_727 = arith.select %broadcast_in_dim3A_658, %while3A_643, %broadcast_in_dim3A_726 : vector<16xi1>, vector<16xf32>
        %jit3A_728 = arith.constant 0.000000e+00 : f32
        %broadcast_in_dim3A_729 = vector.broadcast %jit3A_728 : f32 to vector<16xf32>
        %select_n3A_730 = arith.select %broadcast_in_dim3A_658, %while3A_644, %broadcast_in_dim3A_729 : vector<16xi1>, vector<16xf32>
        %jit3A_731 = arith.constant 0 : i32
        %select_n3A_732 = arith.select %ne3A_653, %jit3A_731, %while3A_620 : i32
        %while3A_733 = arith.subi %get3A_650, %get3A_646 : i32
        %while3A_734 = arith.addi %get3A_646, %while3A_733 : i32
        %while3A_735 = arith.constant 1 : i32
        %while3A_736 = arith.divsi %while3A_733, %while3A_735 : i32
        %while3A_737 = arith.muli %while3A_736, %while3A_735 : i32
        %while3A_738 = arith.addi %get3A_646, %while3A_737 : i32
        %while3A_739 = arith.constant 1 : i32
        %while3A_740:24 = scf.for %while3A_745 = %get3A_646 to %while3A_738 step %while3A_739 iter_args(%while3A_746 = %select_n3A_661, %while3A_747 = %select_n3A_664, %while3A_748 = %select_n3A_667, %while3A_749 = %select_n3A_670, %while3A_750 = %select_n3A_673, %while3A_751 = %select_n3A_676, %while3A_752 = %select_n3A_679, %while3A_753 = %select_n3A_682, %while3A_754 = %select_n3A_685, %while3A_755 = %select_n3A_688, %while3A_756 = %select_n3A_691, %while3A_757 = %select_n3A_694, %while3A_758 = %select_n3A_697, %while3A_759 = %select_n3A_700, %while3A_760 = %select_n3A_703, %while3A_761 = %select_n3A_706, %while3A_762 = %select_n3A_709, %while3A_763 = %select_n3A_712, %while3A_764 = %select_n3A_715, %while3A_765 = %select_n3A_718, %while3A_766 = %select_n3A_721, %while3A_767 = %select_n3A_724, %while3A_768 = %select_n3A_727, %while3A_769 = %select_n3A_730) -> (vector<16xf32>, vector<16xf32>, vector<16xf32>, vector<16xf32>, vector<16xf32>, vector<16xf32>, vector<16xf32>, vector<16xf32>, vector<16xf32>, vector<16xf32>, vector<16xf32>, vector<16xf32>, vector<16xf32>, vector<16xf32>, vector<16xf32>, vector<16xf32>, vector<16xf32>, vector<16xf32>, vector<16xf32>, vector<16xf32>, vector<16xf32>, vector<16xf32>, vector<16xf32>, vector<16xf32>)  : i32 {
          %get3A_770 = arith.index_cast %while3A_745 : i32 to index
          %get3A_771 = arith.constant 0 : index
          %get3A_772 = tpu.vector_load %arg5[%get3A_770, %get3A_771] {strides = array<i32>} : memref<64x384xf32, #tpu.memory_space<vmem>>, vector<16xf32>,
          %add3A_773 = arith.addf %while3A_746, %get3A_772 : vector<16xf32>
          %get3A_774 = arith.index_cast %while3A_745 : i32 to index
          %get3A_775 = arith.constant 16 : index
          %get3A_776 = tpu.vector_load %arg5[%get3A_774, %get3A_775] {strides = array<i32>} : memref<64x384xf32, #tpu.memory_space<vmem>>, vector<16xf32>,
          %add3A_777 = arith.addf %while3A_747, %get3A_776 : vector<16xf32>
          %get3A_778 = arith.index_cast %while3A_745 : i32 to index
          %get3A_779 = arith.constant 32 : index
          %get3A_780 = tpu.vector_load %arg5[%get3A_778, %get3A_779] {strides = array<i32>} : memref<64x384xf32, #tpu.memory_space<vmem>>, vector<16xf32>,
          %add3A_781 = arith.addf %while3A_748, %get3A_780 : vector<16xf32>
          %get3A_782 = arith.index_cast %while3A_745 : i32 to index
          %get3A_783 = arith.constant 48 : index
          %get3A_784 = tpu.vector_load %arg5[%get3A_782, %get3A_783] {strides = array<i32>} : memref<64x384xf32, #tpu.memory_space<vmem>>, vector<16xf32>,
          %add3A_785 = arith.addf %while3A_749, %get3A_784 : vector<16xf32>
          %get3A_786 = arith.index_cast %while3A_745 : i32 to index
          %get3A_787 = arith.constant 64 : index
          %get3A_788 = tpu.vector_load %arg5[%get3A_786, %get3A_787] {strides = array<i32>} : memref<64x384xf32, #tpu.memory_space<vmem>>, vector<16xf32>,
          %add3A_789 = arith.addf %while3A_750, %get3A_788 : vector<16xf32>
          %get3A_790 = arith.index_cast %while3A_745 : i32 to index
          %get3A_791 = arith.constant 80 : index
          %get3A_792 = tpu.vector_load %arg5[%get3A_790, %get3A_791] {strides = array<i32>} : memref<64x384xf32, #tpu.memory_space<vmem>>, vector<16xf32>,
          %add3A_793 = arith.addf %while3A_751, %get3A_792 : vector<16xf32>
          %get3A_794 = arith.index_cast %while3A_745 : i32 to index
          %get3A_795 = arith.constant 96 : index
          %get3A_796 = tpu.vector_load %arg5[%get3A_794, %get3A_795] {strides = array<i32>} : memref<64x384xf32, #tpu.memory_space<vmem>>, vector<16xf32>,
          %add3A_797 = arith.addf %while3A_752, %get3A_796 : vector<16xf32>
          %get3A_798 = arith.index_cast %while3A_745 : i32 to index
          %get3A_799 = arith.constant 112 : index
          %get3A_800 = tpu.vector_load %arg5[%get3A_798, %get3A_799] {strides = array<i32>} : memref<64x384xf32, #tpu.memory_space<vmem>>, vector<16xf32>,
          %add3A_801 = arith.addf %while3A_753, %get3A_800 : vector<16xf32>
          %get3A_802 = arith.index_cast %while3A_745 : i32 to index
          %get3A_803 = arith.constant 128 : index
          %get3A_804 = tpu.vector_load %arg5[%get3A_802, %get3A_803] {strides = array<i32>} : memref<64x384xf32, #tpu.memory_space<vmem>>, vector<16xf32>,
          %add3A_805 = arith.addf %while3A_754, %get3A_804 : vector<16xf32>
          %get3A_806 = arith.index_cast %while3A_745 : i32 to index
          %get3A_807 = arith.constant 144 : index
          %get3A_808 = tpu.vector_load %arg5[%get3A_806, %get3A_807] {strides = array<i32>} : memref<64x384xf32, #tpu.memory_space<vmem>>, vector<16xf32>,
          %add3A_809 = arith.addf %while3A_755, %get3A_808 : vector<16xf32>
          %get3A_810 = arith.index_cast %while3A_745 : i32 to index
          %get3A_811 = arith.constant 160 : index
          %get3A_812 = tpu.vector_load %arg5[%get3A_810, %get3A_811] {strides = array<i32>} : memref<64x384xf32, #tpu.memory_space<vmem>>, vector<16xf32>,
          %add3A_813 = arith.addf %while3A_756, %get3A_812 : vector<16xf32>
          %get3A_814 = arith.index_cast %while3A_745 : i32 to index
          %get3A_815 = arith.constant 176 : index
          %get3A_816 = tpu.vector_load %arg5[%get3A_814, %get3A_815] {strides = array<i32>} : memref<64x384xf32, #tpu.memory_space<vmem>>, vector<16xf32>,
          %add3A_817 = arith.addf %while3A_757, %get3A_816 : vector<16xf32>
          %get3A_818 = arith.index_cast %while3A_745 : i32 to index
          %get3A_819 = arith.constant 192 : index
          %get3A_820 = tpu.vector_load %arg5[%get3A_818, %get3A_819] {strides = array<i32>} : memref<64x384xf32, #tpu.memory_space<vmem>>, vector<16xf32>,
          %add3A_821 = arith.addf %while3A_758, %get3A_820 : vector<16xf32>
          %get3A_822 = arith.index_cast %while3A_745 : i32 to index
          %get3A_823 = arith.constant 208 : index
          %get3A_824 = tpu.vector_load %arg5[%get3A_822, %get3A_823] {strides = array<i32>} : memref<64x384xf32, #tpu.memory_space<vmem>>, vector<16xf32>,
          %add3A_825 = arith.addf %while3A_759, %get3A_824 : vector<16xf32>
          %get3A_826 = arith.index_cast %while3A_745 : i32 to index
          %get3A_827 = arith.constant 224 : index
          %get3A_828 = tpu.vector_load %arg5[%get3A_826, %get3A_827] {strides = array<i32>} : memref<64x384xf32, #tpu.memory_space<vmem>>, vector<16xf32>,
          %add3A_829 = arith.addf %while3A_760, %get3A_828 : vector<16xf32>
          %get3A_830 = arith.index_cast %while3A_745 : i32 to index
          %get3A_831 = arith.constant 240 : index
          %get3A_832 = tpu.vector_load %arg5[%get3A_830, %get3A_831] {strides = array<i32>} : memref<64x384xf32, #tpu.memory_space<vmem>>, vector<16xf32>,
          %add3A_833 = arith.addf %while3A_761, %get3A_832 : vector<16xf32>
          %get3A_834 = arith.index_cast %while3A_745 : i32 to index
          %get3A_835 = arith.constant 256 : index
          %get3A_836 = tpu.vector_load %arg5[%get3A_834, %get3A_835] {strides = array<i32>} : memref<64x384xf32, #tpu.memory_space<vmem>>, vector<16xf32>,
          %add3A_837 = arith.addf %while3A_762, %get3A_836 : vector<16xf32>
          %get3A_838 = arith.index_cast %while3A_745 : i32 to index
          %get3A_839 = arith.constant 272 : index
          %get3A_840 = tpu.vector_load %arg5[%get3A_838, %get3A_839] {strides = array<i32>} : memref<64x384xf32, #tpu.memory_space<vmem>>, vector<16xf32>,
          %add3A_841 = arith.addf %while3A_763, %get3A_840 : vector<16xf32>
          %get3A_842 = arith.index_cast %while3A_745 : i32 to index
          %get3A_843 = arith.constant 288 : index
          %get3A_844 = tpu.vector_load %arg5[%get3A_842, %get3A_843] {strides = array<i32>} : memref<64x384xf32, #tpu.memory_space<vmem>>, vector<16xf32>,
          %add3A_845 = arith.addf %while3A_764, %get3A_844 : vector<16xf32>
          %get3A_846 = arith.index_cast %while3A_745 : i32 to index
          %get3A_847 = arith.constant 304 : index
          %get3A_848 = tpu.vector_load %arg5[%get3A_846, %get3A_847] {strides = array<i32>} : memref<64x384xf32, #tpu.memory_space<vmem>>, vector<16xf32>,
          %add3A_849 = arith.addf %while3A_765, %get3A_848 : vector<16xf32>
          %get3A_850 = arith.index_cast %while3A_745 : i32 to index
          %get3A_851 = arith.constant 320 : index
          %get3A_852 = tpu.vector_load %arg5[%get3A_850, %get3A_851] {strides = array<i32>} : memref<64x384xf32, #tpu.memory_space<vmem>>, vector<16xf32>,
          %add3A_853 = arith.addf %while3A_766, %get3A_852 : vector<16xf32>
          %get3A_854 = arith.index_cast %while3A_745 : i32 to index
          %get3A_855 = arith.constant 336 : index
          %get3A_856 = tpu.vector_load %arg5[%get3A_854, %get3A_855] {strides = array<i32>} : memref<64x384xf32, #tpu.memory_space<vmem>>, vector<16xf32>,
          %add3A_857 = arith.addf %while3A_767, %get3A_856 : vector<16xf32>
          %get3A_858 = arith.index_cast %while3A_745 : i32 to index
          %get3A_859 = arith.constant 352 : index
          %get3A_860 = tpu.vector_load %arg5[%get3A_858, %get3A_859] {strides = array<i32>} : memref<64x384xf32, #tpu.memory_space<vmem>>, vector<16xf32>,
          %add3A_861 = arith.addf %while3A_768, %get3A_860 : vector<16xf32>
          %get3A_862 = arith.index_cast %while3A_745 : i32 to index
          %get3A_863 = arith.constant 368 : index
          %get3A_864 = tpu.vector_load %arg5[%get3A_862, %get3A_863] {strides = array<i32>} : memref<64x384xf32, #tpu.memory_space<vmem>>, vector<16xf32>,
          %add3A_865 = arith.addf %while3A_769, %get3A_864 : vector<16xf32>
          scf.yield %add3A_773, %add3A_777, %add3A_781, %add3A_785, %add3A_789, %add3A_793, %add3A_797, %add3A_801, %add3A_805, %add3A_809, %add3A_813, %add3A_817, %add3A_821, %add3A_825, %add3A_829, %add3A_833, %add3A_837, %add3A_841, %add3A_845, %add3A_849, %add3A_853, %add3A_857, %add3A_861, %add3A_865 : vector<16xf32>, vector<16xf32>, vector<16xf32>, vector<16xf32>, vector<16xf32>, vector<16xf32>, vector<16xf32>, vector<16xf32>, vector<16xf32>, vector<16xf32>, vector<16xf32>, vector<16xf32>, vector<16xf32>, vector<16xf32>, vector<16xf32>, vector<16xf32>, vector<16xf32>, vector<16xf32>, vector<16xf32>, vector<16xf32>, vector<16xf32>, vector<16xf32>, vector<16xf32>, vector<16xf32>
        }
        %while3A_741 = arith.constant 1 : i32
        %while3A_742:24 = scf.for %while3A_745 = %while3A_738 to %while3A_734 step %while3A_741 iter_args(%while3A_746 = %while3A_740#0, %while3A_747 = %while3A_740#1, %while3A_748 = %while3A_740#2, %while3A_749 = %while3A_740#3, %while3A_750 = %while3A_740#4, %while3A_751 = %while3A_740#5, %while3A_752 = %while3A_740#6, %while3A_753 = %while3A_740#7, %while3A_754 = %while3A_740#8, %while3A_755 = %while3A_740#9, %while3A_756 = %while3A_740#10, %while3A_757 = %while3A_740#11, %while3A_758 = %while3A_740#12, %while3A_759 = %while3A_740#13, %while3A_760 = %while3A_740#14, %while3A_761 = %while3A_740#15, %while3A_762 = %while3A_740#16, %while3A_763 = %while3A_740#17, %while3A_764 = %while3A_740#18, %while3A_765 = %while3A_740#19, %while3A_766 = %while3A_740#20, %while3A_767 = %while3A_740#21, %while3A_768 = %while3A_740#22, %while3A_769 = %while3A_740#23) -> (vector<16xf32>, vector<16xf32>, vector<16xf32>, vector<16xf32>, vector<16xf32>, vector<16xf32>, vector<16xf32>, vector<16xf32>, vector<16xf32>, vector<16xf32>, vector<16xf32>, vector<16xf32>, vector<16xf32>, vector<16xf32>, vector<16xf32>, vector<16xf32>, vector<16xf32>, vector<16xf32>, vector<16xf32>, vector<16xf32>, vector<16xf32>, vector<16xf32>, vector<16xf32>, vector<16xf32>)  : i32 {
          %get3A_770 = arith.index_cast %while3A_745 : i32 to index
          %get3A_771 = arith.constant 0 : index
          %get3A_772 = tpu.vector_load %arg5[%get3A_770, %get3A_771] {strides = array<i32>} : memref<64x384xf32, #tpu.memory_space<vmem>>, vector<16xf32>,
          %add3A_773 = arith.addf %while3A_746, %get3A_772 : vector<16xf32>
          %get3A_774 = arith.index_cast %while3A_745 : i32 to index
          %get3A_775 = arith.constant 16 : index
          %get3A_776 = tpu.vector_load %arg5[%get3A_774, %get3A_775] {strides = array<i32>} : memref<64x384xf32, #tpu.memory_space<vmem>>, vector<16xf32>,
          %add3A_777 = arith.addf %while3A_747, %get3A_776 : vector<16xf32>
          %get3A_778 = arith.index_cast %while3A_745 : i32 to index
          %get3A_779 = arith.constant 32 : index
          %get3A_780 = tpu.vector_load %arg5[%get3A_778, %get3A_779] {strides = array<i32>} : memref<64x384xf32, #tpu.memory_space<vmem>>, vector<16xf32>,
          %add3A_781 = arith.addf %while3A_748, %get3A_780 : vector<16xf32>
          %get3A_782 = arith.index_cast %while3A_745 : i32 to index
          %get3A_783 = arith.constant 48 : index
          %get3A_784 = tpu.vector_load %arg5[%get3A_782, %get3A_783] {strides = array<i32>} : memref<64x384xf32, #tpu.memory_space<vmem>>, vector<16xf32>,
          %add3A_785 = arith.addf %while3A_749, %get3A_784 : vector<16xf32>
          %get3A_786 = arith.index_cast %while3A_745 : i32 to index
          %get3A_787 = arith.constant 64 : index
          %get3A_788 = tpu.vector_load %arg5[%get3A_786, %get3A_787] {strides = array<i32>} : memref<64x384xf32, #tpu.memory_space<vmem>>, vector<16xf32>,
          %add3A_789 = arith.addf %while3A_750, %get3A_788 : vector<16xf32>
          %get3A_790 = arith.index_cast %while3A_745 : i32 to index
          %get3A_791 = arith.constant 80 : index
          %get3A_792 = tpu.vector_load %arg5[%get3A_790, %get3A_791] {strides = array<i32>} : memref<64x384xf32, #tpu.memory_space<vmem>>, vector<16xf32>,
          %add3A_793 = arith.addf %while3A_751, %get3A_792 : vector<16xf32>
          %get3A_794 = arith.index_cast %while3A_745 : i32 to index
          %get3A_795 = arith.constant 96 : index
          %get3A_796 = tpu.vector_load %arg5[%get3A_794, %get3A_795] {strides = array<i32>} : memref<64x384xf32, #tpu.memory_space<vmem>>, vector<16xf32>,
          %add3A_797 = arith.addf %while3A_752, %get3A_796 : vector<16xf32>
          %get3A_798 = arith.index_cast %while3A_745 : i32 to index
          %get3A_799 = arith.constant 112 : index
          %get3A_800 = tpu.vector_load %arg5[%get3A_798, %get3A_799] {strides = array<i32>} : memref<64x384xf32, #tpu.memory_space<vmem>>, vector<16xf32>,
          %add3A_801 = arith.addf %while3A_753, %get3A_800 : vector<16xf32>
          %get3A_802 = arith.index_cast %while3A_745 : i32 to index
          %get3A_803 = arith.constant 128 : index
          %get3A_804 = tpu.vector_load %arg5[%get3A_802, %get3A_803] {strides = array<i32>} : memref<64x384xf32, #tpu.memory_space<vmem>>, vector<16xf32>,
          %add3A_805 = arith.addf %while3A_754, %get3A_804 : vector<16xf32>
          %get3A_806 = arith.index_cast %while3A_745 : i32 to index
          %get3A_807 = arith.constant 144 : index
          %get3A_808 = tpu.vector_load %arg5[%get3A_806, %get3A_807] {strides = array<i32>} : memref<64x384xf32, #tpu.memory_space<vmem>>, vector<16xf32>,
          %add3A_809 = arith.addf %while3A_755, %get3A_808 : vector<16xf32>
          %get3A_810 = arith.index_cast %while3A_745 : i32 to index
          %get3A_811 = arith.constant 160 : index
          %get3A_812 = tpu.vector_load %arg5[%get3A_810, %get3A_811] {strides = array<i32>} : memref<64x384xf32, #tpu.memory_space<vmem>>, vector<16xf32>,
          %add3A_813 = arith.addf %while3A_756, %get3A_812 : vector<16xf32>
          %get3A_814 = arith.index_cast %while3A_745 : i32 to index
          %get3A_815 = arith.constant 176 : index
          %get3A_816 = tpu.vector_load %arg5[%get3A_814, %get3A_815] {strides = array<i32>} : memref<64x384xf32, #tpu.memory_space<vmem>>, vector<16xf32>,
          %add3A_817 = arith.addf %while3A_757, %get3A_816 : vector<16xf32>
          %get3A_818 = arith.index_cast %while3A_745 : i32 to index
          %get3A_819 = arith.constant 192 : index
          %get3A_820 = tpu.vector_load %arg5[%get3A_818, %get3A_819] {strides = array<i32>} : memref<64x384xf32, #tpu.memory_space<vmem>>, vector<16xf32>,
          %add3A_821 = arith.addf %while3A_758, %get3A_820 : vector<16xf32>
          %get3A_822 = arith.index_cast %while3A_745 : i32 to index
          %get3A_823 = arith.constant 208 : index
          %get3A_824 = tpu.vector_load %arg5[%get3A_822, %get3A_823] {strides = array<i32>} : memref<64x384xf32, #tpu.memory_space<vmem>>, vector<16xf32>,
          %add3A_825 = arith.addf %while3A_759, %get3A_824 : vector<16xf32>
          %get3A_826 = arith.index_cast %while3A_745 : i32 to index
          %get3A_827 = arith.constant 224 : index
          %get3A_828 = tpu.vector_load %arg5[%get3A_826, %get3A_827] {strides = array<i32>} : memref<64x384xf32, #tpu.memory_space<vmem>>, vector<16xf32>,
          %add3A_829 = arith.addf %while3A_760, %get3A_828 : vector<16xf32>
          %get3A_830 = arith.index_cast %while3A_745 : i32 to index
          %get3A_831 = arith.constant 240 : index
          %get3A_832 = tpu.vector_load %arg5[%get3A_830, %get3A_831] {strides = array<i32>} : memref<64x384xf32, #tpu.memory_space<vmem>>, vector<16xf32>,
          %add3A_833 = arith.addf %while3A_761, %get3A_832 : vector<16xf32>
          %get3A_834 = arith.index_cast %while3A_745 : i32 to index
          %get3A_835 = arith.constant 256 : index
          %get3A_836 = tpu.vector_load %arg5[%get3A_834, %get3A_835] {strides = array<i32>} : memref<64x384xf32, #tpu.memory_space<vmem>>, vector<16xf32>,
          %add3A_837 = arith.addf %while3A_762, %get3A_836 : vector<16xf32>
          %get3A_838 = arith.index_cast %while3A_745 : i32 to index
          %get3A_839 = arith.constant 272 : index
          %get3A_840 = tpu.vector_load %arg5[%get3A_838, %get3A_839] {strides = array<i32>} : memref<64x384xf32, #tpu.memory_space<vmem>>, vector<16xf32>,
          %add3A_841 = arith.addf %while3A_763, %get3A_840 : vector<16xf32>
          %get3A_842 = arith.index_cast %while3A_745 : i32 to index
          %get3A_843 = arith.constant 288 : index
          %get3A_844 = tpu.vector_load %arg5[%get3A_842, %get3A_843] {strides = array<i32>} : memref<64x384xf32, #tpu.memory_space<vmem>>, vector<16xf32>,
          %add3A_845 = arith.addf %while3A_764, %get3A_844 : vector<16xf32>
          %get3A_846 = arith.index_cast %while3A_745 : i32 to index
          %get3A_847 = arith.constant 304 : index
          %get3A_848 = tpu.vector_load %arg5[%get3A_846, %get3A_847] {strides = array<i32>} : memref<64x384xf32, #tpu.memory_space<vmem>>, vector<16xf32>,
          %add3A_849 = arith.addf %while3A_765, %get3A_848 : vector<16xf32>
          %get3A_850 = arith.index_cast %while3A_745 : i32 to index
          %get3A_851 = arith.constant 320 : index
          %get3A_852 = tpu.vector_load %arg5[%get3A_850, %get3A_851] {strides = array<i32>} : memref<64x384xf32, #tpu.memory_space<vmem>>, vector<16xf32>,
          %add3A_853 = arith.addf %while3A_766, %get3A_852 : vector<16xf32>
          %get3A_854 = arith.index_cast %while3A_745 : i32 to index
          %get3A_855 = arith.constant 336 : index
          %get3A_856 = tpu.vector_load %arg5[%get3A_854, %get3A_855] {strides = array<i32>} : memref<64x384xf32, #tpu.memory_space<vmem>>, vector<16xf32>,
          %add3A_857 = arith.addf %while3A_767, %get3A_856 : vector<16xf32>
          %get3A_858 = arith.index_cast %while3A_745 : i32 to index
          %get3A_859 = arith.constant 352 : index
          %get3A_860 = tpu.vector_load %arg5[%get3A_858, %get3A_859] {strides = array<i32>} : memref<64x384xf32, #tpu.memory_space<vmem>>, vector<16xf32>,
          %add3A_861 = arith.addf %while3A_768, %get3A_860 : vector<16xf32>
          %get3A_862 = arith.index_cast %while3A_745 : i32 to index
          %get3A_863 = arith.constant 368 : index
          %get3A_864 = tpu.vector_load %arg5[%get3A_862, %get3A_863] {strides = array<i32>} : memref<64x384xf32, #tpu.memory_space<vmem>>, vector<16xf32>,
          %add3A_865 = arith.addf %while3A_769, %get3A_864 : vector<16xf32>
          scf.yield %add3A_773, %add3A_777, %add3A_781, %add3A_785, %add3A_789, %add3A_793, %add3A_797, %add3A_801, %add3A_805, %add3A_809, %add3A_813, %add3A_817, %add3A_821, %add3A_825, %add3A_829, %add3A_833, %add3A_837, %add3A_841, %add3A_845, %add3A_849, %add3A_853, %add3A_857, %add3A_861, %add3A_865 : vector<16xf32>, vector<16xf32>, vector<16xf32>, vector<16xf32>, vector<16xf32>, vector<16xf32>, vector<16xf32>, vector<16xf32>, vector<16xf32>, vector<16xf32>, vector<16xf32>, vector<16xf32>, vector<16xf32>, vector<16xf32>, vector<16xf32>, vector<16xf32>, vector<16xf32>, vector<16xf32>, vector<16xf32>, vector<16xf32>, vector<16xf32>, vector<16xf32>, vector<16xf32>, vector<16xf32>
        }
        %sub3A_743 = arith.subi %get3A_650, %get3A_646 : i32
        %add3A_744 = arith.addi %select_n3A_732, %sub3A_743 : i32
        scf.yield %get3A_652, %add3A_744, %while3A_742#0, %while3A_742#1, %while3A_742#2, %while3A_742#3, %while3A_742#4, %while3A_742#5, %while3A_742#6, %while3A_742#7, %while3A_742#8, %while3A_742#9, %while3A_742#10, %while3A_742#11, %while3A_742#12, %while3A_742#13, %while3A_742#14, %while3A_742#15, %while3A_742#16, %while3A_742#17, %while3A_742#18, %while3A_742#19, %while3A_742#20, %while3A_742#21, %while3A_742#22, %while3A_742#23 : i32, i32, vector<16xf32>, vector<16xf32>, vector<16xf32>, vector<16xf32>, vector<16xf32>, vector<16xf32>, vector<16xf32>, vector<16xf32>, vector<16xf32>, vector<16xf32>, vector<16xf32>, vector<16xf32>, vector<16xf32>, vector<16xf32>, vector<16xf32>, vector<16xf32>, vector<16xf32>, vector<16xf32>, vector<16xf32>, vector<16xf32>, vector<16xf32>, vector<16xf32>, vector<16xf32>, vector<16xf32>
      }
      %while3A_370 = arith.constant 1 : i32
      %while3A_371:26 = scf.for %while3A_618 = %while3A_367 to %while3A_363 step %while3A_370 iter_args(%while3A_619 = %while3A_369#0, %while3A_620 = %while3A_369#1, %while3A_621 = %while3A_369#2, %while3A_622 = %while3A_369#3, %while3A_623 = %while3A_369#4, %while3A_624 = %while3A_369#5, %while3A_625 = %while3A_369#6, %while3A_626 = %while3A_369#7, %while3A_627 = %while3A_369#8, %while3A_628 = %while3A_369#9, %while3A_629 = %while3A_369#10, %while3A_630 = %while3A_369#11, %while3A_631 = %while3A_369#12, %while3A_632 = %while3A_369#13, %while3A_633 = %while3A_369#14, %while3A_634 = %while3A_369#15, %while3A_635 = %while3A_369#16, %while3A_636 = %while3A_369#17, %while3A_637 = %while3A_369#18, %while3A_638 = %while3A_369#19, %while3A_639 = %while3A_369#20, %while3A_640 = %while3A_369#21, %while3A_641 = %while3A_369#22, %while3A_642 = %while3A_369#23, %while3A_643 = %while3A_369#24, %while3A_644 = %while3A_369#25) -> (i32, i32, vector<16xf32>, vector<16xf32>, vector<16xf32>, vector<16xf32>, vector<16xf32>, vector<16xf32>, vector<16xf32>, vector<16xf32>, vector<16xf32>, vector<16xf32>, vector<16xf32>, vector<16xf32>, vector<16xf32>, vector<16xf32>, vector<16xf32>, vector<16xf32>, vector<16xf32>, vector<16xf32>, vector<16xf32>, vector<16xf32>, vector<16xf32>, vector<16xf32>, vector<16xf32>, vector<16xf32>)  : i32 {
        %get3A_645 = arith.index_cast %while3A_618 : i32 to index
        %get3A_646 = memref.load %arg13[%get3A_645] : memref<80xi32, #tpu.memory_space<smem>>
        %add3A_647 = arith.constant 1 : i32
        %add3A_648 = arith.addi %while3A_618, %add3A_647 : i32
        %get3A_649 = arith.index_cast %add3A_648 : i32 to index
        %get3A_650 = memref.load %arg13[%get3A_649] : memref<80xi32, #tpu.memory_space<smem>>
        %get3A_651 = arith.index_cast %while3A_618 : i32 to index
        %get3A_652 = memref.load %arg14[%get3A_651] : memref<80xi32, #tpu.memory_space<smem>>
        %ne3A_653 = arith.cmpi ne, %get3A_652, %while3A_619 : i32
        %convert_element_type3A_654 = arith.extui %ne3A_653 : i1 to i32
        %cond3A_655 = arith.constant 0 : i32
        %cond3A_656 = arith.cmpi ne, %convert_element_type3A_654, %cond3A_655 : i32
        scf.if %cond3A_656 {
          %ge3A_745 = arith.constant 0 : i32
          %ge3A_746 = arith.cmpi sge, %while3A_619, %ge3A_745 : i32
          %convert_element_type3A_747 = arith.extui %ge3A_746 : i1 to i32
          %cond3A_748 = arith.constant 0 : i32
          %cond3A_749 = arith.cmpi ne, %convert_element_type3A_747, %cond3A_748 : i32
          scf.if %cond3A_749 {
            %convert_element_type3A_750 = arith.sitofp %while3A_620 : i32 to f32
            %broadcast_in_dim3A_751 = vector.broadcast %convert_element_type3A_750 : f32 to vector<16xf32>
            %swap3A = arith.index_cast %while3A_619 : i32 to index
            %swap3A_752 = arith.constant 0 : index
            %swap3A_753 = tpu.vector_load %arg9[%swap3A, %swap3A_752] {strides = array<i32>} : memref<128x16xf32, #tpu.memory_space<vmem>>, vector<16xf32>,
            tpu.vector_store %arg9[%swap3A, %swap3A_752], %broadcast_in_dim3A_751 {add = true, strides = array<i32>} : memref<128x16xf32, #tpu.memory_space<vmem>>, vector<16xf32>,
            %swap3A_754 = arith.index_cast %while3A_619 : i32 to index
            %swap3A_755 = arith.constant 0 : index
            %swap3A_756 = tpu.vector_load %arg8[%swap3A_754, %swap3A_755] {strides = array<i32>} : memref<128x384xf32, #tpu.memory_space<vmem>>, vector<16xf32>,
            tpu.vector_store %arg8[%swap3A_754, %swap3A_755], %while3A_621 {add = true, strides = array<i32>} : memref<128x384xf32, #tpu.memory_space<vmem>>, vector<16xf32>,
            %swap3A_757 = arith.index_cast %while3A_619 : i32 to index
            %swap3A_758 = arith.constant 16 : index
            %swap3A_759 = tpu.vector_load %arg8[%swap3A_757, %swap3A_758] {strides = array<i32>} : memref<128x384xf32, #tpu.memory_space<vmem>>, vector<16xf32>,
            tpu.vector_store %arg8[%swap3A_757, %swap3A_758], %while3A_622 {add = true, strides = array<i32>} : memref<128x384xf32, #tpu.memory_space<vmem>>, vector<16xf32>,
            %swap3A_760 = arith.index_cast %while3A_619 : i32 to index
            %swap3A_761 = arith.constant 32 : index
            %swap3A_762 = tpu.vector_load %arg8[%swap3A_760, %swap3A_761] {strides = array<i32>} : memref<128x384xf32, #tpu.memory_space<vmem>>, vector<16xf32>,
            tpu.vector_store %arg8[%swap3A_760, %swap3A_761], %while3A_623 {add = true, strides = array<i32>} : memref<128x384xf32, #tpu.memory_space<vmem>>, vector<16xf32>,
            %swap3A_763 = arith.index_cast %while3A_619 : i32 to index
            %swap3A_764 = arith.constant 48 : index
            %swap3A_765 = tpu.vector_load %arg8[%swap3A_763, %swap3A_764] {strides = array<i32>} : memref<128x384xf32, #tpu.memory_space<vmem>>, vector<16xf32>,
            tpu.vector_store %arg8[%swap3A_763, %swap3A_764], %while3A_624 {add = true, strides = array<i32>} : memref<128x384xf32, #tpu.memory_space<vmem>>, vector<16xf32>,
            %swap3A_766 = arith.index_cast %while3A_619 : i32 to index
            %swap3A_767 = arith.constant 64 : index
            %swap3A_768 = tpu.vector_load %arg8[%swap3A_766, %swap3A_767] {strides = array<i32>} : memref<128x384xf32, #tpu.memory_space<vmem>>, vector<16xf32>,
            tpu.vector_store %arg8[%swap3A_766, %swap3A_767], %while3A_625 {add = true, strides = array<i32>} : memref<128x384xf32, #tpu.memory_space<vmem>>, vector<16xf32>,
            %swap3A_769 = arith.index_cast %while3A_619 : i32 to index
            %swap3A_770 = arith.constant 80 : index
            %swap3A_771 = tpu.vector_load %arg8[%swap3A_769, %swap3A_770] {strides = array<i32>} : memref<128x384xf32, #tpu.memory_space<vmem>>, vector<16xf32>,
            tpu.vector_store %arg8[%swap3A_769, %swap3A_770], %while3A_626 {add = true, strides = array<i32>} : memref<128x384xf32, #tpu.memory_space<vmem>>, vector<16xf32>,
            %swap3A_772 = arith.index_cast %while3A_619 : i32 to index
            %swap3A_773 = arith.constant 96 : index
            %swap3A_774 = tpu.vector_load %arg8[%swap3A_772, %swap3A_773] {strides = array<i32>} : memref<128x384xf32, #tpu.memory_space<vmem>>, vector<16xf32>,
            tpu.vector_store %arg8[%swap3A_772, %swap3A_773], %while3A_627 {add = true, strides = array<i32>} : memref<128x384xf32, #tpu.memory_space<vmem>>, vector<16xf32>,
            %swap3A_775 = arith.index_cast %while3A_619 : i32 to index
            %swap3A_776 = arith.constant 112 : index
            %swap3A_777 = tpu.vector_load %arg8[%swap3A_775, %swap3A_776] {strides = array<i32>} : memref<128x384xf32, #tpu.memory_space<vmem>>, vector<16xf32>,
            tpu.vector_store %arg8[%swap3A_775, %swap3A_776], %while3A_628 {add = true, strides = array<i32>} : memref<128x384xf32, #tpu.memory_space<vmem>>, vector<16xf32>,
            %swap3A_778 = arith.index_cast %while3A_619 : i32 to index
            %swap3A_779 = arith.constant 128 : index
            %swap3A_780 = tpu.vector_load %arg8[%swap3A_778, %swap3A_779] {strides = array<i32>} : memref<128x384xf32, #tpu.memory_space<vmem>>, vector<16xf32>,
            tpu.vector_store %arg8[%swap3A_778, %swap3A_779], %while3A_629 {add = true, strides = array<i32>} : memref<128x384xf32, #tpu.memory_space<vmem>>, vector<16xf32>,
            %swap3A_781 = arith.index_cast %while3A_619 : i32 to index
            %swap3A_782 = arith.constant 144 : index
            %swap3A_783 = tpu.vector_load %arg8[%swap3A_781, %swap3A_782] {strides = array<i32>} : memref<128x384xf32, #tpu.memory_space<vmem>>, vector<16xf32>,
            tpu.vector_store %arg8[%swap3A_781, %swap3A_782], %while3A_630 {add = true, strides = array<i32>} : memref<128x384xf32, #tpu.memory_space<vmem>>, vector<16xf32>,
            %swap3A_784 = arith.index_cast %while3A_619 : i32 to index
            %swap3A_785 = arith.constant 160 : index
            %swap3A_786 = tpu.vector_load %arg8[%swap3A_784, %swap3A_785] {strides = array<i32>} : memref<128x384xf32, #tpu.memory_space<vmem>>, vector<16xf32>,
            tpu.vector_store %arg8[%swap3A_784, %swap3A_785], %while3A_631 {add = true, strides = array<i32>} : memref<128x384xf32, #tpu.memory_space<vmem>>, vector<16xf32>,
            %swap3A_787 = arith.index_cast %while3A_619 : i32 to index
            %swap3A_788 = arith.constant 176 : index
            %swap3A_789 = tpu.vector_load %arg8[%swap3A_787, %swap3A_788] {strides = array<i32>} : memref<128x384xf32, #tpu.memory_space<vmem>>, vector<16xf32>,
            tpu.vector_store %arg8[%swap3A_787, %swap3A_788], %while3A_632 {add = true, strides = array<i32>} : memref<128x384xf32, #tpu.memory_space<vmem>>, vector<16xf32>,
            %swap3A_790 = arith.index_cast %while3A_619 : i32 to index
            %swap3A_791 = arith.constant 192 : index
            %swap3A_792 = tpu.vector_load %arg8[%swap3A_790, %swap3A_791] {strides = array<i32>} : memref<128x384xf32, #tpu.memory_space<vmem>>, vector<16xf32>,
            tpu.vector_store %arg8[%swap3A_790, %swap3A_791], %while3A_633 {add = true, strides = array<i32>} : memref<128x384xf32, #tpu.memory_space<vmem>>, vector<16xf32>,
            %swap3A_793 = arith.index_cast %while3A_619 : i32 to index
            %swap3A_794 = arith.constant 208 : index
            %swap3A_795 = tpu.vector_load %arg8[%swap3A_793, %swap3A_794] {strides = array<i32>} : memref<128x384xf32, #tpu.memory_space<vmem>>, vector<16xf32>,
            tpu.vector_store %arg8[%swap3A_793, %swap3A_794], %while3A_634 {add = true, strides = array<i32>} : memref<128x384xf32, #tpu.memory_space<vmem>>, vector<16xf32>,
            %swap3A_796 = arith.index_cast %while3A_619 : i32 to index
            %swap3A_797 = arith.constant 224 : index
            %swap3A_798 = tpu.vector_load %arg8[%swap3A_796, %swap3A_797] {strides = array<i32>} : memref<128x384xf32, #tpu.memory_space<vmem>>, vector<16xf32>,
            tpu.vector_store %arg8[%swap3A_796, %swap3A_797], %while3A_635 {add = true, strides = array<i32>} : memref<128x384xf32, #tpu.memory_space<vmem>>, vector<16xf32>,
            %swap3A_799 = arith.index_cast %while3A_619 : i32 to index
            %swap3A_800 = arith.constant 240 : index
            %swap3A_801 = tpu.vector_load %arg8[%swap3A_799, %swap3A_800] {strides = array<i32>} : memref<128x384xf32, #tpu.memory_space<vmem>>, vector<16xf32>,
            tpu.vector_store %arg8[%swap3A_799, %swap3A_800], %while3A_636 {add = true, strides = array<i32>} : memref<128x384xf32, #tpu.memory_space<vmem>>, vector<16xf32>,
            %swap3A_802 = arith.index_cast %while3A_619 : i32 to index
            %swap3A_803 = arith.constant 256 : index
            %swap3A_804 = tpu.vector_load %arg8[%swap3A_802, %swap3A_803] {strides = array<i32>} : memref<128x384xf32, #tpu.memory_space<vmem>>, vector<16xf32>,
            tpu.vector_store %arg8[%swap3A_802, %swap3A_803], %while3A_637 {add = true, strides = array<i32>} : memref<128x384xf32, #tpu.memory_space<vmem>>, vector<16xf32>,
            %swap3A_805 = arith.index_cast %while3A_619 : i32 to index
            %swap3A_806 = arith.constant 272 : index
            %swap3A_807 = tpu.vector_load %arg8[%swap3A_805, %swap3A_806] {strides = array<i32>} : memref<128x384xf32, #tpu.memory_space<vmem>>, vector<16xf32>,
            tpu.vector_store %arg8[%swap3A_805, %swap3A_806], %while3A_638 {add = true, strides = array<i32>} : memref<128x384xf32, #tpu.memory_space<vmem>>, vector<16xf32>,
            %swap3A_808 = arith.index_cast %while3A_619 : i32 to index
            %swap3A_809 = arith.constant 288 : index
            %swap3A_810 = tpu.vector_load %arg8[%swap3A_808, %swap3A_809] {strides = array<i32>} : memref<128x384xf32, #tpu.memory_space<vmem>>, vector<16xf32>,
            tpu.vector_store %arg8[%swap3A_808, %swap3A_809], %while3A_639 {add = true, strides = array<i32>} : memref<128x384xf32, #tpu.memory_space<vmem>>, vector<16xf32>,
            %swap3A_811 = arith.index_cast %while3A_619 : i32 to index
            %swap3A_812 = arith.constant 304 : index
            %swap3A_813 = tpu.vector_load %arg8[%swap3A_811, %swap3A_812] {strides = array<i32>} : memref<128x384xf32, #tpu.memory_space<vmem>>, vector<16xf32>,
            tpu.vector_store %arg8[%swap3A_811, %swap3A_812], %while3A_640 {add = true, strides = array<i32>} : memref<128x384xf32, #tpu.memory_space<vmem>>, vector<16xf32>,
            %swap3A_814 = arith.index_cast %while3A_619 : i32 to index
            %swap3A_815 = arith.constant 320 : index
            %swap3A_816 = tpu.vector_load %arg8[%swap3A_814, %swap3A_815] {strides = array<i32>} : memref<128x384xf32, #tpu.memory_space<vmem>>, vector<16xf32>,
            tpu.vector_store %arg8[%swap3A_814, %swap3A_815], %while3A_641 {add = true, strides = array<i32>} : memref<128x384xf32, #tpu.memory_space<vmem>>, vector<16xf32>,
            %swap3A_817 = arith.index_cast %while3A_619 : i32 to index
            %swap3A_818 = arith.constant 336 : index
            %swap3A_819 = tpu.vector_load %arg8[%swap3A_817, %swap3A_818] {strides = array<i32>} : memref<128x384xf32, #tpu.memory_space<vmem>>, vector<16xf32>,
            tpu.vector_store %arg8[%swap3A_817, %swap3A_818], %while3A_642 {add = true, strides = array<i32>} : memref<128x384xf32, #tpu.memory_space<vmem>>, vector<16xf32>,
            %swap3A_820 = arith.index_cast %while3A_619 : i32 to index
            %swap3A_821 = arith.constant 352 : index
            %swap3A_822 = tpu.vector_load %arg8[%swap3A_820, %swap3A_821] {strides = array<i32>} : memref<128x384xf32, #tpu.memory_space<vmem>>, vector<16xf32>,
            tpu.vector_store %arg8[%swap3A_820, %swap3A_821], %while3A_643 {add = true, strides = array<i32>} : memref<128x384xf32, #tpu.memory_space<vmem>>, vector<16xf32>,
            %swap3A_823 = arith.index_cast %while3A_619 : i32 to index
            %swap3A_824 = arith.constant 368 : index
            %swap3A_825 = tpu.vector_load %arg8[%swap3A_823, %swap3A_824] {strides = array<i32>} : memref<128x384xf32, #tpu.memory_space<vmem>>, vector<16xf32>,
            tpu.vector_store %arg8[%swap3A_823, %swap3A_824], %while3A_644 {add = true, strides = array<i32>} : memref<128x384xf32, #tpu.memory_space<vmem>>, vector<16xf32>,
          } else {
          }
        } else {
        }
        %not3A = arith.constant true
        %not3A_657 = arith.xori %ne3A_653, %not3A : i1
        %broadcast_in_dim3A_658 = vector.broadcast %not3A_657 : i1 to vector<16xi1>
        %jit3A_659 = arith.constant 0.000000e+00 : f32
        %broadcast_in_dim3A_660 = vector.broadcast %jit3A_659 : f32 to vector<16xf32>
        %select_n3A_661 = arith.select %broadcast_in_dim3A_658, %while3A_621, %broadcast_in_dim3A_660 : vector<16xi1>, vector<16xf32>
        %jit3A_662 = arith.constant 0.000000e+00 : f32
        %broadcast_in_dim3A_663 = vector.broadcast %jit3A_662 : f32 to vector<16xf32>
        %select_n3A_664 = arith.select %broadcast_in_dim3A_658, %while3A_622, %broadcast_in_dim3A_663 : vector<16xi1>, vector<16xf32>
        %jit3A_665 = arith.constant 0.000000e+00 : f32
        %broadcast_in_dim3A_666 = vector.broadcast %jit3A_665 : f32 to vector<16xf32>
        %select_n3A_667 = arith.select %broadcast_in_dim3A_658, %while3A_623, %broadcast_in_dim3A_666 : vector<16xi1>, vector<16xf32>
        %jit3A_668 = arith.constant 0.000000e+00 : f32
        %broadcast_in_dim3A_669 = vector.broadcast %jit3A_668 : f32 to vector<16xf32>
        %select_n3A_670 = arith.select %broadcast_in_dim3A_658, %while3A_624, %broadcast_in_dim3A_669 : vector<16xi1>, vector<16xf32>
        %jit3A_671 = arith.constant 0.000000e+00 : f32
        %broadcast_in_dim3A_672 = vector.broadcast %jit3A_671 : f32 to vector<16xf32>
        %select_n3A_673 = arith.select %broadcast_in_dim3A_658, %while3A_625, %broadcast_in_dim3A_672 : vector<16xi1>, vector<16xf32>
        %jit3A_674 = arith.constant 0.000000e+00 : f32
        %broadcast_in_dim3A_675 = vector.broadcast %jit3A_674 : f32 to vector<16xf32>
        %select_n3A_676 = arith.select %broadcast_in_dim3A_658, %while3A_626, %broadcast_in_dim3A_675 : vector<16xi1>, vector<16xf32>
        %jit3A_677 = arith.constant 0.000000e+00 : f32
        %broadcast_in_dim3A_678 = vector.broadcast %jit3A_677 : f32 to vector<16xf32>
        %select_n3A_679 = arith.select %broadcast_in_dim3A_658, %while3A_627, %broadcast_in_dim3A_678 : vector<16xi1>, vector<16xf32>
        %jit3A_680 = arith.constant 0.000000e+00 : f32
        %broadcast_in_dim3A_681 = vector.broadcast %jit3A_680 : f32 to vector<16xf32>
        %select_n3A_682 = arith.select %broadcast_in_dim3A_658, %while3A_628, %broadcast_in_dim3A_681 : vector<16xi1>, vector<16xf32>
        %jit3A_683 = arith.constant 0.000000e+00 : f32
        %broadcast_in_dim3A_684 = vector.broadcast %jit3A_683 : f32 to vector<16xf32>
        %select_n3A_685 = arith.select %broadcast_in_dim3A_658, %while3A_629, %broadcast_in_dim3A_684 : vector<16xi1>, vector<16xf32>
        %jit3A_686 = arith.constant 0.000000e+00 : f32
        %broadcast_in_dim3A_687 = vector.broadcast %jit3A_686 : f32 to vector<16xf32>
        %select_n3A_688 = arith.select %broadcast_in_dim3A_658, %while3A_630, %broadcast_in_dim3A_687 : vector<16xi1>, vector<16xf32>
        %jit3A_689 = arith.constant 0.000000e+00 : f32
        %broadcast_in_dim3A_690 = vector.broadcast %jit3A_689 : f32 to vector<16xf32>
        %select_n3A_691 = arith.select %broadcast_in_dim3A_658, %while3A_631, %broadcast_in_dim3A_690 : vector<16xi1>, vector<16xf32>
        %jit3A_692 = arith.constant 0.000000e+00 : f32
        %broadcast_in_dim3A_693 = vector.broadcast %jit3A_692 : f32 to vector<16xf32>
        %select_n3A_694 = arith.select %broadcast_in_dim3A_658, %while3A_632, %broadcast_in_dim3A_693 : vector<16xi1>, vector<16xf32>
        %jit3A_695 = arith.constant 0.000000e+00 : f32
        %broadcast_in_dim3A_696 = vector.broadcast %jit3A_695 : f32 to vector<16xf32>
        %select_n3A_697 = arith.select %broadcast_in_dim3A_658, %while3A_633, %broadcast_in_dim3A_696 : vector<16xi1>, vector<16xf32>
        %jit3A_698 = arith.constant 0.000000e+00 : f32
        %broadcast_in_dim3A_699 = vector.broadcast %jit3A_698 : f32 to vector<16xf32>
        %select_n3A_700 = arith.select %broadcast_in_dim3A_658, %while3A_634, %broadcast_in_dim3A_699 : vector<16xi1>, vector<16xf32>
        %jit3A_701 = arith.constant 0.000000e+00 : f32
        %broadcast_in_dim3A_702 = vector.broadcast %jit3A_701 : f32 to vector<16xf32>
        %select_n3A_703 = arith.select %broadcast_in_dim3A_658, %while3A_635, %broadcast_in_dim3A_702 : vector<16xi1>, vector<16xf32>
        %jit3A_704 = arith.constant 0.000000e+00 : f32
        %broadcast_in_dim3A_705 = vector.broadcast %jit3A_704 : f32 to vector<16xf32>
        %select_n3A_706 = arith.select %broadcast_in_dim3A_658, %while3A_636, %broadcast_in_dim3A_705 : vector<16xi1>, vector<16xf32>
        %jit3A_707 = arith.constant 0.000000e+00 : f32
        %broadcast_in_dim3A_708 = vector.broadcast %jit3A_707 : f32 to vector<16xf32>
        %select_n3A_709 = arith.select %broadcast_in_dim3A_658, %while3A_637, %broadcast_in_dim3A_708 : vector<16xi1>, vector<16xf32>
        %jit3A_710 = arith.constant 0.000000e+00 : f32
        %broadcast_in_dim3A_711 = vector.broadcast %jit3A_710 : f32 to vector<16xf32>
        %select_n3A_712 = arith.select %broadcast_in_dim3A_658, %while3A_638, %broadcast_in_dim3A_711 : vector<16xi1>, vector<16xf32>
        %jit3A_713 = arith.constant 0.000000e+00 : f32
        %broadcast_in_dim3A_714 = vector.broadcast %jit3A_713 : f32 to vector<16xf32>
        %select_n3A_715 = arith.select %broadcast_in_dim3A_658, %while3A_639, %broadcast_in_dim3A_714 : vector<16xi1>, vector<16xf32>
        %jit3A_716 = arith.constant 0.000000e+00 : f32
        %broadcast_in_dim3A_717 = vector.broadcast %jit3A_716 : f32 to vector<16xf32>
        %select_n3A_718 = arith.select %broadcast_in_dim3A_658, %while3A_640, %broadcast_in_dim3A_717 : vector<16xi1>, vector<16xf32>
        %jit3A_719 = arith.constant 0.000000e+00 : f32
        %broadcast_in_dim3A_720 = vector.broadcast %jit3A_719 : f32 to vector<16xf32>
        %select_n3A_721 = arith.select %broadcast_in_dim3A_658, %while3A_641, %broadcast_in_dim3A_720 : vector<16xi1>, vector<16xf32>
        %jit3A_722 = arith.constant 0.000000e+00 : f32
        %broadcast_in_dim3A_723 = vector.broadcast %jit3A_722 : f32 to vector<16xf32>
        %select_n3A_724 = arith.select %broadcast_in_dim3A_658, %while3A_642, %broadcast_in_dim3A_723 : vector<16xi1>, vector<16xf32>
        %jit3A_725 = arith.constant 0.000000e+00 : f32
        %broadcast_in_dim3A_726 = vector.broadcast %jit3A_725 : f32 to vector<16xf32>
        %select_n3A_727 = arith.select %broadcast_in_dim3A_658, %while3A_643, %broadcast_in_dim3A_726 : vector<16xi1>, vector<16xf32>
        %jit3A_728 = arith.constant 0.000000e+00 : f32
        %broadcast_in_dim3A_729 = vector.broadcast %jit3A_728 : f32 to vector<16xf32>
        %select_n3A_730 = arith.select %broadcast_in_dim3A_658, %while3A_644, %broadcast_in_dim3A_729 : vector<16xi1>, vector<16xf32>
        %jit3A_731 = arith.constant 0 : i32
        %select_n3A_732 = arith.select %ne3A_653, %jit3A_731, %while3A_620 : i32
        %while3A_733 = arith.subi %get3A_650, %get3A_646 : i32
        %while3A_734 = arith.addi %get3A_646, %while3A_733 : i32
        %while3A_735 = arith.constant 1 : i32
        %while3A_736 = arith.divsi %while3A_733, %while3A_735 : i32
        %while3A_737 = arith.muli %while3A_736, %while3A_735 : i32
        %while3A_738 = arith.addi %get3A_646, %while3A_737 : i32
        %while3A_739 = arith.constant 1 : i32
        %while3A_740:24 = scf.for %while3A_745 = %get3A_646 to %while3A_738 step %while3A_739 iter_args(%while3A_746 = %select_n3A_661, %while3A_747 = %select_n3A_664, %while3A_748 = %select_n3A_667, %while3A_749 = %select_n3A_670, %while3A_750 = %select_n3A_673, %while3A_751 = %select_n3A_676, %while3A_752 = %select_n3A_679, %while3A_753 = %select_n3A_682, %while3A_754 = %select_n3A_685, %while3A_755 = %select_n3A_688, %while3A_756 = %select_n3A_691, %while3A_757 = %select_n3A_694, %while3A_758 = %select_n3A_697, %while3A_759 = %select_n3A_700, %while3A_760 = %select_n3A_703, %while3A_761 = %select_n3A_706, %while3A_762 = %select_n3A_709, %while3A_763 = %select_n3A_712, %while3A_764 = %select_n3A_715, %while3A_765 = %select_n3A_718, %while3A_766 = %select_n3A_721, %while3A_767 = %select_n3A_724, %while3A_768 = %select_n3A_727, %while3A_769 = %select_n3A_730) -> (vector<16xf32>, vector<16xf32>, vector<16xf32>, vector<16xf32>, vector<16xf32>, vector<16xf32>, vector<16xf32>, vector<16xf32>, vector<16xf32>, vector<16xf32>, vector<16xf32>, vector<16xf32>, vector<16xf32>, vector<16xf32>, vector<16xf32>, vector<16xf32>, vector<16xf32>, vector<16xf32>, vector<16xf32>, vector<16xf32>, vector<16xf32>, vector<16xf32>, vector<16xf32>, vector<16xf32>)  : i32 {
          %get3A_770 = arith.index_cast %while3A_745 : i32 to index
          %get3A_771 = arith.constant 0 : index
          %get3A_772 = tpu.vector_load %arg5[%get3A_770, %get3A_771] {strides = array<i32>} : memref<64x384xf32, #tpu.memory_space<vmem>>, vector<16xf32>,
          %add3A_773 = arith.addf %while3A_746, %get3A_772 : vector<16xf32>
          %get3A_774 = arith.index_cast %while3A_745 : i32 to index
          %get3A_775 = arith.constant 16 : index
          %get3A_776 = tpu.vector_load %arg5[%get3A_774, %get3A_775] {strides = array<i32>} : memref<64x384xf32, #tpu.memory_space<vmem>>, vector<16xf32>,
          %add3A_777 = arith.addf %while3A_747, %get3A_776 : vector<16xf32>
          %get3A_778 = arith.index_cast %while3A_745 : i32 to index
          %get3A_779 = arith.constant 32 : index
          %get3A_780 = tpu.vector_load %arg5[%get3A_778, %get3A_779] {strides = array<i32>} : memref<64x384xf32, #tpu.memory_space<vmem>>, vector<16xf32>,
          %add3A_781 = arith.addf %while3A_748, %get3A_780 : vector<16xf32>
          %get3A_782 = arith.index_cast %while3A_745 : i32 to index
          %get3A_783 = arith.constant 48 : index
          %get3A_784 = tpu.vector_load %arg5[%get3A_782, %get3A_783] {strides = array<i32>} : memref<64x384xf32, #tpu.memory_space<vmem>>, vector<16xf32>,
          %add3A_785 = arith.addf %while3A_749, %get3A_784 : vector<16xf32>
          %get3A_786 = arith.index_cast %while3A_745 : i32 to index
          %get3A_787 = arith.constant 64 : index
          %get3A_788 = tpu.vector_load %arg5[%get3A_786, %get3A_787] {strides = array<i32>} : memref<64x384xf32, #tpu.memory_space<vmem>>, vector<16xf32>,
          %add3A_789 = arith.addf %while3A_750, %get3A_788 : vector<16xf32>
          %get3A_790 = arith.index_cast %while3A_745 : i32 to index
          %get3A_791 = arith.constant 80 : index
          %get3A_792 = tpu.vector_load %arg5[%get3A_790, %get3A_791] {strides = array<i32>} : memref<64x384xf32, #tpu.memory_space<vmem>>, vector<16xf32>,
          %add3A_793 = arith.addf %while3A_751, %get3A_792 : vector<16xf32>
          %get3A_794 = arith.index_cast %while3A_745 : i32 to index
          %get3A_795 = arith.constant 96 : index
          %get3A_796 = tpu.vector_load %arg5[%get3A_794, %get3A_795] {strides = array<i32>} : memref<64x384xf32, #tpu.memory_space<vmem>>, vector<16xf32>,
          %add3A_797 = arith.addf %while3A_752, %get3A_796 : vector<16xf32>
          %get3A_798 = arith.index_cast %while3A_745 : i32 to index
          %get3A_799 = arith.constant 112 : index
          %get3A_800 = tpu.vector_load %arg5[%get3A_798, %get3A_799] {strides = array<i32>} : memref<64x384xf32, #tpu.memory_space<vmem>>, vector<16xf32>,
          %add3A_801 = arith.addf %while3A_753, %get3A_800 : vector<16xf32>
          %get3A_802 = arith.index_cast %while3A_745 : i32 to index
          %get3A_803 = arith.constant 128 : index
          %get3A_804 = tpu.vector_load %arg5[%get3A_802, %get3A_803] {strides = array<i32>} : memref<64x384xf32, #tpu.memory_space<vmem>>, vector<16xf32>,
          %add3A_805 = arith.addf %while3A_754, %get3A_804 : vector<16xf32>
          %get3A_806 = arith.index_cast %while3A_745 : i32 to index
          %get3A_807 = arith.constant 144 : index
          %get3A_808 = tpu.vector_load %arg5[%get3A_806, %get3A_807] {strides = array<i32>} : memref<64x384xf32, #tpu.memory_space<vmem>>, vector<16xf32>,
          %add3A_809 = arith.addf %while3A_755, %get3A_808 : vector<16xf32>
          %get3A_810 = arith.index_cast %while3A_745 : i32 to index
          %get3A_811 = arith.constant 160 : index
          %get3A_812 = tpu.vector_load %arg5[%get3A_810, %get3A_811] {strides = array<i32>} : memref<64x384xf32, #tpu.memory_space<vmem>>, vector<16xf32>,
          %add3A_813 = arith.addf %while3A_756, %get3A_812 : vector<16xf32>
          %get3A_814 = arith.index_cast %while3A_745 : i32 to index
          %get3A_815 = arith.constant 176 : index
          %get3A_816 = tpu.vector_load %arg5[%get3A_814, %get3A_815] {strides = array<i32>} : memref<64x384xf32, #tpu.memory_space<vmem>>, vector<16xf32>,
          %add3A_817 = arith.addf %while3A_757, %get3A_816 : vector<16xf32>
          %get3A_818 = arith.index_cast %while3A_745 : i32 to index
          %get3A_819 = arith.constant 192 : index
          %get3A_820 = tpu.vector_load %arg5[%get3A_818, %get3A_819] {strides = array<i32>} : memref<64x384xf32, #tpu.memory_space<vmem>>, vector<16xf32>,
          %add3A_821 = arith.addf %while3A_758, %get3A_820 : vector<16xf32>
          %get3A_822 = arith.index_cast %while3A_745 : i32 to index
          %get3A_823 = arith.constant 208 : index
          %get3A_824 = tpu.vector_load %arg5[%get3A_822, %get3A_823] {strides = array<i32>} : memref<64x384xf32, #tpu.memory_space<vmem>>, vector<16xf32>,
          %add3A_825 = arith.addf %while3A_759, %get3A_824 : vector<16xf32>
          %get3A_826 = arith.index_cast %while3A_745 : i32 to index
          %get3A_827 = arith.constant 224 : index
          %get3A_828 = tpu.vector_load %arg5[%get3A_826, %get3A_827] {strides = array<i32>} : memref<64x384xf32, #tpu.memory_space<vmem>>, vector<16xf32>,
          %add3A_829 = arith.addf %while3A_760, %get3A_828 : vector<16xf32>
          %get3A_830 = arith.index_cast %while3A_745 : i32 to index
          %get3A_831 = arith.constant 240 : index
          %get3A_832 = tpu.vector_load %arg5[%get3A_830, %get3A_831] {strides = array<i32>} : memref<64x384xf32, #tpu.memory_space<vmem>>, vector<16xf32>,
          %add3A_833 = arith.addf %while3A_761, %get3A_832 : vector<16xf32>
          %get3A_834 = arith.index_cast %while3A_745 : i32 to index
          %get3A_835 = arith.constant 256 : index
          %get3A_836 = tpu.vector_load %arg5[%get3A_834, %get3A_835] {strides = array<i32>} : memref<64x384xf32, #tpu.memory_space<vmem>>, vector<16xf32>,
          %add3A_837 = arith.addf %while3A_762, %get3A_836 : vector<16xf32>
          %get3A_838 = arith.index_cast %while3A_745 : i32 to index
          %get3A_839 = arith.constant 272 : index
          %get3A_840 = tpu.vector_load %arg5[%get3A_838, %get3A_839] {strides = array<i32>} : memref<64x384xf32, #tpu.memory_space<vmem>>, vector<16xf32>,
          %add3A_841 = arith.addf %while3A_763, %get3A_840 : vector<16xf32>
          %get3A_842 = arith.index_cast %while3A_745 : i32 to index
          %get3A_843 = arith.constant 288 : index
          %get3A_844 = tpu.vector_load %arg5[%get3A_842, %get3A_843] {strides = array<i32>} : memref<64x384xf32, #tpu.memory_space<vmem>>, vector<16xf32>,
          %add3A_845 = arith.addf %while3A_764, %get3A_844 : vector<16xf32>
          %get3A_846 = arith.index_cast %while3A_745 : i32 to index
          %get3A_847 = arith.constant 304 : index
          %get3A_848 = tpu.vector_load %arg5[%get3A_846, %get3A_847] {strides = array<i32>} : memref<64x384xf32, #tpu.memory_space<vmem>>, vector<16xf32>,
          %add3A_849 = arith.addf %while3A_765, %get3A_848 : vector<16xf32>
          %get3A_850 = arith.index_cast %while3A_745 : i32 to index
          %get3A_851 = arith.constant 320 : index
          %get3A_852 = tpu.vector_load %arg5[%get3A_850, %get3A_851] {strides = array<i32>} : memref<64x384xf32, #tpu.memory_space<vmem>>, vector<16xf32>,
          %add3A_853 = arith.addf %while3A_766, %get3A_852 : vector<16xf32>
          %get3A_854 = arith.index_cast %while3A_745 : i32 to index
          %get3A_855 = arith.constant 336 : index
          %get3A_856 = tpu.vector_load %arg5[%get3A_854, %get3A_855] {strides = array<i32>} : memref<64x384xf32, #tpu.memory_space<vmem>>, vector<16xf32>,
          %add3A_857 = arith.addf %while3A_767, %get3A_856 : vector<16xf32>
          %get3A_858 = arith.index_cast %while3A_745 : i32 to index
          %get3A_859 = arith.constant 352 : index
          %get3A_860 = tpu.vector_load %arg5[%get3A_858, %get3A_859] {strides = array<i32>} : memref<64x384xf32, #tpu.memory_space<vmem>>, vector<16xf32>,
          %add3A_861 = arith.addf %while3A_768, %get3A_860 : vector<16xf32>
          %get3A_862 = arith.index_cast %while3A_745 : i32 to index
          %get3A_863 = arith.constant 368 : index
          %get3A_864 = tpu.vector_load %arg5[%get3A_862, %get3A_863] {strides = array<i32>} : memref<64x384xf32, #tpu.memory_space<vmem>>, vector<16xf32>,
          %add3A_865 = arith.addf %while3A_769, %get3A_864 : vector<16xf32>
          scf.yield %add3A_773, %add3A_777, %add3A_781, %add3A_785, %add3A_789, %add3A_793, %add3A_797, %add3A_801, %add3A_805, %add3A_809, %add3A_813, %add3A_817, %add3A_821, %add3A_825, %add3A_829, %add3A_833, %add3A_837, %add3A_841, %add3A_845, %add3A_849, %add3A_853, %add3A_857, %add3A_861, %add3A_865 : vector<16xf32>, vector<16xf32>, vector<16xf32>, vector<16xf32>, vector<16xf32>, vector<16xf32>, vector<16xf32>, vector<16xf32>, vector<16xf32>, vector<16xf32>, vector<16xf32>, vector<16xf32>, vector<16xf32>, vector<16xf32>, vector<16xf32>, vector<16xf32>, vector<16xf32>, vector<16xf32>, vector<16xf32>, vector<16xf32>, vector<16xf32>, vector<16xf32>, vector<16xf32>, vector<16xf32>
        }
        %while3A_741 = arith.constant 1 : i32
        %while3A_742:24 = scf.for %while3A_745 = %while3A_738 to %while3A_734 step %while3A_741 iter_args(%while3A_746 = %while3A_740#0, %while3A_747 = %while3A_740#1, %while3A_748 = %while3A_740#2, %while3A_749 = %while3A_740#3, %while3A_750 = %while3A_740#4, %while3A_751 = %while3A_740#5, %while3A_752 = %while3A_740#6, %while3A_753 = %while3A_740#7, %while3A_754 = %while3A_740#8, %while3A_755 = %while3A_740#9, %while3A_756 = %while3A_740#10, %while3A_757 = %while3A_740#11, %while3A_758 = %while3A_740#12, %while3A_759 = %while3A_740#13, %while3A_760 = %while3A_740#14, %while3A_761 = %while3A_740#15, %while3A_762 = %while3A_740#16, %while3A_763 = %while3A_740#17, %while3A_764 = %while3A_740#18, %while3A_765 = %while3A_740#19, %while3A_766 = %while3A_740#20, %while3A_767 = %while3A_740#21, %while3A_768 = %while3A_740#22, %while3A_769 = %while3A_740#23) -> (vector<16xf32>, vector<16xf32>, vector<16xf32>, vector<16xf32>, vector<16xf32>, vector<16xf32>, vector<16xf32>, vector<16xf32>, vector<16xf32>, vector<16xf32>, vector<16xf32>, vector<16xf32>, vector<16xf32>, vector<16xf32>, vector<16xf32>, vector<16xf32>, vector<16xf32>, vector<16xf32>, vector<16xf32>, vector<16xf32>, vector<16xf32>, vector<16xf32>, vector<16xf32>, vector<16xf32>)  : i32 {
          %get3A_770 = arith.index_cast %while3A_745 : i32 to index
          %get3A_771 = arith.constant 0 : index
          %get3A_772 = tpu.vector_load %arg5[%get3A_770, %get3A_771] {strides = array<i32>} : memref<64x384xf32, #tpu.memory_space<vmem>>, vector<16xf32>,
          %add3A_773 = arith.addf %while3A_746, %get3A_772 : vector<16xf32>
          %get3A_774 = arith.index_cast %while3A_745 : i32 to index
          %get3A_775 = arith.constant 16 : index
          %get3A_776 = tpu.vector_load %arg5[%get3A_774, %get3A_775] {strides = array<i32>} : memref<64x384xf32, #tpu.memory_space<vmem>>, vector<16xf32>,
          %add3A_777 = arith.addf %while3A_747, %get3A_776 : vector<16xf32>
          %get3A_778 = arith.index_cast %while3A_745 : i32 to index
          %get3A_779 = arith.constant 32 : index
          %get3A_780 = tpu.vector_load %arg5[%get3A_778, %get3A_779] {strides = array<i32>} : memref<64x384xf32, #tpu.memory_space<vmem>>, vector<16xf32>,
          %add3A_781 = arith.addf %while3A_748, %get3A_780 : vector<16xf32>
          %get3A_782 = arith.index_cast %while3A_745 : i32 to index
          %get3A_783 = arith.constant 48 : index
          %get3A_784 = tpu.vector_load %arg5[%get3A_782, %get3A_783] {strides = array<i32>} : memref<64x384xf32, #tpu.memory_space<vmem>>, vector<16xf32>,
          %add3A_785 = arith.addf %while3A_749, %get3A_784 : vector<16xf32>
          %get3A_786 = arith.index_cast %while3A_745 : i32 to index
          %get3A_787 = arith.constant 64 : index
          %get3A_788 = tpu.vector_load %arg5[%get3A_786, %get3A_787] {strides = array<i32>} : memref<64x384xf32, #tpu.memory_space<vmem>>, vector<16xf32>,
          %add3A_789 = arith.addf %while3A_750, %get3A_788 : vector<16xf32>
          %get3A_790 = arith.index_cast %while3A_745 : i32 to index
          %get3A_791 = arith.constant 80 : index
          %get3A_792 = tpu.vector_load %arg5[%get3A_790, %get3A_791] {strides = array<i32>} : memref<64x384xf32, #tpu.memory_space<vmem>>, vector<16xf32>,
          %add3A_793 = arith.addf %while3A_751, %get3A_792 : vector<16xf32>
          %get3A_794 = arith.index_cast %while3A_745 : i32 to index
          %get3A_795 = arith.constant 96 : index
          %get3A_796 = tpu.vector_load %arg5[%get3A_794, %get3A_795] {strides = array<i32>} : memref<64x384xf32, #tpu.memory_space<vmem>>, vector<16xf32>,
          %add3A_797 = arith.addf %while3A_752, %get3A_796 : vector<16xf32>
          %get3A_798 = arith.index_cast %while3A_745 : i32 to index
          %get3A_799 = arith.constant 112 : index
          %get3A_800 = tpu.vector_load %arg5[%get3A_798, %get3A_799] {strides = array<i32>} : memref<64x384xf32, #tpu.memory_space<vmem>>, vector<16xf32>,
          %add3A_801 = arith.addf %while3A_753, %get3A_800 : vector<16xf32>
          %get3A_802 = arith.index_cast %while3A_745 : i32 to index
          %get3A_803 = arith.constant 128 : index
          %get3A_804 = tpu.vector_load %arg5[%get3A_802, %get3A_803] {strides = array<i32>} : memref<64x384xf32, #tpu.memory_space<vmem>>, vector<16xf32>,
          %add3A_805 = arith.addf %while3A_754, %get3A_804 : vector<16xf32>
          %get3A_806 = arith.index_cast %while3A_745 : i32 to index
          %get3A_807 = arith.constant 144 : index
          %get3A_808 = tpu.vector_load %arg5[%get3A_806, %get3A_807] {strides = array<i32>} : memref<64x384xf32, #tpu.memory_space<vmem>>, vector<16xf32>,
          %add3A_809 = arith.addf %while3A_755, %get3A_808 : vector<16xf32>
          %get3A_810 = arith.index_cast %while3A_745 : i32 to index
          %get3A_811 = arith.constant 160 : index
          %get3A_812 = tpu.vector_load %arg5[%get3A_810, %get3A_811] {strides = array<i32>} : memref<64x384xf32, #tpu.memory_space<vmem>>, vector<16xf32>,
          %add3A_813 = arith.addf %while3A_756, %get3A_812 : vector<16xf32>
          %get3A_814 = arith.index_cast %while3A_745 : i32 to index
          %get3A_815 = arith.constant 176 : index
          %get3A_816 = tpu.vector_load %arg5[%get3A_814, %get3A_815] {strides = array<i32>} : memref<64x384xf32, #tpu.memory_space<vmem>>, vector<16xf32>,
          %add3A_817 = arith.addf %while3A_757, %get3A_816 : vector<16xf32>
          %get3A_818 = arith.index_cast %while3A_745 : i32 to index
          %get3A_819 = arith.constant 192 : index
          %get3A_820 = tpu.vector_load %arg5[%get3A_818, %get3A_819] {strides = array<i32>} : memref<64x384xf32, #tpu.memory_space<vmem>>, vector<16xf32>,
          %add3A_821 = arith.addf %while3A_758, %get3A_820 : vector<16xf32>
          %get3A_822 = arith.index_cast %while3A_745 : i32 to index
          %get3A_823 = arith.constant 208 : index
          %get3A_824 = tpu.vector_load %arg5[%get3A_822, %get3A_823] {strides = array<i32>} : memref<64x384xf32, #tpu.memory_space<vmem>>, vector<16xf32>,
          %add3A_825 = arith.addf %while3A_759, %get3A_824 : vector<16xf32>
          %get3A_826 = arith.index_cast %while3A_745 : i32 to index
          %get3A_827 = arith.constant 224 : index
          %get3A_828 = tpu.vector_load %arg5[%get3A_826, %get3A_827] {strides = array<i32>} : memref<64x384xf32, #tpu.memory_space<vmem>>, vector<16xf32>,
          %add3A_829 = arith.addf %while3A_760, %get3A_828 : vector<16xf32>
          %get3A_830 = arith.index_cast %while3A_745 : i32 to index
          %get3A_831 = arith.constant 240 : index
          %get3A_832 = tpu.vector_load %arg5[%get3A_830, %get3A_831] {strides = array<i32>} : memref<64x384xf32, #tpu.memory_space<vmem>>, vector<16xf32>,
          %add3A_833 = arith.addf %while3A_761, %get3A_832 : vector<16xf32>
          %get3A_834 = arith.index_cast %while3A_745 : i32 to index
          %get3A_835 = arith.constant 256 : index
          %get3A_836 = tpu.vector_load %arg5[%get3A_834, %get3A_835] {strides = array<i32>} : memref<64x384xf32, #tpu.memory_space<vmem>>, vector<16xf32>,
          %add3A_837 = arith.addf %while3A_762, %get3A_836 : vector<16xf32>
          %get3A_838 = arith.index_cast %while3A_745 : i32 to index
          %get3A_839 = arith.constant 272 : index
          %get3A_840 = tpu.vector_load %arg5[%get3A_838, %get3A_839] {strides = array<i32>} : memref<64x384xf32, #tpu.memory_space<vmem>>, vector<16xf32>,
          %add3A_841 = arith.addf %while3A_763, %get3A_840 : vector<16xf32>
          %get3A_842 = arith.index_cast %while3A_745 : i32 to index
          %get3A_843 = arith.constant 288 : index
          %get3A_844 = tpu.vector_load %arg5[%get3A_842, %get3A_843] {strides = array<i32>} : memref<64x384xf32, #tpu.memory_space<vmem>>, vector<16xf32>,
          %add3A_845 = arith.addf %while3A_764, %get3A_844 : vector<16xf32>
          %get3A_846 = arith.index_cast %while3A_745 : i32 to index
          %get3A_847 = arith.constant 304 : index
          %get3A_848 = tpu.vector_load %arg5[%get3A_846, %get3A_847] {strides = array<i32>} : memref<64x384xf32, #tpu.memory_space<vmem>>, vector<16xf32>,
          %add3A_849 = arith.addf %while3A_765, %get3A_848 : vector<16xf32>
          %get3A_850 = arith.index_cast %while3A_745 : i32 to index
          %get3A_851 = arith.constant 320 : index
          %get3A_852 = tpu.vector_load %arg5[%get3A_850, %get3A_851] {strides = array<i32>} : memref<64x384xf32, #tpu.memory_space<vmem>>, vector<16xf32>,
          %add3A_853 = arith.addf %while3A_766, %get3A_852 : vector<16xf32>
          %get3A_854 = arith.index_cast %while3A_745 : i32 to index
          %get3A_855 = arith.constant 336 : index
          %get3A_856 = tpu.vector_load %arg5[%get3A_854, %get3A_855] {strides = array<i32>} : memref<64x384xf32, #tpu.memory_space<vmem>>, vector<16xf32>,
          %add3A_857 = arith.addf %while3A_767, %get3A_856 : vector<16xf32>
          %get3A_858 = arith.index_cast %while3A_745 : i32 to index
          %get3A_859 = arith.constant 352 : index
          %get3A_860 = tpu.vector_load %arg5[%get3A_858, %get3A_859] {strides = array<i32>} : memref<64x384xf32, #tpu.memory_space<vmem>>, vector<16xf32>,
          %add3A_861 = arith.addf %while3A_768, %get3A_860 : vector<16xf32>
          %get3A_862 = arith.index_cast %while3A_745 : i32 to index
          %get3A_863 = arith.constant 368 : index
          %get3A_864 = tpu.vector_load %arg5[%get3A_862, %get3A_863] {strides = array<i32>} : memref<64x384xf32, #tpu.memory_space<vmem>>, vector<16xf32>,
          %add3A_865 = arith.addf %while3A_769, %get3A_864 : vector<16xf32>
          scf.yield %add3A_773, %add3A_777, %add3A_781, %add3A_785, %add3A_789, %add3A_793, %add3A_797, %add3A_801, %add3A_805, %add3A_809, %add3A_813, %add3A_817, %add3A_821, %add3A_825, %add3A_829, %add3A_833, %add3A_837, %add3A_841, %add3A_845, %add3A_849, %add3A_853, %add3A_857, %add3A_861, %add3A_865 : vector<16xf32>, vector<16xf32>, vector<16xf32>, vector<16xf32>, vector<16xf32>, vector<16xf32>, vector<16xf32>, vector<16xf32>, vector<16xf32>, vector<16xf32>, vector<16xf32>, vector<16xf32>, vector<16xf32>, vector<16xf32>, vector<16xf32>, vector<16xf32>, vector<16xf32>, vector<16xf32>, vector<16xf32>, vector<16xf32>, vector<16xf32>, vector<16xf32>, vector<16xf32>, vector<16xf32>
        }
        %sub3A_743 = arith.subi %get3A_650, %get3A_646 : i32
        %add3A_744 = arith.addi %select_n3A_732, %sub3A_743 : i32
        scf.yield %get3A_652, %add3A_744, %while3A_742#0, %while3A_742#1, %while3A_742#2, %while3A_742#3, %while3A_742#4, %while3A_742#5, %while3A_742#6, %while3A_742#7, %while3A_742#8, %while3A_742#9, %while3A_742#10, %while3A_742#11, %while3A_742#12, %while3A_742#13, %while3A_742#14, %while3A_742#15, %while3A_742#16, %while3A_742#17, %while3A_742#18, %while3A_742#19, %while3A_742#20, %while3A_742#21, %while3A_742#22, %while3A_742#23 : i32, i32, vector<16xf32>, vector<16xf32>, vector<16xf32>, vector<16xf32>, vector<16xf32>, vector<16xf32>, vector<16xf32>, vector<16xf32>, vector<16xf32>, vector<16xf32>, vector<16xf32>, vector<16xf32>, vector<16xf32>, vector<16xf32>, vector<16xf32>, vector<16xf32>, vector<16xf32>, vector<16xf32>, vector<16xf32>, vector<16xf32>, vector<16xf32>, vector<16xf32>, vector<16xf32>, vector<16xf32>
      }
      %lt3A_372 = arith.constant 31 : i32
      %lt3A_373 = arith.cmpi slt, %scan3A_105, %lt3A_372 : i32
      %convert_element_type3A_374 = arith.extui %lt3A_373 : i1 to i32
      %cond3A_375 = arith.constant 0 : i32
      %cond3A_376 = arith.cmpi ne, %convert_element_type3A_374, %cond3A_375 : i32
      scf.if %cond3A_376 {
        %add3A_618 = arith.constant 2 : i32
        %add3A_619 = arith.addi %mul3A_134, %add3A_618 : i32
        %mul3A_620 = arith.constant 64 : i32
        %mul3A_621 = arith.muli %add3A_619, %mul3A_620 : i32
        %dma_start3A_622 = tpu.memref_slice %arg2[%add3A_9, %mul3A_621, %mul3A_33] : memref<16x4096x768xf32, #tpu.memory_space<hbm>> -> memref<1x64x384xf32, #tpu.memory_space<hbm>>
        %dma_start3A_623 = tpu.memref_squeeze %dma_start3A_622 : memref<1x64x384xf32, #tpu.memory_space<hbm>> -> memref<64x384xf32, #tpu.memory_space<hbm>>
        %dma_start3A_624 = tpu.memref_slice %arg2[%add3A_9, %mul3A_621, %mul3A_33] : memref<16x4096x768xf32, #tpu.memory_space<hbm>> -> memref<1x64x384xf32, #tpu.memory_space<hbm>>
        %dma_start3A_625 = tpu.memref_squeeze %dma_start3A_624 : memref<1x64x384xf32, #tpu.memory_space<hbm>> -> memref<64x384xf32, #tpu.memory_space<hbm>>
        tpu.enqueue_dma source(%dma_start3A_625 : memref<64x384xf32, #tpu.memory_space<hbm>>) target(%arg5 : memref<64x384xf32, #tpu.memory_space<vmem>>) target_semaphore(%arg10 : memref<!tpu.dma_semaphore, #tpu.memory_space<semaphore_mem>>)
      } else {
      }
      %add3A_377 = arith.constant 1 : i32
      %add3A_378 = arith.addi %mul3A_134, %add3A_377 : i32
      %mul3A_379 = arith.constant 64 : i32
      %mul3A_380 = arith.muli %add3A_378, %mul3A_379 : i32
      %dma_wait3A_381 = tpu.memref_slice %arg2[%add3A_9, %mul3A_380, %mul3A_33] : memref<16x4096x768xf32, #tpu.memory_space<hbm>> -> memref<1x64x384xf32, #tpu.memory_space<hbm>>
      %dma_wait3A_382 = tpu.memref_squeeze %dma_wait3A_381 : memref<1x64x384xf32, #tpu.memory_space<hbm>> -> memref<64x384xf32, #tpu.memory_space<hbm>>
      %dma_wait3A_383 = tpu.memref_slice %arg2[%add3A_9, %mul3A_380, %mul3A_33] : memref<16x4096x768xf32, #tpu.memory_space<hbm>> -> memref<1x64x384xf32, #tpu.memory_space<hbm>>
      %dma_wait3A_384 = tpu.memref_squeeze %dma_wait3A_383 : memref<1x64x384xf32, #tpu.memory_space<hbm>> -> memref<64x384xf32, #tpu.memory_space<hbm>>
      tpu.wait_dma2 semaphore(%arg11 : memref<!tpu.dma_semaphore, #tpu.memory_space<semaphore_mem>>) src(%dma_wait3A_384 : memref<64x384xf32, #tpu.memory_space<hbm>>) dst(%arg6 : memref<64x384xf32, #tpu.memory_space<vmem>>)
      %add3A_385 = arith.constant 1 : i32
      %add3A_386 = arith.addi %mul3A_134, %add3A_385 : i32
      %mul3A_387 = arith.constant 64 : i32
      %mul3A_388 = arith.muli %add3A_386, %mul3A_387 : i32
      %add3A_389 = arith.constant 0 : i32
      %add3A_390 = arith.addi %mul3A_388, %add3A_389 : i32
      %get3A_391 = arith.index_cast %add3A_390 : i32 to index
      %get3A_392 = tpu.vector_load %arg7[%get3A_391] {strides = array<i32>} : memref<4096xi32, #tpu.memory_space<vmem>>, vector<16xi32>,
      %sub3A_393 = arith.constant 1 : i32
      %sub3A_394 = vector.broadcast %sub3A_393 : i32 to vector<16xi32>
      %sub3A_395 = arith.subi %iota3A, %sub3A_394 : vector<16xi32>
      %max3A_396 = arith.constant 0 : i32
      %max3A_397 = vector.broadcast %max3A_396 : i32 to vector<16xi32>
      %max3A_398 = arith.maxsi %sub3A_395, %max3A_397 : vector<16xi32>
      %lt3A_399 = arith.constant 0 : i32
      %lt3A_400 = vector.broadcast %lt3A_399 : i32 to vector<16xi32>
      %lt3A_401 = arith.cmpi slt, %max3A_398, %lt3A_400 : vector<16xi32>
      %add3A_402 = arith.constant 16 : i32
      %add3A_403 = vector.broadcast %add3A_402 : i32 to vector<16xi32>
      %add3A_404 = arith.addi %max3A_398, %add3A_403 : vector<16xi32>
      %select_n3A_405 = arith.select %lt3A_401, %add3A_404, %max3A_398 : vector<16xi1>, vector<16xi32>
      %broadcast_in_dim3A_406 = vector.shape_cast %select_n3A_405 : vector<16xi32> to vector<16x1xi32>
      %gather3A_407 = vector.shape_cast %broadcast_in_dim3A_406 : vector<16x1xi32> to vector<16xi32>
      %gather3A_408 = tpu.dynamic_gather %get3A_392[%gather3A_407] in [0] : vector<16xi32>, vector<16xi32> -> vector<16xi32>
      %eq3A_409 = arith.constant 0 : i32
      %eq3A_410 = vector.broadcast %eq3A_409 : i32 to vector<16xi32>
      %eq3A_411 = arith.cmpi eq, %iota3A, %eq3A_410 : vector<16xi32>
      %broadcast_in_dim3A_412 = vector.broadcast %squeeze3A_317 : i32 to vector<16xi32>
      %select_n3A_413 = arith.select %eq3A_411, %broadcast_in_dim3A_412, %gather3A_408 : vector<16xi1>, vector<16xi32>
      %ne3A_414 = arith.cmpi ne, %get3A_392, %select_n3A_413 : vector<16xi32>
      %eq3A_415 = arith.constant 0 : i32
      %eq3A_416 = vector.broadcast %eq3A_415 : i32 to vector<16xi32>
      %eq3A_417 = arith.cmpi eq, %iota3A, %eq3A_416 : vector<16xi32>
      %or3A_418 = arith.ori %ne3A_414, %eq3A_417 : vector<16xi1>
      %convert_element_type3A_419 = arith.extui %or3A_418 : vector<16xi1> to vector<16xi32>
      %broadcast_in_dim3A_420 = arith.constant true
      %broadcast_in_dim3A_421 = vector.broadcast %broadcast_in_dim3A_420 : i1 to vector<16xi1>
      %masked_cumsum3A_422 = tpu.scan <sum>, %convert_element_type3A_419 masked %broadcast_in_dim3A_421 : vector<16xi32>, vector<16xi1> -> vector<16xi32>
      %sub3A_423 = arith.constant 0 : i32
      %sub3A_424 = arith.constant 1 : i32
      %sub3A_425 = arith.subi %sub3A_423, %sub3A_424 : i32
      %add3A_426 = vector.broadcast %sub3A_425 : i32 to vector<16xi32>
      %add3A_427 = arith.addi %masked_cumsum3A_422, %add3A_426 : vector<16xi32>
      %add3A_428 = arith.constant 0 : i32
      %add3A_429 = vector.broadcast %add3A_428 : i32 to vector<16xi32>
      %add3A_430 = arith.addi %iota3A, %add3A_429 : vector<16xi32>
      tpu.vector_store_idx %arg15[%add3A_427], %add3A_430 masked %or3A_418 : memref<80xi32, #tpu.memory_space<vmem>>[vector<16xi32>], vector<16xi32>, vector<16xi1>
      tpu.vector_store_idx %arg16[%add3A_427], %get3A_392 masked %or3A_418 : memref<80xi32, #tpu.memory_space<vmem>>[vector<16xi32>], vector<16xi32>, vector<16xi1>
      %slice3A_431 = vector.extract_strided_slice %masked_cumsum3A_422 {offsets = [15], sizes = [1], strides = [1]} : vector<16xi32> to vector<1xi32>
      %squeeze3A_432 = vector.extract %slice3A_431[0] : i32 from vector<1xi32>
      %add3A_433 = arith.constant 0 : i32
      %add3A_434 = arith.addi %add3A_433, %squeeze3A_432 : i32
      %slice3A_435 = vector.extract_strided_slice %get3A_392 {offsets = [15], sizes = [1], strides = [1]} : vector<16xi32> to vector<1xi32>
      %squeeze3A_436 = vector.extract %slice3A_435[0] : i32 from vector<1xi32>
      %add3A_437 = arith.constant 16 : i32
      %add3A_438 = arith.addi %mul3A_388, %add3A_437 : i32
      %get3A_439 = arith.index_cast %add3A_438 : i32 to index
      %get3A_440 = tpu.vector_load %arg7[%get3A_439] {strides = array<i32>} : memref<4096xi32, #tpu.memory_space<vmem>>, vector<16xi32>,
      %sub3A_441 = arith.constant 1 : i32
      %sub3A_442 = vector.broadcast %sub3A_441 : i32 to vector<16xi32>
      %sub3A_443 = arith.subi %iota3A, %sub3A_442 : vector<16xi32>
      %max3A_444 = arith.constant 0 : i32
      %max3A_445 = vector.broadcast %max3A_444 : i32 to vector<16xi32>
      %max3A_446 = arith.maxsi %sub3A_443, %max3A_445 : vector<16xi32>
      %lt3A_447 = arith.constant 0 : i32
      %lt3A_448 = vector.broadcast %lt3A_447 : i32 to vector<16xi32>
      %lt3A_449 = arith.cmpi slt, %max3A_446, %lt3A_448 : vector<16xi32>
      %add3A_450 = arith.constant 16 : i32
      %add3A_451 = vector.broadcast %add3A_450 : i32 to vector<16xi32>
      %add3A_452 = arith.addi %max3A_446, %add3A_451 : vector<16xi32>
      %select_n3A_453 = arith.select %lt3A_449, %add3A_452, %max3A_446 : vector<16xi1>, vector<16xi32>
      %broadcast_in_dim3A_454 = vector.shape_cast %select_n3A_453 : vector<16xi32> to vector<16x1xi32>
      %gather3A_455 = vector.shape_cast %broadcast_in_dim3A_454 : vector<16x1xi32> to vector<16xi32>
      %gather3A_456 = tpu.dynamic_gather %get3A_440[%gather3A_455] in [0] : vector<16xi32>, vector<16xi32> -> vector<16xi32>
      %eq3A_457 = arith.constant 0 : i32
      %eq3A_458 = vector.broadcast %eq3A_457 : i32 to vector<16xi32>
      %eq3A_459 = arith.cmpi eq, %iota3A, %eq3A_458 : vector<16xi32>
      %broadcast_in_dim3A_460 = vector.broadcast %squeeze3A_436 : i32 to vector<16xi32>
      %select_n3A_461 = arith.select %eq3A_459, %broadcast_in_dim3A_460, %gather3A_456 : vector<16xi1>, vector<16xi32>
      %ne3A_462 = arith.cmpi ne, %get3A_440, %select_n3A_461 : vector<16xi32>
      %convert_element_type3A_463 = arith.extui %ne3A_462 : vector<16xi1> to vector<16xi32>
      %broadcast_in_dim3A_464 = arith.constant true
      %broadcast_in_dim3A_465 = vector.broadcast %broadcast_in_dim3A_464 : i1 to vector<16xi1>
      %masked_cumsum3A_466 = tpu.scan <sum>, %convert_element_type3A_463 masked %broadcast_in_dim3A_465 : vector<16xi32>, vector<16xi1> -> vector<16xi32>
      %sub3A_467 = arith.constant 1 : i32
      %sub3A_468 = arith.subi %add3A_434, %sub3A_467 : i32
      %add3A_469 = vector.broadcast %sub3A_468 : i32 to vector<16xi32>
      %add3A_470 = arith.addi %masked_cumsum3A_466, %add3A_469 : vector<16xi32>
      %add3A_471 = arith.constant 16 : i32
      %add3A_472 = vector.broadcast %add3A_471 : i32 to vector<16xi32>
      %add3A_473 = arith.addi %iota3A, %add3A_472 : vector<16xi32>
      tpu.vector_store_idx %arg15[%add3A_470], %add3A_473 masked %ne3A_462 : memref<80xi32, #tpu.memory_space<vmem>>[vector<16xi32>], vector<16xi32>, vector<16xi1>
      tpu.vector_store_idx %arg16[%add3A_470], %get3A_440 masked %ne3A_462 : memref<80xi32, #tpu.memory_space<vmem>>[vector<16xi32>], vector<16xi32>, vector<16xi1>
      %slice3A_474 = vector.extract_strided_slice %masked_cumsum3A_466 {offsets = [15], sizes = [1], strides = [1]} : vector<16xi32> to vector<1xi32>
      %squeeze3A_475 = vector.extract %slice3A_474[0] : i32 from vector<1xi32>
      %add3A_476 = arith.addi %add3A_434, %squeeze3A_475 : i32
      %slice3A_477 = vector.extract_strided_slice %get3A_440 {offsets = [15], sizes = [1], strides = [1]} : vector<16xi32> to vector<1xi32>
      %squeeze3A_478 = vector.extract %slice3A_477[0] : i32 from vector<1xi32>
      %add3A_479 = arith.constant 32 : i32
      %add3A_480 = arith.addi %mul3A_388, %add3A_479 : i32
      %get3A_481 = arith.index_cast %add3A_480 : i32 to index
      %get3A_482 = tpu.vector_load %arg7[%get3A_481] {strides = array<i32>} : memref<4096xi32, #tpu.memory_space<vmem>>, vector<16xi32>,
      %sub3A_483 = arith.constant 1 : i32
      %sub3A_484 = vector.broadcast %sub3A_483 : i32 to vector<16xi32>
      %sub3A_485 = arith.subi %iota3A, %sub3A_484 : vector<16xi32>
      %max3A_486 = arith.constant 0 : i32
      %max3A_487 = vector.broadcast %max3A_486 : i32 to vector<16xi32>
      %max3A_488 = arith.maxsi %sub3A_485, %max3A_487 : vector<16xi32>
      %lt3A_489 = arith.constant 0 : i32
      %lt3A_490 = vector.broadcast %lt3A_489 : i32 to vector<16xi32>
      %lt3A_491 = arith.cmpi slt, %max3A_488, %lt3A_490 : vector<16xi32>
      %add3A_492 = arith.constant 16 : i32
      %add3A_493 = vector.broadcast %add3A_492 : i32 to vector<16xi32>
      %add3A_494 = arith.addi %max3A_488, %add3A_493 : vector<16xi32>
      %select_n3A_495 = arith.select %lt3A_491, %add3A_494, %max3A_488 : vector<16xi1>, vector<16xi32>
      %broadcast_in_dim3A_496 = vector.shape_cast %select_n3A_495 : vector<16xi32> to vector<16x1xi32>
      %gather3A_497 = vector.shape_cast %broadcast_in_dim3A_496 : vector<16x1xi32> to vector<16xi32>
      %gather3A_498 = tpu.dynamic_gather %get3A_482[%gather3A_497] in [0] : vector<16xi32>, vector<16xi32> -> vector<16xi32>
      %eq3A_499 = arith.constant 0 : i32
      %eq3A_500 = vector.broadcast %eq3A_499 : i32 to vector<16xi32>
      %eq3A_501 = arith.cmpi eq, %iota3A, %eq3A_500 : vector<16xi32>
      %broadcast_in_dim3A_502 = vector.broadcast %squeeze3A_478 : i32 to vector<16xi32>
      %select_n3A_503 = arith.select %eq3A_501, %broadcast_in_dim3A_502, %gather3A_498 : vector<16xi1>, vector<16xi32>
      %ne3A_504 = arith.cmpi ne, %get3A_482, %select_n3A_503 : vector<16xi32>
      %convert_element_type3A_505 = arith.extui %ne3A_504 : vector<16xi1> to vector<16xi32>
      %broadcast_in_dim3A_506 = arith.constant true
      %broadcast_in_dim3A_507 = vector.broadcast %broadcast_in_dim3A_506 : i1 to vector<16xi1>
      %masked_cumsum3A_508 = tpu.scan <sum>, %convert_element_type3A_505 masked %broadcast_in_dim3A_507 : vector<16xi32>, vector<16xi1> -> vector<16xi32>
      %sub3A_509 = arith.constant 1 : i32
      %sub3A_510 = arith.subi %add3A_476, %sub3A_509 : i32
      %add3A_511 = vector.broadcast %sub3A_510 : i32 to vector<16xi32>
      %add3A_512 = arith.addi %masked_cumsum3A_508, %add3A_511 : vector<16xi32>
      %add3A_513 = arith.constant 32 : i32
      %add3A_514 = vector.broadcast %add3A_513 : i32 to vector<16xi32>
      %add3A_515 = arith.addi %iota3A, %add3A_514 : vector<16xi32>
      tpu.vector_store_idx %arg15[%add3A_512], %add3A_515 masked %ne3A_504 : memref<80xi32, #tpu.memory_space<vmem>>[vector<16xi32>], vector<16xi32>, vector<16xi1>
      tpu.vector_store_idx %arg16[%add3A_512], %get3A_482 masked %ne3A_504 : memref<80xi32, #tpu.memory_space<vmem>>[vector<16xi32>], vector<16xi32>, vector<16xi1>
      %slice3A_516 = vector.extract_strided_slice %masked_cumsum3A_508 {offsets = [15], sizes = [1], strides = [1]} : vector<16xi32> to vector<1xi32>
      %squeeze3A_517 = vector.extract %slice3A_516[0] : i32 from vector<1xi32>
      %add3A_518 = arith.addi %add3A_476, %squeeze3A_517 : i32
      %slice3A_519 = vector.extract_strided_slice %get3A_482 {offsets = [15], sizes = [1], strides = [1]} : vector<16xi32> to vector<1xi32>
      %squeeze3A_520 = vector.extract %slice3A_519[0] : i32 from vector<1xi32>
      %add3A_521 = arith.constant 48 : i32
      %add3A_522 = arith.addi %mul3A_388, %add3A_521 : i32
      %get3A_523 = arith.index_cast %add3A_522 : i32 to index
      %get3A_524 = tpu.vector_load %arg7[%get3A_523] {strides = array<i32>} : memref<4096xi32, #tpu.memory_space<vmem>>, vector<16xi32>,
      %sub3A_525 = arith.constant 1 : i32
      %sub3A_526 = vector.broadcast %sub3A_525 : i32 to vector<16xi32>
      %sub3A_527 = arith.subi %iota3A, %sub3A_526 : vector<16xi32>
      %max3A_528 = arith.constant 0 : i32
      %max3A_529 = vector.broadcast %max3A_528 : i32 to vector<16xi32>
      %max3A_530 = arith.maxsi %sub3A_527, %max3A_529 : vector<16xi32>
      %lt3A_531 = arith.constant 0 : i32
      %lt3A_532 = vector.broadcast %lt3A_531 : i32 to vector<16xi32>
      %lt3A_533 = arith.cmpi slt, %max3A_530, %lt3A_532 : vector<16xi32>
      %add3A_534 = arith.constant 16 : i32
      %add3A_535 = vector.broadcast %add3A_534 : i32 to vector<16xi32>
      %add3A_536 = arith.addi %max3A_530, %add3A_535 : vector<16xi32>
      %select_n3A_537 = arith.select %lt3A_533, %add3A_536, %max3A_530 : vector<16xi1>, vector<16xi32>
      %broadcast_in_dim3A_538 = vector.shape_cast %select_n3A_537 : vector<16xi32> to vector<16x1xi32>
      %gather3A_539 = vector.shape_cast %broadcast_in_dim3A_538 : vector<16x1xi32> to vector<16xi32>
      %gather3A_540 = tpu.dynamic_gather %get3A_524[%gather3A_539] in [0] : vector<16xi32>, vector<16xi32> -> vector<16xi32>
      %eq3A_541 = arith.constant 0 : i32
      %eq3A_542 = vector.broadcast %eq3A_541 : i32 to vector<16xi32>
      %eq3A_543 = arith.cmpi eq, %iota3A, %eq3A_542 : vector<16xi32>
      %broadcast_in_dim3A_544 = vector.broadcast %squeeze3A_520 : i32 to vector<16xi32>
      %select_n3A_545 = arith.select %eq3A_543, %broadcast_in_dim3A_544, %gather3A_540 : vector<16xi1>, vector<16xi32>
      %ne3A_546 = arith.cmpi ne, %get3A_524, %select_n3A_545 : vector<16xi32>
      %convert_element_type3A_547 = arith.extui %ne3A_546 : vector<16xi1> to vector<16xi32>
      %broadcast_in_dim3A_548 = arith.constant true
      %broadcast_in_dim3A_549 = vector.broadcast %broadcast_in_dim3A_548 : i1 to vector<16xi1>
      %masked_cumsum3A_550 = tpu.scan <sum>, %convert_element_type3A_547 masked %broadcast_in_dim3A_549 : vector<16xi32>, vector<16xi1> -> vector<16xi32>
      %sub3A_551 = arith.constant 1 : i32
      %sub3A_552 = arith.subi %add3A_518, %sub3A_551 : i32
      %add3A_553 = vector.broadcast %sub3A_552 : i32 to vector<16xi32>
      %add3A_554 = arith.addi %masked_cumsum3A_550, %add3A_553 : vector<16xi32>
      %add3A_555 = arith.constant 48 : i32
      %add3A_556 = vector.broadcast %add3A_555 : i32 to vector<16xi32>
      %add3A_557 = arith.addi %iota3A, %add3A_556 : vector<16xi32>
      tpu.vector_store_idx %arg15[%add3A_554], %add3A_557 masked %ne3A_546 : memref<80xi32, #tpu.memory_space<vmem>>[vector<16xi32>], vector<16xi32>, vector<16xi1>
      tpu.vector_store_idx %arg16[%add3A_554], %get3A_524 masked %ne3A_546 : memref<80xi32, #tpu.memory_space<vmem>>[vector<16xi32>], vector<16xi32>, vector<16xi1>
      %slice3A_558 = vector.extract_strided_slice %masked_cumsum3A_550 {offsets = [15], sizes = [1], strides = [1]} : vector<16xi32> to vector<1xi32>
      %squeeze3A_559 = vector.extract %slice3A_558[0] : i32 from vector<1xi32>
      %add3A_560 = arith.addi %add3A_518, %squeeze3A_559 : i32
      %slice3A_561 = vector.extract_strided_slice %get3A_524 {offsets = [15], sizes = [1], strides = [1]} : vector<16xi32> to vector<1xi32>
      %squeeze3A_562 = vector.extract %slice3A_561[0] : i32 from vector<1xi32>
      %broadcast_in_dim3A_563 = vector.broadcast %add3A_560 : i32 to vector<16xi32>
      %broadcast_in_dim3A_564 = arith.constant 64 : i32
      %broadcast_in_dim3A_565 = vector.broadcast %broadcast_in_dim3A_564 : i32 to vector<16xi32>
      %eq3A_566 = arith.constant 0 : i32
      %eq3A_567 = vector.broadcast %eq3A_566 : i32 to vector<16xi32>
      %eq3A_568 = arith.cmpi eq, %iota3A, %eq3A_567 : vector<16xi32>
      tpu.vector_store_idx %arg15[%broadcast_in_dim3A_563], %broadcast_in_dim3A_565 masked %eq3A_568 : memref<80xi32, #tpu.memory_space<vmem>>[vector<16xi32>], vector<16xi32>, vector<16xi1>
      %add3A_569 = arith.constant 16 : i32
      %add3A_570 = arith.addi %add3A_560, %add3A_569 : i32
      %jit3A_571 = arith.constant 16 : i32
      %div3A_572 = arith.divsi %add3A_570, %jit3A_571 : i32
      %sign3A_573 = arith.constant 0 : i32
      %sign3A_574 = arith.cmpi sgt, %add3A_570, %sign3A_573 : i32
      %sign3A_575 = arith.extui %sign3A_574 : i1 to i32
      %sign3A_576 = arith.constant 0 : i32
      %sign3A_577 = arith.cmpi slt, %add3A_570, %sign3A_576 : i32
      %sign3A_578 = arith.extui %sign3A_577 : i1 to i32
      %sign3A_579 = arith.subi %sign3A_575, %sign3A_578 : i32
      %sign3A_580 = arith.constant 0 : i32
      %sign3A_581 = arith.cmpi sgt, %jit3A_571, %sign3A_580 : i32
      %sign3A_582 = arith.extui %sign3A_581 : i1 to i32
      %sign3A_583 = arith.constant 0 : i32
      %sign3A_584 = arith.cmpi slt, %jit3A_571, %sign3A_583 : i32
      %sign3A_585 = arith.extui %sign3A_584 : i1 to i32
      %sign3A_586 = arith.subi %sign3A_582, %sign3A_585 : i32
      %ne3A_587 = arith.cmpi ne, %sign3A_579, %sign3A_586 : i32
      %rem3A_588 = arith.remsi %add3A_570, %jit3A_571 : i32
      %ne3A_589 = arith.constant 0 : i32
      %ne3A_590 = arith.cmpi ne, %rem3A_588, %ne3A_589 : i32
      %and3A_591 = arith.andi %ne3A_587, %ne3A_590 : i1
      %sub3A_592 = arith.constant 1 : i32
      %sub3A_593 = arith.subi %div3A_572, %sub3A_592 : i32
      %select_n3A_594 = arith.select %and3A_591, %sub3A_593, %div3A_572 : i32
      %while3A_595 = arith.constant 0 : i32
      %while3A_596 = arith.constant 0 : i32
      %while3A_597 = arith.subi %select_n3A_594, %while3A_595 : i32
      %while3A_598 = arith.addi %while3A_595, %while3A_597 : i32
      %while3A_599 = arith.constant 1 : i32
      %while3A_600 = arith.divsi %while3A_597, %while3A_599 : i32
      %while3A_601 = arith.muli %while3A_600, %while3A_599 : i32
      %while3A_602 = arith.addi %while3A_595, %while3A_601 : i32
      %while3A_603 = arith.constant 1 : i32
      %while3A_604 = scf.for %while3A_618 = %while3A_595 to %while3A_602 step %while3A_603 iter_args(%while3A_619 = %while3A_596) -> (i32)  : i32 {
        %mul3A_620 = arith.constant 16 : i32
        %mul3A_621 = arith.muli %while3A_618, %mul3A_620 : i32
        %multiple_of3A = tpu.assume_multiple %mul3A_621, 16 : i32
        %get3A_622 = arith.index_cast %multiple_of3A : i32 to index
        %get3A_623 = tpu.vector_load %arg15[%get3A_622] {strides = array<i32>} : memref<80xi32, #tpu.memory_space<vmem>>, vector<16xi32>,
        %get3A_624 = arith.index_cast %multiple_of3A : i32 to index
        %get3A_625 = tpu.vector_load %arg16[%get3A_624] {strides = array<i32>} : memref<80xi32, #tpu.memory_space<vmem>>, vector<16xi32>,
        %slice3A_626 = vector.extract_strided_slice %get3A_623 {offsets = [0], sizes = [1], strides = [1]} : vector<16xi32> to vector<1xi32>
        %squeeze3A_627 = vector.extract %slice3A_626[0] : i32 from vector<1xi32>
        %add3A_628 = arith.constant 0 : i32
        %add3A_629 = arith.addi %multiple_of3A, %add3A_628 : i32
        %swap3A = arith.index_cast %add3A_629 : i32 to index
        %swap3A_630 = memref.load %arg13[%swap3A] : memref<80xi32, #tpu.memory_space<smem>>
        memref.store %squeeze3A_627, %arg13[%swap3A] : memref<80xi32, #tpu.memory_space<smem>>
        %slice3A_631 = vector.extract_strided_slice %get3A_625 {offsets = [0], sizes = [1], strides = [1]} : vector<16xi32> to vector<1xi32>
        %squeeze3A_632 = vector.extract %slice3A_631[0] : i32 from vector<1xi32>
        %add3A_633 = arith.constant 0 : i32
        %add3A_634 = arith.addi %multiple_of3A, %add3A_633 : i32
        %swap3A_635 = arith.index_cast %add3A_634 : i32 to index
        %swap3A_636 = memref.load %arg14[%swap3A_635] : memref<80xi32, #tpu.memory_space<smem>>
        memref.store %squeeze3A_632, %arg14[%swap3A_635] : memref<80xi32, #tpu.memory_space<smem>>
        %slice3A_637 = vector.extract_strided_slice %get3A_623 {offsets = [1], sizes = [1], strides = [1]} : vector<16xi32> to vector<1xi32>
        %squeeze3A_638 = vector.extract %slice3A_637[0] : i32 from vector<1xi32>
        %add3A_639 = arith.constant 1 : i32
        %add3A_640 = arith.addi %multiple_of3A, %add3A_639 : i32
        %swap3A_641 = arith.index_cast %add3A_640 : i32 to index
        %swap3A_642 = memref.load %arg13[%swap3A_641] : memref<80xi32, #tpu.memory_space<smem>>
        memref.store %squeeze3A_638, %arg13[%swap3A_641] : memref<80xi32, #tpu.memory_space<smem>>
        %slice3A_643 = vector.extract_strided_slice %get3A_625 {offsets = [1], sizes = [1], strides = [1]} : vector<16xi32> to vector<1xi32>
        %squeeze3A_644 = vector.extract %slice3A_643[0] : i32 from vector<1xi32>
        %add3A_645 = arith.constant 1 : i32
        %add3A_646 = arith.addi %multiple_of3A, %add3A_645 : i32
        %swap3A_647 = arith.index_cast %add3A_646 : i32 to index
        %swap3A_648 = memref.load %arg14[%swap3A_647] : memref<80xi32, #tpu.memory_space<smem>>
        memref.store %squeeze3A_644, %arg14[%swap3A_647] : memref<80xi32, #tpu.memory_space<smem>>
        %slice3A_649 = vector.extract_strided_slice %get3A_623 {offsets = [2], sizes = [1], strides = [1]} : vector<16xi32> to vector<1xi32>
        %squeeze3A_650 = vector.extract %slice3A_649[0] : i32 from vector<1xi32>
        %add3A_651 = arith.constant 2 : i32
        %add3A_652 = arith.addi %multiple_of3A, %add3A_651 : i32
        %swap3A_653 = arith.index_cast %add3A_652 : i32 to index
        %swap3A_654 = memref.load %arg13[%swap3A_653] : memref<80xi32, #tpu.memory_space<smem>>
        memref.store %squeeze3A_650, %arg13[%swap3A_653] : memref<80xi32, #tpu.memory_space<smem>>
        %slice3A_655 = vector.extract_strided_slice %get3A_625 {offsets = [2], sizes = [1], strides = [1]} : vector<16xi32> to vector<1xi32>
        %squeeze3A_656 = vector.extract %slice3A_655[0] : i32 from vector<1xi32>
        %add3A_657 = arith.constant 2 : i32
        %add3A_658 = arith.addi %multiple_of3A, %add3A_657 : i32
        %swap3A_659 = arith.index_cast %add3A_658 : i32 to index
        %swap3A_660 = memref.load %arg14[%swap3A_659] : memref<80xi32, #tpu.memory_space<smem>>
        memref.store %squeeze3A_656, %arg14[%swap3A_659] : memref<80xi32, #tpu.memory_space<smem>>
        %slice3A_661 = vector.extract_strided_slice %get3A_623 {offsets = [3], sizes = [1], strides = [1]} : vector<16xi32> to vector<1xi32>
        %squeeze3A_662 = vector.extract %slice3A_661[0] : i32 from vector<1xi32>
        %add3A_663 = arith.constant 3 : i32
        %add3A_664 = arith.addi %multiple_of3A, %add3A_663 : i32
        %swap3A_665 = arith.index_cast %add3A_664 : i32 to index
        %swap3A_666 = memref.load %arg13[%swap3A_665] : memref<80xi32, #tpu.memory_space<smem>>
        memref.store %squeeze3A_662, %arg13[%swap3A_665] : memref<80xi32, #tpu.memory_space<smem>>
        %slice3A_667 = vector.extract_strided_slice %get3A_625 {offsets = [3], sizes = [1], strides = [1]} : vector<16xi32> to vector<1xi32>
        %squeeze3A_668 = vector.extract %slice3A_667[0] : i32 from vector<1xi32>
        %add3A_669 = arith.constant 3 : i32
        %add3A_670 = arith.addi %multiple_of3A, %add3A_669 : i32
        %swap3A_671 = arith.index_cast %add3A_670 : i32 to index
        %swap3A_672 = memref.load %arg14[%swap3A_671] : memref<80xi32, #tpu.memory_space<smem>>
        memref.store %squeeze3A_668, %arg14[%swap3A_671] : memref<80xi32, #tpu.memory_space<smem>>
        %slice3A_673 = vector.extract_strided_slice %get3A_623 {offsets = [4], sizes = [1], strides = [1]} : vector<16xi32> to vector<1xi32>
        %squeeze3A_674 = vector.extract %slice3A_673[0] : i32 from vector<1xi32>
        %add3A_675 = arith.constant 4 : i32
        %add3A_676 = arith.addi %multiple_of3A, %add3A_675 : i32
        %swap3A_677 = arith.index_cast %add3A_676 : i32 to index
        %swap3A_678 = memref.load %arg13[%swap3A_677] : memref<80xi32, #tpu.memory_space<smem>>
        memref.store %squeeze3A_674, %arg13[%swap3A_677] : memref<80xi32, #tpu.memory_space<smem>>
        %slice3A_679 = vector.extract_strided_slice %get3A_625 {offsets = [4], sizes = [1], strides = [1]} : vector<16xi32> to vector<1xi32>
        %squeeze3A_680 = vector.extract %slice3A_679[0] : i32 from vector<1xi32>
        %add3A_681 = arith.constant 4 : i32
        %add3A_682 = arith.addi %multiple_of3A, %add3A_681 : i32
        %swap3A_683 = arith.index_cast %add3A_682 : i32 to index
        %swap3A_684 = memref.load %arg14[%swap3A_683] : memref<80xi32, #tpu.memory_space<smem>>
        memref.store %squeeze3A_680, %arg14[%swap3A_683] : memref<80xi32, #tpu.memory_space<smem>>
        %slice3A_685 = vector.extract_strided_slice %get3A_623 {offsets = [5], sizes = [1], strides = [1]} : vector<16xi32> to vector<1xi32>
        %squeeze3A_686 = vector.extract %slice3A_685[0] : i32 from vector<1xi32>
        %add3A_687 = arith.constant 5 : i32
        %add3A_688 = arith.addi %multiple_of3A, %add3A_687 : i32
        %swap3A_689 = arith.index_cast %add3A_688 : i32 to index
        %swap3A_690 = memref.load %arg13[%swap3A_689] : memref<80xi32, #tpu.memory_space<smem>>
        memref.store %squeeze3A_686, %arg13[%swap3A_689] : memref<80xi32, #tpu.memory_space<smem>>
        %slice3A_691 = vector.extract_strided_slice %get3A_625 {offsets = [5], sizes = [1], strides = [1]} : vector<16xi32> to vector<1xi32>
        %squeeze3A_692 = vector.extract %slice3A_691[0] : i32 from vector<1xi32>
        %add3A_693 = arith.constant 5 : i32
        %add3A_694 = arith.addi %multiple_of3A, %add3A_693 : i32
        %swap3A_695 = arith.index_cast %add3A_694 : i32 to index
        %swap3A_696 = memref.load %arg14[%swap3A_695] : memref<80xi32, #tpu.memory_space<smem>>
        memref.store %squeeze3A_692, %arg14[%swap3A_695] : memref<80xi32, #tpu.memory_space<smem>>
        %slice3A_697 = vector.extract_strided_slice %get3A_623 {offsets = [6], sizes = [1], strides = [1]} : vector<16xi32> to vector<1xi32>
        %squeeze3A_698 = vector.extract %slice3A_697[0] : i32 from vector<1xi32>
        %add3A_699 = arith.constant 6 : i32
        %add3A_700 = arith.addi %multiple_of3A, %add3A_699 : i32
        %swap3A_701 = arith.index_cast %add3A_700 : i32 to index
        %swap3A_702 = memref.load %arg13[%swap3A_701] : memref<80xi32, #tpu.memory_space<smem>>
        memref.store %squeeze3A_698, %arg13[%swap3A_701] : memref<80xi32, #tpu.memory_space<smem>>
        %slice3A_703 = vector.extract_strided_slice %get3A_625 {offsets = [6], sizes = [1], strides = [1]} : vector<16xi32> to vector<1xi32>
        %squeeze3A_704 = vector.extract %slice3A_703[0] : i32 from vector<1xi32>
        %add3A_705 = arith.constant 6 : i32
        %add3A_706 = arith.addi %multiple_of3A, %add3A_705 : i32
        %swap3A_707 = arith.index_cast %add3A_706 : i32 to index
        %swap3A_708 = memref.load %arg14[%swap3A_707] : memref<80xi32, #tpu.memory_space<smem>>
        memref.store %squeeze3A_704, %arg14[%swap3A_707] : memref<80xi32, #tpu.memory_space<smem>>
        %slice3A_709 = vector.extract_strided_slice %get3A_623 {offsets = [7], sizes = [1], strides = [1]} : vector<16xi32> to vector<1xi32>
        %squeeze3A_710 = vector.extract %slice3A_709[0] : i32 from vector<1xi32>
        %add3A_711 = arith.constant 7 : i32
        %add3A_712 = arith.addi %multiple_of3A, %add3A_711 : i32
        %swap3A_713 = arith.index_cast %add3A_712 : i32 to index
        %swap3A_714 = memref.load %arg13[%swap3A_713] : memref<80xi32, #tpu.memory_space<smem>>
        memref.store %squeeze3A_710, %arg13[%swap3A_713] : memref<80xi32, #tpu.memory_space<smem>>
        %slice3A_715 = vector.extract_strided_slice %get3A_625 {offsets = [7], sizes = [1], strides = [1]} : vector<16xi32> to vector<1xi32>
        %squeeze3A_716 = vector.extract %slice3A_715[0] : i32 from vector<1xi32>
        %add3A_717 = arith.constant 7 : i32
        %add3A_718 = arith.addi %multiple_of3A, %add3A_717 : i32
        %swap3A_719 = arith.index_cast %add3A_718 : i32 to index
        %swap3A_720 = memref.load %arg14[%swap3A_719] : memref<80xi32, #tpu.memory_space<smem>>
        memref.store %squeeze3A_716, %arg14[%swap3A_719] : memref<80xi32, #tpu.memory_space<smem>>
        %slice3A_721 = vector.extract_strided_slice %get3A_623 {offsets = [8], sizes = [1], strides = [1]} : vector<16xi32> to vector<1xi32>
        %squeeze3A_722 = vector.extract %slice3A_721[0] : i32 from vector<1xi32>
        %add3A_723 = arith.constant 8 : i32
        %add3A_724 = arith.addi %multiple_of3A, %add3A_723 : i32
        %swap3A_725 = arith.index_cast %add3A_724 : i32 to index
        %swap3A_726 = memref.load %arg13[%swap3A_725] : memref<80xi32, #tpu.memory_space<smem>>
        memref.store %squeeze3A_722, %arg13[%swap3A_725] : memref<80xi32, #tpu.memory_space<smem>>
        %slice3A_727 = vector.extract_strided_slice %get3A_625 {offsets = [8], sizes = [1], strides = [1]} : vector<16xi32> to vector<1xi32>
        %squeeze3A_728 = vector.extract %slice3A_727[0] : i32 from vector<1xi32>
        %add3A_729 = arith.constant 8 : i32
        %add3A_730 = arith.addi %multiple_of3A, %add3A_729 : i32
        %swap3A_731 = arith.index_cast %add3A_730 : i32 to index
        %swap3A_732 = memref.load %arg14[%swap3A_731] : memref<80xi32, #tpu.memory_space<smem>>
        memref.store %squeeze3A_728, %arg14[%swap3A_731] : memref<80xi32, #tpu.memory_space<smem>>
        %slice3A_733 = vector.extract_strided_slice %get3A_623 {offsets = [9], sizes = [1], strides = [1]} : vector<16xi32> to vector<1xi32>
        %squeeze3A_734 = vector.extract %slice3A_733[0] : i32 from vector<1xi32>
        %add3A_735 = arith.constant 9 : i32
        %add3A_736 = arith.addi %multiple_of3A, %add3A_735 : i32
        %swap3A_737 = arith.index_cast %add3A_736 : i32 to index
        %swap3A_738 = memref.load %arg13[%swap3A_737] : memref<80xi32, #tpu.memory_space<smem>>
        memref.store %squeeze3A_734, %arg13[%swap3A_737] : memref<80xi32, #tpu.memory_space<smem>>
        %slice3A_739 = vector.extract_strided_slice %get3A_625 {offsets = [9], sizes = [1], strides = [1]} : vector<16xi32> to vector<1xi32>
        %squeeze3A_740 = vector.extract %slice3A_739[0] : i32 from vector<1xi32>
        %add3A_741 = arith.constant 9 : i32
        %add3A_742 = arith.addi %multiple_of3A, %add3A_741 : i32
        %swap3A_743 = arith.index_cast %add3A_742 : i32 to index
        %swap3A_744 = memref.load %arg14[%swap3A_743] : memref<80xi32, #tpu.memory_space<smem>>
        memref.store %squeeze3A_740, %arg14[%swap3A_743] : memref<80xi32, #tpu.memory_space<smem>>
        %slice3A_745 = vector.extract_strided_slice %get3A_623 {offsets = [10], sizes = [1], strides = [1]} : vector<16xi32> to vector<1xi32>
        %squeeze3A_746 = vector.extract %slice3A_745[0] : i32 from vector<1xi32>
        %add3A_747 = arith.constant 10 : i32
        %add3A_748 = arith.addi %multiple_of3A, %add3A_747 : i32
        %swap3A_749 = arith.index_cast %add3A_748 : i32 to index
        %swap3A_750 = memref.load %arg13[%swap3A_749] : memref<80xi32, #tpu.memory_space<smem>>
        memref.store %squeeze3A_746, %arg13[%swap3A_749] : memref<80xi32, #tpu.memory_space<smem>>
        %slice3A_751 = vector.extract_strided_slice %get3A_625 {offsets = [10], sizes = [1], strides = [1]} : vector<16xi32> to vector<1xi32>
        %squeeze3A_752 = vector.extract %slice3A_751[0] : i32 from vector<1xi32>
        %add3A_753 = arith.constant 10 : i32
        %add3A_754 = arith.addi %multiple_of3A, %add3A_753 : i32
        %swap3A_755 = arith.index_cast %add3A_754 : i32 to index
        %swap3A_756 = memref.load %arg14[%swap3A_755] : memref<80xi32, #tpu.memory_space<smem>>
        memref.store %squeeze3A_752, %arg14[%swap3A_755] : memref<80xi32, #tpu.memory_space<smem>>
        %slice3A_757 = vector.extract_strided_slice %get3A_623 {offsets = [11], sizes = [1], strides = [1]} : vector<16xi32> to vector<1xi32>
        %squeeze3A_758 = vector.extract %slice3A_757[0] : i32 from vector<1xi32>
        %add3A_759 = arith.constant 11 : i32
        %add3A_760 = arith.addi %multiple_of3A, %add3A_759 : i32
        %swap3A_761 = arith.index_cast %add3A_760 : i32 to index
        %swap3A_762 = memref.load %arg13[%swap3A_761] : memref<80xi32, #tpu.memory_space<smem>>
        memref.store %squeeze3A_758, %arg13[%swap3A_761] : memref<80xi32, #tpu.memory_space<smem>>
        %slice3A_763 = vector.extract_strided_slice %get3A_625 {offsets = [11], sizes = [1], strides = [1]} : vector<16xi32> to vector<1xi32>
        %squeeze3A_764 = vector.extract %slice3A_763[0] : i32 from vector<1xi32>
        %add3A_765 = arith.constant 11 : i32
        %add3A_766 = arith.addi %multiple_of3A, %add3A_765 : i32
        %swap3A_767 = arith.index_cast %add3A_766 : i32 to index
        %swap3A_768 = memref.load %arg14[%swap3A_767] : memref<80xi32, #tpu.memory_space<smem>>
        memref.store %squeeze3A_764, %arg14[%swap3A_767] : memref<80xi32, #tpu.memory_space<smem>>
        %slice3A_769 = vector.extract_strided_slice %get3A_623 {offsets = [12], sizes = [1], strides = [1]} : vector<16xi32> to vector<1xi32>
        %squeeze3A_770 = vector.extract %slice3A_769[0] : i32 from vector<1xi32>
        %add3A_771 = arith.constant 12 : i32
        %add3A_772 = arith.addi %multiple_of3A, %add3A_771 : i32
        %swap3A_773 = arith.index_cast %add3A_772 : i32 to index
        %swap3A_774 = memref.load %arg13[%swap3A_773] : memref<80xi32, #tpu.memory_space<smem>>
        memref.store %squeeze3A_770, %arg13[%swap3A_773] : memref<80xi32, #tpu.memory_space<smem>>
        %slice3A_775 = vector.extract_strided_slice %get3A_625 {offsets = [12], sizes = [1], strides = [1]} : vector<16xi32> to vector<1xi32>
        %squeeze3A_776 = vector.extract %slice3A_775[0] : i32 from vector<1xi32>
        %add3A_777 = arith.constant 12 : i32
        %add3A_778 = arith.addi %multiple_of3A, %add3A_777 : i32
        %swap3A_779 = arith.index_cast %add3A_778 : i32 to index
        %swap3A_780 = memref.load %arg14[%swap3A_779] : memref<80xi32, #tpu.memory_space<smem>>
        memref.store %squeeze3A_776, %arg14[%swap3A_779] : memref<80xi32, #tpu.memory_space<smem>>
        %slice3A_781 = vector.extract_strided_slice %get3A_623 {offsets = [13], sizes = [1], strides = [1]} : vector<16xi32> to vector<1xi32>
        %squeeze3A_782 = vector.extract %slice3A_781[0] : i32 from vector<1xi32>
        %add3A_783 = arith.constant 13 : i32
        %add3A_784 = arith.addi %multiple_of3A, %add3A_783 : i32
        %swap3A_785 = arith.index_cast %add3A_784 : i32 to index
        %swap3A_786 = memref.load %arg13[%swap3A_785] : memref<80xi32, #tpu.memory_space<smem>>
        memref.store %squeeze3A_782, %arg13[%swap3A_785] : memref<80xi32, #tpu.memory_space<smem>>
        %slice3A_787 = vector.extract_strided_slice %get3A_625 {offsets = [13], sizes = [1], strides = [1]} : vector<16xi32> to vector<1xi32>
        %squeeze3A_788 = vector.extract %slice3A_787[0] : i32 from vector<1xi32>
        %add3A_789 = arith.constant 13 : i32
        %add3A_790 = arith.addi %multiple_of3A, %add3A_789 : i32
        %swap3A_791 = arith.index_cast %add3A_790 : i32 to index
        %swap3A_792 = memref.load %arg14[%swap3A_791] : memref<80xi32, #tpu.memory_space<smem>>
        memref.store %squeeze3A_788, %arg14[%swap3A_791] : memref<80xi32, #tpu.memory_space<smem>>
        %slice3A_793 = vector.extract_strided_slice %get3A_623 {offsets = [14], sizes = [1], strides = [1]} : vector<16xi32> to vector<1xi32>
        %squeeze3A_794 = vector.extract %slice3A_793[0] : i32 from vector<1xi32>
        %add3A_795 = arith.constant 14 : i32
        %add3A_796 = arith.addi %multiple_of3A, %add3A_795 : i32
        %swap3A_797 = arith.index_cast %add3A_796 : i32 to index
        %swap3A_798 = memref.load %arg13[%swap3A_797] : memref<80xi32, #tpu.memory_space<smem>>
        memref.store %squeeze3A_794, %arg13[%swap3A_797] : memref<80xi32, #tpu.memory_space<smem>>
        %slice3A_799 = vector.extract_strided_slice %get3A_625 {offsets = [14], sizes = [1], strides = [1]} : vector<16xi32> to vector<1xi32>
        %squeeze3A_800 = vector.extract %slice3A_799[0] : i32 from vector<1xi32>
        %add3A_801 = arith.constant 14 : i32
        %add3A_802 = arith.addi %multiple_of3A, %add3A_801 : i32
        %swap3A_803 = arith.index_cast %add3A_802 : i32 to index
        %swap3A_804 = memref.load %arg14[%swap3A_803] : memref<80xi32, #tpu.memory_space<smem>>
        memref.store %squeeze3A_800, %arg14[%swap3A_803] : memref<80xi32, #tpu.memory_space<smem>>
        %slice3A_805 = vector.extract_strided_slice %get3A_623 {offsets = [15], sizes = [1], strides = [1]} : vector<16xi32> to vector<1xi32>
        %squeeze3A_806 = vector.extract %slice3A_805[0] : i32 from vector<1xi32>
        %add3A_807 = arith.constant 15 : i32
        %add3A_808 = arith.addi %multiple_of3A, %add3A_807 : i32
        %swap3A_809 = arith.index_cast %add3A_808 : i32 to index
        %swap3A_810 = memref.load %arg13[%swap3A_809] : memref<80xi32, #tpu.memory_space<smem>>
        memref.store %squeeze3A_806, %arg13[%swap3A_809] : memref<80xi32, #tpu.memory_space<smem>>
        %slice3A_811 = vector.extract_strided_slice %get3A_625 {offsets = [15], sizes = [1], strides = [1]} : vector<16xi32> to vector<1xi32>
        %squeeze3A_812 = vector.extract %slice3A_811[0] : i32 from vector<1xi32>
        %add3A_813 = arith.constant 15 : i32
        %add3A_814 = arith.addi %multiple_of3A, %add3A_813 : i32
        %swap3A_815 = arith.index_cast %add3A_814 : i32 to index
        %swap3A_816 = memref.load %arg14[%swap3A_815] : memref<80xi32, #tpu.memory_space<smem>>
        memref.store %squeeze3A_812, %arg14[%swap3A_815] : memref<80xi32, #tpu.memory_space<smem>>
        %while3A_817 = arith.constant 0 : i32
        scf.yield %while3A_817 : i32
      }
      %while3A_605 = arith.constant 1 : i32
      %while3A_606 = scf.for %while3A_618 = %while3A_602 to %while3A_598 step %while3A_605 iter_args(%while3A_619 = %while3A_604) -> (i32)  : i32 {
        %mul3A_620 = arith.constant 16 : i32
        %mul3A_621 = arith.muli %while3A_618, %mul3A_620 : i32
        %multiple_of3A = tpu.assume_multiple %mul3A_621, 16 : i32
        %get3A_622 = arith.index_cast %multiple_of3A : i32 to index
        %get3A_623 = tpu.vector_load %arg15[%get3A_622] {strides = array<i32>} : memref<80xi32, #tpu.memory_space<vmem>>, vector<16xi32>,
        %get3A_624 = arith.index_cast %multiple_of3A : i32 to index
        %get3A_625 = tpu.vector_load %arg16[%get3A_624] {strides = array<i32>} : memref<80xi32, #tpu.memory_space<vmem>>, vector<16xi32>,
        %slice3A_626 = vector.extract_strided_slice %get3A_623 {offsets = [0], sizes = [1], strides = [1]} : vector<16xi32> to vector<1xi32>
        %squeeze3A_627 = vector.extract %slice3A_626[0] : i32 from vector<1xi32>
        %add3A_628 = arith.constant 0 : i32
        %add3A_629 = arith.addi %multiple_of3A, %add3A_628 : i32
        %swap3A = arith.index_cast %add3A_629 : i32 to index
        %swap3A_630 = memref.load %arg13[%swap3A] : memref<80xi32, #tpu.memory_space<smem>>
        memref.store %squeeze3A_627, %arg13[%swap3A] : memref<80xi32, #tpu.memory_space<smem>>
        %slice3A_631 = vector.extract_strided_slice %get3A_625 {offsets = [0], sizes = [1], strides = [1]} : vector<16xi32> to vector<1xi32>
        %squeeze3A_632 = vector.extract %slice3A_631[0] : i32 from vector<1xi32>
        %add3A_633 = arith.constant 0 : i32
        %add3A_634 = arith.addi %multiple_of3A, %add3A_633 : i32
        %swap3A_635 = arith.index_cast %add3A_634 : i32 to index
        %swap3A_636 = memref.load %arg14[%swap3A_635] : memref<80xi32, #tpu.memory_space<smem>>
        memref.store %squeeze3A_632, %arg14[%swap3A_635] : memref<80xi32, #tpu.memory_space<smem>>
        %slice3A_637 = vector.extract_strided_slice %get3A_623 {offsets = [1], sizes = [1], strides = [1]} : vector<16xi32> to vector<1xi32>
        %squeeze3A_638 = vector.extract %slice3A_637[0] : i32 from vector<1xi32>
        %add3A_639 = arith.constant 1 : i32
        %add3A_640 = arith.addi %multiple_of3A, %add3A_639 : i32
        %swap3A_641 = arith.index_cast %add3A_640 : i32 to index
        %swap3A_642 = memref.load %arg13[%swap3A_641] : memref<80xi32, #tpu.memory_space<smem>>
        memref.store %squeeze3A_638, %arg13[%swap3A_641] : memref<80xi32, #tpu.memory_space<smem>>
        %slice3A_643 = vector.extract_strided_slice %get3A_625 {offsets = [1], sizes = [1], strides = [1]} : vector<16xi32> to vector<1xi32>
        %squeeze3A_644 = vector.extract %slice3A_643[0] : i32 from vector<1xi32>
        %add3A_645 = arith.constant 1 : i32
        %add3A_646 = arith.addi %multiple_of3A, %add3A_645 : i32
        %swap3A_647 = arith.index_cast %add3A_646 : i32 to index
        %swap3A_648 = memref.load %arg14[%swap3A_647] : memref<80xi32, #tpu.memory_space<smem>>
        memref.store %squeeze3A_644, %arg14[%swap3A_647] : memref<80xi32, #tpu.memory_space<smem>>
        %slice3A_649 = vector.extract_strided_slice %get3A_623 {offsets = [2], sizes = [1], strides = [1]} : vector<16xi32> to vector<1xi32>
        %squeeze3A_650 = vector.extract %slice3A_649[0] : i32 from vector<1xi32>
        %add3A_651 = arith.constant 2 : i32
        %add3A_652 = arith.addi %multiple_of3A, %add3A_651 : i32
        %swap3A_653 = arith.index_cast %add3A_652 : i32 to index
        %swap3A_654 = memref.load %arg13[%swap3A_653] : memref<80xi32, #tpu.memory_space<smem>>
        memref.store %squeeze3A_650, %arg13[%swap3A_653] : memref<80xi32, #tpu.memory_space<smem>>
        %slice3A_655 = vector.extract_strided_slice %get3A_625 {offsets = [2], sizes = [1], strides = [1]} : vector<16xi32> to vector<1xi32>
        %squeeze3A_656 = vector.extract %slice3A_655[0] : i32 from vector<1xi32>
        %add3A_657 = arith.constant 2 : i32
        %add3A_658 = arith.addi %multiple_of3A, %add3A_657 : i32
        %swap3A_659 = arith.index_cast %add3A_658 : i32 to index
        %swap3A_660 = memref.load %arg14[%swap3A_659] : memref<80xi32, #tpu.memory_space<smem>>
        memref.store %squeeze3A_656, %arg14[%swap3A_659] : memref<80xi32, #tpu.memory_space<smem>>
        %slice3A_661 = vector.extract_strided_slice %get3A_623 {offsets = [3], sizes = [1], strides = [1]} : vector<16xi32> to vector<1xi32>
        %squeeze3A_662 = vector.extract %slice3A_661[0] : i32 from vector<1xi32>
        %add3A_663 = arith.constant 3 : i32
        %add3A_664 = arith.addi %multiple_of3A, %add3A_663 : i32
        %swap3A_665 = arith.index_cast %add3A_664 : i32 to index
        %swap3A_666 = memref.load %arg13[%swap3A_665] : memref<80xi32, #tpu.memory_space<smem>>
        memref.store %squeeze3A_662, %arg13[%swap3A_665] : memref<80xi32, #tpu.memory_space<smem>>
        %slice3A_667 = vector.extract_strided_slice %get3A_625 {offsets = [3], sizes = [1], strides = [1]} : vector<16xi32> to vector<1xi32>
        %squeeze3A_668 = vector.extract %slice3A_667[0] : i32 from vector<1xi32>
        %add3A_669 = arith.constant 3 : i32
        %add3A_670 = arith.addi %multiple_of3A, %add3A_669 : i32
        %swap3A_671 = arith.index_cast %add3A_670 : i32 to index
        %swap3A_672 = memref.load %arg14[%swap3A_671] : memref<80xi32, #tpu.memory_space<smem>>
        memref.store %squeeze3A_668, %arg14[%swap3A_671] : memref<80xi32, #tpu.memory_space<smem>>
        %slice3A_673 = vector.extract_strided_slice %get3A_623 {offsets = [4], sizes = [1], strides = [1]} : vector<16xi32> to vector<1xi32>
        %squeeze3A_674 = vector.extract %slice3A_673[0] : i32 from vector<1xi32>
        %add3A_675 = arith.constant 4 : i32
        %add3A_676 = arith.addi %multiple_of3A, %add3A_675 : i32
        %swap3A_677 = arith.index_cast %add3A_676 : i32 to index
        %swap3A_678 = memref.load %arg13[%swap3A_677] : memref<80xi32, #tpu.memory_space<smem>>
        memref.store %squeeze3A_674, %arg13[%swap3A_677] : memref<80xi32, #tpu.memory_space<smem>>
        %slice3A_679 = vector.extract_strided_slice %get3A_625 {offsets = [4], sizes = [1], strides = [1]} : vector<16xi32> to vector<1xi32>
        %squeeze3A_680 = vector.extract %slice3A_679[0] : i32 from vector<1xi32>
        %add3A_681 = arith.constant 4 : i32
        %add3A_682 = arith.addi %multiple_of3A, %add3A_681 : i32
        %swap3A_683 = arith.index_cast %add3A_682 : i32 to index
        %swap3A_684 = memref.load %arg14[%swap3A_683] : memref<80xi32, #tpu.memory_space<smem>>
        memref.store %squeeze3A_680, %arg14[%swap3A_683] : memref<80xi32, #tpu.memory_space<smem>>
        %slice3A_685 = vector.extract_strided_slice %get3A_623 {offsets = [5], sizes = [1], strides = [1]} : vector<16xi32> to vector<1xi32>
        %squeeze3A_686 = vector.extract %slice3A_685[0] : i32 from vector<1xi32>
        %add3A_687 = arith.constant 5 : i32
        %add3A_688 = arith.addi %multiple_of3A, %add3A_687 : i32
        %swap3A_689 = arith.index_cast %add3A_688 : i32 to index
        %swap3A_690 = memref.load %arg13[%swap3A_689] : memref<80xi32, #tpu.memory_space<smem>>
        memref.store %squeeze3A_686, %arg13[%swap3A_689] : memref<80xi32, #tpu.memory_space<smem>>
        %slice3A_691 = vector.extract_strided_slice %get3A_625 {offsets = [5], sizes = [1], strides = [1]} : vector<16xi32> to vector<1xi32>
        %squeeze3A_692 = vector.extract %slice3A_691[0] : i32 from vector<1xi32>
        %add3A_693 = arith.constant 5 : i32
        %add3A_694 = arith.addi %multiple_of3A, %add3A_693 : i32
        %swap3A_695 = arith.index_cast %add3A_694 : i32 to index
        %swap3A_696 = memref.load %arg14[%swap3A_695] : memref<80xi32, #tpu.memory_space<smem>>
        memref.store %squeeze3A_692, %arg14[%swap3A_695] : memref<80xi32, #tpu.memory_space<smem>>
        %slice3A_697 = vector.extract_strided_slice %get3A_623 {offsets = [6], sizes = [1], strides = [1]} : vector<16xi32> to vector<1xi32>
        %squeeze3A_698 = vector.extract %slice3A_697[0] : i32 from vector<1xi32>
        %add3A_699 = arith.constant 6 : i32
        %add3A_700 = arith.addi %multiple_of3A, %add3A_699 : i32
        %swap3A_701 = arith.index_cast %add3A_700 : i32 to index
        %swap3A_702 = memref.load %arg13[%swap3A_701] : memref<80xi32, #tpu.memory_space<smem>>
        memref.store %squeeze3A_698, %arg13[%swap3A_701] : memref<80xi32, #tpu.memory_space<smem>>
        %slice3A_703 = vector.extract_strided_slice %get3A_625 {offsets = [6], sizes = [1], strides = [1]} : vector<16xi32> to vector<1xi32>
        %squeeze3A_704 = vector.extract %slice3A_703[0] : i32 from vector<1xi32>
        %add3A_705 = arith.constant 6 : i32
        %add3A_706 = arith.addi %multiple_of3A, %add3A_705 : i32
        %swap3A_707 = arith.index_cast %add3A_706 : i32 to index
        %swap3A_708 = memref.load %arg14[%swap3A_707] : memref<80xi32, #tpu.memory_space<smem>>
        memref.store %squeeze3A_704, %arg14[%swap3A_707] : memref<80xi32, #tpu.memory_space<smem>>
        %slice3A_709 = vector.extract_strided_slice %get3A_623 {offsets = [7], sizes = [1], strides = [1]} : vector<16xi32> to vector<1xi32>
        %squeeze3A_710 = vector.extract %slice3A_709[0] : i32 from vector<1xi32>
        %add3A_711 = arith.constant 7 : i32
        %add3A_712 = arith.addi %multiple_of3A, %add3A_711 : i32
        %swap3A_713 = arith.index_cast %add3A_712 : i32 to index
        %swap3A_714 = memref.load %arg13[%swap3A_713] : memref<80xi32, #tpu.memory_space<smem>>
        memref.store %squeeze3A_710, %arg13[%swap3A_713] : memref<80xi32, #tpu.memory_space<smem>>
        %slice3A_715 = vector.extract_strided_slice %get3A_625 {offsets = [7], sizes = [1], strides = [1]} : vector<16xi32> to vector<1xi32>
        %squeeze3A_716 = vector.extract %slice3A_715[0] : i32 from vector<1xi32>
        %add3A_717 = arith.constant 7 : i32
        %add3A_718 = arith.addi %multiple_of3A, %add3A_717 : i32
        %swap3A_719 = arith.index_cast %add3A_718 : i32 to index
        %swap3A_720 = memref.load %arg14[%swap3A_719] : memref<80xi32, #tpu.memory_space<smem>>
        memref.store %squeeze3A_716, %arg14[%swap3A_719] : memref<80xi32, #tpu.memory_space<smem>>
        %slice3A_721 = vector.extract_strided_slice %get3A_623 {offsets = [8], sizes = [1], strides = [1]} : vector<16xi32> to vector<1xi32>
        %squeeze3A_722 = vector.extract %slice3A_721[0] : i32 from vector<1xi32>
        %add3A_723 = arith.constant 8 : i32
        %add3A_724 = arith.addi %multiple_of3A, %add3A_723 : i32
        %swap3A_725 = arith.index_cast %add3A_724 : i32 to index
        %swap3A_726 = memref.load %arg13[%swap3A_725] : memref<80xi32, #tpu.memory_space<smem>>
        memref.store %squeeze3A_722, %arg13[%swap3A_725] : memref<80xi32, #tpu.memory_space<smem>>
        %slice3A_727 = vector.extract_strided_slice %get3A_625 {offsets = [8], sizes = [1], strides = [1]} : vector<16xi32> to vector<1xi32>
        %squeeze3A_728 = vector.extract %slice3A_727[0] : i32 from vector<1xi32>
        %add3A_729 = arith.constant 8 : i32
        %add3A_730 = arith.addi %multiple_of3A, %add3A_729 : i32
        %swap3A_731 = arith.index_cast %add3A_730 : i32 to index
        %swap3A_732 = memref.load %arg14[%swap3A_731] : memref<80xi32, #tpu.memory_space<smem>>
        memref.store %squeeze3A_728, %arg14[%swap3A_731] : memref<80xi32, #tpu.memory_space<smem>>
        %slice3A_733 = vector.extract_strided_slice %get3A_623 {offsets = [9], sizes = [1], strides = [1]} : vector<16xi32> to vector<1xi32>
        %squeeze3A_734 = vector.extract %slice3A_733[0] : i32 from vector<1xi32>
        %add3A_735 = arith.constant 9 : i32
        %add3A_736 = arith.addi %multiple_of3A, %add3A_735 : i32
        %swap3A_737 = arith.index_cast %add3A_736 : i32 to index
        %swap3A_738 = memref.load %arg13[%swap3A_737] : memref<80xi32, #tpu.memory_space<smem>>
        memref.store %squeeze3A_734, %arg13[%swap3A_737] : memref<80xi32, #tpu.memory_space<smem>>
        %slice3A_739 = vector.extract_strided_slice %get3A_625 {offsets = [9], sizes = [1], strides = [1]} : vector<16xi32> to vector<1xi32>
        %squeeze3A_740 = vector.extract %slice3A_739[0] : i32 from vector<1xi32>
        %add3A_741 = arith.constant 9 : i32
        %add3A_742 = arith.addi %multiple_of3A, %add3A_741 : i32
        %swap3A_743 = arith.index_cast %add3A_742 : i32 to index
        %swap3A_744 = memref.load %arg14[%swap3A_743] : memref<80xi32, #tpu.memory_space<smem>>
        memref.store %squeeze3A_740, %arg14[%swap3A_743] : memref<80xi32, #tpu.memory_space<smem>>
        %slice3A_745 = vector.extract_strided_slice %get3A_623 {offsets = [10], sizes = [1], strides = [1]} : vector<16xi32> to vector<1xi32>
        %squeeze3A_746 = vector.extract %slice3A_745[0] : i32 from vector<1xi32>
        %add3A_747 = arith.constant 10 : i32
        %add3A_748 = arith.addi %multiple_of3A, %add3A_747 : i32
        %swap3A_749 = arith.index_cast %add3A_748 : i32 to index
        %swap3A_750 = memref.load %arg13[%swap3A_749] : memref<80xi32, #tpu.memory_space<smem>>
        memref.store %squeeze3A_746, %arg13[%swap3A_749] : memref<80xi32, #tpu.memory_space<smem>>
        %slice3A_751 = vector.extract_strided_slice %get3A_625 {offsets = [10], sizes = [1], strides = [1]} : vector<16xi32> to vector<1xi32>
        %squeeze3A_752 = vector.extract %slice3A_751[0] : i32 from vector<1xi32>
        %add3A_753 = arith.constant 10 : i32
        %add3A_754 = arith.addi %multiple_of3A, %add3A_753 : i32
        %swap3A_755 = arith.index_cast %add3A_754 : i32 to index
        %swap3A_756 = memref.load %arg14[%swap3A_755] : memref<80xi32, #tpu.memory_space<smem>>
        memref.store %squeeze3A_752, %arg14[%swap3A_755] : memref<80xi32, #tpu.memory_space<smem>>
        %slice3A_757 = vector.extract_strided_slice %get3A_623 {offsets = [11], sizes = [1], strides = [1]} : vector<16xi32> to vector<1xi32>
        %squeeze3A_758 = vector.extract %slice3A_757[0] : i32 from vector<1xi32>
        %add3A_759 = arith.constant 11 : i32
        %add3A_760 = arith.addi %multiple_of3A, %add3A_759 : i32
        %swap3A_761 = arith.index_cast %add3A_760 : i32 to index
        %swap3A_762 = memref.load %arg13[%swap3A_761] : memref<80xi32, #tpu.memory_space<smem>>
        memref.store %squeeze3A_758, %arg13[%swap3A_761] : memref<80xi32, #tpu.memory_space<smem>>
        %slice3A_763 = vector.extract_strided_slice %get3A_625 {offsets = [11], sizes = [1], strides = [1]} : vector<16xi32> to vector<1xi32>
        %squeeze3A_764 = vector.extract %slice3A_763[0] : i32 from vector<1xi32>
        %add3A_765 = arith.constant 11 : i32
        %add3A_766 = arith.addi %multiple_of3A, %add3A_765 : i32
        %swap3A_767 = arith.index_cast %add3A_766 : i32 to index
        %swap3A_768 = memref.load %arg14[%swap3A_767] : memref<80xi32, #tpu.memory_space<smem>>
        memref.store %squeeze3A_764, %arg14[%swap3A_767] : memref<80xi32, #tpu.memory_space<smem>>
        %slice3A_769 = vector.extract_strided_slice %get3A_623 {offsets = [12], sizes = [1], strides = [1]} : vector<16xi32> to vector<1xi32>
        %squeeze3A_770 = vector.extract %slice3A_769[0] : i32 from vector<1xi32>
        %add3A_771 = arith.constant 12 : i32
        %add3A_772 = arith.addi %multiple_of3A, %add3A_771 : i32
        %swap3A_773 = arith.index_cast %add3A_772 : i32 to index
        %swap3A_774 = memref.load %arg13[%swap3A_773] : memref<80xi32, #tpu.memory_space<smem>>
        memref.store %squeeze3A_770, %arg13[%swap3A_773] : memref<80xi32, #tpu.memory_space<smem>>
        %slice3A_775 = vector.extract_strided_slice %get3A_625 {offsets = [12], sizes = [1], strides = [1]} : vector<16xi32> to vector<1xi32>
        %squeeze3A_776 = vector.extract %slice3A_775[0] : i32 from vector<1xi32>
        %add3A_777 = arith.constant 12 : i32
        %add3A_778 = arith.addi %multiple_of3A, %add3A_777 : i32
        %swap3A_779 = arith.index_cast %add3A_778 : i32 to index
        %swap3A_780 = memref.load %arg14[%swap3A_779] : memref<80xi32, #tpu.memory_space<smem>>
        memref.store %squeeze3A_776, %arg14[%swap3A_779] : memref<80xi32, #tpu.memory_space<smem>>
        %slice3A_781 = vector.extract_strided_slice %get3A_623 {offsets = [13], sizes = [1], strides = [1]} : vector<16xi32> to vector<1xi32>
        %squeeze3A_782 = vector.extract %slice3A_781[0] : i32 from vector<1xi32>
        %add3A_783 = arith.constant 13 : i32
        %add3A_784 = arith.addi %multiple_of3A, %add3A_783 : i32
        %swap3A_785 = arith.index_cast %add3A_784 : i32 to index
        %swap3A_786 = memref.load %arg13[%swap3A_785] : memref<80xi32, #tpu.memory_space<smem>>
        memref.store %squeeze3A_782, %arg13[%swap3A_785] : memref<80xi32, #tpu.memory_space<smem>>
        %slice3A_787 = vector.extract_strided_slice %get3A_625 {offsets = [13], sizes = [1], strides = [1]} : vector<16xi32> to vector<1xi32>
        %squeeze3A_788 = vector.extract %slice3A_787[0] : i32 from vector<1xi32>
        %add3A_789 = arith.constant 13 : i32
        %add3A_790 = arith.addi %multiple_of3A, %add3A_789 : i32
        %swap3A_791 = arith.index_cast %add3A_790 : i32 to index
        %swap3A_792 = memref.load %arg14[%swap3A_791] : memref<80xi32, #tpu.memory_space<smem>>
        memref.store %squeeze3A_788, %arg14[%swap3A_791] : memref<80xi32, #tpu.memory_space<smem>>
        %slice3A_793 = vector.extract_strided_slice %get3A_623 {offsets = [14], sizes = [1], strides = [1]} : vector<16xi32> to vector<1xi32>
        %squeeze3A_794 = vector.extract %slice3A_793[0] : i32 from vector<1xi32>
        %add3A_795 = arith.constant 14 : i32
        %add3A_796 = arith.addi %multiple_of3A, %add3A_795 : i32
        %swap3A_797 = arith.index_cast %add3A_796 : i32 to index
        %swap3A_798 = memref.load %arg13[%swap3A_797] : memref<80xi32, #tpu.memory_space<smem>>
        memref.store %squeeze3A_794, %arg13[%swap3A_797] : memref<80xi32, #tpu.memory_space<smem>>
        %slice3A_799 = vector.extract_strided_slice %get3A_625 {offsets = [14], sizes = [1], strides = [1]} : vector<16xi32> to vector<1xi32>
        %squeeze3A_800 = vector.extract %slice3A_799[0] : i32 from vector<1xi32>
        %add3A_801 = arith.constant 14 : i32
        %add3A_802 = arith.addi %multiple_of3A, %add3A_801 : i32
        %swap3A_803 = arith.index_cast %add3A_802 : i32 to index
        %swap3A_804 = memref.load %arg14[%swap3A_803] : memref<80xi32, #tpu.memory_space<smem>>
        memref.store %squeeze3A_800, %arg14[%swap3A_803] : memref<80xi32, #tpu.memory_space<smem>>
        %slice3A_805 = vector.extract_strided_slice %get3A_623 {offsets = [15], sizes = [1], strides = [1]} : vector<16xi32> to vector<1xi32>
        %squeeze3A_806 = vector.extract %slice3A_805[0] : i32 from vector<1xi32>
        %add3A_807 = arith.constant 15 : i32
        %add3A_808 = arith.addi %multiple_of3A, %add3A_807 : i32
        %swap3A_809 = arith.index_cast %add3A_808 : i32 to index
        %swap3A_810 = memref.load %arg13[%swap3A_809] : memref<80xi32, #tpu.memory_space<smem>>
        memref.store %squeeze3A_806, %arg13[%swap3A_809] : memref<80xi32, #tpu.memory_space<smem>>
        %slice3A_811 = vector.extract_strided_slice %get3A_625 {offsets = [15], sizes = [1], strides = [1]} : vector<16xi32> to vector<1xi32>
        %squeeze3A_812 = vector.extract %slice3A_811[0] : i32 from vector<1xi32>
        %add3A_813 = arith.constant 15 : i32
        %add3A_814 = arith.addi %multiple_of3A, %add3A_813 : i32
        %swap3A_815 = arith.index_cast %add3A_814 : i32 to index
        %swap3A_816 = memref.load %arg14[%swap3A_815] : memref<80xi32, #tpu.memory_space<smem>>
        memref.store %squeeze3A_812, %arg14[%swap3A_815] : memref<80xi32, #tpu.memory_space<smem>>
        %while3A_817 = arith.constant 0 : i32
        scf.yield %while3A_817 : i32
      }
      %while3A_607 = arith.constant 0 : i32
      %while3A_608 = arith.subi %add3A_560, %while3A_607 : i32
      %while3A_609 = arith.addi %while3A_607, %while3A_608 : i32
      %while3A_610 = arith.constant 1 : i32
      %while3A_611 = arith.divsi %while3A_608, %while3A_610 : i32
      %while3A_612 = arith.muli %while3A_611, %while3A_610 : i32
      %while3A_613 = arith.addi %while3A_607, %while3A_612 : i32
      %while3A_614 = arith.constant 1 : i32
      %while3A_615:26 = scf.for %while3A_618 = %while3A_607 to %while3A_613 step %while3A_614 iter_args(%while3A_619 = %while3A_371#0, %while3A_620 = %while3A_371#1, %while3A_621 = %while3A_371#2, %while3A_622 = %while3A_371#3, %while3A_623 = %while3A_371#4, %while3A_624 = %while3A_371#5, %while3A_625 = %while3A_371#6, %while3A_626 = %while3A_371#7, %while3A_627 = %while3A_371#8, %while3A_628 = %while3A_371#9, %while3A_629 = %while3A_371#10, %while3A_630 = %while3A_371#11, %while3A_631 = %while3A_371#12, %while3A_632 = %while3A_371#13, %while3A_633 = %while3A_371#14, %while3A_634 = %while3A_371#15, %while3A_635 = %while3A_371#16, %while3A_636 = %while3A_371#17, %while3A_637 = %while3A_371#18, %while3A_638 = %while3A_371#19, %while3A_639 = %while3A_371#20, %while3A_640 = %while3A_371#21, %while3A_641 = %while3A_371#22, %while3A_642 = %while3A_371#23, %while3A_643 = %while3A_371#24, %while3A_644 = %while3A_371#25) -> (i32, i32, vector<16xf32>, vector<16xf32>, vector<16xf32>, vector<16xf32>, vector<16xf32>, vector<16xf32>, vector<16xf32>, vector<16xf32>, vector<16xf32>, vector<16xf32>, vector<16xf32>, vector<16xf32>, vector<16xf32>, vector<16xf32>, vector<16xf32>, vector<16xf32>, vector<16xf32>, vector<16xf32>, vector<16xf32>, vector<16xf32>, vector<16xf32>, vector<16xf32>, vector<16xf32>, vector<16xf32>)  : i32 {
        %get3A_645 = arith.index_cast %while3A_618 : i32 to index
        %get3A_646 = memref.load %arg13[%get3A_645] : memref<80xi32, #tpu.memory_space<smem>>
        %add3A_647 = arith.constant 1 : i32
        %add3A_648 = arith.addi %while3A_618, %add3A_647 : i32
        %get3A_649 = arith.index_cast %add3A_648 : i32 to index
        %get3A_650 = memref.load %arg13[%get3A_649] : memref<80xi32, #tpu.memory_space<smem>>
        %get3A_651 = arith.index_cast %while3A_618 : i32 to index
        %get3A_652 = memref.load %arg14[%get3A_651] : memref<80xi32, #tpu.memory_space<smem>>
        %ne3A_653 = arith.cmpi ne, %get3A_652, %while3A_619 : i32
        %convert_element_type3A_654 = arith.extui %ne3A_653 : i1 to i32
        %cond3A_655 = arith.constant 0 : i32
        %cond3A_656 = arith.cmpi ne, %convert_element_type3A_654, %cond3A_655 : i32
        scf.if %cond3A_656 {
          %ge3A_745 = arith.constant 0 : i32
          %ge3A_746 = arith.cmpi sge, %while3A_619, %ge3A_745 : i32
          %convert_element_type3A_747 = arith.extui %ge3A_746 : i1 to i32
          %cond3A_748 = arith.constant 0 : i32
          %cond3A_749 = arith.cmpi ne, %convert_element_type3A_747, %cond3A_748 : i32
          scf.if %cond3A_749 {
            %convert_element_type3A_750 = arith.sitofp %while3A_620 : i32 to f32
            %broadcast_in_dim3A_751 = vector.broadcast %convert_element_type3A_750 : f32 to vector<16xf32>
            %swap3A = arith.index_cast %while3A_619 : i32 to index
            %swap3A_752 = arith.constant 0 : index
            %swap3A_753 = tpu.vector_load %arg9[%swap3A, %swap3A_752] {strides = array<i32>} : memref<128x16xf32, #tpu.memory_space<vmem>>, vector<16xf32>,
            tpu.vector_store %arg9[%swap3A, %swap3A_752], %broadcast_in_dim3A_751 {add = true, strides = array<i32>} : memref<128x16xf32, #tpu.memory_space<vmem>>, vector<16xf32>,
            %swap3A_754 = arith.index_cast %while3A_619 : i32 to index
            %swap3A_755 = arith.constant 0 : index
            %swap3A_756 = tpu.vector_load %arg8[%swap3A_754, %swap3A_755] {strides = array<i32>} : memref<128x384xf32, #tpu.memory_space<vmem>>, vector<16xf32>,
            tpu.vector_store %arg8[%swap3A_754, %swap3A_755], %while3A_621 {add = true, strides = array<i32>} : memref<128x384xf32, #tpu.memory_space<vmem>>, vector<16xf32>,
            %swap3A_757 = arith.index_cast %while3A_619 : i32 to index
            %swap3A_758 = arith.constant 16 : index
            %swap3A_759 = tpu.vector_load %arg8[%swap3A_757, %swap3A_758] {strides = array<i32>} : memref<128x384xf32, #tpu.memory_space<vmem>>, vector<16xf32>,
            tpu.vector_store %arg8[%swap3A_757, %swap3A_758], %while3A_622 {add = true, strides = array<i32>} : memref<128x384xf32, #tpu.memory_space<vmem>>, vector<16xf32>,
            %swap3A_760 = arith.index_cast %while3A_619 : i32 to index
            %swap3A_761 = arith.constant 32 : index
            %swap3A_762 = tpu.vector_load %arg8[%swap3A_760, %swap3A_761] {strides = array<i32>} : memref<128x384xf32, #tpu.memory_space<vmem>>, vector<16xf32>,
            tpu.vector_store %arg8[%swap3A_760, %swap3A_761], %while3A_623 {add = true, strides = array<i32>} : memref<128x384xf32, #tpu.memory_space<vmem>>, vector<16xf32>,
            %swap3A_763 = arith.index_cast %while3A_619 : i32 to index
            %swap3A_764 = arith.constant 48 : index
            %swap3A_765 = tpu.vector_load %arg8[%swap3A_763, %swap3A_764] {strides = array<i32>} : memref<128x384xf32, #tpu.memory_space<vmem>>, vector<16xf32>,
            tpu.vector_store %arg8[%swap3A_763, %swap3A_764], %while3A_624 {add = true, strides = array<i32>} : memref<128x384xf32, #tpu.memory_space<vmem>>, vector<16xf32>,
            %swap3A_766 = arith.index_cast %while3A_619 : i32 to index
            %swap3A_767 = arith.constant 64 : index
            %swap3A_768 = tpu.vector_load %arg8[%swap3A_766, %swap3A_767] {strides = array<i32>} : memref<128x384xf32, #tpu.memory_space<vmem>>, vector<16xf32>,
            tpu.vector_store %arg8[%swap3A_766, %swap3A_767], %while3A_625 {add = true, strides = array<i32>} : memref<128x384xf32, #tpu.memory_space<vmem>>, vector<16xf32>,
            %swap3A_769 = arith.index_cast %while3A_619 : i32 to index
            %swap3A_770 = arith.constant 80 : index
            %swap3A_771 = tpu.vector_load %arg8[%swap3A_769, %swap3A_770] {strides = array<i32>} : memref<128x384xf32, #tpu.memory_space<vmem>>, vector<16xf32>,
            tpu.vector_store %arg8[%swap3A_769, %swap3A_770], %while3A_626 {add = true, strides = array<i32>} : memref<128x384xf32, #tpu.memory_space<vmem>>, vector<16xf32>,
            %swap3A_772 = arith.index_cast %while3A_619 : i32 to index
            %swap3A_773 = arith.constant 96 : index
            %swap3A_774 = tpu.vector_load %arg8[%swap3A_772, %swap3A_773] {strides = array<i32>} : memref<128x384xf32, #tpu.memory_space<vmem>>, vector<16xf32>,
            tpu.vector_store %arg8[%swap3A_772, %swap3A_773], %while3A_627 {add = true, strides = array<i32>} : memref<128x384xf32, #tpu.memory_space<vmem>>, vector<16xf32>,
            %swap3A_775 = arith.index_cast %while3A_619 : i32 to index
            %swap3A_776 = arith.constant 112 : index
            %swap3A_777 = tpu.vector_load %arg8[%swap3A_775, %swap3A_776] {strides = array<i32>} : memref<128x384xf32, #tpu.memory_space<vmem>>, vector<16xf32>,
            tpu.vector_store %arg8[%swap3A_775, %swap3A_776], %while3A_628 {add = true, strides = array<i32>} : memref<128x384xf32, #tpu.memory_space<vmem>>, vector<16xf32>,
            %swap3A_778 = arith.index_cast %while3A_619 : i32 to index
            %swap3A_779 = arith.constant 128 : index
            %swap3A_780 = tpu.vector_load %arg8[%swap3A_778, %swap3A_779] {strides = array<i32>} : memref<128x384xf32, #tpu.memory_space<vmem>>, vector<16xf32>,
            tpu.vector_store %arg8[%swap3A_778, %swap3A_779], %while3A_629 {add = true, strides = array<i32>} : memref<128x384xf32, #tpu.memory_space<vmem>>, vector<16xf32>,
            %swap3A_781 = arith.index_cast %while3A_619 : i32 to index
            %swap3A_782 = arith.constant 144 : index
            %swap3A_783 = tpu.vector_load %arg8[%swap3A_781, %swap3A_782] {strides = array<i32>} : memref<128x384xf32, #tpu.memory_space<vmem>>, vector<16xf32>,
            tpu.vector_store %arg8[%swap3A_781, %swap3A_782], %while3A_630 {add = true, strides = array<i32>} : memref<128x384xf32, #tpu.memory_space<vmem>>, vector<16xf32>,
            %swap3A_784 = arith.index_cast %while3A_619 : i32 to index
            %swap3A_785 = arith.constant 160 : index
            %swap3A_786 = tpu.vector_load %arg8[%swap3A_784, %swap3A_785] {strides = array<i32>} : memref<128x384xf32, #tpu.memory_space<vmem>>, vector<16xf32>,
            tpu.vector_store %arg8[%swap3A_784, %swap3A_785], %while3A_631 {add = true, strides = array<i32>} : memref<128x384xf32, #tpu.memory_space<vmem>>, vector<16xf32>,
            %swap3A_787 = arith.index_cast %while3A_619 : i32 to index
            %swap3A_788 = arith.constant 176 : index
            %swap3A_789 = tpu.vector_load %arg8[%swap3A_787, %swap3A_788] {strides = array<i32>} : memref<128x384xf32, #tpu.memory_space<vmem>>, vector<16xf32>,
            tpu.vector_store %arg8[%swap3A_787, %swap3A_788], %while3A_632 {add = true, strides = array<i32>} : memref<128x384xf32, #tpu.memory_space<vmem>>, vector<16xf32>,
            %swap3A_790 = arith.index_cast %while3A_619 : i32 to index
            %swap3A_791 = arith.constant 192 : index
            %swap3A_792 = tpu.vector_load %arg8[%swap3A_790, %swap3A_791] {strides = array<i32>} : memref<128x384xf32, #tpu.memory_space<vmem>>, vector<16xf32>,
            tpu.vector_store %arg8[%swap3A_790, %swap3A_791], %while3A_633 {add = true, strides = array<i32>} : memref<128x384xf32, #tpu.memory_space<vmem>>, vector<16xf32>,
            %swap3A_793 = arith.index_cast %while3A_619 : i32 to index
            %swap3A_794 = arith.constant 208 : index
            %swap3A_795 = tpu.vector_load %arg8[%swap3A_793, %swap3A_794] {strides = array<i32>} : memref<128x384xf32, #tpu.memory_space<vmem>>, vector<16xf32>,
            tpu.vector_store %arg8[%swap3A_793, %swap3A_794], %while3A_634 {add = true, strides = array<i32>} : memref<128x384xf32, #tpu.memory_space<vmem>>, vector<16xf32>,
            %swap3A_796 = arith.index_cast %while3A_619 : i32 to index
            %swap3A_797 = arith.constant 224 : index
            %swap3A_798 = tpu.vector_load %arg8[%swap3A_796, %swap3A_797] {strides = array<i32>} : memref<128x384xf32, #tpu.memory_space<vmem>>, vector<16xf32>,
            tpu.vector_store %arg8[%swap3A_796, %swap3A_797], %while3A_635 {add = true, strides = array<i32>} : memref<128x384xf32, #tpu.memory_space<vmem>>, vector<16xf32>,
            %swap3A_799 = arith.index_cast %while3A_619 : i32 to index
            %swap3A_800 = arith.constant 240 : index
            %swap3A_801 = tpu.vector_load %arg8[%swap3A_799, %swap3A_800] {strides = array<i32>} : memref<128x384xf32, #tpu.memory_space<vmem>>, vector<16xf32>,
            tpu.vector_store %arg8[%swap3A_799, %swap3A_800], %while3A_636 {add = true, strides = array<i32>} : memref<128x384xf32, #tpu.memory_space<vmem>>, vector<16xf32>,
            %swap3A_802 = arith.index_cast %while3A_619 : i32 to index
            %swap3A_803 = arith.constant 256 : index
            %swap3A_804 = tpu.vector_load %arg8[%swap3A_802, %swap3A_803] {strides = array<i32>} : memref<128x384xf32, #tpu.memory_space<vmem>>, vector<16xf32>,
            tpu.vector_store %arg8[%swap3A_802, %swap3A_803], %while3A_637 {add = true, strides = array<i32>} : memref<128x384xf32, #tpu.memory_space<vmem>>, vector<16xf32>,
            %swap3A_805 = arith.index_cast %while3A_619 : i32 to index
            %swap3A_806 = arith.constant 272 : index
            %swap3A_807 = tpu.vector_load %arg8[%swap3A_805, %swap3A_806] {strides = array<i32>} : memref<128x384xf32, #tpu.memory_space<vmem>>, vector<16xf32>,
            tpu.vector_store %arg8[%swap3A_805, %swap3A_806], %while3A_638 {add = true, strides = array<i32>} : memref<128x384xf32, #tpu.memory_space<vmem>>, vector<16xf32>,
            %swap3A_808 = arith.index_cast %while3A_619 : i32 to index
            %swap3A_809 = arith.constant 288 : index
            %swap3A_810 = tpu.vector_load %arg8[%swap3A_808, %swap3A_809] {strides = array<i32>} : memref<128x384xf32, #tpu.memory_space<vmem>>, vector<16xf32>,
            tpu.vector_store %arg8[%swap3A_808, %swap3A_809], %while3A_639 {add = true, strides = array<i32>} : memref<128x384xf32, #tpu.memory_space<vmem>>, vector<16xf32>,
            %swap3A_811 = arith.index_cast %while3A_619 : i32 to index
            %swap3A_812 = arith.constant 304 : index
            %swap3A_813 = tpu.vector_load %arg8[%swap3A_811, %swap3A_812] {strides = array<i32>} : memref<128x384xf32, #tpu.memory_space<vmem>>, vector<16xf32>,
            tpu.vector_store %arg8[%swap3A_811, %swap3A_812], %while3A_640 {add = true, strides = array<i32>} : memref<128x384xf32, #tpu.memory_space<vmem>>, vector<16xf32>,
            %swap3A_814 = arith.index_cast %while3A_619 : i32 to index
            %swap3A_815 = arith.constant 320 : index
            %swap3A_816 = tpu.vector_load %arg8[%swap3A_814, %swap3A_815] {strides = array<i32>} : memref<128x384xf32, #tpu.memory_space<vmem>>, vector<16xf32>,
            tpu.vector_store %arg8[%swap3A_814, %swap3A_815], %while3A_641 {add = true, strides = array<i32>} : memref<128x384xf32, #tpu.memory_space<vmem>>, vector<16xf32>,
            %swap3A_817 = arith.index_cast %while3A_619 : i32 to index
            %swap3A_818 = arith.constant 336 : index
            %swap3A_819 = tpu.vector_load %arg8[%swap3A_817, %swap3A_818] {strides = array<i32>} : memref<128x384xf32, #tpu.memory_space<vmem>>, vector<16xf32>,
            tpu.vector_store %arg8[%swap3A_817, %swap3A_818], %while3A_642 {add = true, strides = array<i32>} : memref<128x384xf32, #tpu.memory_space<vmem>>, vector<16xf32>,
            %swap3A_820 = arith.index_cast %while3A_619 : i32 to index
            %swap3A_821 = arith.constant 352 : index
            %swap3A_822 = tpu.vector_load %arg8[%swap3A_820, %swap3A_821] {strides = array<i32>} : memref<128x384xf32, #tpu.memory_space<vmem>>, vector<16xf32>,
            tpu.vector_store %arg8[%swap3A_820, %swap3A_821], %while3A_643 {add = true, strides = array<i32>} : memref<128x384xf32, #tpu.memory_space<vmem>>, vector<16xf32>,
            %swap3A_823 = arith.index_cast %while3A_619 : i32 to index
            %swap3A_824 = arith.constant 368 : index
            %swap3A_825 = tpu.vector_load %arg8[%swap3A_823, %swap3A_824] {strides = array<i32>} : memref<128x384xf32, #tpu.memory_space<vmem>>, vector<16xf32>,
            tpu.vector_store %arg8[%swap3A_823, %swap3A_824], %while3A_644 {add = true, strides = array<i32>} : memref<128x384xf32, #tpu.memory_space<vmem>>, vector<16xf32>,
          } else {
          }
        } else {
        }
        %not3A = arith.constant true
        %not3A_657 = arith.xori %ne3A_653, %not3A : i1
        %broadcast_in_dim3A_658 = vector.broadcast %not3A_657 : i1 to vector<16xi1>
        %jit3A_659 = arith.constant 0.000000e+00 : f32
        %broadcast_in_dim3A_660 = vector.broadcast %jit3A_659 : f32 to vector<16xf32>
        %select_n3A_661 = arith.select %broadcast_in_dim3A_658, %while3A_621, %broadcast_in_dim3A_660 : vector<16xi1>, vector<16xf32>
        %jit3A_662 = arith.constant 0.000000e+00 : f32
        %broadcast_in_dim3A_663 = vector.broadcast %jit3A_662 : f32 to vector<16xf32>
        %select_n3A_664 = arith.select %broadcast_in_dim3A_658, %while3A_622, %broadcast_in_dim3A_663 : vector<16xi1>, vector<16xf32>
        %jit3A_665 = arith.constant 0.000000e+00 : f32
        %broadcast_in_dim3A_666 = vector.broadcast %jit3A_665 : f32 to vector<16xf32>
        %select_n3A_667 = arith.select %broadcast_in_dim3A_658, %while3A_623, %broadcast_in_dim3A_666 : vector<16xi1>, vector<16xf32>
        %jit3A_668 = arith.constant 0.000000e+00 : f32
        %broadcast_in_dim3A_669 = vector.broadcast %jit3A_668 : f32 to vector<16xf32>
        %select_n3A_670 = arith.select %broadcast_in_dim3A_658, %while3A_624, %broadcast_in_dim3A_669 : vector<16xi1>, vector<16xf32>
        %jit3A_671 = arith.constant 0.000000e+00 : f32
        %broadcast_in_dim3A_672 = vector.broadcast %jit3A_671 : f32 to vector<16xf32>
        %select_n3A_673 = arith.select %broadcast_in_dim3A_658, %while3A_625, %broadcast_in_dim3A_672 : vector<16xi1>, vector<16xf32>
        %jit3A_674 = arith.constant 0.000000e+00 : f32
        %broadcast_in_dim3A_675 = vector.broadcast %jit3A_674 : f32 to vector<16xf32>
        %select_n3A_676 = arith.select %broadcast_in_dim3A_658, %while3A_626, %broadcast_in_dim3A_675 : vector<16xi1>, vector<16xf32>
        %jit3A_677 = arith.constant 0.000000e+00 : f32
        %broadcast_in_dim3A_678 = vector.broadcast %jit3A_677 : f32 to vector<16xf32>
        %select_n3A_679 = arith.select %broadcast_in_dim3A_658, %while3A_627, %broadcast_in_dim3A_678 : vector<16xi1>, vector<16xf32>
        %jit3A_680 = arith.constant 0.000000e+00 : f32
        %broadcast_in_dim3A_681 = vector.broadcast %jit3A_680 : f32 to vector<16xf32>
        %select_n3A_682 = arith.select %broadcast_in_dim3A_658, %while3A_628, %broadcast_in_dim3A_681 : vector<16xi1>, vector<16xf32>
        %jit3A_683 = arith.constant 0.000000e+00 : f32
        %broadcast_in_dim3A_684 = vector.broadcast %jit3A_683 : f32 to vector<16xf32>
        %select_n3A_685 = arith.select %broadcast_in_dim3A_658, %while3A_629, %broadcast_in_dim3A_684 : vector<16xi1>, vector<16xf32>
        %jit3A_686 = arith.constant 0.000000e+00 : f32
        %broadcast_in_dim3A_687 = vector.broadcast %jit3A_686 : f32 to vector<16xf32>
        %select_n3A_688 = arith.select %broadcast_in_dim3A_658, %while3A_630, %broadcast_in_dim3A_687 : vector<16xi1>, vector<16xf32>
        %jit3A_689 = arith.constant 0.000000e+00 : f32
        %broadcast_in_dim3A_690 = vector.broadcast %jit3A_689 : f32 to vector<16xf32>
        %select_n3A_691 = arith.select %broadcast_in_dim3A_658, %while3A_631, %broadcast_in_dim3A_690 : vector<16xi1>, vector<16xf32>
        %jit3A_692 = arith.constant 0.000000e+00 : f32
        %broadcast_in_dim3A_693 = vector.broadcast %jit3A_692 : f32 to vector<16xf32>
        %select_n3A_694 = arith.select %broadcast_in_dim3A_658, %while3A_632, %broadcast_in_dim3A_693 : vector<16xi1>, vector<16xf32>
        %jit3A_695 = arith.constant 0.000000e+00 : f32
        %broadcast_in_dim3A_696 = vector.broadcast %jit3A_695 : f32 to vector<16xf32>
        %select_n3A_697 = arith.select %broadcast_in_dim3A_658, %while3A_633, %broadcast_in_dim3A_696 : vector<16xi1>, vector<16xf32>
        %jit3A_698 = arith.constant 0.000000e+00 : f32
        %broadcast_in_dim3A_699 = vector.broadcast %jit3A_698 : f32 to vector<16xf32>
        %select_n3A_700 = arith.select %broadcast_in_dim3A_658, %while3A_634, %broadcast_in_dim3A_699 : vector<16xi1>, vector<16xf32>
        %jit3A_701 = arith.constant 0.000000e+00 : f32
        %broadcast_in_dim3A_702 = vector.broadcast %jit3A_701 : f32 to vector<16xf32>
        %select_n3A_703 = arith.select %broadcast_in_dim3A_658, %while3A_635, %broadcast_in_dim3A_702 : vector<16xi1>, vector<16xf32>
        %jit3A_704 = arith.constant 0.000000e+00 : f32
        %broadcast_in_dim3A_705 = vector.broadcast %jit3A_704 : f32 to vector<16xf32>
        %select_n3A_706 = arith.select %broadcast_in_dim3A_658, %while3A_636, %broadcast_in_dim3A_705 : vector<16xi1>, vector<16xf32>
        %jit3A_707 = arith.constant 0.000000e+00 : f32
        %broadcast_in_dim3A_708 = vector.broadcast %jit3A_707 : f32 to vector<16xf32>
        %select_n3A_709 = arith.select %broadcast_in_dim3A_658, %while3A_637, %broadcast_in_dim3A_708 : vector<16xi1>, vector<16xf32>
        %jit3A_710 = arith.constant 0.000000e+00 : f32
        %broadcast_in_dim3A_711 = vector.broadcast %jit3A_710 : f32 to vector<16xf32>
        %select_n3A_712 = arith.select %broadcast_in_dim3A_658, %while3A_638, %broadcast_in_dim3A_711 : vector<16xi1>, vector<16xf32>
        %jit3A_713 = arith.constant 0.000000e+00 : f32
        %broadcast_in_dim3A_714 = vector.broadcast %jit3A_713 : f32 to vector<16xf32>
        %select_n3A_715 = arith.select %broadcast_in_dim3A_658, %while3A_639, %broadcast_in_dim3A_714 : vector<16xi1>, vector<16xf32>
        %jit3A_716 = arith.constant 0.000000e+00 : f32
        %broadcast_in_dim3A_717 = vector.broadcast %jit3A_716 : f32 to vector<16xf32>
        %select_n3A_718 = arith.select %broadcast_in_dim3A_658, %while3A_640, %broadcast_in_dim3A_717 : vector<16xi1>, vector<16xf32>
        %jit3A_719 = arith.constant 0.000000e+00 : f32
        %broadcast_in_dim3A_720 = vector.broadcast %jit3A_719 : f32 to vector<16xf32>
        %select_n3A_721 = arith.select %broadcast_in_dim3A_658, %while3A_641, %broadcast_in_dim3A_720 : vector<16xi1>, vector<16xf32>
        %jit3A_722 = arith.constant 0.000000e+00 : f32
        %broadcast_in_dim3A_723 = vector.broadcast %jit3A_722 : f32 to vector<16xf32>
        %select_n3A_724 = arith.select %broadcast_in_dim3A_658, %while3A_642, %broadcast_in_dim3A_723 : vector<16xi1>, vector<16xf32>
        %jit3A_725 = arith.constant 0.000000e+00 : f32
        %broadcast_in_dim3A_726 = vector.broadcast %jit3A_725 : f32 to vector<16xf32>
        %select_n3A_727 = arith.select %broadcast_in_dim3A_658, %while3A_643, %broadcast_in_dim3A_726 : vector<16xi1>, vector<16xf32>
        %jit3A_728 = arith.constant 0.000000e+00 : f32
        %broadcast_in_dim3A_729 = vector.broadcast %jit3A_728 : f32 to vector<16xf32>
        %select_n3A_730 = arith.select %broadcast_in_dim3A_658, %while3A_644, %broadcast_in_dim3A_729 : vector<16xi1>, vector<16xf32>
        %jit3A_731 = arith.constant 0 : i32
        %select_n3A_732 = arith.select %ne3A_653, %jit3A_731, %while3A_620 : i32
        %while3A_733 = arith.subi %get3A_650, %get3A_646 : i32
        %while3A_734 = arith.addi %get3A_646, %while3A_733 : i32
        %while3A_735 = arith.constant 1 : i32
        %while3A_736 = arith.divsi %while3A_733, %while3A_735 : i32
        %while3A_737 = arith.muli %while3A_736, %while3A_735 : i32
        %while3A_738 = arith.addi %get3A_646, %while3A_737 : i32
        %while3A_739 = arith.constant 1 : i32
        %while3A_740:24 = scf.for %while3A_745 = %get3A_646 to %while3A_738 step %while3A_739 iter_args(%while3A_746 = %select_n3A_661, %while3A_747 = %select_n3A_664, %while3A_748 = %select_n3A_667, %while3A_749 = %select_n3A_670, %while3A_750 = %select_n3A_673, %while3A_751 = %select_n3A_676, %while3A_752 = %select_n3A_679, %while3A_753 = %select_n3A_682, %while3A_754 = %select_n3A_685, %while3A_755 = %select_n3A_688, %while3A_756 = %select_n3A_691, %while3A_757 = %select_n3A_694, %while3A_758 = %select_n3A_697, %while3A_759 = %select_n3A_700, %while3A_760 = %select_n3A_703, %while3A_761 = %select_n3A_706, %while3A_762 = %select_n3A_709, %while3A_763 = %select_n3A_712, %while3A_764 = %select_n3A_715, %while3A_765 = %select_n3A_718, %while3A_766 = %select_n3A_721, %while3A_767 = %select_n3A_724, %while3A_768 = %select_n3A_727, %while3A_769 = %select_n3A_730) -> (vector<16xf32>, vector<16xf32>, vector<16xf32>, vector<16xf32>, vector<16xf32>, vector<16xf32>, vector<16xf32>, vector<16xf32>, vector<16xf32>, vector<16xf32>, vector<16xf32>, vector<16xf32>, vector<16xf32>, vector<16xf32>, vector<16xf32>, vector<16xf32>, vector<16xf32>, vector<16xf32>, vector<16xf32>, vector<16xf32>, vector<16xf32>, vector<16xf32>, vector<16xf32>, vector<16xf32>)  : i32 {
          %get3A_770 = arith.index_cast %while3A_745 : i32 to index
          %get3A_771 = arith.constant 0 : index
          %get3A_772 = tpu.vector_load %arg6[%get3A_770, %get3A_771] {strides = array<i32>} : memref<64x384xf32, #tpu.memory_space<vmem>>, vector<16xf32>,
          %add3A_773 = arith.addf %while3A_746, %get3A_772 : vector<16xf32>
          %get3A_774 = arith.index_cast %while3A_745 : i32 to index
          %get3A_775 = arith.constant 16 : index
          %get3A_776 = tpu.vector_load %arg6[%get3A_774, %get3A_775] {strides = array<i32>} : memref<64x384xf32, #tpu.memory_space<vmem>>, vector<16xf32>,
          %add3A_777 = arith.addf %while3A_747, %get3A_776 : vector<16xf32>
          %get3A_778 = arith.index_cast %while3A_745 : i32 to index
          %get3A_779 = arith.constant 32 : index
          %get3A_780 = tpu.vector_load %arg6[%get3A_778, %get3A_779] {strides = array<i32>} : memref<64x384xf32, #tpu.memory_space<vmem>>, vector<16xf32>,
          %add3A_781 = arith.addf %while3A_748, %get3A_780 : vector<16xf32>
          %get3A_782 = arith.index_cast %while3A_745 : i32 to index
          %get3A_783 = arith.constant 48 : index
          %get3A_784 = tpu.vector_load %arg6[%get3A_782, %get3A_783] {strides = array<i32>} : memref<64x384xf32, #tpu.memory_space<vmem>>, vector<16xf32>,
          %add3A_785 = arith.addf %while3A_749, %get3A_784 : vector<16xf32>
          %get3A_786 = arith.index_cast %while3A_745 : i32 to index
          %get3A_787 = arith.constant 64 : index
          %get3A_788 = tpu.vector_load %arg6[%get3A_786, %get3A_787] {strides = array<i32>} : memref<64x384xf32, #tpu.memory_space<vmem>>, vector<16xf32>,
          %add3A_789 = arith.addf %while3A_750, %get3A_788 : vector<16xf32>
          %get3A_790 = arith.index_cast %while3A_745 : i32 to index
          %get3A_791 = arith.constant 80 : index
          %get3A_792 = tpu.vector_load %arg6[%get3A_790, %get3A_791] {strides = array<i32>} : memref<64x384xf32, #tpu.memory_space<vmem>>, vector<16xf32>,
          %add3A_793 = arith.addf %while3A_751, %get3A_792 : vector<16xf32>
          %get3A_794 = arith.index_cast %while3A_745 : i32 to index
          %get3A_795 = arith.constant 96 : index
          %get3A_796 = tpu.vector_load %arg6[%get3A_794, %get3A_795] {strides = array<i32>} : memref<64x384xf32, #tpu.memory_space<vmem>>, vector<16xf32>,
          %add3A_797 = arith.addf %while3A_752, %get3A_796 : vector<16xf32>
          %get3A_798 = arith.index_cast %while3A_745 : i32 to index
          %get3A_799 = arith.constant 112 : index
          %get3A_800 = tpu.vector_load %arg6[%get3A_798, %get3A_799] {strides = array<i32>} : memref<64x384xf32, #tpu.memory_space<vmem>>, vector<16xf32>,
          %add3A_801 = arith.addf %while3A_753, %get3A_800 : vector<16xf32>
          %get3A_802 = arith.index_cast %while3A_745 : i32 to index
          %get3A_803 = arith.constant 128 : index
          %get3A_804 = tpu.vector_load %arg6[%get3A_802, %get3A_803] {strides = array<i32>} : memref<64x384xf32, #tpu.memory_space<vmem>>, vector<16xf32>,
          %add3A_805 = arith.addf %while3A_754, %get3A_804 : vector<16xf32>
          %get3A_806 = arith.index_cast %while3A_745 : i32 to index
          %get3A_807 = arith.constant 144 : index
          %get3A_808 = tpu.vector_load %arg6[%get3A_806, %get3A_807] {strides = array<i32>} : memref<64x384xf32, #tpu.memory_space<vmem>>, vector<16xf32>,
          %add3A_809 = arith.addf %while3A_755, %get3A_808 : vector<16xf32>
          %get3A_810 = arith.index_cast %while3A_745 : i32 to index
          %get3A_811 = arith.constant 160 : index
          %get3A_812 = tpu.vector_load %arg6[%get3A_810, %get3A_811] {strides = array<i32>} : memref<64x384xf32, #tpu.memory_space<vmem>>, vector<16xf32>,
          %add3A_813 = arith.addf %while3A_756, %get3A_812 : vector<16xf32>
          %get3A_814 = arith.index_cast %while3A_745 : i32 to index
          %get3A_815 = arith.constant 176 : index
          %get3A_816 = tpu.vector_load %arg6[%get3A_814, %get3A_815] {strides = array<i32>} : memref<64x384xf32, #tpu.memory_space<vmem>>, vector<16xf32>,
          %add3A_817 = arith.addf %while3A_757, %get3A_816 : vector<16xf32>
          %get3A_818 = arith.index_cast %while3A_745 : i32 to index
          %get3A_819 = arith.constant 192 : index
          %get3A_820 = tpu.vector_load %arg6[%get3A_818, %get3A_819] {strides = array<i32>} : memref<64x384xf32, #tpu.memory_space<vmem>>, vector<16xf32>,
          %add3A_821 = arith.addf %while3A_758, %get3A_820 : vector<16xf32>
          %get3A_822 = arith.index_cast %while3A_745 : i32 to index
          %get3A_823 = arith.constant 208 : index
          %get3A_824 = tpu.vector_load %arg6[%get3A_822, %get3A_823] {strides = array<i32>} : memref<64x384xf32, #tpu.memory_space<vmem>>, vector<16xf32>,
          %add3A_825 = arith.addf %while3A_759, %get3A_824 : vector<16xf32>
          %get3A_826 = arith.index_cast %while3A_745 : i32 to index
          %get3A_827 = arith.constant 224 : index
          %get3A_828 = tpu.vector_load %arg6[%get3A_826, %get3A_827] {strides = array<i32>} : memref<64x384xf32, #tpu.memory_space<vmem>>, vector<16xf32>,
          %add3A_829 = arith.addf %while3A_760, %get3A_828 : vector<16xf32>
          %get3A_830 = arith.index_cast %while3A_745 : i32 to index
          %get3A_831 = arith.constant 240 : index
          %get3A_832 = tpu.vector_load %arg6[%get3A_830, %get3A_831] {strides = array<i32>} : memref<64x384xf32, #tpu.memory_space<vmem>>, vector<16xf32>,
          %add3A_833 = arith.addf %while3A_761, %get3A_832 : vector<16xf32>
          %get3A_834 = arith.index_cast %while3A_745 : i32 to index
          %get3A_835 = arith.constant 256 : index
          %get3A_836 = tpu.vector_load %arg6[%get3A_834, %get3A_835] {strides = array<i32>} : memref<64x384xf32, #tpu.memory_space<vmem>>, vector<16xf32>,
          %add3A_837 = arith.addf %while3A_762, %get3A_836 : vector<16xf32>
          %get3A_838 = arith.index_cast %while3A_745 : i32 to index
          %get3A_839 = arith.constant 272 : index
          %get3A_840 = tpu.vector_load %arg6[%get3A_838, %get3A_839] {strides = array<i32>} : memref<64x384xf32, #tpu.memory_space<vmem>>, vector<16xf32>,
          %add3A_841 = arith.addf %while3A_763, %get3A_840 : vector<16xf32>
          %get3A_842 = arith.index_cast %while3A_745 : i32 to index
          %get3A_843 = arith.constant 288 : index
          %get3A_844 = tpu.vector_load %arg6[%get3A_842, %get3A_843] {strides = array<i32>} : memref<64x384xf32, #tpu.memory_space<vmem>>, vector<16xf32>,
          %add3A_845 = arith.addf %while3A_764, %get3A_844 : vector<16xf32>
          %get3A_846 = arith.index_cast %while3A_745 : i32 to index
          %get3A_847 = arith.constant 304 : index
          %get3A_848 = tpu.vector_load %arg6[%get3A_846, %get3A_847] {strides = array<i32>} : memref<64x384xf32, #tpu.memory_space<vmem>>, vector<16xf32>,
          %add3A_849 = arith.addf %while3A_765, %get3A_848 : vector<16xf32>
          %get3A_850 = arith.index_cast %while3A_745 : i32 to index
          %get3A_851 = arith.constant 320 : index
          %get3A_852 = tpu.vector_load %arg6[%get3A_850, %get3A_851] {strides = array<i32>} : memref<64x384xf32, #tpu.memory_space<vmem>>, vector<16xf32>,
          %add3A_853 = arith.addf %while3A_766, %get3A_852 : vector<16xf32>
          %get3A_854 = arith.index_cast %while3A_745 : i32 to index
          %get3A_855 = arith.constant 336 : index
          %get3A_856 = tpu.vector_load %arg6[%get3A_854, %get3A_855] {strides = array<i32>} : memref<64x384xf32, #tpu.memory_space<vmem>>, vector<16xf32>,
          %add3A_857 = arith.addf %while3A_767, %get3A_856 : vector<16xf32>
          %get3A_858 = arith.index_cast %while3A_745 : i32 to index
          %get3A_859 = arith.constant 352 : index
          %get3A_860 = tpu.vector_load %arg6[%get3A_858, %get3A_859] {strides = array<i32>} : memref<64x384xf32, #tpu.memory_space<vmem>>, vector<16xf32>,
          %add3A_861 = arith.addf %while3A_768, %get3A_860 : vector<16xf32>
          %get3A_862 = arith.index_cast %while3A_745 : i32 to index
          %get3A_863 = arith.constant 368 : index
          %get3A_864 = tpu.vector_load %arg6[%get3A_862, %get3A_863] {strides = array<i32>} : memref<64x384xf32, #tpu.memory_space<vmem>>, vector<16xf32>,
          %add3A_865 = arith.addf %while3A_769, %get3A_864 : vector<16xf32>
          scf.yield %add3A_773, %add3A_777, %add3A_781, %add3A_785, %add3A_789, %add3A_793, %add3A_797, %add3A_801, %add3A_805, %add3A_809, %add3A_813, %add3A_817, %add3A_821, %add3A_825, %add3A_829, %add3A_833, %add3A_837, %add3A_841, %add3A_845, %add3A_849, %add3A_853, %add3A_857, %add3A_861, %add3A_865 : vector<16xf32>, vector<16xf32>, vector<16xf32>, vector<16xf32>, vector<16xf32>, vector<16xf32>, vector<16xf32>, vector<16xf32>, vector<16xf32>, vector<16xf32>, vector<16xf32>, vector<16xf32>, vector<16xf32>, vector<16xf32>, vector<16xf32>, vector<16xf32>, vector<16xf32>, vector<16xf32>, vector<16xf32>, vector<16xf32>, vector<16xf32>, vector<16xf32>, vector<16xf32>, vector<16xf32>
        }
        %while3A_741 = arith.constant 1 : i32
        %while3A_742:24 = scf.for %while3A_745 = %while3A_738 to %while3A_734 step %while3A_741 iter_args(%while3A_746 = %while3A_740#0, %while3A_747 = %while3A_740#1, %while3A_748 = %while3A_740#2, %while3A_749 = %while3A_740#3, %while3A_750 = %while3A_740#4, %while3A_751 = %while3A_740#5, %while3A_752 = %while3A_740#6, %while3A_753 = %while3A_740#7, %while3A_754 = %while3A_740#8, %while3A_755 = %while3A_740#9, %while3A_756 = %while3A_740#10, %while3A_757 = %while3A_740#11, %while3A_758 = %while3A_740#12, %while3A_759 = %while3A_740#13, %while3A_760 = %while3A_740#14, %while3A_761 = %while3A_740#15, %while3A_762 = %while3A_740#16, %while3A_763 = %while3A_740#17, %while3A_764 = %while3A_740#18, %while3A_765 = %while3A_740#19, %while3A_766 = %while3A_740#20, %while3A_767 = %while3A_740#21, %while3A_768 = %while3A_740#22, %while3A_769 = %while3A_740#23) -> (vector<16xf32>, vector<16xf32>, vector<16xf32>, vector<16xf32>, vector<16xf32>, vector<16xf32>, vector<16xf32>, vector<16xf32>, vector<16xf32>, vector<16xf32>, vector<16xf32>, vector<16xf32>, vector<16xf32>, vector<16xf32>, vector<16xf32>, vector<16xf32>, vector<16xf32>, vector<16xf32>, vector<16xf32>, vector<16xf32>, vector<16xf32>, vector<16xf32>, vector<16xf32>, vector<16xf32>)  : i32 {
          %get3A_770 = arith.index_cast %while3A_745 : i32 to index
          %get3A_771 = arith.constant 0 : index
          %get3A_772 = tpu.vector_load %arg6[%get3A_770, %get3A_771] {strides = array<i32>} : memref<64x384xf32, #tpu.memory_space<vmem>>, vector<16xf32>,
          %add3A_773 = arith.addf %while3A_746, %get3A_772 : vector<16xf32>
          %get3A_774 = arith.index_cast %while3A_745 : i32 to index
          %get3A_775 = arith.constant 16 : index
          %get3A_776 = tpu.vector_load %arg6[%get3A_774, %get3A_775] {strides = array<i32>} : memref<64x384xf32, #tpu.memory_space<vmem>>, vector<16xf32>,
          %add3A_777 = arith.addf %while3A_747, %get3A_776 : vector<16xf32>
          %get3A_778 = arith.index_cast %while3A_745 : i32 to index
          %get3A_779 = arith.constant 32 : index
          %get3A_780 = tpu.vector_load %arg6[%get3A_778, %get3A_779] {strides = array<i32>} : memref<64x384xf32, #tpu.memory_space<vmem>>, vector<16xf32>,
          %add3A_781 = arith.addf %while3A_748, %get3A_780 : vector<16xf32>
          %get3A_782 = arith.index_cast %while3A_745 : i32 to index
          %get3A_783 = arith.constant 48 : index
          %get3A_784 = tpu.vector_load %arg6[%get3A_782, %get3A_783] {strides = array<i32>} : memref<64x384xf32, #tpu.memory_space<vmem>>, vector<16xf32>,
          %add3A_785 = arith.addf %while3A_749, %get3A_784 : vector<16xf32>
          %get3A_786 = arith.index_cast %while3A_745 : i32 to index
          %get3A_787 = arith.constant 64 : index
          %get3A_788 = tpu.vector_load %arg6[%get3A_786, %get3A_787] {strides = array<i32>} : memref<64x384xf32, #tpu.memory_space<vmem>>, vector<16xf32>,
          %add3A_789 = arith.addf %while3A_750, %get3A_788 : vector<16xf32>
          %get3A_790 = arith.index_cast %while3A_745 : i32 to index
          %get3A_791 = arith.constant 80 : index
          %get3A_792 = tpu.vector_load %arg6[%get3A_790, %get3A_791] {strides = array<i32>} : memref<64x384xf32, #tpu.memory_space<vmem>>, vector<16xf32>,
          %add3A_793 = arith.addf %while3A_751, %get3A_792 : vector<16xf32>
          %get3A_794 = arith.index_cast %while3A_745 : i32 to index
          %get3A_795 = arith.constant 96 : index
          %get3A_796 = tpu.vector_load %arg6[%get3A_794, %get3A_795] {strides = array<i32>} : memref<64x384xf32, #tpu.memory_space<vmem>>, vector<16xf32>,
          %add3A_797 = arith.addf %while3A_752, %get3A_796 : vector<16xf32>
          %get3A_798 = arith.index_cast %while3A_745 : i32 to index
          %get3A_799 = arith.constant 112 : index
          %get3A_800 = tpu.vector_load %arg6[%get3A_798, %get3A_799] {strides = array<i32>} : memref<64x384xf32, #tpu.memory_space<vmem>>, vector<16xf32>,
          %add3A_801 = arith.addf %while3A_753, %get3A_800 : vector<16xf32>
          %get3A_802 = arith.index_cast %while3A_745 : i32 to index
          %get3A_803 = arith.constant 128 : index
          %get3A_804 = tpu.vector_load %arg6[%get3A_802, %get3A_803] {strides = array<i32>} : memref<64x384xf32, #tpu.memory_space<vmem>>, vector<16xf32>,
          %add3A_805 = arith.addf %while3A_754, %get3A_804 : vector<16xf32>
          %get3A_806 = arith.index_cast %while3A_745 : i32 to index
          %get3A_807 = arith.constant 144 : index
          %get3A_808 = tpu.vector_load %arg6[%get3A_806, %get3A_807] {strides = array<i32>} : memref<64x384xf32, #tpu.memory_space<vmem>>, vector<16xf32>,
          %add3A_809 = arith.addf %while3A_755, %get3A_808 : vector<16xf32>
          %get3A_810 = arith.index_cast %while3A_745 : i32 to index
          %get3A_811 = arith.constant 160 : index
          %get3A_812 = tpu.vector_load %arg6[%get3A_810, %get3A_811] {strides = array<i32>} : memref<64x384xf32, #tpu.memory_space<vmem>>, vector<16xf32>,
          %add3A_813 = arith.addf %while3A_756, %get3A_812 : vector<16xf32>
          %get3A_814 = arith.index_cast %while3A_745 : i32 to index
          %get3A_815 = arith.constant 176 : index
          %get3A_816 = tpu.vector_load %arg6[%get3A_814, %get3A_815] {strides = array<i32>} : memref<64x384xf32, #tpu.memory_space<vmem>>, vector<16xf32>,
          %add3A_817 = arith.addf %while3A_757, %get3A_816 : vector<16xf32>
          %get3A_818 = arith.index_cast %while3A_745 : i32 to index
          %get3A_819 = arith.constant 192 : index
          %get3A_820 = tpu.vector_load %arg6[%get3A_818, %get3A_819] {strides = array<i32>} : memref<64x384xf32, #tpu.memory_space<vmem>>, vector<16xf32>,
          %add3A_821 = arith.addf %while3A_758, %get3A_820 : vector<16xf32>
          %get3A_822 = arith.index_cast %while3A_745 : i32 to index
          %get3A_823 = arith.constant 208 : index
          %get3A_824 = tpu.vector_load %arg6[%get3A_822, %get3A_823] {strides = array<i32>} : memref<64x384xf32, #tpu.memory_space<vmem>>, vector<16xf32>,
          %add3A_825 = arith.addf %while3A_759, %get3A_824 : vector<16xf32>
          %get3A_826 = arith.index_cast %while3A_745 : i32 to index
          %get3A_827 = arith.constant 224 : index
          %get3A_828 = tpu.vector_load %arg6[%get3A_826, %get3A_827] {strides = array<i32>} : memref<64x384xf32, #tpu.memory_space<vmem>>, vector<16xf32>,
          %add3A_829 = arith.addf %while3A_760, %get3A_828 : vector<16xf32>
          %get3A_830 = arith.index_cast %while3A_745 : i32 to index
          %get3A_831 = arith.constant 240 : index
          %get3A_832 = tpu.vector_load %arg6[%get3A_830, %get3A_831] {strides = array<i32>} : memref<64x384xf32, #tpu.memory_space<vmem>>, vector<16xf32>,
          %add3A_833 = arith.addf %while3A_761, %get3A_832 : vector<16xf32>
          %get3A_834 = arith.index_cast %while3A_745 : i32 to index
          %get3A_835 = arith.constant 256 : index
          %get3A_836 = tpu.vector_load %arg6[%get3A_834, %get3A_835] {strides = array<i32>} : memref<64x384xf32, #tpu.memory_space<vmem>>, vector<16xf32>,
          %add3A_837 = arith.addf %while3A_762, %get3A_836 : vector<16xf32>
          %get3A_838 = arith.index_cast %while3A_745 : i32 to index
          %get3A_839 = arith.constant 272 : index
          %get3A_840 = tpu.vector_load %arg6[%get3A_838, %get3A_839] {strides = array<i32>} : memref<64x384xf32, #tpu.memory_space<vmem>>, vector<16xf32>,
          %add3A_841 = arith.addf %while3A_763, %get3A_840 : vector<16xf32>
          %get3A_842 = arith.index_cast %while3A_745 : i32 to index
          %get3A_843 = arith.constant 288 : index
          %get3A_844 = tpu.vector_load %arg6[%get3A_842, %get3A_843] {strides = array<i32>} : memref<64x384xf32, #tpu.memory_space<vmem>>, vector<16xf32>,
          %add3A_845 = arith.addf %while3A_764, %get3A_844 : vector<16xf32>
          %get3A_846 = arith.index_cast %while3A_745 : i32 to index
          %get3A_847 = arith.constant 304 : index
          %get3A_848 = tpu.vector_load %arg6[%get3A_846, %get3A_847] {strides = array<i32>} : memref<64x384xf32, #tpu.memory_space<vmem>>, vector<16xf32>,
          %add3A_849 = arith.addf %while3A_765, %get3A_848 : vector<16xf32>
          %get3A_850 = arith.index_cast %while3A_745 : i32 to index
          %get3A_851 = arith.constant 320 : index
          %get3A_852 = tpu.vector_load %arg6[%get3A_850, %get3A_851] {strides = array<i32>} : memref<64x384xf32, #tpu.memory_space<vmem>>, vector<16xf32>,
          %add3A_853 = arith.addf %while3A_766, %get3A_852 : vector<16xf32>
          %get3A_854 = arith.index_cast %while3A_745 : i32 to index
          %get3A_855 = arith.constant 336 : index
          %get3A_856 = tpu.vector_load %arg6[%get3A_854, %get3A_855] {strides = array<i32>} : memref<64x384xf32, #tpu.memory_space<vmem>>, vector<16xf32>,
          %add3A_857 = arith.addf %while3A_767, %get3A_856 : vector<16xf32>
          %get3A_858 = arith.index_cast %while3A_745 : i32 to index
          %get3A_859 = arith.constant 352 : index
          %get3A_860 = tpu.vector_load %arg6[%get3A_858, %get3A_859] {strides = array<i32>} : memref<64x384xf32, #tpu.memory_space<vmem>>, vector<16xf32>,
          %add3A_861 = arith.addf %while3A_768, %get3A_860 : vector<16xf32>
          %get3A_862 = arith.index_cast %while3A_745 : i32 to index
          %get3A_863 = arith.constant 368 : index
          %get3A_864 = tpu.vector_load %arg6[%get3A_862, %get3A_863] {strides = array<i32>} : memref<64x384xf32, #tpu.memory_space<vmem>>, vector<16xf32>,
          %add3A_865 = arith.addf %while3A_769, %get3A_864 : vector<16xf32>
          scf.yield %add3A_773, %add3A_777, %add3A_781, %add3A_785, %add3A_789, %add3A_793, %add3A_797, %add3A_801, %add3A_805, %add3A_809, %add3A_813, %add3A_817, %add3A_821, %add3A_825, %add3A_829, %add3A_833, %add3A_837, %add3A_841, %add3A_845, %add3A_849, %add3A_853, %add3A_857, %add3A_861, %add3A_865 : vector<16xf32>, vector<16xf32>, vector<16xf32>, vector<16xf32>, vector<16xf32>, vector<16xf32>, vector<16xf32>, vector<16xf32>, vector<16xf32>, vector<16xf32>, vector<16xf32>, vector<16xf32>, vector<16xf32>, vector<16xf32>, vector<16xf32>, vector<16xf32>, vector<16xf32>, vector<16xf32>, vector<16xf32>, vector<16xf32>, vector<16xf32>, vector<16xf32>, vector<16xf32>, vector<16xf32>
        }
        %sub3A_743 = arith.subi %get3A_650, %get3A_646 : i32
        %add3A_744 = arith.addi %select_n3A_732, %sub3A_743 : i32
        scf.yield %get3A_652, %add3A_744, %while3A_742#0, %while3A_742#1, %while3A_742#2, %while3A_742#3, %while3A_742#4, %while3A_742#5, %while3A_742#6, %while3A_742#7, %while3A_742#8, %while3A_742#9, %while3A_742#10, %while3A_742#11, %while3A_742#12, %while3A_742#13, %while3A_742#14, %while3A_742#15, %while3A_742#16, %while3A_742#17, %while3A_742#18, %while3A_742#19, %while3A_742#20, %while3A_742#21, %while3A_742#22, %while3A_742#23 : i32, i32, vector<16xf32>, vector<16xf32>, vector<16xf32>, vector<16xf32>, vector<16xf32>, vector<16xf32>, vector<16xf32>, vector<16xf32>, vector<16xf32>, vector<16xf32>, vector<16xf32>, vector<16xf32>, vector<16xf32>, vector<16xf32>, vector<16xf32>, vector<16xf32>, vector<16xf32>, vector<16xf32>, vector<16xf32>, vector<16xf32>, vector<16xf32>, vector<16xf32>, vector<16xf32>, vector<16xf32>
      }
      %while3A_616 = arith.constant 1 : i32
      %while3A_617:26 = scf.for %while3A_618 = %while3A_613 to %while3A_609 step %while3A_616 iter_args(%while3A_619 = %while3A_615#0, %while3A_620 = %while3A_615#1, %while3A_621 = %while3A_615#2, %while3A_622 = %while3A_615#3, %while3A_623 = %while3A_615#4, %while3A_624 = %while3A_615#5, %while3A_625 = %while3A_615#6, %while3A_626 = %while3A_615#7, %while3A_627 = %while3A_615#8, %while3A_628 = %while3A_615#9, %while3A_629 = %while3A_615#10, %while3A_630 = %while3A_615#11, %while3A_631 = %while3A_615#12, %while3A_632 = %while3A_615#13, %while3A_633 = %while3A_615#14, %while3A_634 = %while3A_615#15, %while3A_635 = %while3A_615#16, %while3A_636 = %while3A_615#17, %while3A_637 = %while3A_615#18, %while3A_638 = %while3A_615#19, %while3A_639 = %while3A_615#20, %while3A_640 = %while3A_615#21, %while3A_641 = %while3A_615#22, %while3A_642 = %while3A_615#23, %while3A_643 = %while3A_615#24, %while3A_644 = %while3A_615#25) -> (i32, i32, vector<16xf32>, vector<16xf32>, vector<16xf32>, vector<16xf32>, vector<16xf32>, vector<16xf32>, vector<16xf32>, vector<16xf32>, vector<16xf32>, vector<16xf32>, vector<16xf32>, vector<16xf32>, vector<16xf32>, vector<16xf32>, vector<16xf32>, vector<16xf32>, vector<16xf32>, vector<16xf32>, vector<16xf32>, vector<16xf32>, vector<16xf32>, vector<16xf32>, vector<16xf32>, vector<16xf32>)  : i32 {
        %get3A_645 = arith.index_cast %while3A_618 : i32 to index
        %get3A_646 = memref.load %arg13[%get3A_645] : memref<80xi32, #tpu.memory_space<smem>>
        %add3A_647 = arith.constant 1 : i32
        %add3A_648 = arith.addi %while3A_618, %add3A_647 : i32
        %get3A_649 = arith.index_cast %add3A_648 : i32 to index
        %get3A_650 = memref.load %arg13[%get3A_649] : memref<80xi32, #tpu.memory_space<smem>>
        %get3A_651 = arith.index_cast %while3A_618 : i32 to index
        %get3A_652 = memref.load %arg14[%get3A_651] : memref<80xi32, #tpu.memory_space<smem>>
        %ne3A_653 = arith.cmpi ne, %get3A_652, %while3A_619 : i32
        %convert_element_type3A_654 = arith.extui %ne3A_653 : i1 to i32
        %cond3A_655 = arith.constant 0 : i32
        %cond3A_656 = arith.cmpi ne, %convert_element_type3A_654, %cond3A_655 : i32
        scf.if %cond3A_656 {
          %ge3A_745 = arith.constant 0 : i32
          %ge3A_746 = arith.cmpi sge, %while3A_619, %ge3A_745 : i32
          %convert_element_type3A_747 = arith.extui %ge3A_746 : i1 to i32
          %cond3A_748 = arith.constant 0 : i32
          %cond3A_749 = arith.cmpi ne, %convert_element_type3A_747, %cond3A_748 : i32
          scf.if %cond3A_749 {
            %convert_element_type3A_750 = arith.sitofp %while3A_620 : i32 to f32
            %broadcast_in_dim3A_751 = vector.broadcast %convert_element_type3A_750 : f32 to vector<16xf32>
            %swap3A = arith.index_cast %while3A_619 : i32 to index
            %swap3A_752 = arith.constant 0 : index
            %swap3A_753 = tpu.vector_load %arg9[%swap3A, %swap3A_752] {strides = array<i32>} : memref<128x16xf32, #tpu.memory_space<vmem>>, vector<16xf32>,
            tpu.vector_store %arg9[%swap3A, %swap3A_752], %broadcast_in_dim3A_751 {add = true, strides = array<i32>} : memref<128x16xf32, #tpu.memory_space<vmem>>, vector<16xf32>,
            %swap3A_754 = arith.index_cast %while3A_619 : i32 to index
            %swap3A_755 = arith.constant 0 : index
            %swap3A_756 = tpu.vector_load %arg8[%swap3A_754, %swap3A_755] {strides = array<i32>} : memref<128x384xf32, #tpu.memory_space<vmem>>, vector<16xf32>,
            tpu.vector_store %arg8[%swap3A_754, %swap3A_755], %while3A_621 {add = true, strides = array<i32>} : memref<128x384xf32, #tpu.memory_space<vmem>>, vector<16xf32>,
            %swap3A_757 = arith.index_cast %while3A_619 : i32 to index
            %swap3A_758 = arith.constant 16 : index
            %swap3A_759 = tpu.vector_load %arg8[%swap3A_757, %swap3A_758] {strides = array<i32>} : memref<128x384xf32, #tpu.memory_space<vmem>>, vector<16xf32>,
            tpu.vector_store %arg8[%swap3A_757, %swap3A_758], %while3A_622 {add = true, strides = array<i32>} : memref<128x384xf32, #tpu.memory_space<vmem>>, vector<16xf32>,
            %swap3A_760 = arith.index_cast %while3A_619 : i32 to index
            %swap3A_761 = arith.constant 32 : index
            %swap3A_762 = tpu.vector_load %arg8[%swap3A_760, %swap3A_761] {strides = array<i32>} : memref<128x384xf32, #tpu.memory_space<vmem>>, vector<16xf32>,
            tpu.vector_store %arg8[%swap3A_760, %swap3A_761], %while3A_623 {add = true, strides = array<i32>} : memref<128x384xf32, #tpu.memory_space<vmem>>, vector<16xf32>,
            %swap3A_763 = arith.index_cast %while3A_619 : i32 to index
            %swap3A_764 = arith.constant 48 : index
            %swap3A_765 = tpu.vector_load %arg8[%swap3A_763, %swap3A_764] {strides = array<i32>} : memref<128x384xf32, #tpu.memory_space<vmem>>, vector<16xf32>,
            tpu.vector_store %arg8[%swap3A_763, %swap3A_764], %while3A_624 {add = true, strides = array<i32>} : memref<128x384xf32, #tpu.memory_space<vmem>>, vector<16xf32>,
            %swap3A_766 = arith.index_cast %while3A_619 : i32 to index
            %swap3A_767 = arith.constant 64 : index
            %swap3A_768 = tpu.vector_load %arg8[%swap3A_766, %swap3A_767] {strides = array<i32>} : memref<128x384xf32, #tpu.memory_space<vmem>>, vector<16xf32>,
            tpu.vector_store %arg8[%swap3A_766, %swap3A_767], %while3A_625 {add = true, strides = array<i32>} : memref<128x384xf32, #tpu.memory_space<vmem>>, vector<16xf32>,
            %swap3A_769 = arith.index_cast %while3A_619 : i32 to index
            %swap3A_770 = arith.constant 80 : index
            %swap3A_771 = tpu.vector_load %arg8[%swap3A_769, %swap3A_770] {strides = array<i32>} : memref<128x384xf32, #tpu.memory_space<vmem>>, vector<16xf32>,
            tpu.vector_store %arg8[%swap3A_769, %swap3A_770], %while3A_626 {add = true, strides = array<i32>} : memref<128x384xf32, #tpu.memory_space<vmem>>, vector<16xf32>,
            %swap3A_772 = arith.index_cast %while3A_619 : i32 to index
            %swap3A_773 = arith.constant 96 : index
            %swap3A_774 = tpu.vector_load %arg8[%swap3A_772, %swap3A_773] {strides = array<i32>} : memref<128x384xf32, #tpu.memory_space<vmem>>, vector<16xf32>,
            tpu.vector_store %arg8[%swap3A_772, %swap3A_773], %while3A_627 {add = true, strides = array<i32>} : memref<128x384xf32, #tpu.memory_space<vmem>>, vector<16xf32>,
            %swap3A_775 = arith.index_cast %while3A_619 : i32 to index
            %swap3A_776 = arith.constant 112 : index
            %swap3A_777 = tpu.vector_load %arg8[%swap3A_775, %swap3A_776] {strides = array<i32>} : memref<128x384xf32, #tpu.memory_space<vmem>>, vector<16xf32>,
            tpu.vector_store %arg8[%swap3A_775, %swap3A_776], %while3A_628 {add = true, strides = array<i32>} : memref<128x384xf32, #tpu.memory_space<vmem>>, vector<16xf32>,
            %swap3A_778 = arith.index_cast %while3A_619 : i32 to index
            %swap3A_779 = arith.constant 128 : index
            %swap3A_780 = tpu.vector_load %arg8[%swap3A_778, %swap3A_779] {strides = array<i32>} : memref<128x384xf32, #tpu.memory_space<vmem>>, vector<16xf32>,
            tpu.vector_store %arg8[%swap3A_778, %swap3A_779], %while3A_629 {add = true, strides = array<i32>} : memref<128x384xf32, #tpu.memory_space<vmem>>, vector<16xf32>,
            %swap3A_781 = arith.index_cast %while3A_619 : i32 to index
            %swap3A_782 = arith.constant 144 : index
            %swap3A_783 = tpu.vector_load %arg8[%swap3A_781, %swap3A_782] {strides = array<i32>} : memref<128x384xf32, #tpu.memory_space<vmem>>, vector<16xf32>,
            tpu.vector_store %arg8[%swap3A_781, %swap3A_782], %while3A_630 {add = true, strides = array<i32>} : memref<128x384xf32, #tpu.memory_space<vmem>>, vector<16xf32>,
            %swap3A_784 = arith.index_cast %while3A_619 : i32 to index
            %swap3A_785 = arith.constant 160 : index
            %swap3A_786 = tpu.vector_load %arg8[%swap3A_784, %swap3A_785] {strides = array<i32>} : memref<128x384xf32, #tpu.memory_space<vmem>>, vector<16xf32>,
            tpu.vector_store %arg8[%swap3A_784, %swap3A_785], %while3A_631 {add = true, strides = array<i32>} : memref<128x384xf32, #tpu.memory_space<vmem>>, vector<16xf32>,
            %swap3A_787 = arith.index_cast %while3A_619 : i32 to index
            %swap3A_788 = arith.constant 176 : index
            %swap3A_789 = tpu.vector_load %arg8[%swap3A_787, %swap3A_788] {strides = array<i32>} : memref<128x384xf32, #tpu.memory_space<vmem>>, vector<16xf32>,
            tpu.vector_store %arg8[%swap3A_787, %swap3A_788], %while3A_632 {add = true, strides = array<i32>} : memref<128x384xf32, #tpu.memory_space<vmem>>, vector<16xf32>,
            %swap3A_790 = arith.index_cast %while3A_619 : i32 to index
            %swap3A_791 = arith.constant 192 : index
            %swap3A_792 = tpu.vector_load %arg8[%swap3A_790, %swap3A_791] {strides = array<i32>} : memref<128x384xf32, #tpu.memory_space<vmem>>, vector<16xf32>,
            tpu.vector_store %arg8[%swap3A_790, %swap3A_791], %while3A_633 {add = true, strides = array<i32>} : memref<128x384xf32, #tpu.memory_space<vmem>>, vector<16xf32>,
            %swap3A_793 = arith.index_cast %while3A_619 : i32 to index
            %swap3A_794 = arith.constant 208 : index
            %swap3A_795 = tpu.vector_load %arg8[%swap3A_793, %swap3A_794] {strides = array<i32>} : memref<128x384xf32, #tpu.memory_space<vmem>>, vector<16xf32>,
            tpu.vector_store %arg8[%swap3A_793, %swap3A_794], %while3A_634 {add = true, strides = array<i32>} : memref<128x384xf32, #tpu.memory_space<vmem>>, vector<16xf32>,
            %swap3A_796 = arith.index_cast %while3A_619 : i32 to index
            %swap3A_797 = arith.constant 224 : index
            %swap3A_798 = tpu.vector_load %arg8[%swap3A_796, %swap3A_797] {strides = array<i32>} : memref<128x384xf32, #tpu.memory_space<vmem>>, vector<16xf32>,
            tpu.vector_store %arg8[%swap3A_796, %swap3A_797], %while3A_635 {add = true, strides = array<i32>} : memref<128x384xf32, #tpu.memory_space<vmem>>, vector<16xf32>,
            %swap3A_799 = arith.index_cast %while3A_619 : i32 to index
            %swap3A_800 = arith.constant 240 : index
            %swap3A_801 = tpu.vector_load %arg8[%swap3A_799, %swap3A_800] {strides = array<i32>} : memref<128x384xf32, #tpu.memory_space<vmem>>, vector<16xf32>,
            tpu.vector_store %arg8[%swap3A_799, %swap3A_800], %while3A_636 {add = true, strides = array<i32>} : memref<128x384xf32, #tpu.memory_space<vmem>>, vector<16xf32>,
            %swap3A_802 = arith.index_cast %while3A_619 : i32 to index
            %swap3A_803 = arith.constant 256 : index
            %swap3A_804 = tpu.vector_load %arg8[%swap3A_802, %swap3A_803] {strides = array<i32>} : memref<128x384xf32, #tpu.memory_space<vmem>>, vector<16xf32>,
            tpu.vector_store %arg8[%swap3A_802, %swap3A_803], %while3A_637 {add = true, strides = array<i32>} : memref<128x384xf32, #tpu.memory_space<vmem>>, vector<16xf32>,
            %swap3A_805 = arith.index_cast %while3A_619 : i32 to index
            %swap3A_806 = arith.constant 272 : index
            %swap3A_807 = tpu.vector_load %arg8[%swap3A_805, %swap3A_806] {strides = array<i32>} : memref<128x384xf32, #tpu.memory_space<vmem>>, vector<16xf32>,
            tpu.vector_store %arg8[%swap3A_805, %swap3A_806], %while3A_638 {add = true, strides = array<i32>} : memref<128x384xf32, #tpu.memory_space<vmem>>, vector<16xf32>,
            %swap3A_808 = arith.index_cast %while3A_619 : i32 to index
            %swap3A_809 = arith.constant 288 : index
            %swap3A_810 = tpu.vector_load %arg8[%swap3A_808, %swap3A_809] {strides = array<i32>} : memref<128x384xf32, #tpu.memory_space<vmem>>, vector<16xf32>,
            tpu.vector_store %arg8[%swap3A_808, %swap3A_809], %while3A_639 {add = true, strides = array<i32>} : memref<128x384xf32, #tpu.memory_space<vmem>>, vector<16xf32>,
            %swap3A_811 = arith.index_cast %while3A_619 : i32 to index
            %swap3A_812 = arith.constant 304 : index
            %swap3A_813 = tpu.vector_load %arg8[%swap3A_811, %swap3A_812] {strides = array<i32>} : memref<128x384xf32, #tpu.memory_space<vmem>>, vector<16xf32>,
            tpu.vector_store %arg8[%swap3A_811, %swap3A_812], %while3A_640 {add = true, strides = array<i32>} : memref<128x384xf32, #tpu.memory_space<vmem>>, vector<16xf32>,
            %swap3A_814 = arith.index_cast %while3A_619 : i32 to index
            %swap3A_815 = arith.constant 320 : index
            %swap3A_816 = tpu.vector_load %arg8[%swap3A_814, %swap3A_815] {strides = array<i32>} : memref<128x384xf32, #tpu.memory_space<vmem>>, vector<16xf32>,
            tpu.vector_store %arg8[%swap3A_814, %swap3A_815], %while3A_641 {add = true, strides = array<i32>} : memref<128x384xf32, #tpu.memory_space<vmem>>, vector<16xf32>,
            %swap3A_817 = arith.index_cast %while3A_619 : i32 to index
            %swap3A_818 = arith.constant 336 : index
            %swap3A_819 = tpu.vector_load %arg8[%swap3A_817, %swap3A_818] {strides = array<i32>} : memref<128x384xf32, #tpu.memory_space<vmem>>, vector<16xf32>,
            tpu.vector_store %arg8[%swap3A_817, %swap3A_818], %while3A_642 {add = true, strides = array<i32>} : memref<128x384xf32, #tpu.memory_space<vmem>>, vector<16xf32>,
            %swap3A_820 = arith.index_cast %while3A_619 : i32 to index
            %swap3A_821 = arith.constant 352 : index
            %swap3A_822 = tpu.vector_load %arg8[%swap3A_820, %swap3A_821] {strides = array<i32>} : memref<128x384xf32, #tpu.memory_space<vmem>>, vector<16xf32>,
            tpu.vector_store %arg8[%swap3A_820, %swap3A_821], %while3A_643 {add = true, strides = array<i32>} : memref<128x384xf32, #tpu.memory_space<vmem>>, vector<16xf32>,
            %swap3A_823 = arith.index_cast %while3A_619 : i32 to index
            %swap3A_824 = arith.constant 368 : index
            %swap3A_825 = tpu.vector_load %arg8[%swap3A_823, %swap3A_824] {strides = array<i32>} : memref<128x384xf32, #tpu.memory_space<vmem>>, vector<16xf32>,
            tpu.vector_store %arg8[%swap3A_823, %swap3A_824], %while3A_644 {add = true, strides = array<i32>} : memref<128x384xf32, #tpu.memory_space<vmem>>, vector<16xf32>,
          } else {
          }
        } else {
        }
        %not3A = arith.constant true
        %not3A_657 = arith.xori %ne3A_653, %not3A : i1
        %broadcast_in_dim3A_658 = vector.broadcast %not3A_657 : i1 to vector<16xi1>
        %jit3A_659 = arith.constant 0.000000e+00 : f32
        %broadcast_in_dim3A_660 = vector.broadcast %jit3A_659 : f32 to vector<16xf32>
        %select_n3A_661 = arith.select %broadcast_in_dim3A_658, %while3A_621, %broadcast_in_dim3A_660 : vector<16xi1>, vector<16xf32>
        %jit3A_662 = arith.constant 0.000000e+00 : f32
        %broadcast_in_dim3A_663 = vector.broadcast %jit3A_662 : f32 to vector<16xf32>
        %select_n3A_664 = arith.select %broadcast_in_dim3A_658, %while3A_622, %broadcast_in_dim3A_663 : vector<16xi1>, vector<16xf32>
        %jit3A_665 = arith.constant 0.000000e+00 : f32
        %broadcast_in_dim3A_666 = vector.broadcast %jit3A_665 : f32 to vector<16xf32>
        %select_n3A_667 = arith.select %broadcast_in_dim3A_658, %while3A_623, %broadcast_in_dim3A_666 : vector<16xi1>, vector<16xf32>
        %jit3A_668 = arith.constant 0.000000e+00 : f32
        %broadcast_in_dim3A_669 = vector.broadcast %jit3A_668 : f32 to vector<16xf32>
        %select_n3A_670 = arith.select %broadcast_in_dim3A_658, %while3A_624, %broadcast_in_dim3A_669 : vector<16xi1>, vector<16xf32>
        %jit3A_671 = arith.constant 0.000000e+00 : f32
        %broadcast_in_dim3A_672 = vector.broadcast %jit3A_671 : f32 to vector<16xf32>
        %select_n3A_673 = arith.select %broadcast_in_dim3A_658, %while3A_625, %broadcast_in_dim3A_672 : vector<16xi1>, vector<16xf32>
        %jit3A_674 = arith.constant 0.000000e+00 : f32
        %broadcast_in_dim3A_675 = vector.broadcast %jit3A_674 : f32 to vector<16xf32>
        %select_n3A_676 = arith.select %broadcast_in_dim3A_658, %while3A_626, %broadcast_in_dim3A_675 : vector<16xi1>, vector<16xf32>
        %jit3A_677 = arith.constant 0.000000e+00 : f32
        %broadcast_in_dim3A_678 = vector.broadcast %jit3A_677 : f32 to vector<16xf32>
        %select_n3A_679 = arith.select %broadcast_in_dim3A_658, %while3A_627, %broadcast_in_dim3A_678 : vector<16xi1>, vector<16xf32>
        %jit3A_680 = arith.constant 0.000000e+00 : f32
        %broadcast_in_dim3A_681 = vector.broadcast %jit3A_680 : f32 to vector<16xf32>
        %select_n3A_682 = arith.select %broadcast_in_dim3A_658, %while3A_628, %broadcast_in_dim3A_681 : vector<16xi1>, vector<16xf32>
        %jit3A_683 = arith.constant 0.000000e+00 : f32
        %broadcast_in_dim3A_684 = vector.broadcast %jit3A_683 : f32 to vector<16xf32>
        %select_n3A_685 = arith.select %broadcast_in_dim3A_658, %while3A_629, %broadcast_in_dim3A_684 : vector<16xi1>, vector<16xf32>
        %jit3A_686 = arith.constant 0.000000e+00 : f32
        %broadcast_in_dim3A_687 = vector.broadcast %jit3A_686 : f32 to vector<16xf32>
        %select_n3A_688 = arith.select %broadcast_in_dim3A_658, %while3A_630, %broadcast_in_dim3A_687 : vector<16xi1>, vector<16xf32>
        %jit3A_689 = arith.constant 0.000000e+00 : f32
        %broadcast_in_dim3A_690 = vector.broadcast %jit3A_689 : f32 to vector<16xf32>
        %select_n3A_691 = arith.select %broadcast_in_dim3A_658, %while3A_631, %broadcast_in_dim3A_690 : vector<16xi1>, vector<16xf32>
        %jit3A_692 = arith.constant 0.000000e+00 : f32
        %broadcast_in_dim3A_693 = vector.broadcast %jit3A_692 : f32 to vector<16xf32>
        %select_n3A_694 = arith.select %broadcast_in_dim3A_658, %while3A_632, %broadcast_in_dim3A_693 : vector<16xi1>, vector<16xf32>
        %jit3A_695 = arith.constant 0.000000e+00 : f32
        %broadcast_in_dim3A_696 = vector.broadcast %jit3A_695 : f32 to vector<16xf32>
        %select_n3A_697 = arith.select %broadcast_in_dim3A_658, %while3A_633, %broadcast_in_dim3A_696 : vector<16xi1>, vector<16xf32>
        %jit3A_698 = arith.constant 0.000000e+00 : f32
        %broadcast_in_dim3A_699 = vector.broadcast %jit3A_698 : f32 to vector<16xf32>
        %select_n3A_700 = arith.select %broadcast_in_dim3A_658, %while3A_634, %broadcast_in_dim3A_699 : vector<16xi1>, vector<16xf32>
        %jit3A_701 = arith.constant 0.000000e+00 : f32
        %broadcast_in_dim3A_702 = vector.broadcast %jit3A_701 : f32 to vector<16xf32>
        %select_n3A_703 = arith.select %broadcast_in_dim3A_658, %while3A_635, %broadcast_in_dim3A_702 : vector<16xi1>, vector<16xf32>
        %jit3A_704 = arith.constant 0.000000e+00 : f32
        %broadcast_in_dim3A_705 = vector.broadcast %jit3A_704 : f32 to vector<16xf32>
        %select_n3A_706 = arith.select %broadcast_in_dim3A_658, %while3A_636, %broadcast_in_dim3A_705 : vector<16xi1>, vector<16xf32>
        %jit3A_707 = arith.constant 0.000000e+00 : f32
        %broadcast_in_dim3A_708 = vector.broadcast %jit3A_707 : f32 to vector<16xf32>
        %select_n3A_709 = arith.select %broadcast_in_dim3A_658, %while3A_637, %broadcast_in_dim3A_708 : vector<16xi1>, vector<16xf32>
        %jit3A_710 = arith.constant 0.000000e+00 : f32
        %broadcast_in_dim3A_711 = vector.broadcast %jit3A_710 : f32 to vector<16xf32>
        %select_n3A_712 = arith.select %broadcast_in_dim3A_658, %while3A_638, %broadcast_in_dim3A_711 : vector<16xi1>, vector<16xf32>
        %jit3A_713 = arith.constant 0.000000e+00 : f32
        %broadcast_in_dim3A_714 = vector.broadcast %jit3A_713 : f32 to vector<16xf32>
        %select_n3A_715 = arith.select %broadcast_in_dim3A_658, %while3A_639, %broadcast_in_dim3A_714 : vector<16xi1>, vector<16xf32>
        %jit3A_716 = arith.constant 0.000000e+00 : f32
        %broadcast_in_dim3A_717 = vector.broadcast %jit3A_716 : f32 to vector<16xf32>
        %select_n3A_718 = arith.select %broadcast_in_dim3A_658, %while3A_640, %broadcast_in_dim3A_717 : vector<16xi1>, vector<16xf32>
        %jit3A_719 = arith.constant 0.000000e+00 : f32
        %broadcast_in_dim3A_720 = vector.broadcast %jit3A_719 : f32 to vector<16xf32>
        %select_n3A_721 = arith.select %broadcast_in_dim3A_658, %while3A_641, %broadcast_in_dim3A_720 : vector<16xi1>, vector<16xf32>
        %jit3A_722 = arith.constant 0.000000e+00 : f32
        %broadcast_in_dim3A_723 = vector.broadcast %jit3A_722 : f32 to vector<16xf32>
        %select_n3A_724 = arith.select %broadcast_in_dim3A_658, %while3A_642, %broadcast_in_dim3A_723 : vector<16xi1>, vector<16xf32>
        %jit3A_725 = arith.constant 0.000000e+00 : f32
        %broadcast_in_dim3A_726 = vector.broadcast %jit3A_725 : f32 to vector<16xf32>
        %select_n3A_727 = arith.select %broadcast_in_dim3A_658, %while3A_643, %broadcast_in_dim3A_726 : vector<16xi1>, vector<16xf32>
        %jit3A_728 = arith.constant 0.000000e+00 : f32
        %broadcast_in_dim3A_729 = vector.broadcast %jit3A_728 : f32 to vector<16xf32>
        %select_n3A_730 = arith.select %broadcast_in_dim3A_658, %while3A_644, %broadcast_in_dim3A_729 : vector<16xi1>, vector<16xf32>
        %jit3A_731 = arith.constant 0 : i32
        %select_n3A_732 = arith.select %ne3A_653, %jit3A_731, %while3A_620 : i32
        %while3A_733 = arith.subi %get3A_650, %get3A_646 : i32
        %while3A_734 = arith.addi %get3A_646, %while3A_733 : i32
        %while3A_735 = arith.constant 1 : i32
        %while3A_736 = arith.divsi %while3A_733, %while3A_735 : i32
        %while3A_737 = arith.muli %while3A_736, %while3A_735 : i32
        %while3A_738 = arith.addi %get3A_646, %while3A_737 : i32
        %while3A_739 = arith.constant 1 : i32
        %while3A_740:24 = scf.for %while3A_745 = %get3A_646 to %while3A_738 step %while3A_739 iter_args(%while3A_746 = %select_n3A_661, %while3A_747 = %select_n3A_664, %while3A_748 = %select_n3A_667, %while3A_749 = %select_n3A_670, %while3A_750 = %select_n3A_673, %while3A_751 = %select_n3A_676, %while3A_752 = %select_n3A_679, %while3A_753 = %select_n3A_682, %while3A_754 = %select_n3A_685, %while3A_755 = %select_n3A_688, %while3A_756 = %select_n3A_691, %while3A_757 = %select_n3A_694, %while3A_758 = %select_n3A_697, %while3A_759 = %select_n3A_700, %while3A_760 = %select_n3A_703, %while3A_761 = %select_n3A_706, %while3A_762 = %select_n3A_709, %while3A_763 = %select_n3A_712, %while3A_764 = %select_n3A_715, %while3A_765 = %select_n3A_718, %while3A_766 = %select_n3A_721, %while3A_767 = %select_n3A_724, %while3A_768 = %select_n3A_727, %while3A_769 = %select_n3A_730) -> (vector<16xf32>, vector<16xf32>, vector<16xf32>, vector<16xf32>, vector<16xf32>, vector<16xf32>, vector<16xf32>, vector<16xf32>, vector<16xf32>, vector<16xf32>, vector<16xf32>, vector<16xf32>, vector<16xf32>, vector<16xf32>, vector<16xf32>, vector<16xf32>, vector<16xf32>, vector<16xf32>, vector<16xf32>, vector<16xf32>, vector<16xf32>, vector<16xf32>, vector<16xf32>, vector<16xf32>)  : i32 {
          %get3A_770 = arith.index_cast %while3A_745 : i32 to index
          %get3A_771 = arith.constant 0 : index
          %get3A_772 = tpu.vector_load %arg6[%get3A_770, %get3A_771] {strides = array<i32>} : memref<64x384xf32, #tpu.memory_space<vmem>>, vector<16xf32>,
          %add3A_773 = arith.addf %while3A_746, %get3A_772 : vector<16xf32>
          %get3A_774 = arith.index_cast %while3A_745 : i32 to index
          %get3A_775 = arith.constant 16 : index
          %get3A_776 = tpu.vector_load %arg6[%get3A_774, %get3A_775] {strides = array<i32>} : memref<64x384xf32, #tpu.memory_space<vmem>>, vector<16xf32>,
          %add3A_777 = arith.addf %while3A_747, %get3A_776 : vector<16xf32>
          %get3A_778 = arith.index_cast %while3A_745 : i32 to index
          %get3A_779 = arith.constant 32 : index
          %get3A_780 = tpu.vector_load %arg6[%get3A_778, %get3A_779] {strides = array<i32>} : memref<64x384xf32, #tpu.memory_space<vmem>>, vector<16xf32>,
          %add3A_781 = arith.addf %while3A_748, %get3A_780 : vector<16xf32>
          %get3A_782 = arith.index_cast %while3A_745 : i32 to index
          %get3A_783 = arith.constant 48 : index
          %get3A_784 = tpu.vector_load %arg6[%get3A_782, %get3A_783] {strides = array<i32>} : memref<64x384xf32, #tpu.memory_space<vmem>>, vector<16xf32>,
          %add3A_785 = arith.addf %while3A_749, %get3A_784 : vector<16xf32>
          %get3A_786 = arith.index_cast %while3A_745 : i32 to index
          %get3A_787 = arith.constant 64 : index
          %get3A_788 = tpu.vector_load %arg6[%get3A_786, %get3A_787] {strides = array<i32>} : memref<64x384xf32, #tpu.memory_space<vmem>>, vector<16xf32>,
          %add3A_789 = arith.addf %while3A_750, %get3A_788 : vector<16xf32>
          %get3A_790 = arith.index_cast %while3A_745 : i32 to index
          %get3A_791 = arith.constant 80 : index
          %get3A_792 = tpu.vector_load %arg6[%get3A_790, %get3A_791] {strides = array<i32>} : memref<64x384xf32, #tpu.memory_space<vmem>>, vector<16xf32>,
          %add3A_793 = arith.addf %while3A_751, %get3A_792 : vector<16xf32>
          %get3A_794 = arith.index_cast %while3A_745 : i32 to index
          %get3A_795 = arith.constant 96 : index
          %get3A_796 = tpu.vector_load %arg6[%get3A_794, %get3A_795] {strides = array<i32>} : memref<64x384xf32, #tpu.memory_space<vmem>>, vector<16xf32>,
          %add3A_797 = arith.addf %while3A_752, %get3A_796 : vector<16xf32>
          %get3A_798 = arith.index_cast %while3A_745 : i32 to index
          %get3A_799 = arith.constant 112 : index
          %get3A_800 = tpu.vector_load %arg6[%get3A_798, %get3A_799] {strides = array<i32>} : memref<64x384xf32, #tpu.memory_space<vmem>>, vector<16xf32>,
          %add3A_801 = arith.addf %while3A_753, %get3A_800 : vector<16xf32>
          %get3A_802 = arith.index_cast %while3A_745 : i32 to index
          %get3A_803 = arith.constant 128 : index
          %get3A_804 = tpu.vector_load %arg6[%get3A_802, %get3A_803] {strides = array<i32>} : memref<64x384xf32, #tpu.memory_space<vmem>>, vector<16xf32>,
          %add3A_805 = arith.addf %while3A_754, %get3A_804 : vector<16xf32>
          %get3A_806 = arith.index_cast %while3A_745 : i32 to index
          %get3A_807 = arith.constant 144 : index
          %get3A_808 = tpu.vector_load %arg6[%get3A_806, %get3A_807] {strides = array<i32>} : memref<64x384xf32, #tpu.memory_space<vmem>>, vector<16xf32>,
          %add3A_809 = arith.addf %while3A_755, %get3A_808 : vector<16xf32>
          %get3A_810 = arith.index_cast %while3A_745 : i32 to index
          %get3A_811 = arith.constant 160 : index
          %get3A_812 = tpu.vector_load %arg6[%get3A_810, %get3A_811] {strides = array<i32>} : memref<64x384xf32, #tpu.memory_space<vmem>>, vector<16xf32>,
          %add3A_813 = arith.addf %while3A_756, %get3A_812 : vector<16xf32>
          %get3A_814 = arith.index_cast %while3A_745 : i32 to index
          %get3A_815 = arith.constant 176 : index
          %get3A_816 = tpu.vector_load %arg6[%get3A_814, %get3A_815] {strides = array<i32>} : memref<64x384xf32, #tpu.memory_space<vmem>>, vector<16xf32>,
          %add3A_817 = arith.addf %while3A_757, %get3A_816 : vector<16xf32>
          %get3A_818 = arith.index_cast %while3A_745 : i32 to index
          %get3A_819 = arith.constant 192 : index
          %get3A_820 = tpu.vector_load %arg6[%get3A_818, %get3A_819] {strides = array<i32>} : memref<64x384xf32, #tpu.memory_space<vmem>>, vector<16xf32>,
          %add3A_821 = arith.addf %while3A_758, %get3A_820 : vector<16xf32>
          %get3A_822 = arith.index_cast %while3A_745 : i32 to index
          %get3A_823 = arith.constant 208 : index
          %get3A_824 = tpu.vector_load %arg6[%get3A_822, %get3A_823] {strides = array<i32>} : memref<64x384xf32, #tpu.memory_space<vmem>>, vector<16xf32>,
          %add3A_825 = arith.addf %while3A_759, %get3A_824 : vector<16xf32>
          %get3A_826 = arith.index_cast %while3A_745 : i32 to index
          %get3A_827 = arith.constant 224 : index
          %get3A_828 = tpu.vector_load %arg6[%get3A_826, %get3A_827] {strides = array<i32>} : memref<64x384xf32, #tpu.memory_space<vmem>>, vector<16xf32>,
          %add3A_829 = arith.addf %while3A_760, %get3A_828 : vector<16xf32>
          %get3A_830 = arith.index_cast %while3A_745 : i32 to index
          %get3A_831 = arith.constant 240 : index
          %get3A_832 = tpu.vector_load %arg6[%get3A_830, %get3A_831] {strides = array<i32>} : memref<64x384xf32, #tpu.memory_space<vmem>>, vector<16xf32>,
          %add3A_833 = arith.addf %while3A_761, %get3A_832 : vector<16xf32>
          %get3A_834 = arith.index_cast %while3A_745 : i32 to index
          %get3A_835 = arith.constant 256 : index
          %get3A_836 = tpu.vector_load %arg6[%get3A_834, %get3A_835] {strides = array<i32>} : memref<64x384xf32, #tpu.memory_space<vmem>>, vector<16xf32>,
          %add3A_837 = arith.addf %while3A_762, %get3A_836 : vector<16xf32>
          %get3A_838 = arith.index_cast %while3A_745 : i32 to index
          %get3A_839 = arith.constant 272 : index
          %get3A_840 = tpu.vector_load %arg6[%get3A_838, %get3A_839] {strides = array<i32>} : memref<64x384xf32, #tpu.memory_space<vmem>>, vector<16xf32>,
          %add3A_841 = arith.addf %while3A_763, %get3A_840 : vector<16xf32>
          %get3A_842 = arith.index_cast %while3A_745 : i32 to index
          %get3A_843 = arith.constant 288 : index
          %get3A_844 = tpu.vector_load %arg6[%get3A_842, %get3A_843] {strides = array<i32>} : memref<64x384xf32, #tpu.memory_space<vmem>>, vector<16xf32>,
          %add3A_845 = arith.addf %while3A_764, %get3A_844 : vector<16xf32>
          %get3A_846 = arith.index_cast %while3A_745 : i32 to index
          %get3A_847 = arith.constant 304 : index
          %get3A_848 = tpu.vector_load %arg6[%get3A_846, %get3A_847] {strides = array<i32>} : memref<64x384xf32, #tpu.memory_space<vmem>>, vector<16xf32>,
          %add3A_849 = arith.addf %while3A_765, %get3A_848 : vector<16xf32>
          %get3A_850 = arith.index_cast %while3A_745 : i32 to index
          %get3A_851 = arith.constant 320 : index
          %get3A_852 = tpu.vector_load %arg6[%get3A_850, %get3A_851] {strides = array<i32>} : memref<64x384xf32, #tpu.memory_space<vmem>>, vector<16xf32>,
          %add3A_853 = arith.addf %while3A_766, %get3A_852 : vector<16xf32>
          %get3A_854 = arith.index_cast %while3A_745 : i32 to index
          %get3A_855 = arith.constant 336 : index
          %get3A_856 = tpu.vector_load %arg6[%get3A_854, %get3A_855] {strides = array<i32>} : memref<64x384xf32, #tpu.memory_space<vmem>>, vector<16xf32>,
          %add3A_857 = arith.addf %while3A_767, %get3A_856 : vector<16xf32>
          %get3A_858 = arith.index_cast %while3A_745 : i32 to index
          %get3A_859 = arith.constant 352 : index
          %get3A_860 = tpu.vector_load %arg6[%get3A_858, %get3A_859] {strides = array<i32>} : memref<64x384xf32, #tpu.memory_space<vmem>>, vector<16xf32>,
          %add3A_861 = arith.addf %while3A_768, %get3A_860 : vector<16xf32>
          %get3A_862 = arith.index_cast %while3A_745 : i32 to index
          %get3A_863 = arith.constant 368 : index
          %get3A_864 = tpu.vector_load %arg6[%get3A_862, %get3A_863] {strides = array<i32>} : memref<64x384xf32, #tpu.memory_space<vmem>>, vector<16xf32>,
          %add3A_865 = arith.addf %while3A_769, %get3A_864 : vector<16xf32>
          scf.yield %add3A_773, %add3A_777, %add3A_781, %add3A_785, %add3A_789, %add3A_793, %add3A_797, %add3A_801, %add3A_805, %add3A_809, %add3A_813, %add3A_817, %add3A_821, %add3A_825, %add3A_829, %add3A_833, %add3A_837, %add3A_841, %add3A_845, %add3A_849, %add3A_853, %add3A_857, %add3A_861, %add3A_865 : vector<16xf32>, vector<16xf32>, vector<16xf32>, vector<16xf32>, vector<16xf32>, vector<16xf32>, vector<16xf32>, vector<16xf32>, vector<16xf32>, vector<16xf32>, vector<16xf32>, vector<16xf32>, vector<16xf32>, vector<16xf32>, vector<16xf32>, vector<16xf32>, vector<16xf32>, vector<16xf32>, vector<16xf32>, vector<16xf32>, vector<16xf32>, vector<16xf32>, vector<16xf32>, vector<16xf32>
        }
        %while3A_741 = arith.constant 1 : i32
        %while3A_742:24 = scf.for %while3A_745 = %while3A_738 to %while3A_734 step %while3A_741 iter_args(%while3A_746 = %while3A_740#0, %while3A_747 = %while3A_740#1, %while3A_748 = %while3A_740#2, %while3A_749 = %while3A_740#3, %while3A_750 = %while3A_740#4, %while3A_751 = %while3A_740#5, %while3A_752 = %while3A_740#6, %while3A_753 = %while3A_740#7, %while3A_754 = %while3A_740#8, %while3A_755 = %while3A_740#9, %while3A_756 = %while3A_740#10, %while3A_757 = %while3A_740#11, %while3A_758 = %while3A_740#12, %while3A_759 = %while3A_740#13, %while3A_760 = %while3A_740#14, %while3A_761 = %while3A_740#15, %while3A_762 = %while3A_740#16, %while3A_763 = %while3A_740#17, %while3A_764 = %while3A_740#18, %while3A_765 = %while3A_740#19, %while3A_766 = %while3A_740#20, %while3A_767 = %while3A_740#21, %while3A_768 = %while3A_740#22, %while3A_769 = %while3A_740#23) -> (vector<16xf32>, vector<16xf32>, vector<16xf32>, vector<16xf32>, vector<16xf32>, vector<16xf32>, vector<16xf32>, vector<16xf32>, vector<16xf32>, vector<16xf32>, vector<16xf32>, vector<16xf32>, vector<16xf32>, vector<16xf32>, vector<16xf32>, vector<16xf32>, vector<16xf32>, vector<16xf32>, vector<16xf32>, vector<16xf32>, vector<16xf32>, vector<16xf32>, vector<16xf32>, vector<16xf32>)  : i32 {
          %get3A_770 = arith.index_cast %while3A_745 : i32 to index
          %get3A_771 = arith.constant 0 : index
          %get3A_772 = tpu.vector_load %arg6[%get3A_770, %get3A_771] {strides = array<i32>} : memref<64x384xf32, #tpu.memory_space<vmem>>, vector<16xf32>,
          %add3A_773 = arith.addf %while3A_746, %get3A_772 : vector<16xf32>
          %get3A_774 = arith.index_cast %while3A_745 : i32 to index
          %get3A_775 = arith.constant 16 : index
          %get3A_776 = tpu.vector_load %arg6[%get3A_774, %get3A_775] {strides = array<i32>} : memref<64x384xf32, #tpu.memory_space<vmem>>, vector<16xf32>,
          %add3A_777 = arith.addf %while3A_747, %get3A_776 : vector<16xf32>
          %get3A_778 = arith.index_cast %while3A_745 : i32 to index
          %get3A_779 = arith.constant 32 : index
          %get3A_780 = tpu.vector_load %arg6[%get3A_778, %get3A_779] {strides = array<i32>} : memref<64x384xf32, #tpu.memory_space<vmem>>, vector<16xf32>,
          %add3A_781 = arith.addf %while3A_748, %get3A_780 : vector<16xf32>
          %get3A_782 = arith.index_cast %while3A_745 : i32 to index
          %get3A_783 = arith.constant 48 : index
          %get3A_784 = tpu.vector_load %arg6[%get3A_782, %get3A_783] {strides = array<i32>} : memref<64x384xf32, #tpu.memory_space<vmem>>, vector<16xf32>,
          %add3A_785 = arith.addf %while3A_749, %get3A_784 : vector<16xf32>
          %get3A_786 = arith.index_cast %while3A_745 : i32 to index
          %get3A_787 = arith.constant 64 : index
          %get3A_788 = tpu.vector_load %arg6[%get3A_786, %get3A_787] {strides = array<i32>} : memref<64x384xf32, #tpu.memory_space<vmem>>, vector<16xf32>,
          %add3A_789 = arith.addf %while3A_750, %get3A_788 : vector<16xf32>
          %get3A_790 = arith.index_cast %while3A_745 : i32 to index
          %get3A_791 = arith.constant 80 : index
          %get3A_792 = tpu.vector_load %arg6[%get3A_790, %get3A_791] {strides = array<i32>} : memref<64x384xf32, #tpu.memory_space<vmem>>, vector<16xf32>,
          %add3A_793 = arith.addf %while3A_751, %get3A_792 : vector<16xf32>
          %get3A_794 = arith.index_cast %while3A_745 : i32 to index
          %get3A_795 = arith.constant 96 : index
          %get3A_796 = tpu.vector_load %arg6[%get3A_794, %get3A_795] {strides = array<i32>} : memref<64x384xf32, #tpu.memory_space<vmem>>, vector<16xf32>,
          %add3A_797 = arith.addf %while3A_752, %get3A_796 : vector<16xf32>
          %get3A_798 = arith.index_cast %while3A_745 : i32 to index
          %get3A_799 = arith.constant 112 : index
          %get3A_800 = tpu.vector_load %arg6[%get3A_798, %get3A_799] {strides = array<i32>} : memref<64x384xf32, #tpu.memory_space<vmem>>, vector<16xf32>,
          %add3A_801 = arith.addf %while3A_753, %get3A_800 : vector<16xf32>
          %get3A_802 = arith.index_cast %while3A_745 : i32 to index
          %get3A_803 = arith.constant 128 : index
          %get3A_804 = tpu.vector_load %arg6[%get3A_802, %get3A_803] {strides = array<i32>} : memref<64x384xf32, #tpu.memory_space<vmem>>, vector<16xf32>,
          %add3A_805 = arith.addf %while3A_754, %get3A_804 : vector<16xf32>
          %get3A_806 = arith.index_cast %while3A_745 : i32 to index
          %get3A_807 = arith.constant 144 : index
          %get3A_808 = tpu.vector_load %arg6[%get3A_806, %get3A_807] {strides = array<i32>} : memref<64x384xf32, #tpu.memory_space<vmem>>, vector<16xf32>,
          %add3A_809 = arith.addf %while3A_755, %get3A_808 : vector<16xf32>
          %get3A_810 = arith.index_cast %while3A_745 : i32 to index
          %get3A_811 = arith.constant 160 : index
          %get3A_812 = tpu.vector_load %arg6[%get3A_810, %get3A_811] {strides = array<i32>} : memref<64x384xf32, #tpu.memory_space<vmem>>, vector<16xf32>,
          %add3A_813 = arith.addf %while3A_756, %get3A_812 : vector<16xf32>
          %get3A_814 = arith.index_cast %while3A_745 : i32 to index
          %get3A_815 = arith.constant 176 : index
          %get3A_816 = tpu.vector_load %arg6[%get3A_814, %get3A_815] {strides = array<i32>} : memref<64x384xf32, #tpu.memory_space<vmem>>, vector<16xf32>,
          %add3A_817 = arith.addf %while3A_757, %get3A_816 : vector<16xf32>
          %get3A_818 = arith.index_cast %while3A_745 : i32 to index
          %get3A_819 = arith.constant 192 : index
          %get3A_820 = tpu.vector_load %arg6[%get3A_818, %get3A_819] {strides = array<i32>} : memref<64x384xf32, #tpu.memory_space<vmem>>, vector<16xf32>,
          %add3A_821 = arith.addf %while3A_758, %get3A_820 : vector<16xf32>
          %get3A_822 = arith.index_cast %while3A_745 : i32 to index
          %get3A_823 = arith.constant 208 : index
          %get3A_824 = tpu.vector_load %arg6[%get3A_822, %get3A_823] {strides = array<i32>} : memref<64x384xf32, #tpu.memory_space<vmem>>, vector<16xf32>,
          %add3A_825 = arith.addf %while3A_759, %get3A_824 : vector<16xf32>
          %get3A_826 = arith.index_cast %while3A_745 : i32 to index
          %get3A_827 = arith.constant 224 : index
          %get3A_828 = tpu.vector_load %arg6[%get3A_826, %get3A_827] {strides = array<i32>} : memref<64x384xf32, #tpu.memory_space<vmem>>, vector<16xf32>,
          %add3A_829 = arith.addf %while3A_760, %get3A_828 : vector<16xf32>
          %get3A_830 = arith.index_cast %while3A_745 : i32 to index
          %get3A_831 = arith.constant 240 : index
          %get3A_832 = tpu.vector_load %arg6[%get3A_830, %get3A_831] {strides = array<i32>} : memref<64x384xf32, #tpu.memory_space<vmem>>, vector<16xf32>,
          %add3A_833 = arith.addf %while3A_761, %get3A_832 : vector<16xf32>
          %get3A_834 = arith.index_cast %while3A_745 : i32 to index
          %get3A_835 = arith.constant 256 : index
          %get3A_836 = tpu.vector_load %arg6[%get3A_834, %get3A_835] {strides = array<i32>} : memref<64x384xf32, #tpu.memory_space<vmem>>, vector<16xf32>,
          %add3A_837 = arith.addf %while3A_762, %get3A_836 : vector<16xf32>
          %get3A_838 = arith.index_cast %while3A_745 : i32 to index
          %get3A_839 = arith.constant 272 : index
          %get3A_840 = tpu.vector_load %arg6[%get3A_838, %get3A_839] {strides = array<i32>} : memref<64x384xf32, #tpu.memory_space<vmem>>, vector<16xf32>,
          %add3A_841 = arith.addf %while3A_763, %get3A_840 : vector<16xf32>
          %get3A_842 = arith.index_cast %while3A_745 : i32 to index
          %get3A_843 = arith.constant 288 : index
          %get3A_844 = tpu.vector_load %arg6[%get3A_842, %get3A_843] {strides = array<i32>} : memref<64x384xf32, #tpu.memory_space<vmem>>, vector<16xf32>,
          %add3A_845 = arith.addf %while3A_764, %get3A_844 : vector<16xf32>
          %get3A_846 = arith.index_cast %while3A_745 : i32 to index
          %get3A_847 = arith.constant 304 : index
          %get3A_848 = tpu.vector_load %arg6[%get3A_846, %get3A_847] {strides = array<i32>} : memref<64x384xf32, #tpu.memory_space<vmem>>, vector<16xf32>,
          %add3A_849 = arith.addf %while3A_765, %get3A_848 : vector<16xf32>
          %get3A_850 = arith.index_cast %while3A_745 : i32 to index
          %get3A_851 = arith.constant 320 : index
          %get3A_852 = tpu.vector_load %arg6[%get3A_850, %get3A_851] {strides = array<i32>} : memref<64x384xf32, #tpu.memory_space<vmem>>, vector<16xf32>,
          %add3A_853 = arith.addf %while3A_766, %get3A_852 : vector<16xf32>
          %get3A_854 = arith.index_cast %while3A_745 : i32 to index
          %get3A_855 = arith.constant 336 : index
          %get3A_856 = tpu.vector_load %arg6[%get3A_854, %get3A_855] {strides = array<i32>} : memref<64x384xf32, #tpu.memory_space<vmem>>, vector<16xf32>,
          %add3A_857 = arith.addf %while3A_767, %get3A_856 : vector<16xf32>
          %get3A_858 = arith.index_cast %while3A_745 : i32 to index
          %get3A_859 = arith.constant 352 : index
          %get3A_860 = tpu.vector_load %arg6[%get3A_858, %get3A_859] {strides = array<i32>} : memref<64x384xf32, #tpu.memory_space<vmem>>, vector<16xf32>,
          %add3A_861 = arith.addf %while3A_768, %get3A_860 : vector<16xf32>
          %get3A_862 = arith.index_cast %while3A_745 : i32 to index
          %get3A_863 = arith.constant 368 : index
          %get3A_864 = tpu.vector_load %arg6[%get3A_862, %get3A_863] {strides = array<i32>} : memref<64x384xf32, #tpu.memory_space<vmem>>, vector<16xf32>,
          %add3A_865 = arith.addf %while3A_769, %get3A_864 : vector<16xf32>
          scf.yield %add3A_773, %add3A_777, %add3A_781, %add3A_785, %add3A_789, %add3A_793, %add3A_797, %add3A_801, %add3A_805, %add3A_809, %add3A_813, %add3A_817, %add3A_821, %add3A_825, %add3A_829, %add3A_833, %add3A_837, %add3A_841, %add3A_845, %add3A_849, %add3A_853, %add3A_857, %add3A_861, %add3A_865 : vector<16xf32>, vector<16xf32>, vector<16xf32>, vector<16xf32>, vector<16xf32>, vector<16xf32>, vector<16xf32>, vector<16xf32>, vector<16xf32>, vector<16xf32>, vector<16xf32>, vector<16xf32>, vector<16xf32>, vector<16xf32>, vector<16xf32>, vector<16xf32>, vector<16xf32>, vector<16xf32>, vector<16xf32>, vector<16xf32>, vector<16xf32>, vector<16xf32>, vector<16xf32>, vector<16xf32>
        }
        %sub3A_743 = arith.subi %get3A_650, %get3A_646 : i32
        %add3A_744 = arith.addi %select_n3A_732, %sub3A_743 : i32
        scf.yield %get3A_652, %add3A_744, %while3A_742#0, %while3A_742#1, %while3A_742#2, %while3A_742#3, %while3A_742#4, %while3A_742#5, %while3A_742#6, %while3A_742#7, %while3A_742#8, %while3A_742#9, %while3A_742#10, %while3A_742#11, %while3A_742#12, %while3A_742#13, %while3A_742#14, %while3A_742#15, %while3A_742#16, %while3A_742#17, %while3A_742#18, %while3A_742#19, %while3A_742#20, %while3A_742#21, %while3A_742#22, %while3A_742#23 : i32, i32, vector<16xf32>, vector<16xf32>, vector<16xf32>, vector<16xf32>, vector<16xf32>, vector<16xf32>, vector<16xf32>, vector<16xf32>, vector<16xf32>, vector<16xf32>, vector<16xf32>, vector<16xf32>, vector<16xf32>, vector<16xf32>, vector<16xf32>, vector<16xf32>, vector<16xf32>, vector<16xf32>, vector<16xf32>, vector<16xf32>, vector<16xf32>, vector<16xf32>, vector<16xf32>, vector<16xf32>
      }
      scf.yield %while3A_617#0, %while3A_617#1, %while3A_617#2, %while3A_617#3, %while3A_617#4, %while3A_617#5, %while3A_617#6, %while3A_617#7, %while3A_617#8, %while3A_617#9, %while3A_617#10, %while3A_617#11, %while3A_617#12, %while3A_617#13, %while3A_617#14, %while3A_617#15, %while3A_617#16, %while3A_617#17, %while3A_617#18, %while3A_617#19, %while3A_617#20, %while3A_617#21, %while3A_617#22, %while3A_617#23, %while3A_617#24, %while3A_617#25, %squeeze3A_562 : i32, i32, vector<16xf32>, vector<16xf32>, vector<16xf32>, vector<16xf32>, vector<16xf32>, vector<16xf32>, vector<16xf32>, vector<16xf32>, vector<16xf32>, vector<16xf32>, vector<16xf32>, vector<16xf32>, vector<16xf32>, vector<16xf32>, vector<16xf32>, vector<16xf32>, vector<16xf32>, vector<16xf32>, vector<16xf32>, vector<16xf32>, vector<16xf32>, vector<16xf32>, vector<16xf32>, vector<16xf32>, i32
    }
    %scan3A_64 = arith.constant 32 : i32
    %ge3A = arith.constant 0 : i32
    %ge3A_65 = arith.cmpi sge, %scan3A_63#0, %ge3A : i32
    %convert_element_type3A = arith.extui %ge3A_65 : i1 to i32
    %cond3A = arith.constant 0 : i32
    %cond3A_66 = arith.cmpi ne, %convert_element_type3A, %cond3A : i32
    scf.if %cond3A_66 {
      %convert_element_type3A_105 = arith.sitofp %scan3A_63#1 : i32 to f32
      %broadcast_in_dim3A_106 = vector.broadcast %convert_element_type3A_105 : f32 to vector<16xf32>
      %swap3A = arith.index_cast %scan3A_63#0 : i32 to index
      %swap3A_107 = arith.constant 0 : index
      %swap3A_108 = tpu.vector_load %arg9[%swap3A, %swap3A_107] {strides = array<i32>} : memref<128x16xf32, #tpu.memory_space<vmem>>, vector<16xf32>,
      tpu.vector_store %arg9[%swap3A, %swap3A_107], %broadcast_in_dim3A_106 {add = true, strides = array<i32>} : memref<128x16xf32, #tpu.memory_space<vmem>>, vector<16xf32>,
      %swap3A_109 = arith.index_cast %scan3A_63#0 : i32 to index
      %swap3A_110 = arith.constant 0 : index
      %swap3A_111 = tpu.vector_load %arg8[%swap3A_109, %swap3A_110] {strides = array<i32>} : memref<128x384xf32, #tpu.memory_space<vmem>>, vector<16xf32>,
      tpu.vector_store %arg8[%swap3A_109, %swap3A_110], %scan3A_63#2 {add = true, strides = array<i32>} : memref<128x384xf32, #tpu.memory_space<vmem>>, vector<16xf32>,
      %swap3A_112 = arith.index_cast %scan3A_63#0 : i32 to index
      %swap3A_113 = arith.constant 16 : index
      %swap3A_114 = tpu.vector_load %arg8[%swap3A_112, %swap3A_113] {strides = array<i32>} : memref<128x384xf32, #tpu.memory_space<vmem>>, vector<16xf32>,
      tpu.vector_store %arg8[%swap3A_112, %swap3A_113], %scan3A_63#3 {add = true, strides = array<i32>} : memref<128x384xf32, #tpu.memory_space<vmem>>, vector<16xf32>,
      %swap3A_115 = arith.index_cast %scan3A_63#0 : i32 to index
      %swap3A_116 = arith.constant 32 : index
      %swap3A_117 = tpu.vector_load %arg8[%swap3A_115, %swap3A_116] {strides = array<i32>} : memref<128x384xf32, #tpu.memory_space<vmem>>, vector<16xf32>,
      tpu.vector_store %arg8[%swap3A_115, %swap3A_116], %scan3A_63#4 {add = true, strides = array<i32>} : memref<128x384xf32, #tpu.memory_space<vmem>>, vector<16xf32>,
      %swap3A_118 = arith.index_cast %scan3A_63#0 : i32 to index
      %swap3A_119 = arith.constant 48 : index
      %swap3A_120 = tpu.vector_load %arg8[%swap3A_118, %swap3A_119] {strides = array<i32>} : memref<128x384xf32, #tpu.memory_space<vmem>>, vector<16xf32>,
      tpu.vector_store %arg8[%swap3A_118, %swap3A_119], %scan3A_63#5 {add = true, strides = array<i32>} : memref<128x384xf32, #tpu.memory_space<vmem>>, vector<16xf32>,
      %swap3A_121 = arith.index_cast %scan3A_63#0 : i32 to index
      %swap3A_122 = arith.constant 64 : index
      %swap3A_123 = tpu.vector_load %arg8[%swap3A_121, %swap3A_122] {strides = array<i32>} : memref<128x384xf32, #tpu.memory_space<vmem>>, vector<16xf32>,
      tpu.vector_store %arg8[%swap3A_121, %swap3A_122], %scan3A_63#6 {add = true, strides = array<i32>} : memref<128x384xf32, #tpu.memory_space<vmem>>, vector<16xf32>,
      %swap3A_124 = arith.index_cast %scan3A_63#0 : i32 to index
      %swap3A_125 = arith.constant 80 : index
      %swap3A_126 = tpu.vector_load %arg8[%swap3A_124, %swap3A_125] {strides = array<i32>} : memref<128x384xf32, #tpu.memory_space<vmem>>, vector<16xf32>,
      tpu.vector_store %arg8[%swap3A_124, %swap3A_125], %scan3A_63#7 {add = true, strides = array<i32>} : memref<128x384xf32, #tpu.memory_space<vmem>>, vector<16xf32>,
      %swap3A_127 = arith.index_cast %scan3A_63#0 : i32 to index
      %swap3A_128 = arith.constant 96 : index
      %swap3A_129 = tpu.vector_load %arg8[%swap3A_127, %swap3A_128] {strides = array<i32>} : memref<128x384xf32, #tpu.memory_space<vmem>>, vector<16xf32>,
      tpu.vector_store %arg8[%swap3A_127, %swap3A_128], %scan3A_63#8 {add = true, strides = array<i32>} : memref<128x384xf32, #tpu.memory_space<vmem>>, vector<16xf32>,
      %swap3A_130 = arith.index_cast %scan3A_63#0 : i32 to index
      %swap3A_131 = arith.constant 112 : index
      %swap3A_132 = tpu.vector_load %arg8[%swap3A_130, %swap3A_131] {strides = array<i32>} : memref<128x384xf32, #tpu.memory_space<vmem>>, vector<16xf32>,
      tpu.vector_store %arg8[%swap3A_130, %swap3A_131], %scan3A_63#9 {add = true, strides = array<i32>} : memref<128x384xf32, #tpu.memory_space<vmem>>, vector<16xf32>,
      %swap3A_133 = arith.index_cast %scan3A_63#0 : i32 to index
      %swap3A_134 = arith.constant 128 : index
      %swap3A_135 = tpu.vector_load %arg8[%swap3A_133, %swap3A_134] {strides = array<i32>} : memref<128x384xf32, #tpu.memory_space<vmem>>, vector<16xf32>,
      tpu.vector_store %arg8[%swap3A_133, %swap3A_134], %scan3A_63#10 {add = true, strides = array<i32>} : memref<128x384xf32, #tpu.memory_space<vmem>>, vector<16xf32>,
      %swap3A_136 = arith.index_cast %scan3A_63#0 : i32 to index
      %swap3A_137 = arith.constant 144 : index
      %swap3A_138 = tpu.vector_load %arg8[%swap3A_136, %swap3A_137] {strides = array<i32>} : memref<128x384xf32, #tpu.memory_space<vmem>>, vector<16xf32>,
      tpu.vector_store %arg8[%swap3A_136, %swap3A_137], %scan3A_63#11 {add = true, strides = array<i32>} : memref<128x384xf32, #tpu.memory_space<vmem>>, vector<16xf32>,
      %swap3A_139 = arith.index_cast %scan3A_63#0 : i32 to index
      %swap3A_140 = arith.constant 160 : index
      %swap3A_141 = tpu.vector_load %arg8[%swap3A_139, %swap3A_140] {strides = array<i32>} : memref<128x384xf32, #tpu.memory_space<vmem>>, vector<16xf32>,
      tpu.vector_store %arg8[%swap3A_139, %swap3A_140], %scan3A_63#12 {add = true, strides = array<i32>} : memref<128x384xf32, #tpu.memory_space<vmem>>, vector<16xf32>,
      %swap3A_142 = arith.index_cast %scan3A_63#0 : i32 to index
      %swap3A_143 = arith.constant 176 : index
      %swap3A_144 = tpu.vector_load %arg8[%swap3A_142, %swap3A_143] {strides = array<i32>} : memref<128x384xf32, #tpu.memory_space<vmem>>, vector<16xf32>,
      tpu.vector_store %arg8[%swap3A_142, %swap3A_143], %scan3A_63#13 {add = true, strides = array<i32>} : memref<128x384xf32, #tpu.memory_space<vmem>>, vector<16xf32>,
      %swap3A_145 = arith.index_cast %scan3A_63#0 : i32 to index
      %swap3A_146 = arith.constant 192 : index
      %swap3A_147 = tpu.vector_load %arg8[%swap3A_145, %swap3A_146] {strides = array<i32>} : memref<128x384xf32, #tpu.memory_space<vmem>>, vector<16xf32>,
      tpu.vector_store %arg8[%swap3A_145, %swap3A_146], %scan3A_63#14 {add = true, strides = array<i32>} : memref<128x384xf32, #tpu.memory_space<vmem>>, vector<16xf32>,
      %swap3A_148 = arith.index_cast %scan3A_63#0 : i32 to index
      %swap3A_149 = arith.constant 208 : index
      %swap3A_150 = tpu.vector_load %arg8[%swap3A_148, %swap3A_149] {strides = array<i32>} : memref<128x384xf32, #tpu.memory_space<vmem>>, vector<16xf32>,
      tpu.vector_store %arg8[%swap3A_148, %swap3A_149], %scan3A_63#15 {add = true, strides = array<i32>} : memref<128x384xf32, #tpu.memory_space<vmem>>, vector<16xf32>,
      %swap3A_151 = arith.index_cast %scan3A_63#0 : i32 to index
      %swap3A_152 = arith.constant 224 : index
      %swap3A_153 = tpu.vector_load %arg8[%swap3A_151, %swap3A_152] {strides = array<i32>} : memref<128x384xf32, #tpu.memory_space<vmem>>, vector<16xf32>,
      tpu.vector_store %arg8[%swap3A_151, %swap3A_152], %scan3A_63#16 {add = true, strides = array<i32>} : memref<128x384xf32, #tpu.memory_space<vmem>>, vector<16xf32>,
      %swap3A_154 = arith.index_cast %scan3A_63#0 : i32 to index
      %swap3A_155 = arith.constant 240 : index
      %swap3A_156 = tpu.vector_load %arg8[%swap3A_154, %swap3A_155] {strides = array<i32>} : memref<128x384xf32, #tpu.memory_space<vmem>>, vector<16xf32>,
      tpu.vector_store %arg8[%swap3A_154, %swap3A_155], %scan3A_63#17 {add = true, strides = array<i32>} : memref<128x384xf32, #tpu.memory_space<vmem>>, vector<16xf32>,
      %swap3A_157 = arith.index_cast %scan3A_63#0 : i32 to index
      %swap3A_158 = arith.constant 256 : index
      %swap3A_159 = tpu.vector_load %arg8[%swap3A_157, %swap3A_158] {strides = array<i32>} : memref<128x384xf32, #tpu.memory_space<vmem>>, vector<16xf32>,
      tpu.vector_store %arg8[%swap3A_157, %swap3A_158], %scan3A_63#18 {add = true, strides = array<i32>} : memref<128x384xf32, #tpu.memory_space<vmem>>, vector<16xf32>,
      %swap3A_160 = arith.index_cast %scan3A_63#0 : i32 to index
      %swap3A_161 = arith.constant 272 : index
      %swap3A_162 = tpu.vector_load %arg8[%swap3A_160, %swap3A_161] {strides = array<i32>} : memref<128x384xf32, #tpu.memory_space<vmem>>, vector<16xf32>,
      tpu.vector_store %arg8[%swap3A_160, %swap3A_161], %scan3A_63#19 {add = true, strides = array<i32>} : memref<128x384xf32, #tpu.memory_space<vmem>>, vector<16xf32>,
      %swap3A_163 = arith.index_cast %scan3A_63#0 : i32 to index
      %swap3A_164 = arith.constant 288 : index
      %swap3A_165 = tpu.vector_load %arg8[%swap3A_163, %swap3A_164] {strides = array<i32>} : memref<128x384xf32, #tpu.memory_space<vmem>>, vector<16xf32>,
      tpu.vector_store %arg8[%swap3A_163, %swap3A_164], %scan3A_63#20 {add = true, strides = array<i32>} : memref<128x384xf32, #tpu.memory_space<vmem>>, vector<16xf32>,
      %swap3A_166 = arith.index_cast %scan3A_63#0 : i32 to index
      %swap3A_167 = arith.constant 304 : index
      %swap3A_168 = tpu.vector_load %arg8[%swap3A_166, %swap3A_167] {strides = array<i32>} : memref<128x384xf32, #tpu.memory_space<vmem>>, vector<16xf32>,
      tpu.vector_store %arg8[%swap3A_166, %swap3A_167], %scan3A_63#21 {add = true, strides = array<i32>} : memref<128x384xf32, #tpu.memory_space<vmem>>, vector<16xf32>,
      %swap3A_169 = arith.index_cast %scan3A_63#0 : i32 to index
      %swap3A_170 = arith.constant 320 : index
      %swap3A_171 = tpu.vector_load %arg8[%swap3A_169, %swap3A_170] {strides = array<i32>} : memref<128x384xf32, #tpu.memory_space<vmem>>, vector<16xf32>,
      tpu.vector_store %arg8[%swap3A_169, %swap3A_170], %scan3A_63#22 {add = true, strides = array<i32>} : memref<128x384xf32, #tpu.memory_space<vmem>>, vector<16xf32>,
      %swap3A_172 = arith.index_cast %scan3A_63#0 : i32 to index
      %swap3A_173 = arith.constant 336 : index
      %swap3A_174 = tpu.vector_load %arg8[%swap3A_172, %swap3A_173] {strides = array<i32>} : memref<128x384xf32, #tpu.memory_space<vmem>>, vector<16xf32>,
      tpu.vector_store %arg8[%swap3A_172, %swap3A_173], %scan3A_63#23 {add = true, strides = array<i32>} : memref<128x384xf32, #tpu.memory_space<vmem>>, vector<16xf32>,
      %swap3A_175 = arith.index_cast %scan3A_63#0 : i32 to index
      %swap3A_176 = arith.constant 352 : index
      %swap3A_177 = tpu.vector_load %arg8[%swap3A_175, %swap3A_176] {strides = array<i32>} : memref<128x384xf32, #tpu.memory_space<vmem>>, vector<16xf32>,
      tpu.vector_store %arg8[%swap3A_175, %swap3A_176], %scan3A_63#24 {add = true, strides = array<i32>} : memref<128x384xf32, #tpu.memory_space<vmem>>, vector<16xf32>,
      %swap3A_178 = arith.index_cast %scan3A_63#0 : i32 to index
      %swap3A_179 = arith.constant 368 : index
      %swap3A_180 = tpu.vector_load %arg8[%swap3A_178, %swap3A_179] {strides = array<i32>} : memref<128x384xf32, #tpu.memory_space<vmem>>, vector<16xf32>,
      tpu.vector_store %arg8[%swap3A_178, %swap3A_179], %scan3A_63#25 {add = true, strides = array<i32>} : memref<128x384xf32, #tpu.memory_space<vmem>>, vector<16xf32>,
    } else {
    }
    %scan3A_67 = arith.constant 0 : i32
    %scan3A_68 = arith.constant 0 : i32
    %scan3A_69 = arith.constant 64 : i32
    %scan3A_70 = arith.addi %scan3A_68, %scan3A_69 : i32
    %scan3A_71 = arith.constant 1 : i32
    %scan3A_72 = scf.for %scan3A_105 = %scan3A_68 to %scan3A_70 step %scan3A_71 iter_args(%scan3A_106 = %scan3A_67) -> (i32)  : i32 {
      %get3A = arith.index_cast %scan3A_105 : i32 to index
      %get3A_107 = arith.constant 0 : index
      %get3A_108 = tpu.vector_load %arg9[%get3A, %get3A_107] {strides = array<i32>} : memref<128x16xf32, #tpu.memory_space<vmem>>, vector<16xf32>,
      %max3A = arith.constant 1.000000e+00 : f32
      %max3A_109 = vector.broadcast %max3A : f32 to vector<16xf32>
      %max3A_110 = arith.maximumf %get3A_108, %max3A_109 : vector<16xf32>
      %div3A_111 = arith.constant 1.000000e+00 : f32
      %div3A_112 = vector.broadcast %div3A_111 : f32 to vector<16xf32>
      %div3A_113 = arith.divf %div3A_112, %max3A_110 : vector<16xf32>
      %get3A_114 = arith.index_cast %scan3A_105 : i32 to index
      %get3A_115 = arith.constant 0 : index
      %get3A_116 = tpu.vector_load %arg8[%get3A_114, %get3A_115] {strides = array<i32>} : memref<128x384xf32, #tpu.memory_space<vmem>>, vector<16xf32>,
      %mul3A_117 = arith.mulf %get3A_116, %div3A_113 : vector<16xf32>
      %swap3A = arith.index_cast %scan3A_105 : i32 to index
      %swap3A_118 = arith.constant 0 : index
      %swap3A_119 = tpu.vector_load %arg8[%swap3A, %swap3A_118] {strides = array<i32>} : memref<128x384xf32, #tpu.memory_space<vmem>>, vector<16xf32>,
      tpu.vector_store %arg8[%swap3A, %swap3A_118], %mul3A_117 {strides = array<i32>} : memref<128x384xf32, #tpu.memory_space<vmem>>, vector<16xf32>,
      %get3A_120 = arith.index_cast %scan3A_105 : i32 to index
      %get3A_121 = arith.constant 16 : index
      %get3A_122 = tpu.vector_load %arg8[%get3A_120, %get3A_121] {strides = array<i32>} : memref<128x384xf32, #tpu.memory_space<vmem>>, vector<16xf32>,
      %mul3A_123 = arith.mulf %get3A_122, %div3A_113 : vector<16xf32>
      %swap3A_124 = arith.index_cast %scan3A_105 : i32 to index
      %swap3A_125 = arith.constant 16 : index
      %swap3A_126 = tpu.vector_load %arg8[%swap3A_124, %swap3A_125] {strides = array<i32>} : memref<128x384xf32, #tpu.memory_space<vmem>>, vector<16xf32>,
      tpu.vector_store %arg8[%swap3A_124, %swap3A_125], %mul3A_123 {strides = array<i32>} : memref<128x384xf32, #tpu.memory_space<vmem>>, vector<16xf32>,
      %get3A_127 = arith.index_cast %scan3A_105 : i32 to index
      %get3A_128 = arith.constant 32 : index
      %get3A_129 = tpu.vector_load %arg8[%get3A_127, %get3A_128] {strides = array<i32>} : memref<128x384xf32, #tpu.memory_space<vmem>>, vector<16xf32>,
      %mul3A_130 = arith.mulf %get3A_129, %div3A_113 : vector<16xf32>
      %swap3A_131 = arith.index_cast %scan3A_105 : i32 to index
      %swap3A_132 = arith.constant 32 : index
      %swap3A_133 = tpu.vector_load %arg8[%swap3A_131, %swap3A_132] {strides = array<i32>} : memref<128x384xf32, #tpu.memory_space<vmem>>, vector<16xf32>,
      tpu.vector_store %arg8[%swap3A_131, %swap3A_132], %mul3A_130 {strides = array<i32>} : memref<128x384xf32, #tpu.memory_space<vmem>>, vector<16xf32>,
      %get3A_134 = arith.index_cast %scan3A_105 : i32 to index
      %get3A_135 = arith.constant 48 : index
      %get3A_136 = tpu.vector_load %arg8[%get3A_134, %get3A_135] {strides = array<i32>} : memref<128x384xf32, #tpu.memory_space<vmem>>, vector<16xf32>,
      %mul3A_137 = arith.mulf %get3A_136, %div3A_113 : vector<16xf32>
      %swap3A_138 = arith.index_cast %scan3A_105 : i32 to index
      %swap3A_139 = arith.constant 48 : index
      %swap3A_140 = tpu.vector_load %arg8[%swap3A_138, %swap3A_139] {strides = array<i32>} : memref<128x384xf32, #tpu.memory_space<vmem>>, vector<16xf32>,
      tpu.vector_store %arg8[%swap3A_138, %swap3A_139], %mul3A_137 {strides = array<i32>} : memref<128x384xf32, #tpu.memory_space<vmem>>, vector<16xf32>,
      %get3A_141 = arith.index_cast %scan3A_105 : i32 to index
      %get3A_142 = arith.constant 64 : index
      %get3A_143 = tpu.vector_load %arg8[%get3A_141, %get3A_142] {strides = array<i32>} : memref<128x384xf32, #tpu.memory_space<vmem>>, vector<16xf32>,
      %mul3A_144 = arith.mulf %get3A_143, %div3A_113 : vector<16xf32>
      %swap3A_145 = arith.index_cast %scan3A_105 : i32 to index
      %swap3A_146 = arith.constant 64 : index
      %swap3A_147 = tpu.vector_load %arg8[%swap3A_145, %swap3A_146] {strides = array<i32>} : memref<128x384xf32, #tpu.memory_space<vmem>>, vector<16xf32>,
      tpu.vector_store %arg8[%swap3A_145, %swap3A_146], %mul3A_144 {strides = array<i32>} : memref<128x384xf32, #tpu.memory_space<vmem>>, vector<16xf32>,
      %get3A_148 = arith.index_cast %scan3A_105 : i32 to index
      %get3A_149 = arith.constant 80 : index
      %get3A_150 = tpu.vector_load %arg8[%get3A_148, %get3A_149] {strides = array<i32>} : memref<128x384xf32, #tpu.memory_space<vmem>>, vector<16xf32>,
      %mul3A_151 = arith.mulf %get3A_150, %div3A_113 : vector<16xf32>
      %swap3A_152 = arith.index_cast %scan3A_105 : i32 to index
      %swap3A_153 = arith.constant 80 : index
      %swap3A_154 = tpu.vector_load %arg8[%swap3A_152, %swap3A_153] {strides = array<i32>} : memref<128x384xf32, #tpu.memory_space<vmem>>, vector<16xf32>,
      tpu.vector_store %arg8[%swap3A_152, %swap3A_153], %mul3A_151 {strides = array<i32>} : memref<128x384xf32, #tpu.memory_space<vmem>>, vector<16xf32>,
      %get3A_155 = arith.index_cast %scan3A_105 : i32 to index
      %get3A_156 = arith.constant 96 : index
      %get3A_157 = tpu.vector_load %arg8[%get3A_155, %get3A_156] {strides = array<i32>} : memref<128x384xf32, #tpu.memory_space<vmem>>, vector<16xf32>,
      %mul3A_158 = arith.mulf %get3A_157, %div3A_113 : vector<16xf32>
      %swap3A_159 = arith.index_cast %scan3A_105 : i32 to index
      %swap3A_160 = arith.constant 96 : index
      %swap3A_161 = tpu.vector_load %arg8[%swap3A_159, %swap3A_160] {strides = array<i32>} : memref<128x384xf32, #tpu.memory_space<vmem>>, vector<16xf32>,
      tpu.vector_store %arg8[%swap3A_159, %swap3A_160], %mul3A_158 {strides = array<i32>} : memref<128x384xf32, #tpu.memory_space<vmem>>, vector<16xf32>,
      %get3A_162 = arith.index_cast %scan3A_105 : i32 to index
      %get3A_163 = arith.constant 112 : index
      %get3A_164 = tpu.vector_load %arg8[%get3A_162, %get3A_163] {strides = array<i32>} : memref<128x384xf32, #tpu.memory_space<vmem>>, vector<16xf32>,
      %mul3A_165 = arith.mulf %get3A_164, %div3A_113 : vector<16xf32>
      %swap3A_166 = arith.index_cast %scan3A_105 : i32 to index
      %swap3A_167 = arith.constant 112 : index
      %swap3A_168 = tpu.vector_load %arg8[%swap3A_166, %swap3A_167] {strides = array<i32>} : memref<128x384xf32, #tpu.memory_space<vmem>>, vector<16xf32>,
      tpu.vector_store %arg8[%swap3A_166, %swap3A_167], %mul3A_165 {strides = array<i32>} : memref<128x384xf32, #tpu.memory_space<vmem>>, vector<16xf32>,
      %get3A_169 = arith.index_cast %scan3A_105 : i32 to index
      %get3A_170 = arith.constant 128 : index
      %get3A_171 = tpu.vector_load %arg8[%get3A_169, %get3A_170] {strides = array<i32>} : memref<128x384xf32, #tpu.memory_space<vmem>>, vector<16xf32>,
      %mul3A_172 = arith.mulf %get3A_171, %div3A_113 : vector<16xf32>
      %swap3A_173 = arith.index_cast %scan3A_105 : i32 to index
      %swap3A_174 = arith.constant 128 : index
      %swap3A_175 = tpu.vector_load %arg8[%swap3A_173, %swap3A_174] {strides = array<i32>} : memref<128x384xf32, #tpu.memory_space<vmem>>, vector<16xf32>,
      tpu.vector_store %arg8[%swap3A_173, %swap3A_174], %mul3A_172 {strides = array<i32>} : memref<128x384xf32, #tpu.memory_space<vmem>>, vector<16xf32>,
      %get3A_176 = arith.index_cast %scan3A_105 : i32 to index
      %get3A_177 = arith.constant 144 : index
      %get3A_178 = tpu.vector_load %arg8[%get3A_176, %get3A_177] {strides = array<i32>} : memref<128x384xf32, #tpu.memory_space<vmem>>, vector<16xf32>,
      %mul3A_179 = arith.mulf %get3A_178, %div3A_113 : vector<16xf32>
      %swap3A_180 = arith.index_cast %scan3A_105 : i32 to index
      %swap3A_181 = arith.constant 144 : index
      %swap3A_182 = tpu.vector_load %arg8[%swap3A_180, %swap3A_181] {strides = array<i32>} : memref<128x384xf32, #tpu.memory_space<vmem>>, vector<16xf32>,
      tpu.vector_store %arg8[%swap3A_180, %swap3A_181], %mul3A_179 {strides = array<i32>} : memref<128x384xf32, #tpu.memory_space<vmem>>, vector<16xf32>,
      %get3A_183 = arith.index_cast %scan3A_105 : i32 to index
      %get3A_184 = arith.constant 160 : index
      %get3A_185 = tpu.vector_load %arg8[%get3A_183, %get3A_184] {strides = array<i32>} : memref<128x384xf32, #tpu.memory_space<vmem>>, vector<16xf32>,
      %mul3A_186 = arith.mulf %get3A_185, %div3A_113 : vector<16xf32>
      %swap3A_187 = arith.index_cast %scan3A_105 : i32 to index
      %swap3A_188 = arith.constant 160 : index
      %swap3A_189 = tpu.vector_load %arg8[%swap3A_187, %swap3A_188] {strides = array<i32>} : memref<128x384xf32, #tpu.memory_space<vmem>>, vector<16xf32>,
      tpu.vector_store %arg8[%swap3A_187, %swap3A_188], %mul3A_186 {strides = array<i32>} : memref<128x384xf32, #tpu.memory_space<vmem>>, vector<16xf32>,
      %get3A_190 = arith.index_cast %scan3A_105 : i32 to index
      %get3A_191 = arith.constant 176 : index
      %get3A_192 = tpu.vector_load %arg8[%get3A_190, %get3A_191] {strides = array<i32>} : memref<128x384xf32, #tpu.memory_space<vmem>>, vector<16xf32>,
      %mul3A_193 = arith.mulf %get3A_192, %div3A_113 : vector<16xf32>
      %swap3A_194 = arith.index_cast %scan3A_105 : i32 to index
      %swap3A_195 = arith.constant 176 : index
      %swap3A_196 = tpu.vector_load %arg8[%swap3A_194, %swap3A_195] {strides = array<i32>} : memref<128x384xf32, #tpu.memory_space<vmem>>, vector<16xf32>,
      tpu.vector_store %arg8[%swap3A_194, %swap3A_195], %mul3A_193 {strides = array<i32>} : memref<128x384xf32, #tpu.memory_space<vmem>>, vector<16xf32>,
      %get3A_197 = arith.index_cast %scan3A_105 : i32 to index
      %get3A_198 = arith.constant 192 : index
      %get3A_199 = tpu.vector_load %arg8[%get3A_197, %get3A_198] {strides = array<i32>} : memref<128x384xf32, #tpu.memory_space<vmem>>, vector<16xf32>,
      %mul3A_200 = arith.mulf %get3A_199, %div3A_113 : vector<16xf32>
      %swap3A_201 = arith.index_cast %scan3A_105 : i32 to index
      %swap3A_202 = arith.constant 192 : index
      %swap3A_203 = tpu.vector_load %arg8[%swap3A_201, %swap3A_202] {strides = array<i32>} : memref<128x384xf32, #tpu.memory_space<vmem>>, vector<16xf32>,
      tpu.vector_store %arg8[%swap3A_201, %swap3A_202], %mul3A_200 {strides = array<i32>} : memref<128x384xf32, #tpu.memory_space<vmem>>, vector<16xf32>,
      %get3A_204 = arith.index_cast %scan3A_105 : i32 to index
      %get3A_205 = arith.constant 208 : index
      %get3A_206 = tpu.vector_load %arg8[%get3A_204, %get3A_205] {strides = array<i32>} : memref<128x384xf32, #tpu.memory_space<vmem>>, vector<16xf32>,
      %mul3A_207 = arith.mulf %get3A_206, %div3A_113 : vector<16xf32>
      %swap3A_208 = arith.index_cast %scan3A_105 : i32 to index
      %swap3A_209 = arith.constant 208 : index
      %swap3A_210 = tpu.vector_load %arg8[%swap3A_208, %swap3A_209] {strides = array<i32>} : memref<128x384xf32, #tpu.memory_space<vmem>>, vector<16xf32>,
      tpu.vector_store %arg8[%swap3A_208, %swap3A_209], %mul3A_207 {strides = array<i32>} : memref<128x384xf32, #tpu.memory_space<vmem>>, vector<16xf32>,
      %get3A_211 = arith.index_cast %scan3A_105 : i32 to index
      %get3A_212 = arith.constant 224 : index
      %get3A_213 = tpu.vector_load %arg8[%get3A_211, %get3A_212] {strides = array<i32>} : memref<128x384xf32, #tpu.memory_space<vmem>>, vector<16xf32>,
      %mul3A_214 = arith.mulf %get3A_213, %div3A_113 : vector<16xf32>
      %swap3A_215 = arith.index_cast %scan3A_105 : i32 to index
      %swap3A_216 = arith.constant 224 : index
      %swap3A_217 = tpu.vector_load %arg8[%swap3A_215, %swap3A_216] {strides = array<i32>} : memref<128x384xf32, #tpu.memory_space<vmem>>, vector<16xf32>,
      tpu.vector_store %arg8[%swap3A_215, %swap3A_216], %mul3A_214 {strides = array<i32>} : memref<128x384xf32, #tpu.memory_space<vmem>>, vector<16xf32>,
      %get3A_218 = arith.index_cast %scan3A_105 : i32 to index
      %get3A_219 = arith.constant 240 : index
      %get3A_220 = tpu.vector_load %arg8[%get3A_218, %get3A_219] {strides = array<i32>} : memref<128x384xf32, #tpu.memory_space<vmem>>, vector<16xf32>,
      %mul3A_221 = arith.mulf %get3A_220, %div3A_113 : vector<16xf32>
      %swap3A_222 = arith.index_cast %scan3A_105 : i32 to index
      %swap3A_223 = arith.constant 240 : index
      %swap3A_224 = tpu.vector_load %arg8[%swap3A_222, %swap3A_223] {strides = array<i32>} : memref<128x384xf32, #tpu.memory_space<vmem>>, vector<16xf32>,
      tpu.vector_store %arg8[%swap3A_222, %swap3A_223], %mul3A_221 {strides = array<i32>} : memref<128x384xf32, #tpu.memory_space<vmem>>, vector<16xf32>,
      %get3A_225 = arith.index_cast %scan3A_105 : i32 to index
      %get3A_226 = arith.constant 256 : index
      %get3A_227 = tpu.vector_load %arg8[%get3A_225, %get3A_226] {strides = array<i32>} : memref<128x384xf32, #tpu.memory_space<vmem>>, vector<16xf32>,
      %mul3A_228 = arith.mulf %get3A_227, %div3A_113 : vector<16xf32>
      %swap3A_229 = arith.index_cast %scan3A_105 : i32 to index
      %swap3A_230 = arith.constant 256 : index
      %swap3A_231 = tpu.vector_load %arg8[%swap3A_229, %swap3A_230] {strides = array<i32>} : memref<128x384xf32, #tpu.memory_space<vmem>>, vector<16xf32>,
      tpu.vector_store %arg8[%swap3A_229, %swap3A_230], %mul3A_228 {strides = array<i32>} : memref<128x384xf32, #tpu.memory_space<vmem>>, vector<16xf32>,
      %get3A_232 = arith.index_cast %scan3A_105 : i32 to index
      %get3A_233 = arith.constant 272 : index
      %get3A_234 = tpu.vector_load %arg8[%get3A_232, %get3A_233] {strides = array<i32>} : memref<128x384xf32, #tpu.memory_space<vmem>>, vector<16xf32>,
      %mul3A_235 = arith.mulf %get3A_234, %div3A_113 : vector<16xf32>
      %swap3A_236 = arith.index_cast %scan3A_105 : i32 to index
      %swap3A_237 = arith.constant 272 : index
      %swap3A_238 = tpu.vector_load %arg8[%swap3A_236, %swap3A_237] {strides = array<i32>} : memref<128x384xf32, #tpu.memory_space<vmem>>, vector<16xf32>,
      tpu.vector_store %arg8[%swap3A_236, %swap3A_237], %mul3A_235 {strides = array<i32>} : memref<128x384xf32, #tpu.memory_space<vmem>>, vector<16xf32>,
      %get3A_239 = arith.index_cast %scan3A_105 : i32 to index
      %get3A_240 = arith.constant 288 : index
      %get3A_241 = tpu.vector_load %arg8[%get3A_239, %get3A_240] {strides = array<i32>} : memref<128x384xf32, #tpu.memory_space<vmem>>, vector<16xf32>,
      %mul3A_242 = arith.mulf %get3A_241, %div3A_113 : vector<16xf32>
      %swap3A_243 = arith.index_cast %scan3A_105 : i32 to index
      %swap3A_244 = arith.constant 288 : index
      %swap3A_245 = tpu.vector_load %arg8[%swap3A_243, %swap3A_244] {strides = array<i32>} : memref<128x384xf32, #tpu.memory_space<vmem>>, vector<16xf32>,
      tpu.vector_store %arg8[%swap3A_243, %swap3A_244], %mul3A_242 {strides = array<i32>} : memref<128x384xf32, #tpu.memory_space<vmem>>, vector<16xf32>,
      %get3A_246 = arith.index_cast %scan3A_105 : i32 to index
      %get3A_247 = arith.constant 304 : index
      %get3A_248 = tpu.vector_load %arg8[%get3A_246, %get3A_247] {strides = array<i32>} : memref<128x384xf32, #tpu.memory_space<vmem>>, vector<16xf32>,
      %mul3A_249 = arith.mulf %get3A_248, %div3A_113 : vector<16xf32>
      %swap3A_250 = arith.index_cast %scan3A_105 : i32 to index
      %swap3A_251 = arith.constant 304 : index
      %swap3A_252 = tpu.vector_load %arg8[%swap3A_250, %swap3A_251] {strides = array<i32>} : memref<128x384xf32, #tpu.memory_space<vmem>>, vector<16xf32>,
      tpu.vector_store %arg8[%swap3A_250, %swap3A_251], %mul3A_249 {strides = array<i32>} : memref<128x384xf32, #tpu.memory_space<vmem>>, vector<16xf32>,
      %get3A_253 = arith.index_cast %scan3A_105 : i32 to index
      %get3A_254 = arith.constant 320 : index
      %get3A_255 = tpu.vector_load %arg8[%get3A_253, %get3A_254] {strides = array<i32>} : memref<128x384xf32, #tpu.memory_space<vmem>>, vector<16xf32>,
      %mul3A_256 = arith.mulf %get3A_255, %div3A_113 : vector<16xf32>
      %swap3A_257 = arith.index_cast %scan3A_105 : i32 to index
      %swap3A_258 = arith.constant 320 : index
      %swap3A_259 = tpu.vector_load %arg8[%swap3A_257, %swap3A_258] {strides = array<i32>} : memref<128x384xf32, #tpu.memory_space<vmem>>, vector<16xf32>,
      tpu.vector_store %arg8[%swap3A_257, %swap3A_258], %mul3A_256 {strides = array<i32>} : memref<128x384xf32, #tpu.memory_space<vmem>>, vector<16xf32>,
      %get3A_260 = arith.index_cast %scan3A_105 : i32 to index
      %get3A_261 = arith.constant 336 : index
      %get3A_262 = tpu.vector_load %arg8[%get3A_260, %get3A_261] {strides = array<i32>} : memref<128x384xf32, #tpu.memory_space<vmem>>, vector<16xf32>,
      %mul3A_263 = arith.mulf %get3A_262, %div3A_113 : vector<16xf32>
      %swap3A_264 = arith.index_cast %scan3A_105 : i32 to index
      %swap3A_265 = arith.constant 336 : index
      %swap3A_266 = tpu.vector_load %arg8[%swap3A_264, %swap3A_265] {strides = array<i32>} : memref<128x384xf32, #tpu.memory_space<vmem>>, vector<16xf32>,
      tpu.vector_store %arg8[%swap3A_264, %swap3A_265], %mul3A_263 {strides = array<i32>} : memref<128x384xf32, #tpu.memory_space<vmem>>, vector<16xf32>,
      %get3A_267 = arith.index_cast %scan3A_105 : i32 to index
      %get3A_268 = arith.constant 352 : index
      %get3A_269 = tpu.vector_load %arg8[%get3A_267, %get3A_268] {strides = array<i32>} : memref<128x384xf32, #tpu.memory_space<vmem>>, vector<16xf32>,
      %mul3A_270 = arith.mulf %get3A_269, %div3A_113 : vector<16xf32>
      %swap3A_271 = arith.index_cast %scan3A_105 : i32 to index
      %swap3A_272 = arith.constant 352 : index
      %swap3A_273 = tpu.vector_load %arg8[%swap3A_271, %swap3A_272] {strides = array<i32>} : memref<128x384xf32, #tpu.memory_space<vmem>>, vector<16xf32>,
      tpu.vector_store %arg8[%swap3A_271, %swap3A_272], %mul3A_270 {strides = array<i32>} : memref<128x384xf32, #tpu.memory_space<vmem>>, vector<16xf32>,
      %get3A_274 = arith.index_cast %scan3A_105 : i32 to index
      %get3A_275 = arith.constant 368 : index
      %get3A_276 = tpu.vector_load %arg8[%get3A_274, %get3A_275] {strides = array<i32>} : memref<128x384xf32, #tpu.memory_space<vmem>>, vector<16xf32>,
      %mul3A_277 = arith.mulf %get3A_276, %div3A_113 : vector<16xf32>
      %swap3A_278 = arith.index_cast %scan3A_105 : i32 to index
      %swap3A_279 = arith.constant 368 : index
      %swap3A_280 = tpu.vector_load %arg8[%swap3A_278, %swap3A_279] {strides = array<i32>} : memref<128x384xf32, #tpu.memory_space<vmem>>, vector<16xf32>,
      tpu.vector_store %arg8[%swap3A_278, %swap3A_279], %mul3A_277 {strides = array<i32>} : memref<128x384xf32, #tpu.memory_space<vmem>>, vector<16xf32>,
      %scan3A_281 = arith.constant 0 : i32
      scf.yield %scan3A_281 : i32
    }
    %scan3A_73 = arith.constant 64 : i32
    %dma_start3A_74 = arith.constant 0 : i32
    %dma_start3A_75 = arith.constant 0 : i32
    %dma_start3A_76 = tpu.memref_slice %arg8[%dma_start3A_74, %dma_start3A_75] : memref<128x384xf32, #tpu.memory_space<vmem>> -> memref<64x384xf32, #tpu.memory_space<vmem>>
    %dma_start3A_77 = arith.constant 0 : i32
    %dma_start3A_78 = tpu.memref_slice %arg4[%add3A_9, %dma_start3A_77, %mul3A_33] : memref<16x128x768xf32, #tpu.memory_space<hbm>> -> memref<1x64x384xf32, #tpu.memory_space<hbm>>
    %dma_start3A_79 = tpu.memref_squeeze %dma_start3A_78 : memref<1x64x384xf32, #tpu.memory_space<hbm>> -> memref<64x384xf32, #tpu.memory_space<hbm>>
    %dma_start3A_80 = arith.constant 0 : i32
    %dma_start3A_81 = tpu.memref_slice %arg4[%add3A_9, %dma_start3A_80, %mul3A_33] : memref<16x128x768xf32, #tpu.memory_space<hbm>> -> memref<1x64x384xf32, #tpu.memory_space<hbm>>
    %dma_start3A_82 = tpu.memref_squeeze %dma_start3A_81 : memref<1x64x384xf32, #tpu.memory_space<hbm>> -> memref<64x384xf32, #tpu.memory_space<hbm>>
    %dma_start3A_83 = arith.constant 0 : i32
    %dma_start3A_84 = arith.constant 0 : i32
    %dma_start3A_85 = tpu.memref_slice %arg8[%dma_start3A_83, %dma_start3A_84] : memref<128x384xf32, #tpu.memory_space<vmem>> -> memref<64x384xf32, #tpu.memory_space<vmem>>
    tpu.enqueue_dma source(%dma_start3A_85 : memref<64x384xf32, #tpu.memory_space<vmem>>) target(%dma_start3A_82 : memref<64x384xf32, #tpu.memory_space<hbm>>) target_semaphore(%arg12 : memref<!tpu.dma_semaphore, #tpu.memory_space<semaphore_mem>>)
    %scan3A_86 = arith.constant 0 : i32
    %scan3A_87 = arith.constant 64 : i32
    %scan3A_88 = arith.constant 64 : i32
    %scan3A_89 = arith.addi %scan3A_87, %scan3A_88 : i32
    %scan3A_90 = arith.constant 1 : i32
    %scan3A_91 = scf.for %scan3A_105 = %scan3A_87 to %scan3A_89 step %scan3A_90 iter_args(%scan3A_106 = %scan3A_86) -> (i32)  : i32 {
      %get3A = arith.index_cast %scan3A_105 : i32 to index
      %get3A_107 = arith.constant 0 : index
      %get3A_108 = tpu.vector_load %arg9[%get3A, %get3A_107] {strides = array<i32>} : memref<128x16xf32, #tpu.memory_space<vmem>>, vector<16xf32>,
      %max3A = arith.constant 1.000000e+00 : f32
      %max3A_109 = vector.broadcast %max3A : f32 to vector<16xf32>
      %max3A_110 = arith.maximumf %get3A_108, %max3A_109 : vector<16xf32>
      %div3A_111 = arith.constant 1.000000e+00 : f32
      %div3A_112 = vector.broadcast %div3A_111 : f32 to vector<16xf32>
      %div3A_113 = arith.divf %div3A_112, %max3A_110 : vector<16xf32>
      %get3A_114 = arith.index_cast %scan3A_105 : i32 to index
      %get3A_115 = arith.constant 0 : index
      %get3A_116 = tpu.vector_load %arg8[%get3A_114, %get3A_115] {strides = array<i32>} : memref<128x384xf32, #tpu.memory_space<vmem>>, vector<16xf32>,
      %mul3A_117 = arith.mulf %get3A_116, %div3A_113 : vector<16xf32>
      %swap3A = arith.index_cast %scan3A_105 : i32 to index
      %swap3A_118 = arith.constant 0 : index
      %swap3A_119 = tpu.vector_load %arg8[%swap3A, %swap3A_118] {strides = array<i32>} : memref<128x384xf32, #tpu.memory_space<vmem>>, vector<16xf32>,
      tpu.vector_store %arg8[%swap3A, %swap3A_118], %mul3A_117 {strides = array<i32>} : memref<128x384xf32, #tpu.memory_space<vmem>>, vector<16xf32>,
      %get3A_120 = arith.index_cast %scan3A_105 : i32 to index
      %get3A_121 = arith.constant 16 : index
      %get3A_122 = tpu.vector_load %arg8[%get3A_120, %get3A_121] {strides = array<i32>} : memref<128x384xf32, #tpu.memory_space<vmem>>, vector<16xf32>,
      %mul3A_123 = arith.mulf %get3A_122, %div3A_113 : vector<16xf32>
      %swap3A_124 = arith.index_cast %scan3A_105 : i32 to index
      %swap3A_125 = arith.constant 16 : index
      %swap3A_126 = tpu.vector_load %arg8[%swap3A_124, %swap3A_125] {strides = array<i32>} : memref<128x384xf32, #tpu.memory_space<vmem>>, vector<16xf32>,
      tpu.vector_store %arg8[%swap3A_124, %swap3A_125], %mul3A_123 {strides = array<i32>} : memref<128x384xf32, #tpu.memory_space<vmem>>, vector<16xf32>,
      %get3A_127 = arith.index_cast %scan3A_105 : i32 to index
      %get3A_128 = arith.constant 32 : index
      %get3A_129 = tpu.vector_load %arg8[%get3A_127, %get3A_128] {strides = array<i32>} : memref<128x384xf32, #tpu.memory_space<vmem>>, vector<16xf32>,
      %mul3A_130 = arith.mulf %get3A_129, %div3A_113 : vector<16xf32>
      %swap3A_131 = arith.index_cast %scan3A_105 : i32 to index
      %swap3A_132 = arith.constant 32 : index
      %swap3A_133 = tpu.vector_load %arg8[%swap3A_131, %swap3A_132] {strides = array<i32>} : memref<128x384xf32, #tpu.memory_space<vmem>>, vector<16xf32>,
      tpu.vector_store %arg8[%swap3A_131, %swap3A_132], %mul3A_130 {strides = array<i32>} : memref<128x384xf32, #tpu.memory_space<vmem>>, vector<16xf32>,
      %get3A_134 = arith.index_cast %scan3A_105 : i32 to index
      %get3A_135 = arith.constant 48 : index
      %get3A_136 = tpu.vector_load %arg8[%get3A_134, %get3A_135] {strides = array<i32>} : memref<128x384xf32, #tpu.memory_space<vmem>>, vector<16xf32>,
      %mul3A_137 = arith.mulf %get3A_136, %div3A_113 : vector<16xf32>
      %swap3A_138 = arith.index_cast %scan3A_105 : i32 to index
      %swap3A_139 = arith.constant 48 : index
      %swap3A_140 = tpu.vector_load %arg8[%swap3A_138, %swap3A_139] {strides = array<i32>} : memref<128x384xf32, #tpu.memory_space<vmem>>, vector<16xf32>,
      tpu.vector_store %arg8[%swap3A_138, %swap3A_139], %mul3A_137 {strides = array<i32>} : memref<128x384xf32, #tpu.memory_space<vmem>>, vector<16xf32>,
      %get3A_141 = arith.index_cast %scan3A_105 : i32 to index
      %get3A_142 = arith.constant 64 : index
      %get3A_143 = tpu.vector_load %arg8[%get3A_141, %get3A_142] {strides = array<i32>} : memref<128x384xf32, #tpu.memory_space<vmem>>, vector<16xf32>,
      %mul3A_144 = arith.mulf %get3A_143, %div3A_113 : vector<16xf32>
      %swap3A_145 = arith.index_cast %scan3A_105 : i32 to index
      %swap3A_146 = arith.constant 64 : index
      %swap3A_147 = tpu.vector_load %arg8[%swap3A_145, %swap3A_146] {strides = array<i32>} : memref<128x384xf32, #tpu.memory_space<vmem>>, vector<16xf32>,
      tpu.vector_store %arg8[%swap3A_145, %swap3A_146], %mul3A_144 {strides = array<i32>} : memref<128x384xf32, #tpu.memory_space<vmem>>, vector<16xf32>,
      %get3A_148 = arith.index_cast %scan3A_105 : i32 to index
      %get3A_149 = arith.constant 80 : index
      %get3A_150 = tpu.vector_load %arg8[%get3A_148, %get3A_149] {strides = array<i32>} : memref<128x384xf32, #tpu.memory_space<vmem>>, vector<16xf32>,
      %mul3A_151 = arith.mulf %get3A_150, %div3A_113 : vector<16xf32>
      %swap3A_152 = arith.index_cast %scan3A_105 : i32 to index
      %swap3A_153 = arith.constant 80 : index
      %swap3A_154 = tpu.vector_load %arg8[%swap3A_152, %swap3A_153] {strides = array<i32>} : memref<128x384xf32, #tpu.memory_space<vmem>>, vector<16xf32>,
      tpu.vector_store %arg8[%swap3A_152, %swap3A_153], %mul3A_151 {strides = array<i32>} : memref<128x384xf32, #tpu.memory_space<vmem>>, vector<16xf32>,
      %get3A_155 = arith.index_cast %scan3A_105 : i32 to index
      %get3A_156 = arith.constant 96 : index
      %get3A_157 = tpu.vector_load %arg8[%get3A_155, %get3A_156] {strides = array<i32>} : memref<128x384xf32, #tpu.memory_space<vmem>>, vector<16xf32>,
      %mul3A_158 = arith.mulf %get3A_157, %div3A_113 : vector<16xf32>
      %swap3A_159 = arith.index_cast %scan3A_105 : i32 to index
      %swap3A_160 = arith.constant 96 : index
      %swap3A_161 = tpu.vector_load %arg8[%swap3A_159, %swap3A_160] {strides = array<i32>} : memref<128x384xf32, #tpu.memory_space<vmem>>, vector<16xf32>,
      tpu.vector_store %arg8[%swap3A_159, %swap3A_160], %mul3A_158 {strides = array<i32>} : memref<128x384xf32, #tpu.memory_space<vmem>>, vector<16xf32>,
      %get3A_162 = arith.index_cast %scan3A_105 : i32 to index
      %get3A_163 = arith.constant 112 : index
      %get3A_164 = tpu.vector_load %arg8[%get3A_162, %get3A_163] {strides = array<i32>} : memref<128x384xf32, #tpu.memory_space<vmem>>, vector<16xf32>,
      %mul3A_165 = arith.mulf %get3A_164, %div3A_113 : vector<16xf32>
      %swap3A_166 = arith.index_cast %scan3A_105 : i32 to index
      %swap3A_167 = arith.constant 112 : index
      %swap3A_168 = tpu.vector_load %arg8[%swap3A_166, %swap3A_167] {strides = array<i32>} : memref<128x384xf32, #tpu.memory_space<vmem>>, vector<16xf32>,
      tpu.vector_store %arg8[%swap3A_166, %swap3A_167], %mul3A_165 {strides = array<i32>} : memref<128x384xf32, #tpu.memory_space<vmem>>, vector<16xf32>,
      %get3A_169 = arith.index_cast %scan3A_105 : i32 to index
      %get3A_170 = arith.constant 128 : index
      %get3A_171 = tpu.vector_load %arg8[%get3A_169, %get3A_170] {strides = array<i32>} : memref<128x384xf32, #tpu.memory_space<vmem>>, vector<16xf32>,
      %mul3A_172 = arith.mulf %get3A_171, %div3A_113 : vector<16xf32>
      %swap3A_173 = arith.index_cast %scan3A_105 : i32 to index
      %swap3A_174 = arith.constant 128 : index
      %swap3A_175 = tpu.vector_load %arg8[%swap3A_173, %swap3A_174] {strides = array<i32>} : memref<128x384xf32, #tpu.memory_space<vmem>>, vector<16xf32>,
      tpu.vector_store %arg8[%swap3A_173, %swap3A_174], %mul3A_172 {strides = array<i32>} : memref<128x384xf32, #tpu.memory_space<vmem>>, vector<16xf32>,
      %get3A_176 = arith.index_cast %scan3A_105 : i32 to index
      %get3A_177 = arith.constant 144 : index
      %get3A_178 = tpu.vector_load %arg8[%get3A_176, %get3A_177] {strides = array<i32>} : memref<128x384xf32, #tpu.memory_space<vmem>>, vector<16xf32>,
      %mul3A_179 = arith.mulf %get3A_178, %div3A_113 : vector<16xf32>
      %swap3A_180 = arith.index_cast %scan3A_105 : i32 to index
      %swap3A_181 = arith.constant 144 : index
      %swap3A_182 = tpu.vector_load %arg8[%swap3A_180, %swap3A_181] {strides = array<i32>} : memref<128x384xf32, #tpu.memory_space<vmem>>, vector<16xf32>,
      tpu.vector_store %arg8[%swap3A_180, %swap3A_181], %mul3A_179 {strides = array<i32>} : memref<128x384xf32, #tpu.memory_space<vmem>>, vector<16xf32>,
      %get3A_183 = arith.index_cast %scan3A_105 : i32 to index
      %get3A_184 = arith.constant 160 : index
      %get3A_185 = tpu.vector_load %arg8[%get3A_183, %get3A_184] {strides = array<i32>} : memref<128x384xf32, #tpu.memory_space<vmem>>, vector<16xf32>,
      %mul3A_186 = arith.mulf %get3A_185, %div3A_113 : vector<16xf32>
      %swap3A_187 = arith.index_cast %scan3A_105 : i32 to index
      %swap3A_188 = arith.constant 160 : index
      %swap3A_189 = tpu.vector_load %arg8[%swap3A_187, %swap3A_188] {strides = array<i32>} : memref<128x384xf32, #tpu.memory_space<vmem>>, vector<16xf32>,
      tpu.vector_store %arg8[%swap3A_187, %swap3A_188], %mul3A_186 {strides = array<i32>} : memref<128x384xf32, #tpu.memory_space<vmem>>, vector<16xf32>,
      %get3A_190 = arith.index_cast %scan3A_105 : i32 to index
      %get3A_191 = arith.constant 176 : index
      %get3A_192 = tpu.vector_load %arg8[%get3A_190, %get3A_191] {strides = array<i32>} : memref<128x384xf32, #tpu.memory_space<vmem>>, vector<16xf32>,
      %mul3A_193 = arith.mulf %get3A_192, %div3A_113 : vector<16xf32>
      %swap3A_194 = arith.index_cast %scan3A_105 : i32 to index
      %swap3A_195 = arith.constant 176 : index
      %swap3A_196 = tpu.vector_load %arg8[%swap3A_194, %swap3A_195] {strides = array<i32>} : memref<128x384xf32, #tpu.memory_space<vmem>>, vector<16xf32>,
      tpu.vector_store %arg8[%swap3A_194, %swap3A_195], %mul3A_193 {strides = array<i32>} : memref<128x384xf32, #tpu.memory_space<vmem>>, vector<16xf32>,
      %get3A_197 = arith.index_cast %scan3A_105 : i32 to index
      %get3A_198 = arith.constant 192 : index
      %get3A_199 = tpu.vector_load %arg8[%get3A_197, %get3A_198] {strides = array<i32>} : memref<128x384xf32, #tpu.memory_space<vmem>>, vector<16xf32>,
      %mul3A_200 = arith.mulf %get3A_199, %div3A_113 : vector<16xf32>
      %swap3A_201 = arith.index_cast %scan3A_105 : i32 to index
      %swap3A_202 = arith.constant 192 : index
      %swap3A_203 = tpu.vector_load %arg8[%swap3A_201, %swap3A_202] {strides = array<i32>} : memref<128x384xf32, #tpu.memory_space<vmem>>, vector<16xf32>,
      tpu.vector_store %arg8[%swap3A_201, %swap3A_202], %mul3A_200 {strides = array<i32>} : memref<128x384xf32, #tpu.memory_space<vmem>>, vector<16xf32>,
      %get3A_204 = arith.index_cast %scan3A_105 : i32 to index
      %get3A_205 = arith.constant 208 : index
      %get3A_206 = tpu.vector_load %arg8[%get3A_204, %get3A_205] {strides = array<i32>} : memref<128x384xf32, #tpu.memory_space<vmem>>, vector<16xf32>,
      %mul3A_207 = arith.mulf %get3A_206, %div3A_113 : vector<16xf32>
      %swap3A_208 = arith.index_cast %scan3A_105 : i32 to index
      %swap3A_209 = arith.constant 208 : index
      %swap3A_210 = tpu.vector_load %arg8[%swap3A_208, %swap3A_209] {strides = array<i32>} : memref<128x384xf32, #tpu.memory_space<vmem>>, vector<16xf32>,
      tpu.vector_store %arg8[%swap3A_208, %swap3A_209], %mul3A_207 {strides = array<i32>} : memref<128x384xf32, #tpu.memory_space<vmem>>, vector<16xf32>,
      %get3A_211 = arith.index_cast %scan3A_105 : i32 to index
      %get3A_212 = arith.constant 224 : index
      %get3A_213 = tpu.vector_load %arg8[%get3A_211, %get3A_212] {strides = array<i32>} : memref<128x384xf32, #tpu.memory_space<vmem>>, vector<16xf32>,
      %mul3A_214 = arith.mulf %get3A_213, %div3A_113 : vector<16xf32>
      %swap3A_215 = arith.index_cast %scan3A_105 : i32 to index
      %swap3A_216 = arith.constant 224 : index
      %swap3A_217 = tpu.vector_load %arg8[%swap3A_215, %swap3A_216] {strides = array<i32>} : memref<128x384xf32, #tpu.memory_space<vmem>>, vector<16xf32>,
      tpu.vector_store %arg8[%swap3A_215, %swap3A_216], %mul3A_214 {strides = array<i32>} : memref<128x384xf32, #tpu.memory_space<vmem>>, vector<16xf32>,
      %get3A_218 = arith.index_cast %scan3A_105 : i32 to index
      %get3A_219 = arith.constant 240 : index
      %get3A_220 = tpu.vector_load %arg8[%get3A_218, %get3A_219] {strides = array<i32>} : memref<128x384xf32, #tpu.memory_space<vmem>>, vector<16xf32>,
      %mul3A_221 = arith.mulf %get3A_220, %div3A_113 : vector<16xf32>
      %swap3A_222 = arith.index_cast %scan3A_105 : i32 to index
      %swap3A_223 = arith.constant 240 : index
      %swap3A_224 = tpu.vector_load %arg8[%swap3A_222, %swap3A_223] {strides = array<i32>} : memref<128x384xf32, #tpu.memory_space<vmem>>, vector<16xf32>,
      tpu.vector_store %arg8[%swap3A_222, %swap3A_223], %mul3A_221 {strides = array<i32>} : memref<128x384xf32, #tpu.memory_space<vmem>>, vector<16xf32>,
      %get3A_225 = arith.index_cast %scan3A_105 : i32 to index
      %get3A_226 = arith.constant 256 : index
      %get3A_227 = tpu.vector_load %arg8[%get3A_225, %get3A_226] {strides = array<i32>} : memref<128x384xf32, #tpu.memory_space<vmem>>, vector<16xf32>,
      %mul3A_228 = arith.mulf %get3A_227, %div3A_113 : vector<16xf32>
      %swap3A_229 = arith.index_cast %scan3A_105 : i32 to index
      %swap3A_230 = arith.constant 256 : index
      %swap3A_231 = tpu.vector_load %arg8[%swap3A_229, %swap3A_230] {strides = array<i32>} : memref<128x384xf32, #tpu.memory_space<vmem>>, vector<16xf32>,
      tpu.vector_store %arg8[%swap3A_229, %swap3A_230], %mul3A_228 {strides = array<i32>} : memref<128x384xf32, #tpu.memory_space<vmem>>, vector<16xf32>,
      %get3A_232 = arith.index_cast %scan3A_105 : i32 to index
      %get3A_233 = arith.constant 272 : index
      %get3A_234 = tpu.vector_load %arg8[%get3A_232, %get3A_233] {strides = array<i32>} : memref<128x384xf32, #tpu.memory_space<vmem>>, vector<16xf32>,
      %mul3A_235 = arith.mulf %get3A_234, %div3A_113 : vector<16xf32>
      %swap3A_236 = arith.index_cast %scan3A_105 : i32 to index
      %swap3A_237 = arith.constant 272 : index
      %swap3A_238 = tpu.vector_load %arg8[%swap3A_236, %swap3A_237] {strides = array<i32>} : memref<128x384xf32, #tpu.memory_space<vmem>>, vector<16xf32>,
      tpu.vector_store %arg8[%swap3A_236, %swap3A_237], %mul3A_235 {strides = array<i32>} : memref<128x384xf32, #tpu.memory_space<vmem>>, vector<16xf32>,
      %get3A_239 = arith.index_cast %scan3A_105 : i32 to index
      %get3A_240 = arith.constant 288 : index
      %get3A_241 = tpu.vector_load %arg8[%get3A_239, %get3A_240] {strides = array<i32>} : memref<128x384xf32, #tpu.memory_space<vmem>>, vector<16xf32>,
      %mul3A_242 = arith.mulf %get3A_241, %div3A_113 : vector<16xf32>
      %swap3A_243 = arith.index_cast %scan3A_105 : i32 to index
      %swap3A_244 = arith.constant 288 : index
      %swap3A_245 = tpu.vector_load %arg8[%swap3A_243, %swap3A_244] {strides = array<i32>} : memref<128x384xf32, #tpu.memory_space<vmem>>, vector<16xf32>,
      tpu.vector_store %arg8[%swap3A_243, %swap3A_244], %mul3A_242 {strides = array<i32>} : memref<128x384xf32, #tpu.memory_space<vmem>>, vector<16xf32>,
      %get3A_246 = arith.index_cast %scan3A_105 : i32 to index
      %get3A_247 = arith.constant 304 : index
      %get3A_248 = tpu.vector_load %arg8[%get3A_246, %get3A_247] {strides = array<i32>} : memref<128x384xf32, #tpu.memory_space<vmem>>, vector<16xf32>,
      %mul3A_249 = arith.mulf %get3A_248, %div3A_113 : vector<16xf32>
      %swap3A_250 = arith.index_cast %scan3A_105 : i32 to index
      %swap3A_251 = arith.constant 304 : index
      %swap3A_252 = tpu.vector_load %arg8[%swap3A_250, %swap3A_251] {strides = array<i32>} : memref<128x384xf32, #tpu.memory_space<vmem>>, vector<16xf32>,
      tpu.vector_store %arg8[%swap3A_250, %swap3A_251], %mul3A_249 {strides = array<i32>} : memref<128x384xf32, #tpu.memory_space<vmem>>, vector<16xf32>,
      %get3A_253 = arith.index_cast %scan3A_105 : i32 to index
      %get3A_254 = arith.constant 320 : index
      %get3A_255 = tpu.vector_load %arg8[%get3A_253, %get3A_254] {strides = array<i32>} : memref<128x384xf32, #tpu.memory_space<vmem>>, vector<16xf32>,
      %mul3A_256 = arith.mulf %get3A_255, %div3A_113 : vector<16xf32>
      %swap3A_257 = arith.index_cast %scan3A_105 : i32 to index
      %swap3A_258 = arith.constant 320 : index
      %swap3A_259 = tpu.vector_load %arg8[%swap3A_257, %swap3A_258] {strides = array<i32>} : memref<128x384xf32, #tpu.memory_space<vmem>>, vector<16xf32>,
      tpu.vector_store %arg8[%swap3A_257, %swap3A_258], %mul3A_256 {strides = array<i32>} : memref<128x384xf32, #tpu.memory_space<vmem>>, vector<16xf32>,
      %get3A_260 = arith.index_cast %scan3A_105 : i32 to index
      %get3A_261 = arith.constant 336 : index
      %get3A_262 = tpu.vector_load %arg8[%get3A_260, %get3A_261] {strides = array<i32>} : memref<128x384xf32, #tpu.memory_space<vmem>>, vector<16xf32>,
      %mul3A_263 = arith.mulf %get3A_262, %div3A_113 : vector<16xf32>
      %swap3A_264 = arith.index_cast %scan3A_105 : i32 to index
      %swap3A_265 = arith.constant 336 : index
      %swap3A_266 = tpu.vector_load %arg8[%swap3A_264, %swap3A_265] {strides = array<i32>} : memref<128x384xf32, #tpu.memory_space<vmem>>, vector<16xf32>,
      tpu.vector_store %arg8[%swap3A_264, %swap3A_265], %mul3A_263 {strides = array<i32>} : memref<128x384xf32, #tpu.memory_space<vmem>>, vector<16xf32>,
      %get3A_267 = arith.index_cast %scan3A_105 : i32 to index
      %get3A_268 = arith.constant 352 : index
      %get3A_269 = tpu.vector_load %arg8[%get3A_267, %get3A_268] {strides = array<i32>} : memref<128x384xf32, #tpu.memory_space<vmem>>, vector<16xf32>,
      %mul3A_270 = arith.mulf %get3A_269, %div3A_113 : vector<16xf32>
      %swap3A_271 = arith.index_cast %scan3A_105 : i32 to index
      %swap3A_272 = arith.constant 352 : index
      %swap3A_273 = tpu.vector_load %arg8[%swap3A_271, %swap3A_272] {strides = array<i32>} : memref<128x384xf32, #tpu.memory_space<vmem>>, vector<16xf32>,
      tpu.vector_store %arg8[%swap3A_271, %swap3A_272], %mul3A_270 {strides = array<i32>} : memref<128x384xf32, #tpu.memory_space<vmem>>, vector<16xf32>,
      %get3A_274 = arith.index_cast %scan3A_105 : i32 to index
      %get3A_275 = arith.constant 368 : index
      %get3A_276 = tpu.vector_load %arg8[%get3A_274, %get3A_275] {strides = array<i32>} : memref<128x384xf32, #tpu.memory_space<vmem>>, vector<16xf32>,
      %mul3A_277 = arith.mulf %get3A_276, %div3A_113 : vector<16xf32>
      %swap3A_278 = arith.index_cast %scan3A_105 : i32 to index
      %swap3A_279 = arith.constant 368 : index
      %swap3A_280 = tpu.vector_load %arg8[%swap3A_278, %swap3A_279] {strides = array<i32>} : memref<128x384xf32, #tpu.memory_space<vmem>>, vector<16xf32>,
      tpu.vector_store %arg8[%swap3A_278, %swap3A_279], %mul3A_277 {strides = array<i32>} : memref<128x384xf32, #tpu.memory_space<vmem>>, vector<16xf32>,
      %scan3A_281 = arith.constant 0 : i32
      scf.yield %scan3A_281 : i32
    }
    %scan3A_92 = arith.constant 64 : i32
    "tpu.region"() ({
      %run_scoped3A = tpu.sem_alloc : memref<!tpu.dma_semaphore, #tpu.memory_space<semaphore_mem>>
      %dma_start3A_105 = arith.constant 64 : i32
      %dma_start3A_106 = arith.constant 0 : i32
      %dma_start3A_107 = tpu.memref_slice %arg8[%dma_start3A_105, %dma_start3A_106] : memref<128x384xf32, #tpu.memory_space<vmem>> -> memref<64x384xf32, #tpu.memory_space<vmem>>
      %dma_start3A_108 = arith.constant 64 : i32
      %dma_start3A_109 = tpu.memref_slice %arg4[%add3A_9, %dma_start3A_108, %mul3A_33] : memref<16x128x768xf32, #tpu.memory_space<hbm>> -> memref<1x64x384xf32, #tpu.memory_space<hbm>>
      %dma_start3A_110 = tpu.memref_squeeze %dma_start3A_109 : memref<1x64x384xf32, #tpu.memory_space<hbm>> -> memref<64x384xf32, #tpu.memory_space<hbm>>
      %dma_start3A_111 = arith.constant 64 : i32
      %dma_start3A_112 = tpu.memref_slice %arg4[%add3A_9, %dma_start3A_111, %mul3A_33] : memref<16x128x768xf32, #tpu.memory_space<hbm>> -> memref<1x64x384xf32, #tpu.memory_space<hbm>>
      %dma_start3A_113 = tpu.memref_squeeze %dma_start3A_112 : memref<1x64x384xf32, #tpu.memory_space<hbm>> -> memref<64x384xf32, #tpu.memory_space<hbm>>
      %dma_start3A_114 = arith.constant 64 : i32
      %dma_start3A_115 = arith.constant 0 : i32
      %dma_start3A_116 = tpu.memref_slice %arg8[%dma_start3A_114, %dma_start3A_115] : memref<128x384xf32, #tpu.memory_space<vmem>> -> memref<64x384xf32, #tpu.memory_space<vmem>>
      tpu.enqueue_dma source(%dma_start3A_116 : memref<64x384xf32, #tpu.memory_space<vmem>>) target(%dma_start3A_113 : memref<64x384xf32, #tpu.memory_space<hbm>>) target_semaphore(%run_scoped3A : memref<!tpu.dma_semaphore, #tpu.memory_space<semaphore_mem>>)
      %dma_wait3A_117 = arith.constant 64 : i32
      %dma_wait3A_118 = arith.constant 0 : i32
      %dma_wait3A_119 = tpu.memref_slice %arg8[%dma_wait3A_117, %dma_wait3A_118] : memref<128x384xf32, #tpu.memory_space<vmem>> -> memref<64x384xf32, #tpu.memory_space<vmem>>
      %dma_wait3A_120 = arith.constant 64 : i32
      %dma_wait3A_121 = tpu.memref_slice %arg4[%add3A_9, %dma_wait3A_120, %mul3A_33] : memref<16x128x768xf32, #tpu.memory_space<hbm>> -> memref<1x64x384xf32, #tpu.memory_space<hbm>>
      %dma_wait3A_122 = tpu.memref_squeeze %dma_wait3A_121 : memref<1x64x384xf32, #tpu.memory_space<hbm>> -> memref<64x384xf32, #tpu.memory_space<hbm>>
      %dma_wait3A_123 = arith.constant 64 : i32
      %dma_wait3A_124 = tpu.memref_slice %arg4[%add3A_9, %dma_wait3A_123, %mul3A_33] : memref<16x128x768xf32, #tpu.memory_space<hbm>> -> memref<1x64x384xf32, #tpu.memory_space<hbm>>
      %dma_wait3A_125 = tpu.memref_squeeze %dma_wait3A_124 : memref<1x64x384xf32, #tpu.memory_space<hbm>> -> memref<64x384xf32, #tpu.memory_space<hbm>>
      %dma_wait3A_126 = arith.constant 64 : i32
      %dma_wait3A_127 = arith.constant 0 : i32
      %dma_wait3A_128 = tpu.memref_slice %arg8[%dma_wait3A_126, %dma_wait3A_127] : memref<128x384xf32, #tpu.memory_space<vmem>> -> memref<64x384xf32, #tpu.memory_space<vmem>>
      tpu.wait_dma2 semaphore(%run_scoped3A : memref<!tpu.dma_semaphore, #tpu.memory_space<semaphore_mem>>) src(%dma_wait3A_128 : memref<64x384xf32, #tpu.memory_space<vmem>>) dst(%dma_wait3A_125 : memref<64x384xf32, #tpu.memory_space<hbm>>)
      tpu.yield
    }) : () -> ()
    %dma_wait3A_93 = arith.constant 0 : i32
    %dma_wait3A_94 = arith.constant 0 : i32
    %dma_wait3A_95 = tpu.memref_slice %arg8[%dma_wait3A_93, %dma_wait3A_94] : memref<128x384xf32, #tpu.memory_space<vmem>> -> memref<64x384xf32, #tpu.memory_space<vmem>>
    %dma_wait3A_96 = arith.constant 0 : i32
    %dma_wait3A_97 = tpu.memref_slice %arg4[%add3A_9, %dma_wait3A_96, %mul3A_33] : memref<16x128x768xf32, #tpu.memory_space<hbm>> -> memref<1x64x384xf32, #tpu.memory_space<hbm>>
    %dma_wait3A_98 = tpu.memref_squeeze %dma_wait3A_97 : memref<1x64x384xf32, #tpu.memory_space<hbm>> -> memref<64x384xf32, #tpu.memory_space<hbm>>
    %dma_wait3A_99 = arith.constant 0 : i32
    %dma_wait3A_100 = tpu.memref_slice %arg4[%add3A_9, %dma_wait3A_99, %mul3A_33] : memref<16x128x768xf32, #tpu.memory_space<hbm>> -> memref<1x64x384xf32, #tpu.memory_space<hbm>>
    %dma_wait3A_101 = tpu.memref_squeeze %dma_wait3A_100 : memref<1x64x384xf32, #tpu.memory_space<hbm>> -> memref<64x384xf32, #tpu.memory_space<hbm>>
    %dma_wait3A_102 = arith.constant 0 : i32
    %dma_wait3A_103 = arith.constant 0 : i32
    %dma_wait3A_104 = tpu.memref_slice %arg8[%dma_wait3A_102, %dma_wait3A_103] : memref<128x384xf32, #tpu.memory_space<vmem>> -> memref<64x384xf32, #tpu.memory_space<vmem>>
    tpu.wait_dma2 semaphore(%arg12 : memref<!tpu.dma_semaphore, #tpu.memory_space<semaphore_mem>>) src(%dma_wait3A_104 : memref<64x384xf32, #tpu.memory_space<vmem>>) dst(%dma_wait3A_101 : memref<64x384xf32, #tpu.memory_space<hbm>>)
    return
  }
}

</mosaic_0001>

<sc_bundles>
// kernel: kernel.3.cloned.1.call-start
scs
__scs_entry_jumppad:
0x0: {  	(pc) =	sbr.rel $0x88, $3  }
0x1: {  	(tag) =	ssettag $0x0;
	lr =	simm.s32 $0x1  }
0x2: {  	[smem:$0x3F9F] =	sst lr;
	_ =	strace $0xD0000000  }
0x3: {  	_ = 	snop  }
0x4: {  	_ = 	snop  }
0x5: {  	_ = 	snop  }
0x6: {  	_ = 	snop  }
0x7: {  	_ = 	snop  }
__scs_overlays_trampoline_lowered:
0x8: {  	[smem:$0x3FAE] =	sst s0  }
0x9: {  	[smem:$0x3FAF] =	sst s1  }
0xa: {  	[smem:$0x3FB0] =	sst s2  }
0xb: {  	[smem:$0x3FB1] =	sst s3  }
0xc: {  	[smem:$0x3FB2] =	sst s4  }
0xd: {  	[smem:$0x3FB3] =	sst s5  }
0xe: {  	[smem:$0x3FB4] =	sst s6  }
0xf: {  	[smem:$0x3FB5] =	sst s7  }
0x10: {  	[smem:$0x3FB6] =	sst s8  }
0x11: {  	[smem:$0x3FB7] =	sst s9;
	s0 =	simm.s32 @!p0 $0x0  }
0x12: {  	s1 =	sld [smem:$0x3F9D];
	s0 =	simm.s32 @p0 $0x1  }
0x13: {  	[smem:$0x3FB8] =	sst s0;
	s0 =	simm.s32 @!p1 $0x0  }
0x14: {  	s2 =	sld [smem:$0x3F9C];
	s0 =	simm.s32 @p1 $0x1  }
0x15: {  	[smem:$0x3FB9] =	sst s0;
	s0 =	simm.s32 @!p2 $0x0  }
0x16: {  	s3 =	sld [smem:$0x3FDB];
	s0 =	simm.s32 @p2 $0x1  }
0x17: {  	s4 =	simm.s32 $0x1BF5;
	[smem:$0x3FBB] =	sst s0  }
0x18: {  	s0 =	sld [smem:$0x3F9E];
	_ =	swait.ge [sflag:s4], $0x0  }
0x19: {  	s7 =	sld [smem:$0x3F9F]  }
0x1a: {  	s8 =	sadd.s32 $0xFFFFE003, lr  }
0x1b: {  	s9 =	sadd.s32 $0xFFFFFEF7, lr;
	s5 =	simm.s32 $0xFFFFFFFF;
	p2 =	slt.u32 s8, $0xFFFFF086  }
0x1c: {  	p1 =	slt.u32 s9, $0xF7A;
	s5 =	simm.s32 @!p2 $0x0  }
0x1d: {  	s5 =	simm.s32 @p1 $0x1;
	p0 =	seq.s32 s7, s2  }
0x1e: {  	s7 =	smul.u32 @!p0 $0xF7A, s2;
	p2 =	seq.s32 @!p0 s5, $0x0  }
0x1f: {  	s9 =	smul.u32 $0xF7A, s1;
	s8 =	simm.s32 @!p0 $0x1BF5;
	p2 =	por !p2, p0  }
0x20: {  	[sflag:s8] =	ssyncset.s32 @!p0 $0xFFFFF086;
	s6 =	sadd.s32 @!p0 s3, s7;
	s7 =	simm.s32 @!p0 $0x108  }
0x21: {  	s3 =	sadd.s32 s3, s9;
	s6 =	sadd.s32 @!p0 $0x88, s6;
	s7 =	simm.s32 @p2 $0x1082  }
0x22: {  	[simem:s7], [sflag:s8] =	dma.local @!p0 [hbm:s6], $0xF7A  }
0x23: {  	s9 =	sor.u32 $0xD0000000, s2;
	s6 =	simm.s32 $0x108;
	_ =	swait.ge @!p0 [sflag:s8], $0x0  }
0x24: {  	s3 =	sadd.s32 $0x88, s3;
	s6 =	simm.s32 @!p1 $0x1082;
	[sflag:s4] =	ssyncset.s32 $0xFFFFF086  }
0x25: {  	[simem:s6], [sflag:s4] =	dma.local [hbm:s3], $0xF7A  }
0x26: {  	[smem:$0x3F9F] =	sst s1;
	(tag) =	ssettag s2;
	_ =	strace s9  }
0x27: {  	s1 =	sld [smem:$0x3FAF]  }
0x28: {  	s2 =	sld [smem:$0x3FB0]  }
0x29: {  	s4 =	sld [smem:$0x3FB2]  }
0x2a: {  	p0 =	seq.s32 s5, $0x0;
	s5 =	sld [smem:$0x3FB3]  }
0x2b: {  	s6 =	sld [smem:$0x3FB4]  }
0x2c: {  	s7 =	sld [smem:$0x3FB5]  }
0x2d: {  	s3 =	simm.s32 $0x108;
	s8 =	sld [smem:$0x3FB6]  }
0x2e: {  	s3 =	simm.s32 @!p0 $0x1082;
	s9 =	sld [smem:$0x3FB7]  }
0x2f: {  	lr =	sadd.s32 s0, s3;
	s0 =	sld [smem:$0x3FAE]  }
0x30: {  	s3 =	sld [smem:$0x3FB1]  }
0x31: {  	[smem:$0x3FBA] =	sst s10  }
0x32: {  	s10 =	sld [smem:$0x3FB8];
	_ =	sdelay $0x3  }
0x33: {  	p0 =	seq.s32 s10, $0x1;
	s10 =	sld [smem:$0x3FBA];
	_ =	sdelay $0x3  }
0x34: {  	[smem:$0x3FBA] =	sst s10  }
0x35: {  	s10 =	sld [smem:$0x3FB9];
	_ =	sdelay $0x3  }
0x36: {  	p1 =	seq.s32 s10, $0x1;
	s10 =	sld [smem:$0x3FBA];
	_ =	sdelay $0x3  }
0x37: {  	[smem:$0x3FBA] =	sst s10  }
0x38: {  	s10 =	sld [smem:$0x3FBB]  }
0x39: {  	_ = 	snop;
	(pc) =	sbr.ind lr, $3  }
0x3a: {  	_ = 	snop  }
0x3b: {  	_ = 	snop  }
0x3c: {  	p2 =	seq.s32 s10, $0x1;
	s10 =	sld [smem:$0x3FBA]  }
0x3d: {  	_ =	shalt  }
0x3e: {  	_ =	shalt  }
0x3f: {  	_ =	shalt  }
0x40: {  	_ =	shalt  }
0x41: {  	_ =	shalt  }
0x42: {  	_ =	shalt  }
0x43: {  	_ =	shalt  }
0x44: {  	_ =	shalt  }
0x45: {  	_ =	shalt  }
0x46: {  	_ =	shalt  }
0x47: {  	_ =	shalt  }
0x48: {  	_ =	shalt  }
0x49: {  	_ =	shalt  }
0x4a: {  	_ =	shalt  }
0x4b: {  	_ =	shalt  }
0x4c: {  	_ =	shalt  }
0x4d: {  	_ =	shalt  }
0x4e: {  	_ =	shalt  }
0x4f: {  	_ =	shalt  }
0x50: {  	_ =	shalt  }
0x51: {  	_ =	shalt  }
0x52: {  	_ =	shalt  }
0x53: {  	_ =	shalt  }
0x54: {  	_ =	shalt  }
0x55: {  	_ =	shalt  }
0x56: {  	_ =	shalt  }
0x57: {  	_ =	shalt  }
0x58: {  	_ =	shalt  }
0x59: {  	_ =	shalt  }
0x5a: {  	_ =	shalt  }
0x5b: {  	_ =	shalt  }
0x5c: {  	_ =	shalt  }
0x5d: {  	_ =	shalt  }
0x5e: {  	_ =	shalt  }
0x5f: {  	_ =	shalt  }
0x60: {  	_ =	shalt  }
0x61: {  	_ =	shalt  }
0x62: {  	_ =	shalt  }
0x63: {  	_ =	shalt  }
0x64: {  	_ =	shalt  }
0x65: {  	_ =	shalt  }
0x66: {  	_ =	shalt  }
0x67: {  	_ =	shalt  }
0x68: {  	_ =	shalt  }
0x69: {  	_ =	shalt  }
0x6a: {  	_ =	shalt  }
0x6b: {  	_ =	shalt  }
0x6c: {  	_ =	shalt  }
0x6d: {  	_ =	shalt  }
0x6e: {  	_ =	shalt  }
0x6f: {  	_ =	shalt  }
0x70: {  	_ =	shalt  }
0x71: {  	_ =	shalt  }
0x72: {  	_ =	shalt  }
0x73: {  	_ =	shalt  }
0x74: {  	_ =	shalt  }
0x75: {  	_ =	shalt  }
0x76: {  	_ =	shalt  }
0x77: {  	_ =	shalt  }
0x78: {  	_ =	shalt  }
0x79: {  	_ =	shalt  }
0x7a: {  	_ =	shalt  }
0x7b: {  	_ =	shalt  }
0x7c: {  	_ =	shalt  }
0x7d: {  	_ =	shalt  }
0x7e: {  	_ =	shalt  }
0x7f: {  	_ =	shalt  }
0x80: {  	_ =	shalt  }
0x81: {  	_ =	shalt  }
0x82: {  	_ =	shalt  }
0x83: {  	_ =	shalt  }
0x84: {  	_ =	shalt  }
0x85: {  	_ =	shalt  }
0x86: {  	_ =	shalt  }
0x87: {  	_ =	shalt  }
.Lfunc_end0:
.L_simem_size_0:
called_computation_lowered:
.L_overlay_start_0:
0x88: {  	s2 =	sld [smem:$0x3FD9]  }
0x89: {  	s3 =	sld [smem:$0x3FFE];
	_ =	sdelay $0x1  }
0x8a: {  	s1 =	srdreg.scid  }
0x8b: {  	s0 =	sand.u32 $0x1, s1  }
0x8c: {  	s18 =	sshll.u32 s0, $0xA;
	s2 =	sadd.s32 s3, s2  }
0x8d: {  	s2 =	sadd.s32 s2, s18  }
0x8e: {  	[smem:$0x3FC6] =	sst s2  }
0x8f: {  	_ = 	snop  }
0x90: {  	s2 =	sld [smem:$0x3FC9]  }
0x91: {  	s19 =	sld [smem:$0x3FC8]  }
0x92: {  	s4 =	sld [smem:$0x3FD0];
	(tm) =	ssettm $0x1  }
0x93: {  	s5 =	sld [smem:$0x3FFB];
	_ =	sdelay $0x3  }
0x94: {  	_ =	strace s5  }
0x95: {  	s5 =	sld [smem:$0x3FFC];
	_ =	sdelay $0x3  }
0x96: {  	_ =	strace s5  }
0x97: {  	s5 =	sld [smem:$0x3FFD];
	_ =	sdelay $0x3  }
0x98: {  	_ =	strace s5  }
0x99: {  	_ =	strace $0x8FFFFFFF  }
0x9a: {  	s20 =	sld [smem:$0x3FDB];
	_ =	sdelay $0x1  }
0x9b: {  	s6 =	simm.s32 $_scs_section_size  }
0x9c: {  	s7 =	simm.s32 $_size__tile_overlayer_lowered;
	s8 =	simm.s32 $_tile_overlayer_lowered  }
0x9d: {  	s23 =	simm.s32 $0x1BFF;
	s22 =	sshll.u32 s8, $0x1;
	s5 =	sadd.s32 s6, s20  }
0x9e: {  	s9 =	simm.s32 $0x0;
	s21 =	sshll.u32 s7, $0x1;
	s7 =	sadd.s32 s22, s5  }
0x9f: {  	[timem:s9], [sflag:s23] =	dma.local [hbm:s7], s21  }
0xa0: {  	_ =	swait.ge [sflag:s23], s21  }
0xa1: {  	s6 =	ssub.s32 $0x0, s21;
	[sflag:s23] =	ssyncset.done $0x0  }
0xa2: {  	[sflag:s23] =	ssyncadd.s32 s6;
	_ =	sdelay $0x1  }
0xa3: {  	s24 =	simm.s32 $0x1B8B  }
0xa4: {  	_ =	swait.ge [sflag:s24], $0x1  }
0xa5: {  	[sflag:s24] =	ssyncset.done $0x0  }
0xa6: {  	s25 =	simm.s32 $0x1B8E;
	[sflag:s24] =	ssyncadd.s32 $0xFFFFFFFF  }
0xa7: {  	s26 =	simm.s32 $execute0_lowered;
	[smem:$0x3FD2] =	sst s25  }
0xa8: {  	s6 =	sshll.u32 s26, $0x1;
	_ =	strace $0x80000046;
	[dreg:$0x1] =	wrdreg $0xFFFFFFFF  }
0xa9: {  	s28 =	simm.s32 $_size_execute0_lowered;
	s5 =	sadd.s32 s5, s6;
	[dreg:$0x0] =	wrdreg $0x0  }
0xaa: {  	s6 =	sshll.u32 s28, $0x1;
	[dreg:$0x2] =	wrdreg s5  }
0xab: {  	[dreg:$0x3] =	wrdreg s6  }
0xac: {  	[dreg:$0x4] =	wrdreg $0xC0  }
0xad: {  	_ =	task [dreg:s9], $0x5FFFF  }
0xae: {  	[dreg:$0x1] =	wrdreg $0xFFFFFFFF  }
0xaf: {  	[dreg:$0x0] =	wrdreg $0x60  }
0xb0: {  	[dreg:$0x2] =	wrdreg s2  }
0xb1: {  	[dreg:$0x3] =	wrdreg s19  }
0xb2: {  	[dreg:$0x4] =	wrdreg s4  }
0xb3: {  	[dreg:$0x5] =	wrdreg $0x9  }
0xb4: {  	_ =	task.clear_ibuf [dreg:s9], $0x6FFFF;
	_ =	strace $0x90000046  }
0xb5: {  	s29 =	simm.s32 $0x9;
	_ =	strace $0x80000048  }
0xb6: {  	_ =	swait.ge [sflag:s29], $0x1  }
0xb7: {  	[sflag:s29] =	ssyncadd.s32 $0xFFFFFFFF  }
0xb8: {  	_ =	strace $0x90000048  }
0xb9: {  	_ =	sfence  }
0xba: {  	s30 =	sld [smem:$0x0];
	_ =	sdelay $0x2  }
0xbb: {  	s31 =	sshll.u32 s1, $0xD;
	s1 =	sshrl.u32 s1, $0x2  }
0xbc: {  	s3 =	sand.u32 $0x4000, s31;
	s1 =	sadd.s32 s1, s30  }
0xbd: {  	s0 =	sor.u32 s3, s0;
	s1 =	sshll.u32 s1, $0x11  }
0xbe: {  	s0 =	sor.u32 s1, s0  }
0xbf: {  	s0 =	sadd.s32 $0x8F2B, s0  }
0xc0: {  	[sflag:s0] =	ssyncadd.remote.s32 $0x1  }
0xc1: {  	_ =	sfence.sel $0xFFFF  }
0xc2: {  	[dreg:$0x0] =	wrdreg $0xFFFFFFFF;
	(pc) =	sbr.abs _section_cstart, $3  }
0xc3: {  	[dreg:$0x1] =	wrdreg $0xFFFFFFFF  }
0xc4: {  	_ =	task.clear_ibuf [dreg:s9], $0x2FFFF;
	_ =	strace $0x9FFFFFFF  }
0xc5: {  	(tm) =	ssettm $0x7FFFFFFF  }
tec
execute0_lowered:
.L_overlay_start_1:
0x0: {  	(tag) =	ssettag $0x1  }
0x1: {  	s1 =	rddreg [dreg:$0x0]  }
0x2: {  	s0 =	srdreg.scid;
	s2 =	rddreg [dreg:$0x1]  }
0x3: {  	s6 =	stileid.u32;
	s8 =	rddreg [dreg:$0x2]  }
0x4: {  	s28 =	simm.s32 $0x0;
	s12 =	simm.s32 $0x1800;
	s16 =	simm.s32 $0x3  }
0x5: {  	s17 =	simm.s32 $0x6000;
	s18 =	simm.s32 $0x1;
	s19 =	simm.s32 $0x2  }
0x6: {  	s22 =	simm.s32 $0x4;
	s23 =	simm.s32 $0x0;
	s0 =	sand.u32 $0x1, s0  }
0x7: {  	s4 =	sand.u32 $0x7, s6;
	s6 =	sshrl.u32 s6, $0x3;
	s3 =	sshll.u32 s0, $0x3  }
0x8: {  	v0 =	vimm.s32 $0xEDCBA987;
	[smem:$0x7FF] =	sst s28;
	s6 =	smul.u32 $0xC00, s6;
	s5 =	sor.u32 s4, s3  }
0x9: {  	v1 =	vimm.s32 $0x65432100;
	v0 =	vunpack.c.l.s4.s8 v0;
	_ =	strace $0x80000047;
	s9 =	ssub.s32 $0x2, s0;
	s7 =	smul.u32 $0x300000, s5  }
0xa: {  	v1 =	vunpack.c.l.s4.s8 v1;
	s0 =	sshll.u32 s0, $0xC;
	s10 =	sshrl.u32 s9, $0x1;
	s5 =	smul.u32 $0x18000, s5  }
0xb: {  	s11 =	sshll.u32 s4, $0x4;
	s0 =	sadd.s32 s2, s0;
	v0 =	vunpack.c.0.s8.s32 v0;
	s10 =	ssub.s32 s9, s10  }
0xc: {  	vm0 =	vmmov $0x1;
	v1 =	vunpack.c.0.s8.s32 v1;
	s10 =	smax.u32 s10, $0x1;
	s7 =	sor.u32 s6, s7;
	s30 =	sor.u32 s6, s5  }
0xd: {  	v3 =	vimm.s32 $0x0;
	v7 =	vimm.s32 $0x40;
	v2 =	vand.u32 $0xF, v0;
	s5 =	sadd.s32 s11, s0;
	s11 =	simm.s32 $0xC00;
	s31 =	sshrl.u32 s30, $0x3  }
0xe: {  	v0 =	vimm.f32 $0.0e+00;
	v1 =	vcombine.low v1, v2;
	v2 =	vlaneseq.u32;
	s29 =	sshrl.u32 s7, $0x3;
	s6 =	sor.u32 $0xC000, s7;
	s8 =	sadd.s32 s8, s31  }
0xf: {  	s7 =	sor.u32 $0x18000, s7;
	v4 =	vor.u32 $0x10, v2;
	v5 =	vor.u32 $0x20, v2;
	v6 =	vor.u32 $0x30, v2;
	s4 =	sadd.s32 s1, s29;
	s9 =	sadd.s32 $0x1800, s8  }
.LBB2_1:
0x10: {  	s2 =	simm.s32 $0x0;
	s0 =	simm.s32 $0x0;
	s3 =	simm.s32 $0x80  }
0x11: {  	[tilespmem:s2], [sflag:$0x1] =	stream.strided.gather [hbm4b:s4+s11], $0x6000, s12, s11, $0x38;
	[tilespmem:$0x1D100] =	vst v63  }
0x12: {  	s13 =	simm.s32 $0x400;
	s14 =	simm.s32 $0xC000;
	s0 =	smul.u32 $0x3000, s0  }
0x13: {  	[tilespmem:s14], [sflag:$0x3] =	stream.strided.gather [hbm4b:s5+s3], $0x1000, s13, s3, $0x38;
	[tilespmem:$0x1D100] =	vst v63  }
0x14: {  	s2 =	sand.u32 $0x380, s2;
	s0 =	sshra.s32 s0, $0x2  }
0x15: {  	s2 =	sor.u32 s2, s0  }
0x16: {  	[tilespmem:s2+$0xD010] =	vst v0  }
0x17: {  	[tilespmem:s2+$0xD020] =	vst v0  }
0x18: {  	[tilespmem:s2+$0xD030] =	vst v0  }
0x19: {  	[tilespmem:s2+$0xD040] =	vst v0  }
0x1a: {  	[tilespmem:s2+$0xD050] =	vst v0  }
0x1b: {  	[tilespmem:s2+$0xD060] =	vst v0  }
0x1c: {  	[tilespmem:s2+$0xD070] =	vst v0  }
0x1d: {  	[tilespmem:s2+$0xD400] =	vst v0  }
0x1e: {  	[tilespmem:s2+$0xD410] =	vst v0  }
0x1f: {  	[tilespmem:s2+$0xD420] =	vst v0  }
0x20: {  	[tilespmem:s2+$0xD430] =	vst v0  }
0x21: {  	[tilespmem:s2+$0xD440] =	vst v0  }
0x22: {  	[tilespmem:s2+$0xD450] =	vst v0  }
0x23: {  	[tilespmem:s2+$0xD460] =	vst v0  }
0x24: {  	[tilespmem:s2+$0xD470] =	vst v0  }
0x25: {  	[tilespmem:s2+$0xD800] =	vst v0  }
0x26: {  	[tilespmem:s2+$0xD810] =	vst v0  }
0x27: {  	[tilespmem:s2+$0xD820] =	vst v0  }
0x28: {  	[tilespmem:s2+$0xD830] =	vst v0  }
0x29: {  	[tilespmem:s2+$0xD840] =	vst v0  }
0x2a: {  	s30 =	simm.s32 $0x0;
	[tilespmem:s2+$0xD850] =	vst v0  }
0x2b: {  	s31 =	smul.u32 $0x3000, s30;
	[tilespmem:s2+$0xD860] =	vst v0  }
0x2c: {  	s13 =	simm.s32 $0x80;
	[tilespmem:s2+$0xD870] =	vst v0  }
0x2d: {  	s14 =	sshra.s32 s31, $0x2;
	s0 =	simm.s32 $0x19000;
	s15 =	sand.u32 $0x380, s13;
	[tilespmem:s2+$0xD000] =	vst v0  }
0x2e: {  	s2 =	sor.u32 s15, s14;
	[tilespmem:s0+$0x0] =	vst v0  }
0x2f: {  	[tilespmem:s2+$0xD010] =	vst v0  }
0x30: {  	[tilespmem:s2+$0xD020] =	vst v0  }
0x31: {  	[tilespmem:s2+$0xD030] =	vst v0  }
0x32: {  	[tilespmem:s2+$0xD040] =	vst v0  }
0x33: {  	[tilespmem:s2+$0xD050] =	vst v0  }
0x34: {  	[tilespmem:s2+$0xD060] =	vst v0  }
0x35: {  	[tilespmem:s2+$0xD070] =	vst v0  }
0x36: {  	[tilespmem:s2+$0xD400] =	vst v0  }
0x37: {  	[tilespmem:s2+$0xD410] =	vst v0  }
0x38: {  	[tilespmem:s2+$0xD420] =	vst v0  }
0x39: {  	[tilespmem:s2+$0xD430] =	vst v0  }
0x3a: {  	[tilespmem:s2+$0xD440] =	vst v0  }
0x3b: {  	[tilespmem:s2+$0xD450] =	vst v0  }
0x3c: {  	[tilespmem:s2+$0xD460] =	vst v0  }
0x3d: {  	[tilespmem:s2+$0xD470] =	vst v0  }
0x3e: {  	[tilespmem:s2+$0xD800] =	vst v0  }
0x3f: {  	[tilespmem:s2+$0xD810] =	vst v0  }
0x40: {  	[tilespmem:s2+$0xD820] =	vst v0  }
0x41: {  	[tilespmem:s2+$0xD830] =	vst v0  }
0x42: {  	s14 =	simm.s32 $0x2;
	[tilespmem:s2+$0xD840] =	vst v0  }
.LBB2_2:
0x43: {  	s15 =	sshrl.u32 s14, $0x3;
	p0 =	sne.s32 s14, $0x7F;
	[tilespmem:s2+$0xD850] =	vst v0  }
0x44: {  	s15 =	smul.u32 $0x3000, s15;
	[tilespmem:s2+$0xD860] =	vst v0  }
0x45: {  	s13 =	sadd.s32 $0x80, s13;
	[tilespmem:s2+$0xD870] =	vst v0  }
0x46: {  	s0 =	sadd.s32 $0x80, s0;
	s20 =	sand.u32 $0x380, s13;
	s15 =	sshra.s32 s15, $0x2;
	[tilespmem:s2+$0xD000] =	vst v0  }
0x47: {  	s2 =	sor.u32 s20, s15;
	[tilespmem:s0+$0x0] =	vst v0  }
0x48: {  	[tilespmem:s2+$0xD010] =	vst v0  }
0x49: {  	[tilespmem:s2+$0xD020] =	vst v0  }
0x4a: {  	[tilespmem:s2+$0xD030] =	vst v0  }
0x4b: {  	[tilespmem:s2+$0xD040] =	vst v0  }
0x4c: {  	[tilespmem:s2+$0xD050] =	vst v0  }
0x4d: {  	[tilespmem:s2+$0xD060] =	vst v0  }
0x4e: {  	[tilespmem:s2+$0xD070] =	vst v0  }
0x4f: {  	[tilespmem:s2+$0xD400] =	vst v0  }
0x50: {  	[tilespmem:s2+$0xD410] =	vst v0  }
0x51: {  	[tilespmem:s2+$0xD420] =	vst v0  }
0x52: {  	[tilespmem:s2+$0xD430] =	vst v0  }
0x53: {  	[tilespmem:s2+$0xD440] =	vst v0  }
0x54: {  	[tilespmem:s2+$0xD450] =	vst v0  }
0x55: {  	[tilespmem:s2+$0xD460] =	vst v0  }
0x56: {  	[tilespmem:s2+$0xD470] =	vst v0  }
.Ltmp0:
0x57: {  	[tilespmem:s2+$0xD800] =	vst v0;
	(pc) =	sbr.rel @p0 .LBB2_2-.Ltmp0, $4  }
0x58: {  	[tilespmem:s2+$0xD810] =	vst v0  }
0x59: {  	[tilespmem:s2+$0xD820] =	vst v0  }
0x5a: {  	[tilespmem:s2+$0xD830] =	vst v0  }
0x5b: {  	s14 =	sadd.s32 $0x1, s14;
	[tilespmem:s2+$0xD840] =	vst v0  }
0x5c: {  	[tilespmem:s2+$0xD850] =	vst v0;
	v8 =	vimm.f32 $0.0e+00;
	v9 =	vimm.f32 $0.0e+00;
	v10 =	vimm.f32 $0.0e+00  }
0x5d: {  	[tilespmem:s2+$0xD860] =	vst v0;
	v11 =	vimm.f32 $0.0e+00;
	v12 =	vimm.f32 $0.0e+00;
	v13 =	vimm.f32 $0.0e+00  }
0x5e: {  	[tilespmem:s2+$0xD870] =	vst v0;
	v14 =	vimm.f32 $0.0e+00;
	v15 =	vimm.f32 $0.0e+00;
	v16 =	vimm.f32 $0.0e+00  }
.Ltmp1:
0x5f: {  	[tilespmem:s2+$0xD000] =	vst v0;
	s0 =	sadd.s32 $0x80, s0;
	v17 =	vimm.f32 $0.0e+00;
	v18 =	vimm.f32 $0.0e+00;
	v19 =	vimm.f32 $0.0e+00;
	(pc) =	sbr.rel .LBB2_4-.Ltmp1, $4  }
0x60: {  	v20 =	vimm.f32 $0.0e+00;
	v21 =	vimm.f32 $0.0e+00;
	v22 =	vimm.f32 $0.0e+00;
	[tilespmem:s0+$0x0] =	vst v0  }
0x61: {  	v23 =	vimm.f32 $0.0e+00;
	v24 =	vimm.f32 $0.0e+00;
	v25 =	vimm.f32 $0.0e+00;
	_ =	swait.ge [sflag:s16], $0x1000  }
0x62: {  	s24 =	simm.s32 $0x0;
	v26 =	vimm.f32 $0.0e+00;
	v27 =	vimm.f32 $0.0e+00;
	v28 =	vimm.f32 $0.0e+00;
	s25 =	simm.s32 $0xFFFFFFFF;
	[sflag:s16] =	ssyncset.done $0x0  }
0x63: {  	s30 =	simm.s32 $0xFFFFFFFF;
	v29 =	vimm.f32 $0.0e+00;
	v30 =	vimm.f32 $0.0e+00;
	v31 =	vimm.f32 $0.0e+00;
	s26 =	simm.s32 $0x0;
	[sflag:s16] =	ssyncadd.s32 $0xFFFFF000  }
.LBB2_24:
0x64: {  	s26 =	sadd.s32 $0x1, s26  }
0x65: {  	p0 =	sne.s32 s26, $0x20  }
.Ltmp2:
0x66: {  	_ = 	snop;
	(pc) =	sbr.rel @!p0 .LBB2_25-.Ltmp2, $1  }
0x67: {  	_ =	sdelay $0x3  }
.LBB2_4:
0x68: {  	s29 =	smul.u32 $0x18000, s26;
	_ =	sdelay $0x1  }
0x69: {  	s0 =	sadd.s32 s29, s6  }
0x6a: {  	s0 =	sshrl.u32 s0, $0x3  }
0x6b: {  	s0 =	sadd.s32 s1, s0  }
0x6c: {  	[tilespmem:s17], [sflag:$0x2] =	stream.strided.gather [hbm4b:s0+s11], $0x6000, s12, s11, $0x38;
	[tilespmem:$0x1D100] =	vst v63  }
0x6d: {  	_ =	swait.ge [sflag:s18], $0x6000  }
0x6e: {  	s2 =	sshll.u32 s26, $0x7;
	[sflag:s18] =	ssyncset.done $0x0  }
0x6f: {  	s28 =	sand.u32 $0x3FFFFF80, s2;
	[sflag:s18] =	ssyncadd.s32 $0xFFFFA000  }
0x70: {  	v32 =	vld [tilespmem:s28+$0xC000];
	_ =	sdelay $0x4  }
0x71: {  	v33 =	vperm.xlane v32, v1  }
0x72: {  	vm1 =	veq.s32 v2, $0x0  }
0x73: {  	v33 =	vsel vm1, s30, v33  }
0x74: {  	vm1 =	vne.s32 v32, v33  }
0x75: {  	vm1 =	vmor vm1, vm0  }
0x76: {  	v55 =	vsel vm1, $0x1, v3  }
0x77: {  	(xrf0) =	vadd.scan.msk.s32 $0xffff, v55;
	_ =	sdelay $0x5  }
0x78: {  	v33, _, _ =	vpop (xrf0)  }
0x79: {  	v34 =	vadd.s32 $0xFFFFFFFF, v33;
	_ =	sdelay $0x3  }
0x7a: {  	s13 =	simm.s32 $0x1D000  }
0x7b: {  	s31 =	simm.s32 $0x1D080;
	[tilespmem:v34+s13+$0x0] =	vst.idx.msk vm1, v2  }
0x7c: {  	[tilespmem:v34+s31+$0x0] =	vst.idx.msk vm1, v32  }
0x7d: {  	(v2sf) =	vpush v33, $0xF;
	v56 =	vld [tilespmem:s28+$0xC010];
	_ =	sdelay $0x4  }
0x7e: {  	v32 =	vbroadcast v32, $0xF;
	v57 =	vperm.xlane v56, v1;
	_ =	sdelay $0x1  }
0x7f: {  	v32 =	vsel vm0, v32, v57  }
0x80: {  	vm1 =	vne.s32 v56, v32  }
0x81: {  	v32 =	vsel vm1, $0x1, v3  }
0x82: {  	(xrf0) =	vadd.scan.msk.s32 $0xffff, v32;
	_ =	sdelay $0x4  }
0x83: {  	s3 =	spop (v2sf)  }
0x84: {  	s2 =	sadd.s32 $0xFFFFFFFF, s3;
	v32, _, _ =	vpop (xrf0)  }
0x85: {  	v58 =	vadd.s32 s2, v32;
	_ =	sdelay $0x4  }
0x86: {  	[tilespmem:v58+s13+$0x0] =	vst.idx.msk vm1, v4  }
0x87: {  	(v2sf) =	vpush v32, $0xF;
	[tilespmem:v58+s31+$0x0] =	vst.idx.msk vm1, v56  }
0x88: {  	v34 =	vld [tilespmem:s28+$0xC020];
	_ =	sdelay $0x4  }
0x89: {  	v33 =	vbroadcast v56, $0xF;
	v59 =	vperm.xlane v34, v1;
	_ =	sdelay $0x1  }
0x8a: {  	v32 =	vsel vm0, v33, v59  }
0x8b: {  	vm1 =	vne.s32 v34, v32  }
0x8c: {  	v32 =	vsel vm1, $0x1, v3  }
0x8d: {  	(xrf0) =	vadd.scan.msk.s32 $0xffff, v32;
	_ =	sdelay $0x3  }
0x8e: {  	s14 =	spop (v2sf)  }
0x8f: {  	s0 =	sadd.s32 s3, s14  }
0x90: {  	s2 =	sadd.s32 $0xFFFFFFFF, s0;
	v60, _, _ =	vpop (xrf0)  }
0x91: {  	v61 =	vadd.s32 s2, v60;
	_ =	sdelay $0x4  }
0x92: {  	[tilespmem:v61+s13+$0x0] =	vst.idx.msk vm1, v5  }
0x93: {  	[tilespmem:v61+s31+$0x0] =	vst.idx.msk vm1, v34  }
0x94: {  	v32 =	vld [tilespmem:s28+$0xC030];
	_ =	sdelay $0x4  }
0x95: {  	v34 =	vbroadcast v34, $0xF;
	v35 =	vperm.xlane v32, v1;
	_ =	sdelay $0x1  }
0x96: {  	v34 =	vsel vm0, v34, v35  }
0x97: {  	vm1 =	vne.s32 v32, v34  }
0x98: {  	v34 =	vsel vm1, $0x1, v3  }
0x99: {  	(xrf0) =	vadd.scan.msk.s32 $0xffff, v34;
	_ =	sdelay $0x5  }
0x9a: {  	(v2sf) =	vpush v60, $0xF;
	v62, _, _ =	vpop (xrf0)  }
0x9b: {  	(v2sf) =	vpush v62, $0xF;
	_ =	sdelay $0xd  }
0x9c: {  	s15 =	spop (v2sf)  }
0x9d: {  	s0 =	sadd.s32 s0, s15;
	s20 =	spop (v2sf)  }
0x9e: {  	s30 =	sadd.s32 s0, s20  }
0x9f: {  	s14 =	sadd.s32 $0xFFFFFFFF, s0;
	s0 =	sadd.s32 $0x10, s30;
	s2 =	sand.u32 $0xF, s30  }
0xa0: {  	p0 =	sne.s32 s2, $0x0;
	s21 =	sshra.s32 s0, $0x1F;
	p1 =	slt.s32 s0, $0x1  }
0xa1: {  	s2 =	sshrl.u32 s21, $0x1C;
	p0 =	por !p1, !p0  }
0xa2: {  	s0 =	sadd.s32 s2, s0;
	p0 =	por !p0, !p0;
	s2 =	simm.s32 $0x1  }
0xa3: {  	v33 =	vadd.s32 s14, v62;
	s0 =	sshra.s32 s0, $0x4;
	s2 =	simm.s32 @!p0 $0x0  }
0xa4: {  	s14 =	ssub.s32 s0, s2  }
0xa5: {  	v63 =	vmov s30;
	p0 =	sgt.s32 s14, $0x0  }
.Ltmp3:
0xa6: {  	_ = 	snop;
	(pc) =	sbr.rel @!p0 .LBB2_8-.Ltmp3, $4  }
0xa7: {  	_ = 	snop  }
0xa8: {  	[tilespmem:v33+s13+$0x0] =	vst.idx.msk vm1, v6  }
0xa9: {  	[tilespmem:v33+s31+$0x0] =	vst.idx.msk vm1, v32  }
0xaa: {  	[tilespmem:v63+s13+$0x0] =	vst.idx.msk $0x1, v7  }
0xab: {  	v34 =	vld [tilespmem:s13+$0x0];
	_ =	sdelay $0x1  }
0xac: {  	v33 =	vld [tilespmem:s31+$0x0];
	_ =	sdelay $0x2  }
0xad: {  	(v2sf) =	vpush v34, $0x0;
	_ =	sdelay $0x1  }
0xae: {  	(v2sf) =	vpush v33, $0x0  }
0xaf: {  	(v2sf) =	vpush v34, $0x1  }
0xb0: {  	(v2sf) =	vpush v33, $0x1  }
0xb1: {  	(v2sf) =	vpush v34, $0x2  }
0xb2: {  	(v2sf) =	vpush v33, $0x2  }
0xb3: {  	(v2sf) =	vpush v34, $0x3  }
0xb4: {  	(v2sf) =	vpush v33, $0x3  }
0xb5: {  	(v2sf) =	vpush v34, $0x4  }
0xb6: {  	(v2sf) =	vpush v33, $0x4  }
0xb7: {  	(v2sf) =	vpush v34, $0x5  }
0xb8: {  	(v2sf) =	vpush v33, $0x5  }
0xb9: {  	(v2sf) =	vpush v33, $0xD  }
0xba: {  	(v2sf) =	vpush v34, $0x6  }
0xbb: {  	(v2sf) =	vpush v33, $0x6;
	s21 =	spop (v2sf)  }
0xbc: {  	(v2sf) =	vpush v34, $0x7;
	[smem:$0x0] =	sst s21  }
0xbd: {  	s13 =	spop (v2sf)  }
0xbe: {  	(v2sf) =	vpush v33, $0x7;
	[smem:$0x80] =	sst s13  }
0xbf: {  	s13 =	spop (v2sf)  }
0xc0: {  	(v2sf) =	vpush v34, $0x8;
	[smem:$0x1] =	sst s13  }
0xc1: {  	s13 =	spop (v2sf)  }
0xc2: {  	(v2sf) =	vpush v33, $0x8;
	[smem:$0x81] =	sst s13  }
0xc3: {  	s13 =	spop (v2sf)  }
0xc4: {  	(v2sf) =	vpush v34, $0x9;
	[smem:$0x2] =	sst s13  }
0xc5: {  	s13 =	spop (v2sf)  }
0xc6: {  	(v2sf) =	vpush v33, $0x9;
	[smem:$0x82] =	sst s13  }
0xc7: {  	s13 =	spop (v2sf)  }
0xc8: {  	(v2sf) =	vpush v34, $0xA;
	[smem:$0x3] =	sst s13  }
0xc9: {  	s13 =	spop (v2sf)  }
0xca: {  	(v2sf) =	vpush v33, $0xA;
	[smem:$0x83] =	sst s13  }
0xcb: {  	s13 =	spop (v2sf)  }
0xcc: {  	(v2sf) =	vpush v34, $0xB;
	[smem:$0x4] =	sst s13  }
0xcd: {  	s13 =	spop (v2sf)  }
0xce: {  	p0 =	seq.s32 s14, $0x1;
	(v2sf) =	vpush v33, $0xB;
	[smem:$0x84] =	sst s13  }
.Ltmp4:
0xcf: {  	s13 =	spop (v2sf);
	(pc) =	sbr.rel @p0 .LBB2_7-.Ltmp4, $4  }
0xd0: {  	(v2sf) =	vpush v34, $0xC;
	[smem:$0x5] =	sst s13  }
0xd1: {  	s13 =	spop (v2sf)  }
0xd2: {  	s0 =	simm.s32 $0x8;
	s2 =	simm.s32 $0x88;
	(v2sf) =	vpush v33, $0xC;
	[smem:$0x85] =	sst s13  }
0xd3: {  	s13 =	sadd.s32 $0xFFFFFFFF, s14;
	s14 =	simm.s32 $0x1D010;
	(v2sf) =	vpush v34, $0xD;
	s15 =	spop (v2sf)  }
.LBB2_6:
0xd4: {  	v35 =	vld [tilespmem:s14+$0x0];
	p0 =	seq.s32 s13, $0x1;
	s31 =	sadd.s32 $0x10, s31;
	s20 =	spop (v2sf)  }
0xd5: {  	s13 =	sadd.s32 $0xFFFFFFFF, s13;
	v36 =	vld [tilespmem:s31+$0x0];
	[smem:s0+$0xFFFFFFFE] =	sst s20;
	s20 =	spop (v2sf);
	(v2sf) =	vpush v34, $0xE  }
0xd6: {  	[smem:s2+$0xFFFFFFFE] =	sst s20;
	s20 =	spop (v2sf);
	(v2sf) =	vpush v33, $0xE  }
0xd7: {  	[smem:s0+$0xFFFFFFFF] =	sst s20;
	s20 =	spop (v2sf);
	(v2sf) =	vpush v34, $0xF  }
0xd8: {  	[smem:s2+$0xFFFFFFFF] =	sst s20;
	s20 =	spop (v2sf);
	(v2sf) =	vpush v33, $0xF  }
0xd9: {  	(v2sf) =	vpush v35, $0x0;
	[smem:s0] =	sst s20;
	s20 =	spop (v2sf);
	v34 =	vmov v35  }
0xda: {  	(v2sf) =	vpush v36, $0x0;
	[smem:s2] =	sst s20;
	s20 =	spop (v2sf);
	v33 =	vmov v36  }
0xdb: {  	(v2sf) =	vpush v34, $0x1;
	[smem:s0+$0x1] =	sst s20;
	s20 =	spop (v2sf)  }
0xdc: {  	(v2sf) =	vpush v33, $0x1;
	[smem:s2+$0x1] =	sst s20;
	s20 =	spop (v2sf)  }
0xdd: {  	(v2sf) =	vpush v34, $0x2;
	[smem:s0+$0x2] =	sst s20;
	s20 =	spop (v2sf)  }
0xde: {  	(v2sf) =	vpush v33, $0x2;
	[smem:s2+$0x2] =	sst s20;
	s20 =	spop (v2sf)  }
0xdf: {  	(v2sf) =	vpush v34, $0x3;
	[smem:s0+$0x3] =	sst s20;
	s20 =	spop (v2sf)  }
0xe0: {  	(v2sf) =	vpush v33, $0x3;
	[smem:s2+$0x3] =	sst s20;
	s20 =	spop (v2sf)  }
0xe1: {  	(v2sf) =	vpush v34, $0x4;
	[smem:s0+$0x4] =	sst s20;
	s20 =	spop (v2sf)  }
0xe2: {  	(v2sf) =	vpush v33, $0x4;
	[smem:s2+$0x4] =	sst s20;
	s20 =	spop (v2sf)  }
0xe3: {  	(v2sf) =	vpush v34, $0x5;
	[smem:s0+$0x5] =	sst s20  }
0xe4: {  	(v2sf) =	vpush v33, $0x5;
	[smem:s2+$0x5] =	sst s15;
	s15 =	spop (v2sf)  }
0xe5: {  	(v2sf) =	vpush v33, $0xD;
	[smem:s0+$0x6] =	sst s15;
	s15 =	spop (v2sf)  }
0xe6: {  	(v2sf) =	vpush v34, $0x6;
	[smem:s2+$0x6] =	sst s15;
	s15 =	spop (v2sf)  }
0xe7: {  	(v2sf) =	vpush v33, $0x6;
	[smem:s0+$0x7] =	sst s15;
	s15 =	spop (v2sf)  }
0xe8: {  	s0 =	sadd.s32 $0x10, s0;
	s20 =	spop (v2sf);
	(v2sf) =	vpush v34, $0x7;
	[smem:s2+$0x7] =	sst s15  }
0xe9: {  	s2 =	sadd.s32 $0x10, s2;
	[smem:s0+$0xFFFFFFF8] =	sst s20;
	s15 =	spop (v2sf);
	(v2sf) =	vpush v33, $0x7  }
0xea: {  	[smem:s2+$0xFFFFFFF8] =	sst s15;
	s15 =	spop (v2sf);
	(v2sf) =	vpush v34, $0x8  }
0xeb: {  	[smem:s0+$0xFFFFFFF9] =	sst s15;
	s15 =	spop (v2sf);
	(v2sf) =	vpush v33, $0x8  }
0xec: {  	[smem:s2+$0xFFFFFFF9] =	sst s15;
	s15 =	spop (v2sf);
	(v2sf) =	vpush v34, $0x9  }
0xed: {  	[smem:s0+$0xFFFFFFFA] =	sst s15;
	s15 =	spop (v2sf);
	(v2sf) =	vpush v33, $0x9  }
0xee: {  	[smem:s2+$0xFFFFFFFA] =	sst s15;
	s15 =	spop (v2sf);
	(v2sf) =	vpush v34, $0xA  }
0xef: {  	[smem:s0+$0xFFFFFFFB] =	sst s15;
	s15 =	spop (v2sf);
	(v2sf) =	vpush v33, $0xA  }
0xf0: {  	[smem:s2+$0xFFFFFFFB] =	sst s15  }
.Ltmp5:
0xf1: {  	s15 =	spop (v2sf);
	(v2sf) =	vpush v34, $0xB;
	(pc) =	sbr.rel @!p0 .LBB2_6-.Ltmp5, $4  }
0xf2: {  	[smem:s0+$0xFFFFFFFC] =	sst s15;
	s15 =	spop (v2sf);
	(v2sf) =	vpush v33, $0xB  }
0xf3: {  	[smem:s2+$0xFFFFFFFC] =	sst s15;
	s15 =	spop (v2sf);
	(v2sf) =	vpush v34, $0xC  }
0xf4: {  	[smem:s0+$0xFFFFFFFD] =	sst s15;
	s15 =	spop (v2sf);
	(v2sf) =	vpush v33, $0xC  }
0xf5: {  	s14 =	sadd.s32 $0x10, s14;
	[smem:s2+$0xFFFFFFFD] =	sst s15;
	(v2sf) =	vpush v34, $0xD;
	s15 =	spop (v2sf)  }
.LBB2_7:
0xf6: {  	s13 =	spop (v2sf)  }
0xf7: {  	[smem:s0+$0xFFFFFFFE] =	sst s13;
	s21 =	spop (v2sf);
	(v2sf) =	vpush v34, $0xE  }
0xf8: {  	[smem:s2+$0xFFFFFFFE] =	sst s21;
	s31 =	spop (v2sf);
	(v2sf) =	vpush v33, $0xE  }
0xf9: {  	[smem:s0+$0xFFFFFFFF] =	sst s31;
	s3 =	spop (v2sf);
	(v2sf) =	vpush v34, $0xF  }
0xfa: {  	[smem:s2+$0xFFFFFFFF] =	sst s3;
	s14 =	spop (v2sf);
	(v2sf) =	vpush v33, $0xF  }
0xfb: {  	[smem:s0] =	sst s14;
	s20 =	spop (v2sf)  }
0xfc: {  	[smem:s2] =	sst s20;
	s21 =	spop (v2sf)  }
0xfd: {  	[smem:s0+$0x1] =	sst s21;
	s31 =	spop (v2sf)  }
0xfe: {  	[smem:s2+$0x1] =	sst s31;
	s3 =	spop (v2sf)  }
0xff: {  	[smem:s0+$0x2] =	sst s3;
	s14 =	spop (v2sf)  }
0x100: {  	[smem:s2+$0x2] =	sst s14;
	s20 =	spop (v2sf)  }
0x101: {  	[smem:s0+$0x3] =	sst s20;
	s21 =	spop (v2sf)  }
0x102: {  	[smem:s2+$0x3] =	sst s21;
	s31 =	spop (v2sf)  }
0x103: {  	[smem:s0+$0x4] =	sst s31;
	s3 =	spop (v2sf)  }
0x104: {  	[smem:s2+$0x4] =	sst s3;
	s14 =	spop (v2sf)  }
0x105: {  	[smem:s0+$0x5] =	sst s14  }
0x106: {  	[smem:s2+$0x5] =	sst s15;
	s15 =	spop (v2sf)  }
0x107: {  	[smem:s0+$0x6] =	sst s15;
	s20 =	spop (v2sf)  }
0x108: {  	[smem:s2+$0x6] =	sst s20;
	s21 =	spop (v2sf)  }
0x109: {  	[smem:s0+$0x7] =	sst s21;
	s31 =	spop (v2sf)  }
0x10a: {  	[smem:s2+$0x7] =	sst s31  }
.LBB2_8:
0x10b: {  	p0 =	sgt.s32 s30, $0x0  }
.Ltmp6:
0x10c: {  	_ = 	snop;
	(pc) =	sbr.rel @p0 .LBB2_9-.Ltmp6, $2  }
0x10d: {  	_ =	sdelay $0x2  }
0x10e: {  	s0 =	simm.s32 $0x0  }
.LBB2_14:
0x10f: {  	p0 =	seq.s32 s26, $0x1F  }
0x110: {  	s0 =	sadd.s32 @!p0 s29, s7  }
0x111: {  	s2 =	simm.s32 @!p0 $0xC00;
	s0 =	sshrl.u32 @!p0 s0, $0x3  }
0x112: {  	s3 =	simm.s32 @!p0 $0x1800;
	s13 =	simm.s32 @!p0 $0x0;
	s0 =	sadd.s32 @!p0 s1, s0  }
0x113: {  	[tilespmem:s13], [sflag:$0x1] =	stream.strided.gather @!p0 [hbm4b:s0+s2], $0x6000, s3, s2, $0x38;
	[tilespmem:$0x1D100] =	vst v63  }
0x114: {  	_ =	swait.ge [sflag:s19], $0x6000  }
0x115: {  	[sflag:s19] =	ssyncset.done $0x0  }
0x116: {  	[sflag:s19] =	ssyncadd.s32 $0xFFFFA000  }
0x117: {  	v33 =	vld [tilespmem:s28+$0xC040];
	_ =	sdelay $0x4  }
0x118: {  	v32 =	vbroadcast v32, $0xF;
	v34 =	vperm.xlane v33, v1;
	_ =	sdelay $0x1  }
0x119: {  	v32 =	vsel vm0, v32, v34  }
0x11a: {  	vm1 =	vne.s32 v33, v32  }
0x11b: {  	vm1 =	vmor vm1, vm0  }
0x11c: {  	v54 =	vsel vm1, $0x1, v3  }
0x11d: {  	(xrf0) =	vadd.scan.msk.s32 $0xffff, v54;
	_ =	sdelay $0x5  }
0x11e: {  	v32, _, _ =	vpop (xrf0)  }
0x11f: {  	v55 =	vadd.s32 $0xFFFFFFFF, v32;
	_ =	sdelay $0x3  }
0x120: {  	s13 =	simm.s32 $0x1D000  }
0x121: {  	s29 =	simm.s32 $0x1D080;
	[tilespmem:v55+s13+$0x0] =	vst.idx.msk vm1, v2  }
0x122: {  	[tilespmem:v55+s29+$0x0] =	vst.idx.msk vm1, v33  }
0x123: {  	(v2sf) =	vpush v32, $0xF;
	v56 =	vld [tilespmem:s28+$0xC050];
	_ =	sdelay $0x4  }
0x124: {  	v33 =	vbroadcast v33, $0xF;
	v57 =	vperm.xlane v56, v1;
	_ =	sdelay $0x1  }
0x125: {  	v33 =	vsel vm0, v33, v57  }
0x126: {  	vm1 =	vne.s32 v56, v33  }
0x127: {  	v33 =	vsel vm1, $0x1, v3  }
0x128: {  	(xrf0) =	vadd.scan.msk.s32 $0xffff, v33;
	_ =	sdelay $0x4  }
0x129: {  	s21 =	spop (v2sf)  }
0x12a: {  	s31 =	sadd.s32 $0xFFFFFFFF, s21;
	v33, _, _ =	vpop (xrf0)  }
0x12b: {  	v58 =	vadd.s32 s31, v33;
	_ =	sdelay $0x4  }
0x12c: {  	[tilespmem:v58+s13+$0x0] =	vst.idx.msk vm1, v4  }
0x12d: {  	(v2sf) =	vpush v33, $0xF;
	[tilespmem:v58+s29+$0x0] =	vst.idx.msk vm1, v56  }
0x12e: {  	v59 =	vld [tilespmem:s28+$0xC060];
	_ =	sdelay $0x4  }
0x12f: {  	v32 =	vbroadcast v56, $0xF;
	v60 =	vperm.xlane v59, v1;
	_ =	sdelay $0x1  }
0x130: {  	v32 =	vsel vm0, v32, v60  }
0x131: {  	vm1 =	vne.s32 v59, v32  }
0x132: {  	v32 =	vsel vm1, $0x1, v3  }
0x133: {  	(xrf0) =	vadd.scan.msk.s32 $0xffff, v32;
	_ =	sdelay $0x3  }
0x134: {  	s3 =	spop (v2sf)  }
0x135: {  	s0 =	sadd.s32 s21, s3  }
0x136: {  	s2 =	sadd.s32 $0xFFFFFFFF, s0;
	v32, _, _ =	vpop (xrf0)  }
0x137: {  	v61 =	vadd.s32 s2, v32;
	_ =	sdelay $0x4  }
0x138: {  	[tilespmem:v61+s13+$0x0] =	vst.idx.msk vm1, v5  }
0x139: {  	[tilespmem:v61+s29+$0x0] =	vst.idx.msk vm1, v59  }
0x13a: {  	v34 =	vld [tilespmem:s28+$0xC070];
	_ =	sdelay $0x4  }
0x13b: {  	v33 =	vbroadcast v59, $0xF;
	v35 =	vperm.xlane v34, v1;
	_ =	sdelay $0x1  }
0x13c: {  	v33 =	vsel vm0, v33, v35  }
0x13d: {  	vm1 =	vne.s32 v34, v33  }
0x13e: {  	v33 =	vsel vm1, $0x1, v3  }
0x13f: {  	(xrf0) =	vadd.scan.msk.s32 $0xffff, v33;
	_ =	sdelay $0x5  }
0x140: {  	(v2sf) =	vpush v32, $0xF;
	v62, _, _ =	vpop (xrf0)  }
0x141: {  	(v2sf) =	vpush v62, $0xF;
	_ =	sdelay $0xc  }
0x142: {  	(v2sf) =	vpush v34, $0xF  }
0x143: {  	s14 =	spop (v2sf)  }
0x144: {  	s0 =	sadd.s32 s0, s14;
	s15 =	spop (v2sf)  }
0x145: {  	s28 =	sadd.s32 s0, s15  }
0x146: {  	s2 =	sadd.s32 $0xFFFFFFFF, s0;
	s0 =	sadd.s32 $0x10, s28;
	s20 =	sand.u32 $0xF, s28  }
0x147: {  	s21 =	sshra.s32 s0, $0x1F;
	p6 =	slt.s32 s0, $0x1;
	p1 =	sne.s32 s20, $0x0  }
0x148: {  	s31 =	sshrl.u32 s21, $0x1C;
	p0 =	por !p6, !p1  }
0x149: {  	v32 =	vadd.s32 s2, v62;
	s2 =	simm.s32 $0x1;
	s0 =	sadd.s32 s31, s0;
	p0 =	por !p0, !p0  }
0x14a: {  	s0 =	sshra.s32 s0, $0x4;
	s2 =	simm.s32 @!p0 $0x0  }
0x14b: {  	s14 =	ssub.s32 s0, s2  }
0x14c: {  	v63 =	vmov s28;
	p0 =	sgt.s32 s14, $0x0  }
.Ltmp7:
0x14d: {  	_ = 	snop;
	(pc) =	sbr.rel @!p0 .LBB2_18-.Ltmp7, $4  }
0x14e: {  	_ = 	snop  }
0x14f: {  	[tilespmem:v32+s13+$0x0] =	vst.idx.msk vm1, v6  }
0x150: {  	[tilespmem:v32+s29+$0x0] =	vst.idx.msk vm1, v34  }
0x151: {  	s30 =	spop (v2sf);
	[tilespmem:v63+s13+$0x0] =	vst.idx.msk $0x1, v7  }
0x152: {  	v33 =	vld [tilespmem:s13+$0x0];
	_ =	sdelay $0x1  }
0x153: {  	v32 =	vld [tilespmem:s29+$0x0];
	_ =	sdelay $0x2  }
0x154: {  	(v2sf) =	vpush v33, $0x0;
	_ =	sdelay $0x1  }
0x155: {  	(v2sf) =	vpush v32, $0x0  }
0x156: {  	(v2sf) =	vpush v33, $0x1  }
0x157: {  	(v2sf) =	vpush v32, $0x1  }
0x158: {  	(v2sf) =	vpush v33, $0x2  }
0x159: {  	(v2sf) =	vpush v32, $0x2  }
0x15a: {  	(v2sf) =	vpush v33, $0x3  }
0x15b: {  	(v2sf) =	vpush v32, $0x3  }
0x15c: {  	(v2sf) =	vpush v33, $0x4  }
0x15d: {  	(v2sf) =	vpush v32, $0x4  }
0x15e: {  	(v2sf) =	vpush v33, $0x5  }
0x15f: {  	(v2sf) =	vpush v32, $0x5  }
0x160: {  	(v2sf) =	vpush v32, $0xD  }
0x161: {  	(v2sf) =	vpush v33, $0x6  }
0x162: {  	(v2sf) =	vpush v32, $0x6;
	s3 =	spop (v2sf)  }
0x163: {  	(v2sf) =	vpush v33, $0x7;
	[smem:$0x0] =	sst s3  }
0x164: {  	s3 =	spop (v2sf)  }
0x165: {  	(v2sf) =	vpush v32, $0x7;
	[smem:$0x80] =	sst s3  }
0x166: {  	s3 =	spop (v2sf)  }
0x167: {  	(v2sf) =	vpush v33, $0x8;
	[smem:$0x1] =	sst s3  }
0x168: {  	s3 =	spop (v2sf)  }
0x169: {  	(v2sf) =	vpush v32, $0x8;
	[smem:$0x81] =	sst s3  }
0x16a: {  	s3 =	spop (v2sf)  }
0x16b: {  	(v2sf) =	vpush v33, $0x9;
	[smem:$0x2] =	sst s3  }
0x16c: {  	s3 =	spop (v2sf)  }
0x16d: {  	(v2sf) =	vpush v32, $0x9;
	[smem:$0x82] =	sst s3  }
0x16e: {  	s3 =	spop (v2sf)  }
0x16f: {  	(v2sf) =	vpush v33, $0xA;
	[smem:$0x3] =	sst s3  }
0x170: {  	s3 =	spop (v2sf)  }
0x171: {  	(v2sf) =	vpush v32, $0xA;
	[smem:$0x83] =	sst s3  }
0x172: {  	s3 =	spop (v2sf)  }
0x173: {  	(v2sf) =	vpush v33, $0xB;
	[smem:$0x4] =	sst s3  }
0x174: {  	s3 =	spop (v2sf)  }
0x175: {  	p0 =	seq.s32 s14, $0x1;
	(v2sf) =	vpush v32, $0xB;
	[smem:$0x84] =	sst s3  }
.Ltmp8:
0x176: {  	s3 =	spop (v2sf);
	(pc) =	sbr.rel @p0 .LBB2_17-.Ltmp8, $4  }
0x177: {  	(v2sf) =	vpush v33, $0xC;
	[smem:$0x5] =	sst s3  }
0x178: {  	s3 =	spop (v2sf)  }
0x179: {  	s0 =	simm.s32 $0x8;
	s2 =	simm.s32 $0x88;
	(v2sf) =	vpush v32, $0xC;
	[smem:$0x85] =	sst s3  }
0x17a: {  	s13 =	sadd.s32 $0xFFFFFFFF, s14;
	s14 =	simm.s32 $0x1D010;
	(v2sf) =	vpush v33, $0xD;
	s15 =	spop (v2sf)  }
.LBB2_16:
0x17b: {  	v34 =	vld [tilespmem:s14+$0x0];
	p0 =	seq.s32 s13, $0x1;
	s29 =	sadd.s32 $0x10, s29;
	s3 =	spop (v2sf)  }
0x17c: {  	s13 =	sadd.s32 $0xFFFFFFFF, s13;
	v35 =	vld [tilespmem:s29+$0x0];
	[smem:s0+$0xFFFFFFFE] =	sst s3;
	s3 =	spop (v2sf);
	(v2sf) =	vpush v33, $0xE  }
0x17d: {  	[smem:s2+$0xFFFFFFFE] =	sst s3;
	s3 =	spop (v2sf);
	(v2sf) =	vpush v32, $0xE  }
0x17e: {  	[smem:s0+$0xFFFFFFFF] =	sst s3;
	s3 =	spop (v2sf);
	(v2sf) =	vpush v33, $0xF  }
0x17f: {  	[smem:s2+$0xFFFFFFFF] =	sst s3;
	s3 =	spop (v2sf);
	(v2sf) =	vpush v32, $0xF  }
0x180: {  	(v2sf) =	vpush v34, $0x0;
	[smem:s0] =	sst s3;
	s3 =	spop (v2sf);
	v33 =	vmov v34  }
0x181: {  	(v2sf) =	vpush v35, $0x0;
	[smem:s2] =	sst s3;
	s3 =	spop (v2sf);
	v32 =	vmov v35  }
0x182: {  	(v2sf) =	vpush v33, $0x1;
	[smem:s0+$0x1] =	sst s3;
	s3 =	spop (v2sf)  }
0x183: {  	(v2sf) =	vpush v32, $0x1;
	[smem:s2+$0x1] =	sst s3;
	s3 =	spop (v2sf)  }
0x184: {  	(v2sf) =	vpush v33, $0x2;
	[smem:s0+$0x2] =	sst s3;
	s3 =	spop (v2sf)  }
0x185: {  	(v2sf) =	vpush v32, $0x2;
	[smem:s2+$0x2] =	sst s3;
	s3 =	spop (v2sf)  }
0x186: {  	(v2sf) =	vpush v33, $0x3;
	[smem:s0+$0x3] =	sst s3;
	s3 =	spop (v2sf)  }
0x187: {  	(v2sf) =	vpush v32, $0x3;
	[smem:s2+$0x3] =	sst s3;
	s3 =	spop (v2sf)  }
0x188: {  	(v2sf) =	vpush v33, $0x4;
	[smem:s0+$0x4] =	sst s3;
	s3 =	spop (v2sf)  }
0x189: {  	(v2sf) =	vpush v32, $0x4;
	[smem:s2+$0x4] =	sst s3;
	s3 =	spop (v2sf)  }
0x18a: {  	(v2sf) =	vpush v33, $0x5;
	[smem:s0+$0x5] =	sst s3  }
0x18b: {  	(v2sf) =	vpush v32, $0x5;
	[smem:s2+$0x5] =	sst s15;
	s3 =	spop (v2sf)  }
0x18c: {  	(v2sf) =	vpush v32, $0xD;
	[smem:s0+$0x6] =	sst s3;
	s3 =	spop (v2sf)  }
0x18d: {  	(v2sf) =	vpush v33, $0x6;
	[smem:s2+$0x6] =	sst s3;
	s3 =	spop (v2sf)  }
0x18e: {  	(v2sf) =	vpush v32, $0x6;
	[smem:s0+$0x7] =	sst s3;
	s3 =	spop (v2sf)  }
0x18f: {  	s0 =	sadd.s32 $0x10, s0;
	s15 =	spop (v2sf);
	(v2sf) =	vpush v33, $0x7;
	[smem:s2+$0x7] =	sst s3  }
0x190: {  	s2 =	sadd.s32 $0x10, s2;
	[smem:s0+$0xFFFFFFF8] =	sst s15;
	s3 =	spop (v2sf);
	(v2sf) =	vpush v32, $0x7  }
0x191: {  	[smem:s2+$0xFFFFFFF8] =	sst s3;
	s3 =	spop (v2sf);
	(v2sf) =	vpush v33, $0x8  }
0x192: {  	[smem:s0+$0xFFFFFFF9] =	sst s3;
	s3 =	spop (v2sf);
	(v2sf) =	vpush v32, $0x8  }
0x193: {  	[smem:s2+$0xFFFFFFF9] =	sst s3;
	s3 =	spop (v2sf);
	(v2sf) =	vpush v33, $0x9  }
0x194: {  	[smem:s0+$0xFFFFFFFA] =	sst s3;
	s3 =	spop (v2sf);
	(v2sf) =	vpush v32, $0x9  }
0x195: {  	[smem:s2+$0xFFFFFFFA] =	sst s3;
	s3 =	spop (v2sf);
	(v2sf) =	vpush v33, $0xA  }
0x196: {  	[smem:s0+$0xFFFFFFFB] =	sst s3;
	s3 =	spop (v2sf);
	(v2sf) =	vpush v32, $0xA  }
0x197: {  	[smem:s2+$0xFFFFFFFB] =	sst s3  }
.Ltmp9:
0x198: {  	s3 =	spop (v2sf);
	(v2sf) =	vpush v33, $0xB;
	(pc) =	sbr.rel @!p0 .LBB2_16-.Ltmp9, $4  }
0x199: {  	[smem:s0+$0xFFFFFFFC] =	sst s3;
	s3 =	spop (v2sf);
	(v2sf) =	vpush v32, $0xB  }
0x19a: {  	[smem:s2+$0xFFFFFFFC] =	sst s3;
	s3 =	spop (v2sf);
	(v2sf) =	vpush v33, $0xC  }
0x19b: {  	[smem:s0+$0xFFFFFFFD] =	sst s3;
	s3 =	spop (v2sf);
	(v2sf) =	vpush v32, $0xC  }
0x19c: {  	s14 =	sadd.s32 $0x10, s14;
	[smem:s2+$0xFFFFFFFD] =	sst s3;
	(v2sf) =	vpush v33, $0xD;
	s15 =	spop (v2sf)  }
.LBB2_17:
0x19d: {  	s3 =	spop (v2sf)  }
0x19e: {  	[smem:s0+$0xFFFFFFFE] =	sst s3;
	s13 =	spop (v2sf);
	(v2sf) =	vpush v33, $0xE  }
0x19f: {  	[smem:s2+$0xFFFFFFFE] =	sst s13;
	s14 =	spop (v2sf);
	(v2sf) =	vpush v32, $0xE  }
0x1a0: {  	[smem:s0+$0xFFFFFFFF] =	sst s14;
	s20 =	spop (v2sf);
	(v2sf) =	vpush v33, $0xF  }
0x1a1: {  	[smem:s2+$0xFFFFFFFF] =	sst s20;
	s21 =	spop (v2sf);
	(v2sf) =	vpush v32, $0xF  }
0x1a2: {  	[smem:s0] =	sst s21;
	s29 =	spop (v2sf)  }
0x1a3: {  	[smem:s2] =	sst s29;
	s31 =	spop (v2sf)  }
0x1a4: {  	[smem:s0+$0x1] =	sst s31;
	s13 =	spop (v2sf)  }
0x1a5: {  	[smem:s2+$0x1] =	sst s13;
	s14 =	spop (v2sf)  }
0x1a6: {  	[smem:s0+$0x2] =	sst s14;
	s20 =	spop (v2sf)  }
0x1a7: {  	[smem:s2+$0x2] =	sst s20;
	s21 =	spop (v2sf)  }
0x1a8: {  	[smem:s0+$0x3] =	sst s21;
	s29 =	spop (v2sf)  }
0x1a9: {  	[smem:s2+$0x3] =	sst s29;
	s31 =	spop (v2sf)  }
0x1aa: {  	[smem:s0+$0x4] =	sst s31;
	s13 =	spop (v2sf)  }
0x1ab: {  	[smem:s2+$0x4] =	sst s13;
	s14 =	spop (v2sf)  }
0x1ac: {  	[smem:s0+$0x5] =	sst s14  }
0x1ad: {  	[smem:s2+$0x5] =	sst s15;
	s20 =	spop (v2sf)  }
0x1ae: {  	[smem:s0+$0x6] =	sst s20;
	s21 =	spop (v2sf)  }
0x1af: {  	[smem:s2+$0x6] =	sst s21;
	s29 =	spop (v2sf)  }
0x1b0: {  	[smem:s0+$0x7] =	sst s29;
	s31 =	spop (v2sf)  }
0x1b1: {  	[smem:s2+$0x7] =	sst s31  }
.LBB2_18:
0x1b2: {  	p0 =	sgt.s32 s28, $0x0  }
.Ltmp10:
0x1b3: {  	_ = 	snop;
	(pc) =	sbr.rel @p0 .LBB2_19-.Ltmp10, $4  }
.Ltmp11:
0x1b4: {  	_ = 	snop;
	(pc) =	sbr.rel @!p0 .LBB2_24-.Ltmp11, $4  }
0x1b5: {  	_ = 	snop  }
0x1b6: {  	_ = 	snop  }
0x1b7: {  	s0 =	simm.s32 $0x0  }
0x1b8: {  	_ = 	snop  }
.LBB2_12:
0x1b9: {  	v38 =	vld [tilespmem:s14+$0x820]  }
0x1ba: {  	v39 =	vld [tilespmem:s14+$0x830]  }
0x1bb: {  	v40 =	vld [tilespmem:s14+$0x840]  }
0x1bc: {  	v41 =	vld [tilespmem:s14+$0x850]  }
0x1bd: {  	v42 =	vld [tilespmem:s14+$0x860]  }
0x1be: {  	v18 =	vadd.f32 v33, v18;
	v17 =	vadd.f32 v34, v17  }
0x1bf: {  	v16 =	vadd.f32 v35, v16;
	v15 =	vadd.f32 v36, v15  }
0x1c0: {  	v14 =	vadd.f32 v37, v14;
	v13 =	vadd.f32 v38, v13  }
0x1c1: {  	v12 =	vadd.f32 v39, v12;
	v11 =	vadd.f32 v40, v11  }
0x1c2: {  	v10 =	vadd.f32 v41, v10;
	v9 =	vadd.f32 v42, v9  }
.LBB2_13:
0x1c3: {  	s0 =	sadd.s32 $0x1, s0;
	p0 =	sne.s32 s2, s25  }
0x1c4: {  	s24 =	simm.s32 @p0 $0x0;
	p0 =	sne.s32 s0, s30  }
.Ltmp12:
0x1c5: {  	_ = 	snop;
	(pc) =	sbr.rel @!p0 .LBB2_14-.Ltmp12, $3  }
0x1c6: {  	_ =	sdelay $0x1  }
0x1c7: {  	s3 =	ssub.s32 s13, s31  }
0x1c8: {  	s25 =	smov.u32 s2;
	s24 =	sadd.s32 s24, s3  }
.LBB2_9:
0x1c9: {  	s2 =	sld [smem:s0+$0x80];
	_ =	sdelay $0x1  }
0x1ca: {  	p0 =	slt.s32 s25, $0x0  }
0x1cb: {  	p1 =	seq.s32 @!p0 s2, s25  }
0x1cc: {  	p0 =	por p1, p0  }
0x1cd: {  	s13 =	sshrl.u32 @!p0 s25, $0x3  }
0x1ce: {  	s14 =	scvt.s32.f32 @!p0 s24;
	s13 =	smul.u32 @!p0 $0x3000, s13  }
0x1cf: {  	s15 =	sshll.u32 @!p0 s25, $0x9;
	s20 =	sshll.u32 @!p0 s25, $0x7  }
0x1d0: {  	v33 =	vmov @!p0 s14;
	s14 =	sshra.s32 @!p0 s15, $0x2;
	s15 =	sand.u32 @!p0 $0x380, s20;
	s13 =	sshra.s32 @!p0 s13, $0x2  }
0x1d1: {  	[tilespmem:s14+$0x19000] =	vst.add.f32.msk @!p0 $0xffff, v33;
	s14 =	sor.u32 @!p0 s15, s13  }
0x1d2: {  	[tilespmem:s14+$0xD000] =	vst.add.f32.msk @!p0 $0xffff, v31  }
0x1d3: {  	[tilespmem:s14+$0xD010] =	vst.add.f32.msk @!p0 $0xffff, v30  }
0x1d4: {  	[tilespmem:s14+$0xD020] =	vst.add.f32.msk @!p0 $0xffff, v29  }
0x1d5: {  	[tilespmem:s14+$0xD030] =	vst.add.f32.msk @!p0 $0xffff, v28  }
0x1d6: {  	[tilespmem:s14+$0xD040] =	vst.add.f32.msk @!p0 $0xffff, v27  }
0x1d7: {  	[tilespmem:s14+$0xD050] =	vst.add.f32.msk @!p0 $0xffff, v26  }
0x1d8: {  	[tilespmem:s14+$0xD060] =	vst.add.f32.msk @!p0 $0xffff, v25  }
0x1d9: {  	[tilespmem:s14+$0xD070] =	vst.add.f32.msk @!p0 $0xffff, v24  }
0x1da: {  	[tilespmem:s14+$0xD400] =	vst.add.f32.msk @!p0 $0xffff, v23  }
0x1db: {  	[tilespmem:s14+$0xD410] =	vst.add.f32.msk @!p0 $0xffff, v22  }
0x1dc: {  	[tilespmem:s14+$0xD420] =	vst.add.f32.msk @!p0 $0xffff, v21  }
0x1dd: {  	[tilespmem:s14+$0xD430] =	vst.add.f32.msk @!p0 $0xffff, v20  }
0x1de: {  	[tilespmem:s14+$0xD440] =	vst.add.f32.msk @!p0 $0xffff, v19  }
0x1df: {  	[tilespmem:s14+$0xD450] =	vst.add.f32.msk @!p0 $0xffff, v18  }
0x1e0: {  	[tilespmem:s14+$0xD460] =	vst.add.f32.msk @!p0 $0xffff, v17  }
0x1e1: {  	[tilespmem:s14+$0xD470] =	vst.add.f32.msk @!p0 $0xffff, v16  }
0x1e2: {  	[tilespmem:s14+$0xD800] =	vst.add.f32.msk @!p0 $0xffff, v15  }
0x1e3: {  	[tilespmem:s14+$0xD810] =	vst.add.f32.msk @!p0 $0xffff, v14  }
0x1e4: {  	[tilespmem:s14+$0xD820] =	vst.add.f32.msk @!p0 $0xffff, v13  }
0x1e5: {  	s31 =	sld [smem:s0+$0x0];
	[tilespmem:s14+$0xD830] =	vst.add.f32.msk @!p0 $0xffff, v12  }
0x1e6: {  	p6 =	seq.s32 s2, s25;
	s13 =	sld [smem:s0+$0x1];
	[tilespmem:s14+$0xD840] =	vst.add.f32.msk @!p0 $0xffff, v11  }
0x1e7: {  	v31 =	vpsel !p6, $0x0, v31;
	v30 =	vpsel !p6, $0x0, v30;
	v29 =	vpsel !p6, $0x0, v29;
	[tilespmem:s14+$0xD850] =	vst.add.f32.msk @!p0 $0xffff, v10  }
0x1e8: {  	v28 =	vpsel !p6, $0x0, v28;
	v27 =	vpsel !p6, $0x0, v27;
	v26 =	vpsel !p6, $0x0, v26;
	[tilespmem:s14+$0xD860] =	vst.add.f32.msk @!p0 $0xffff, v9  }
0x1e9: {  	v25 =	vpsel !p6, $0x0, v25;
	v24 =	vpsel !p6, $0x0, v24;
	v23 =	vpsel !p6, $0x0, v23;
	[tilespmem:s14+$0xD870] =	vst.add.f32.msk @!p0 $0xffff, v8;
	p0 =	sle.s32 s13, s31  }
.Ltmp13:
0x1ea: {  	v22 =	vpsel !p6, $0x0, v22;
	v21 =	vpsel !p6, $0x0, v21;
	v20 =	vpsel !p6, $0x0, v20;
	(pc) =	sbr.rel @p0 .LBB2_13-.Ltmp13, $4  }
0x1eb: {  	v19 =	vpsel !p6, $0x0, v19;
	v18 =	vpsel !p6, $0x0, v18;
	v17 =	vpsel !p6, $0x0, v17  }
0x1ec: {  	v16 =	vpsel !p6, $0x0, v16;
	v15 =	vpsel !p6, $0x0, v15;
	v14 =	vpsel !p6, $0x0, v14  }
0x1ed: {  	v13 =	vpsel !p6, $0x0, v13;
	v12 =	vpsel !p6, $0x0, v12;
	v11 =	vpsel !p6, $0x0, v11  }
0x1ee: {  	v10 =	vpsel !p6, $0x0, v10;
	v9 =	vpsel !p6, $0x0, v9;
	v8 =	vpsel !p6, $0x0, v8  }
0x1ef: {  	s14 =	sshrl.u32 s31, $0x3  }
0x1f0: {  	s14 =	smul.u32 $0x3000, s14  }
0x1f1: {  	s15 =	sshll.u32 s31, $0x7  }
0x1f2: {  	s20 =	sand.u32 $0x380, s15;
	s14 =	sshra.s32 s14, $0x2  }
0x1f3: {  	s14 =	sor.u32 s20, s14  }
0x1f4: {  	v33 =	vld [tilespmem:s14+$0x870]  }
0x1f5: {  	v34 =	vld [tilespmem:s14+$0x0]  }
0x1f6: {  	v35 =	vld [tilespmem:s14+$0x10]  }
0x1f7: {  	v36 =	vld [tilespmem:s14+$0x20]  }
0x1f8: {  	v37 =	vld [tilespmem:s14+$0x30]  }
0x1f9: {  	v38 =	vld [tilespmem:s14+$0x40]  }
0x1fa: {  	v39 =	vld [tilespmem:s14+$0x50]  }
0x1fb: {  	v40 =	vld [tilespmem:s14+$0x60]  }
0x1fc: {  	v41 =	vld [tilespmem:s14+$0x70]  }
0x1fd: {  	v42 =	vld [tilespmem:s14+$0x400]  }
0x1fe: {  	v43 =	vld [tilespmem:s14+$0x410]  }
0x1ff: {  	v44 =	vld [tilespmem:s14+$0x420]  }
0x200: {  	s20 =	sadd.s32 $0x1, s31;
	v45 =	vld [tilespmem:s14+$0x430];
	v8 =	vadd.f32 v33, v8;
	v31 =	vadd.f32 v34, v31  }
0x201: {  	v46 =	vld [tilespmem:s14+$0x440];
	p0 =	sne.s32 s13, s20;
	v30 =	vadd.f32 v35, v30;
	v29 =	vadd.f32 v36, v29  }
.Ltmp14:
0x202: {  	v28 =	vadd.f32 v37, v28;
	v27 =	vadd.f32 v38, v27;
	v33 =	vld [tilespmem:s14+$0x450];
	(pc) =	sbr.rel @!p0 .LBB2_12-.Ltmp14, $4  }
0x203: {  	v26 =	vadd.f32 v39, v26;
	v25 =	vadd.f32 v40, v25;
	v34 =	vld [tilespmem:s14+$0x460]  }
0x204: {  	v24 =	vadd.f32 v41, v24;
	v23 =	vadd.f32 v42, v23;
	v35 =	vld [tilespmem:s14+$0x470]  }
0x205: {  	v22 =	vadd.f32 v43, v22;
	v21 =	vadd.f32 v44, v21;
	v36 =	vld [tilespmem:s14+$0x800]  }
0x206: {  	v20 =	vadd.f32 v45, v20;
	v19 =	vadd.f32 v46, v19;
	v37 =	vld [tilespmem:s14+$0x810]  }
.LBB2_11:
0x207: {  	s21 =	sshrl.u32 s20, $0x3;
	s20 =	sadd.s32 $0x1, s20;
	v18 =	vadd.f32 v33, v18;
	v33 =	vld [tilespmem:s14+$0x820]  }
0x208: {  	v17 =	vadd.f32 v34, v17;
	s21 =	smul.u32 $0x3000, s21;
	p0 =	sne.s32 s13, s20;
	v34 =	vld [tilespmem:s14+$0x830]  }
0x209: {  	v16 =	vadd.f32 v35, v16;
	s15 =	sadd.s32 $0x80, s15;
	v35 =	vld [tilespmem:s14+$0x840]  }
0x20a: {  	v15 =	vadd.f32 v36, v15;
	s3 =	sand.u32 $0x380, s15;
	s21 =	sshra.s32 s21, $0x2;
	v36 =	vld [tilespmem:s14+$0x850]  }
0x20b: {  	v14 =	vadd.f32 v37, v14;
	v37 =	vld [tilespmem:s14+$0x860];
	s14 =	sor.u32 s3, s21  }
0x20c: {  	v38 =	vld [tilespmem:s14+$0x870];
	v13 =	vadd.f32 v33, v13  }
0x20d: {  	v33 =	vld [tilespmem:s14+$0x0];
	v12 =	vadd.f32 v34, v12  }
0x20e: {  	v34 =	vld [tilespmem:s14+$0x10];
	v11 =	vadd.f32 v35, v11  }
0x20f: {  	v35 =	vld [tilespmem:s14+$0x20];
	v10 =	vadd.f32 v36, v10  }
0x210: {  	v36 =	vld [tilespmem:s14+$0x30];
	v9 =	vadd.f32 v37, v9  }
0x211: {  	v37 =	vld [tilespmem:s14+$0x40];
	v8 =	vadd.f32 v38, v8  }
0x212: {  	v31 =	vadd.f32 v33, v31;
	v33 =	vld [tilespmem:s14+$0x50]  }
0x213: {  	v30 =	vadd.f32 v34, v30;
	v34 =	vld [tilespmem:s14+$0x60]  }
0x214: {  	v29 =	vadd.f32 v35, v29;
	v35 =	vld [tilespmem:s14+$0x70]  }
0x215: {  	v28 =	vadd.f32 v36, v28;
	v36 =	vld [tilespmem:s14+$0x400]  }
0x216: {  	v27 =	vadd.f32 v37, v27;
	v37 =	vld [tilespmem:s14+$0x410]  }
0x217: {  	v26 =	vadd.f32 v33, v26;
	v38 =	vld [tilespmem:s14+$0x420]  }
0x218: {  	v25 =	vadd.f32 v34, v25;
	v39 =	vld [tilespmem:s14+$0x430]  }
0x219: {  	v24 =	vadd.f32 v35, v24;
	v40 =	vld [tilespmem:s14+$0x440]  }
.Ltmp15:
0x21a: {  	v23 =	vadd.f32 v36, v23;
	v33 =	vld [tilespmem:s14+$0x450];
	(pc) =	sbr.rel @p0 .LBB2_11-.Ltmp15, $4  }
0x21b: {  	v22 =	vadd.f32 v37, v22;
	v34 =	vld [tilespmem:s14+$0x460]  }
0x21c: {  	v21 =	vadd.f32 v38, v21;
	v35 =	vld [tilespmem:s14+$0x470]  }
0x21d: {  	v20 =	vadd.f32 v39, v20;
	v36 =	vld [tilespmem:s14+$0x800]  }
0x21e: {  	v19 =	vadd.f32 v40, v19;
	v37 =	vld [tilespmem:s14+$0x810]  }
.Ltmp16:
0x21f: {  	_ = 	snop;
	(pc) =	sbr.rel .LBB2_12-.Ltmp16, $1  }
0x220: {  	_ =	sdelay $0x3  }
.LBB2_22:
0x221: {  	v37 =	vld [tilespmem:s14+$0x6820]  }
0x222: {  	v38 =	vld [tilespmem:s14+$0x6830]  }
0x223: {  	v39 =	vld [tilespmem:s14+$0x6840]  }
0x224: {  	v40 =	vld [tilespmem:s14+$0x6850]  }
0x225: {  	v41 =	vld [tilespmem:s14+$0x6860]  }
0x226: {  	v18 =	vadd.f32 v32, v18;
	v17 =	vadd.f32 v33, v17  }
0x227: {  	v16 =	vadd.f32 v34, v16;
	v15 =	vadd.f32 v35, v15  }
0x228: {  	v14 =	vadd.f32 v36, v14;
	v13 =	vadd.f32 v37, v13  }
0x229: {  	v12 =	vadd.f32 v38, v12;
	v11 =	vadd.f32 v39, v11  }
0x22a: {  	v10 =	vadd.f32 v40, v10;
	v9 =	vadd.f32 v41, v9  }
.LBB2_23:
0x22b: {  	s0 =	sadd.s32 $0x1, s0;
	p0 =	sne.s32 s2, s25  }
0x22c: {  	s24 =	simm.s32 @p0 $0x0;
	p0 =	sne.s32 s0, s28  }
.Ltmp17:
0x22d: {  	_ = 	snop;
	(pc) =	sbr.rel @!p0 .LBB2_24-.Ltmp17, $3  }
0x22e: {  	_ =	sdelay $0x1  }
0x22f: {  	s3 =	ssub.s32 s13, s29  }
0x230: {  	s25 =	smov.u32 s2;
	s24 =	sadd.s32 s24, s3  }
.LBB2_19:
0x231: {  	s2 =	sld [smem:s0+$0x80];
	_ =	sdelay $0x1  }
0x232: {  	p0 =	slt.s32 s25, $0x0  }
0x233: {  	p1 =	seq.s32 @!p0 s2, s25  }
0x234: {  	p0 =	por p1, p0  }
0x235: {  	s3 =	sshrl.u32 @!p0 s25, $0x3  }
0x236: {  	s13 =	scvt.s32.f32 @!p0 s24;
	s3 =	smul.u32 @!p0 $0x3000, s3  }
0x237: {  	s14 =	sshll.u32 @!p0 s25, $0x9;
	s15 =	sshll.u32 @!p0 s25, $0x7  }
0x238: {  	v32 =	vmov @!p0 s13;
	s13 =	sshra.s32 @!p0 s14, $0x2;
	s14 =	sand.u32 @!p0 $0x380, s15;
	s3 =	sshra.s32 @!p0 s3, $0x2  }
0x239: {  	[tilespmem:s13+$0x19000] =	vst.add.f32.msk @!p0 $0xffff, v32;
	s3 =	sor.u32 @!p0 s14, s3  }
0x23a: {  	[tilespmem:s3+$0xD000] =	vst.add.f32.msk @!p0 $0xffff, v31  }
0x23b: {  	[tilespmem:s3+$0xD010] =	vst.add.f32.msk @!p0 $0xffff, v30  }
0x23c: {  	[tilespmem:s3+$0xD020] =	vst.add.f32.msk @!p0 $0xffff, v29  }
0x23d: {  	[tilespmem:s3+$0xD030] =	vst.add.f32.msk @!p0 $0xffff, v28  }
0x23e: {  	[tilespmem:s3+$0xD040] =	vst.add.f32.msk @!p0 $0xffff, v27  }
0x23f: {  	[tilespmem:s3+$0xD050] =	vst.add.f32.msk @!p0 $0xffff, v26  }
0x240: {  	[tilespmem:s3+$0xD060] =	vst.add.f32.msk @!p0 $0xffff, v25  }
0x241: {  	[tilespmem:s3+$0xD070] =	vst.add.f32.msk @!p0 $0xffff, v24  }
0x242: {  	[tilespmem:s3+$0xD400] =	vst.add.f32.msk @!p0 $0xffff, v23  }
0x243: {  	[tilespmem:s3+$0xD410] =	vst.add.f32.msk @!p0 $0xffff, v22  }
0x244: {  	[tilespmem:s3+$0xD420] =	vst.add.f32.msk @!p0 $0xffff, v21  }
0x245: {  	[tilespmem:s3+$0xD430] =	vst.add.f32.msk @!p0 $0xffff, v20  }
0x246: {  	[tilespmem:s3+$0xD440] =	vst.add.f32.msk @!p0 $0xffff, v19  }
0x247: {  	[tilespmem:s3+$0xD450] =	vst.add.f32.msk @!p0 $0xffff, v18  }
0x248: {  	[tilespmem:s3+$0xD460] =	vst.add.f32.msk @!p0 $0xffff, v17  }
0x249: {  	[tilespmem:s3+$0xD470] =	vst.add.f32.msk @!p0 $0xffff, v16  }
0x24a: {  	[tilespmem:s3+$0xD800] =	vst.add.f32.msk @!p0 $0xffff, v15  }
0x24b: {  	[tilespmem:s3+$0xD810] =	vst.add.f32.msk @!p0 $0xffff, v14  }
0x24c: {  	[tilespmem:s3+$0xD820] =	vst.add.f32.msk @!p0 $0xffff, v13  }
0x24d: {  	s29 =	sld [smem:s0+$0x0];
	[tilespmem:s3+$0xD830] =	vst.add.f32.msk @!p0 $0xffff, v12  }
0x24e: {  	p6 =	seq.s32 s2, s25;
	s13 =	sld [smem:s0+$0x1];
	[tilespmem:s3+$0xD840] =	vst.add.f32.msk @!p0 $0xffff, v11  }
0x24f: {  	v31 =	vpsel !p6, $0x0, v31;
	v30 =	vpsel !p6, $0x0, v30;
	v29 =	vpsel !p6, $0x0, v29;
	[tilespmem:s3+$0xD850] =	vst.add.f32.msk @!p0 $0xffff, v10  }
0x250: {  	v28 =	vpsel !p6, $0x0, v28;
	v27 =	vpsel !p6, $0x0, v27;
	v26 =	vpsel !p6, $0x0, v26;
	[tilespmem:s3+$0xD860] =	vst.add.f32.msk @!p0 $0xffff, v9  }
0x251: {  	v25 =	vpsel !p6, $0x0, v25;
	v24 =	vpsel !p6, $0x0, v24;
	v23 =	vpsel !p6, $0x0, v23;
	[tilespmem:s3+$0xD870] =	vst.add.f32.msk @!p0 $0xffff, v8;
	p0 =	sle.s32 s13, s29  }
.Ltmp18:
0x252: {  	v22 =	vpsel !p6, $0x0, v22;
	v21 =	vpsel !p6, $0x0, v21;
	v20 =	vpsel !p6, $0x0, v20;
	(pc) =	sbr.rel @p0 .LBB2_23-.Ltmp18, $4  }
0x253: {  	v19 =	vpsel !p6, $0x0, v19;
	v18 =	vpsel !p6, $0x0, v18;
	v17 =	vpsel !p6, $0x0, v17  }
0x254: {  	v16 =	vpsel !p6, $0x0, v16;
	v15 =	vpsel !p6, $0x0, v15;
	v14 =	vpsel !p6, $0x0, v14  }
0x255: {  	v13 =	vpsel !p6, $0x0, v13;
	v12 =	vpsel !p6, $0x0, v12;
	v11 =	vpsel !p6, $0x0, v11  }
0x256: {  	v10 =	vpsel !p6, $0x0, v10;
	v9 =	vpsel !p6, $0x0, v9;
	v8 =	vpsel !p6, $0x0, v8  }
0x257: {  	s3 =	sshrl.u32 s29, $0x3  }
0x258: {  	s3 =	smul.u32 $0x3000, s3  }
0x259: {  	s15 =	sshll.u32 s29, $0x7  }
0x25a: {  	s14 =	sand.u32 $0x380, s15;
	s3 =	sshra.s32 s3, $0x2  }
0x25b: {  	s14 =	sor.u32 s14, s3  }
0x25c: {  	v32 =	vld [tilespmem:s14+$0x6870]  }
0x25d: {  	v33 =	vld [tilespmem:s14+$0x6000]  }
0x25e: {  	v34 =	vld [tilespmem:s14+$0x6010]  }
0x25f: {  	v35 =	vld [tilespmem:s14+$0x6020]  }
0x260: {  	v36 =	vld [tilespmem:s14+$0x6030]  }
0x261: {  	v37 =	vld [tilespmem:s14+$0x6040]  }
0x262: {  	v38 =	vld [tilespmem:s14+$0x6050]  }
0x263: {  	v39 =	vld [tilespmem:s14+$0x6060]  }
0x264: {  	v40 =	vld [tilespmem:s14+$0x6070]  }
0x265: {  	v41 =	vld [tilespmem:s14+$0x6400]  }
0x266: {  	v42 =	vld [tilespmem:s14+$0x6410]  }
0x267: {  	v43 =	vld [tilespmem:s14+$0x6420]  }
0x268: {  	s20 =	sadd.s32 $0x1, s29;
	v44 =	vld [tilespmem:s14+$0x6430];
	v8 =	vadd.f32 v32, v8;
	v31 =	vadd.f32 v33, v31  }
0x269: {  	p0 =	sne.s32 s13, s20;
	v45 =	vld [tilespmem:s14+$0x6440];
	v30 =	vadd.f32 v34, v30;
	v29 =	vadd.f32 v35, v29  }
.Ltmp19:
0x26a: {  	v28 =	vadd.f32 v36, v28;
	v27 =	vadd.f32 v37, v27;
	v32 =	vld [tilespmem:s14+$0x6450];
	(pc) =	sbr.rel @!p0 .LBB2_22-.Ltmp19, $4  }
0x26b: {  	v26 =	vadd.f32 v38, v26;
	v25 =	vadd.f32 v39, v25;
	v33 =	vld [tilespmem:s14+$0x6460]  }
0x26c: {  	v24 =	vadd.f32 v40, v24;
	v23 =	vadd.f32 v41, v23;
	v34 =	vld [tilespmem:s14+$0x6470]  }
0x26d: {  	v22 =	vadd.f32 v42, v22;
	v21 =	vadd.f32 v43, v21;
	v35 =	vld [tilespmem:s14+$0x6800]  }
0x26e: {  	v20 =	vadd.f32 v44, v20;
	v19 =	vadd.f32 v45, v19;
	v36 =	vld [tilespmem:s14+$0x6810]  }
.LBB2_21:
0x26f: {  	s3 =	sshrl.u32 s20, $0x3;
	s20 =	sadd.s32 $0x1, s20;
	v18 =	vadd.f32 v32, v18;
	v32 =	vld [tilespmem:s14+$0x6820]  }
0x270: {  	v17 =	vadd.f32 v33, v17;
	s3 =	smul.u32 $0x3000, s3;
	p0 =	sne.s32 s13, s20;
	v33 =	vld [tilespmem:s14+$0x6830]  }
0x271: {  	v16 =	vadd.f32 v34, v16;
	s15 =	sadd.s32 $0x80, s15;
	v34 =	vld [tilespmem:s14+$0x6840]  }
0x272: {  	v15 =	vadd.f32 v35, v15;
	s21 =	sand.u32 $0x380, s15;
	s3 =	sshra.s32 s3, $0x2;
	v35 =	vld [tilespmem:s14+$0x6850]  }
0x273: {  	v14 =	vadd.f32 v36, v14;
	v36 =	vld [tilespmem:s14+$0x6860];
	s14 =	sor.u32 s21, s3  }
0x274: {  	v37 =	vld [tilespmem:s14+$0x6870];
	v13 =	vadd.f32 v32, v13  }
0x275: {  	v32 =	vld [tilespmem:s14+$0x6000];
	v12 =	vadd.f32 v33, v12  }
0x276: {  	v33 =	vld [tilespmem:s14+$0x6010];
	v11 =	vadd.f32 v34, v11  }
0x277: {  	v34 =	vld [tilespmem:s14+$0x6020];
	v10 =	vadd.f32 v35, v10  }
0x278: {  	v35 =	vld [tilespmem:s14+$0x6030];
	v9 =	vadd.f32 v36, v9  }
0x279: {  	v36 =	vld [tilespmem:s14+$0x6040];
	v8 =	vadd.f32 v37, v8  }
0x27a: {  	v31 =	vadd.f32 v32, v31;
	v32 =	vld [tilespmem:s14+$0x6050]  }
0x27b: {  	v30 =	vadd.f32 v33, v30;
	v33 =	vld [tilespmem:s14+$0x6060]  }
0x27c: {  	v29 =	vadd.f32 v34, v29;
	v34 =	vld [tilespmem:s14+$0x6070]  }
0x27d: {  	v28 =	vadd.f32 v35, v28;
	v35 =	vld [tilespmem:s14+$0x6400]  }
0x27e: {  	v27 =	vadd.f32 v36, v27;
	v36 =	vld [tilespmem:s14+$0x6410]  }
0x27f: {  	v26 =	vadd.f32 v32, v26;
	v37 =	vld [tilespmem:s14+$0x6420]  }
0x280: {  	v25 =	vadd.f32 v33, v25;
	v38 =	vld [tilespmem:s14+$0x6430]  }
0x281: {  	v24 =	vadd.f32 v34, v24;
	v39 =	vld [tilespmem:s14+$0x6440]  }
.Ltmp20:
0x282: {  	v23 =	vadd.f32 v35, v23;
	v32 =	vld [tilespmem:s14+$0x6450];
	(pc) =	sbr.rel @p0 .LBB2_21-.Ltmp20, $4  }
0x283: {  	v22 =	vadd.f32 v36, v22;
	v33 =	vld [tilespmem:s14+$0x6460]  }
0x284: {  	v21 =	vadd.f32 v37, v21;
	v34 =	vld [tilespmem:s14+$0x6470]  }
0x285: {  	v20 =	vadd.f32 v38, v20;
	v35 =	vld [tilespmem:s14+$0x6800]  }
0x286: {  	v19 =	vadd.f32 v39, v19;
	v36 =	vld [tilespmem:s14+$0x6810]  }
.Ltmp21:
0x287: {  	_ = 	snop;
	(pc) =	sbr.rel .LBB2_22-.Ltmp21, $1  }
0x288: {  	_ =	sdelay $0x3  }
.LBB2_25:
0x289: {  	p0 =	slt.s32 s25, $0x0  }
0x28a: {  	s0 =	sshrl.u32 @!p0 s25, $0x3  }
0x28b: {  	s2 =	scvt.s32.f32 @!p0 s24;
	s0 =	smul.u32 @!p0 $0x3000, s0  }
0x28c: {  	s3 =	sshll.u32 @!p0 s25, $0x9;
	s13 =	sshll.u32 @!p0 s25, $0x7  }
0x28d: {  	v32 =	vmov @!p0 s2;
	s2 =	sshra.s32 @!p0 s3, $0x2;
	s3 =	sand.u32 @!p0 $0x380, s13;
	s0 =	sshra.s32 @!p0 s0, $0x2  }
0x28e: {  	[tilespmem:s2+$0x19000] =	vst.add.f32.msk @!p0 $0xffff, v32;
	s0 =	sor.u32 @!p0 s3, s0  }
0x28f: {  	[tilespmem:s0+$0xD000] =	vst.add.f32.msk @!p0 $0xffff, v31  }
0x290: {  	[tilespmem:s0+$0xD010] =	vst.add.f32.msk @!p0 $0xffff, v30  }
0x291: {  	[tilespmem:s0+$0xD020] =	vst.add.f32.msk @!p0 $0xffff, v29  }
0x292: {  	[tilespmem:s0+$0xD030] =	vst.add.f32.msk @!p0 $0xffff, v28  }
0x293: {  	[tilespmem:s0+$0xD040] =	vst.add.f32.msk @!p0 $0xffff, v27  }
0x294: {  	[tilespmem:s0+$0xD050] =	vst.add.f32.msk @!p0 $0xffff, v26  }
0x295: {  	[tilespmem:s0+$0xD060] =	vst.add.f32.msk @!p0 $0xffff, v25  }
0x296: {  	[tilespmem:s0+$0xD070] =	vst.add.f32.msk @!p0 $0xffff, v24  }
0x297: {  	[tilespmem:s0+$0xD400] =	vst.add.f32.msk @!p0 $0xffff, v23  }
0x298: {  	[tilespmem:s0+$0xD410] =	vst.add.f32.msk @!p0 $0xffff, v22  }
0x299: {  	[tilespmem:s0+$0xD420] =	vst.add.f32.msk @!p0 $0xffff, v21  }
0x29a: {  	[tilespmem:s0+$0xD430] =	vst.add.f32.msk @!p0 $0xffff, v20  }
0x29b: {  	[tilespmem:s0+$0xD440] =	vst.add.f32.msk @!p0 $0xffff, v19  }
0x29c: {  	[tilespmem:s0+$0xD450] =	vst.add.f32.msk @!p0 $0xffff, v18  }
0x29d: {  	[tilespmem:s0+$0xD460] =	vst.add.f32.msk @!p0 $0xffff, v17  }
0x29e: {  	[tilespmem:s0+$0xD470] =	vst.add.f32.msk @!p0 $0xffff, v16  }
0x29f: {  	[tilespmem:s0+$0xD800] =	vst.add.f32.msk @!p0 $0xffff, v15  }
0x2a0: {  	[tilespmem:s0+$0xD810] =	vst.add.f32.msk @!p0 $0xffff, v14  }
0x2a1: {  	[tilespmem:s0+$0xD820] =	vst.add.f32.msk @!p0 $0xffff, v13  }
0x2a2: {  	s29 =	simm.s32 $0x0;
	[tilespmem:s0+$0xD830] =	vst.add.f32.msk @!p0 $0xffff, v12  }
0x2a3: {  	s30 =	smul.u32 $0x3000, s29;
	[tilespmem:s0+$0xD840] =	vst.add.f32.msk @!p0 $0xffff, v11  }
0x2a4: {  	s2 =	simm.s32 $0x0;
	[tilespmem:s0+$0xD850] =	vst.add.f32.msk @!p0 $0xffff, v10  }
0x2a5: {  	s31 =	sand.u32 $0x380, s2;
	s3 =	sshra.s32 s30, $0x2;
	[tilespmem:s0+$0xD860] =	vst.add.f32.msk @!p0 $0xffff, v9  }
0x2a6: {  	[tilespmem:s0+$0xD870] =	vst.add.f32.msk @!p0 $0xffff, v8;
	s0 =	sor.u32 s31, s3  }
0x2a7: {  	v8 =	vld [tilespmem:s0+$0xD400]  }
0x2a8: {  	s13 =	simm.s32 $0x19000;
	v11 =	vld [tilespmem:s0+$0xD800]  }
0x2a9: {  	v13 =	vld [tilespmem:s13+$0x0]  }
0x2aa: {  	v9 =	vld [tilespmem:s0+$0xD810]  }
0x2ab: {  	v22 =	vld [tilespmem:s0+$0xD020]  }
0x2ac: {  	v10 =	vld [tilespmem:s0+$0xD440]  }
0x2ad: {  	v12 =	vld [tilespmem:s0+$0xD070]  }
0x2ae: {  	v14 =	vld [tilespmem:s0+$0xD470];
	v13 =	vmax.f32 v13, $1.000000000e+00  }
0x2af: {  	v16 =	vld [tilespmem:s0+$0xD010];
	(erf) = vrcp.f32 v13  }
0x2b0: {  	v15 =	vld [tilespmem:s0+$0xD460]  }
0x2b1: {  	v19 =	vld [tilespmem:s0+$0xD820]  }
0x2b2: {  	v21 =	vld [tilespmem:s0+$0xD860]  }
0x2b3: {  	v23 =	vld [tilespmem:s0+$0xD870]  }
0x2b4: {  	v18 =	vld [tilespmem:s0+$0xD000]  }
0x2b5: {  	v25 =	vld [tilespmem:s0+$0xD850]  }
0x2b6: {  	v24 =	vld [tilespmem:s0+$0xD830]  }
0x2b7: {  	v20 =	vld [tilespmem:s0+$0xD030]  }
0x2b8: {  	v17 =	vld [tilespmem:s0+$0xD840];
	v13 =	vpop (erf)  }
0x2b9: {  	v26 =	vmul.f32 v13, v18;
	v18 =	vld [tilespmem:s0+$0xD040];
	v27 =	vmul.f32 v23, v13  }
0x2ba: {  	s14 =	simm.s32 $0x1;
	v22 =	vmul.f32 v22, v13;
	v23 =	vld [tilespmem:s0+$0xD060];
	v25 =	vmul.f32 v25, v13  }
.LBB2_26:
0x2bb: {  	p0 =	sne.s32 s14, $0x3F;
	v16 =	vmul.f32 v16, v13;
	v28 =	vld [tilespmem:s0+$0xD430];
	v24 =	vmul.f32 v24, v13;
	[tilespmem:s0+$0xD870] =	vst v27;
	s2 =	sadd.s32 $0x80, s2;
	s13 =	sadd.s32 $0x80, s13  }
0x2bc: {  	v21 =	vmul.f32 v21, v13;
	s3 =	smov.u32 s14;
	s14 =	sadd.s32 $0x1, s14;
	[tilespmem:s0+$0xD000] =	vst v26;
	v20 =	vmul.f32 v20, v13;
	v26 =	vld [tilespmem:s0+$0xD420]  }
0x2bd: {  	v19 =	vmul.f32 v19, v13;
	v27 =	vld [tilespmem:s0+$0xD050];
	v17 =	vmul.f32 v17, v13;
	[tilespmem:s0+$0xD850] =	vst v25  }
0x2be: {  	v14 =	vmul.f32 v14, v13;
	v18 =	vmul.f32 v18, v13;
	v25 =	vld [tilespmem:s0+$0xD410];
	[tilespmem:s0+$0xD830] =	vst v24  }
0x2bf: {  	v15 =	vmul.f32 v15, v13;
	v23 =	vmul.f32 v23, v13;
	v24 =	vld [tilespmem:s0+$0xD450];
	[tilespmem:s0+$0xD820] =	vst v19  }
0x2c0: {  	v8 =	vmul.f32 v8, v13;
	v11 =	vmul.f32 v11, v13;
	[tilespmem:s0+$0xD860] =	vst v21  }
0x2c1: {  	v21 =	vmul.f32 v28, v13;
	[tilespmem:s0+$0xD020] =	vst v22;
	v19 =	vmul.f32 v26, v13  }
0x2c2: {  	v12 =	vmul.f32 v12, v13;
	v22 =	vmul.f32 v27, v13;
	[tilespmem:s0+$0xD470] =	vst v14  }
0x2c3: {  	v10 =	vmul.f32 v10, v13;
	v14 =	vmul.f32 v25, v13;
	[tilespmem:s0+$0xD460] =	vst v15  }
0x2c4: {  	v9 =	vmul.f32 v9, v13;
	[tilespmem:s0+$0xD070] =	vst v12;
	v12 =	vmul.f32 v24, v13  }
0x2c5: {  	[tilespmem:s0+$0xD800] =	vst v11  }
0x2c6: {  	[tilespmem:s0+$0xD010] =	vst v16  }
0x2c7: {  	[tilespmem:s0+$0xD810] =	vst v9  }
0x2c8: {  	[tilespmem:s0+$0xD060] =	vst v23  }
0x2c9: {  	[tilespmem:s0+$0xD440] =	vst v10  }
0x2ca: {  	[tilespmem:s0+$0xD030] =	vst v20  }
0x2cb: {  	[tilespmem:s0+$0xD840] =	vst v17  }
0x2cc: {  	s3 =	sshrl.u32 s3, $0x3;
	[tilespmem:s0+$0xD410] =	vst v14  }
0x2cd: {  	s3 =	smul.u32 $0x3000, s3;
	[tilespmem:s0+$0xD040] =	vst v18  }
0x2ce: {  	[tilespmem:s0+$0xD050] =	vst v22  }
0x2cf: {  	s15 =	sand.u32 $0x380, s2;
	s3 =	sshra.s32 s3, $0x2;
	[tilespmem:s0+$0xD450] =	vst v12  }
0x2d0: {  	s3 =	sor.u32 s15, s3;
	[tilespmem:s0+$0xD400] =	vst v8  }
0x2d1: {  	v8 =	vld [tilespmem:s3+$0xD400];
	[tilespmem:s0+$0xD430] =	vst v21  }
0x2d2: {  	v11 =	vld [tilespmem:s3+$0xD800];
	[tilespmem:s0+$0xD420] =	vst v19;
	s0 =	smov.u32 s3  }
0x2d3: {  	v13 =	vld [tilespmem:s13+$0x0]  }
0x2d4: {  	v9 =	vld [tilespmem:s0+$0xD810]  }
0x2d5: {  	v22 =	vld [tilespmem:s0+$0xD020]  }
0x2d6: {  	v10 =	vld [tilespmem:s0+$0xD440]  }
0x2d7: {  	v12 =	vld [tilespmem:s0+$0xD070]  }
0x2d8: {  	v13 =	vmax.f32 v13, $1.000000000e+00;
	v14 =	vld [tilespmem:s0+$0xD470]  }
0x2d9: {  	v16 =	vld [tilespmem:s0+$0xD010];
	(erf) = vrcp.f32 v13  }
0x2da: {  	v15 =	vld [tilespmem:s0+$0xD460]  }
0x2db: {  	v19 =	vld [tilespmem:s0+$0xD820]  }
0x2dc: {  	v21 =	vld [tilespmem:s0+$0xD860]  }
0x2dd: {  	v23 =	vld [tilespmem:s0+$0xD870]  }
0x2de: {  	v18 =	vld [tilespmem:s0+$0xD000]  }
0x2df: {  	v25 =	vld [tilespmem:s0+$0xD850]  }
.Ltmp22:
0x2e0: {  	v24 =	vld [tilespmem:s0+$0xD830];
	(pc) =	sbr.rel @p0 .LBB2_26-.Ltmp22, $4  }
0x2e1: {  	v20 =	vld [tilespmem:s0+$0xD030]  }
0x2e2: {  	v17 =	vld [tilespmem:s0+$0xD840];
	v13 =	vpop (erf)  }
0x2e3: {  	v26 =	vmul.f32 v13, v18;
	v18 =	vld [tilespmem:s0+$0xD040];
	v27 =	vmul.f32 v23, v13  }
0x2e4: {  	v22 =	vmul.f32 v22, v13;
	v23 =	vld [tilespmem:s0+$0xD060];
	v25 =	vmul.f32 v25, v13  }
0x2e5: {  	[tilespmem:s0+$0xD870] =	vst v27  }
0x2e6: {  	[tilespmem:s0+$0xD000] =	vst v26  }
0x2e7: {  	v24 =	vmul.f32 v24, v13;
	[tilespmem:s0+$0xD850] =	vst v25  }
0x2e8: {  	v19 =	vmul.f32 v19, v13;
	[tilespmem:s0+$0xD020] =	vst v22  }
0x2e9: {  	v21 =	vmul.f32 v21, v13;
	[tilespmem:s0+$0xD830] =	vst v24  }
0x2ea: {  	v14 =	vmul.f32 v14, v13;
	[tilespmem:s0+$0xD820] =	vst v19  }
0x2eb: {  	v15 =	vmul.f32 v15, v13;
	[tilespmem:s0+$0xD860] =	vst v21  }
0x2ec: {  	v12 =	vmul.f32 v12, v13;
	[tilespmem:s0+$0xD470] =	vst v14  }
0x2ed: {  	v11 =	vmul.f32 v11, v13;
	[tilespmem:s0+$0xD460] =	vst v15  }
0x2ee: {  	v9 =	vmul.f32 v9, v13;
	[tilespmem:s0+$0xD070] =	vst v12  }
0x2ef: {  	v10 =	vmul.f32 v10, v13;
	[tilespmem:s0+$0xD800] =	vst v11  }
0x2f0: {  	v8 =	vmul.f32 v8, v13;
	[tilespmem:s0+$0xD810] =	vst v9  }
0x2f1: {  	v25 =	vld [tilespmem:s0+$0xD410];
	v14 =	vmul.f32 v16, v13;
	[tilespmem:s0+$0xD440] =	vst v10  }
0x2f2: {  	v28 =	vld [tilespmem:s0+$0xD430];
	v9 =	vmul.f32 v20, v13;
	[tilespmem:s0+$0xD400] =	vst v8  }
0x2f3: {  	v24 =	vld [tilespmem:s0+$0xD450];
	v11 =	vmul.f32 v23, v13;
	[tilespmem:s0+$0xD010] =	vst v14  }
0x2f4: {  	v27 =	vld [tilespmem:s0+$0xD050];
	[tilespmem:s0+$0xD030] =	vst v9;
	v9 =	vmul.f32 v18, v13  }
0x2f5: {  	v26 =	vld [tilespmem:s0+$0xD420];
	[tilespmem:s0+$0xD060] =	vst v11;
	v11 =	vmul.f32 v17, v13  }
0x2f6: {  	v10 =	vmul.f32 v25, v13;
	[tilespmem:s0+$0xD040] =	vst v9  }
0x2f7: {  	v9 =	vmul.f32 v28, v13;
	[tilespmem:s0+$0xD840] =	vst v11  }
0x2f8: {  	[tilespmem:s0+$0xD410] =	vst v10;
	v10 =	vmul.f32 v24, v13  }
0x2f9: {  	v11 =	vmul.f32 v27, v13;
	[tilespmem:s0+$0xD430] =	vst v9  }
0x2fa: {  	[tilespmem:s0+$0xD450] =	vst v10;
	v10 =	vmul.f32 v26, v13  }
0x2fb: {  	s31 =	simm.s32 $0x8;
	[tilespmem:s0+$0xD050] =	vst v11  }
0x2fc: {  	s30 =	simm.s32 $0xD000;
	s2 =	simm.s32 $0x2000;
	[tilespmem:s0+$0xD420] =	vst v10;
	s0 =	smul.u32 $0x3000, s31  }
0x2fd: {  	[hbm4b:s8+s11] =	stream.strided.scatter [tilespmem:s30], [sflag:$0x3], $0x6000, s12, s11, $0x38;
	[tilespmem:$0x1D100] =	vst v63  }
0x2fe: {  	s13 =	simm.s32 $0x1B000;
	s3 =	sand.u32 $0x380, s2;
	s0 =	sshra.s32 s0, $0x2  }
0x2ff: {  	v13 =	vld [tilespmem:s13+$0x0];
	s0 =	sor.u32 s3, s0  }
0x300: {  	v8 =	vld [tilespmem:s0+$0xD400]  }
0x301: {  	v11 =	vld [tilespmem:s0+$0xD800]  }
0x302: {  	v9 =	vld [tilespmem:s0+$0xD810]  }
0x303: {  	v22 =	vld [tilespmem:s0+$0xD020]  }
0x304: {  	v10 =	vld [tilespmem:s0+$0xD440]  }
0x305: {  	v12 =	vld [tilespmem:s0+$0xD070]  }
0x306: {  	v14 =	vld [tilespmem:s0+$0xD470];
	v13 =	vmax.f32 v13, $1.000000000e+00  }
0x307: {  	v16 =	vld [tilespmem:s0+$0xD010];
	(erf) = vrcp.f32 v13  }
0x308: {  	v15 =	vld [tilespmem:s0+$0xD460]  }
0x309: {  	v19 =	vld [tilespmem:s0+$0xD820]  }
0x30a: {  	v21 =	vld [tilespmem:s0+$0xD860]  }
0x30b: {  	v23 =	vld [tilespmem:s0+$0xD870]  }
0x30c: {  	v18 =	vld [tilespmem:s0+$0xD000]  }
0x30d: {  	v25 =	vld [tilespmem:s0+$0xD850]  }
0x30e: {  	v24 =	vld [tilespmem:s0+$0xD830]  }
0x30f: {  	v20 =	vld [tilespmem:s0+$0xD030]  }
0x310: {  	v17 =	vld [tilespmem:s0+$0xD840];
	v13 =	vpop (erf)  }
0x311: {  	v26 =	vmul.f32 v13, v18;
	v18 =	vld [tilespmem:s0+$0xD040];
	v27 =	vmul.f32 v23, v13  }
0x312: {  	s14 =	simm.s32 $0x41;
	v22 =	vmul.f32 v22, v13;
	v23 =	vld [tilespmem:s0+$0xD060];
	v25 =	vmul.f32 v25, v13  }
.LBB2_28:
0x313: {  	p0 =	sne.s32 s14, $0x7F;
	v16 =	vmul.f32 v16, v13;
	v28 =	vld [tilespmem:s0+$0xD430];
	v24 =	vmul.f32 v24, v13;
	[tilespmem:s0+$0xD870] =	vst v27;
	s2 =	sadd.s32 $0x80, s2;
	s13 =	sadd.s32 $0x80, s13  }
0x314: {  	v21 =	vmul.f32 v21, v13;
	s3 =	smov.u32 s14;
	s14 =	sadd.s32 $0x1, s14;
	[tilespmem:s0+$0xD000] =	vst v26;
	v20 =	vmul.f32 v20, v13;
	v26 =	vld [tilespmem:s0+$0xD420]  }
0x315: {  	v19 =	vmul.f32 v19, v13;
	v27 =	vld [tilespmem:s0+$0xD050];
	v17 =	vmul.f32 v17, v13;
	[tilespmem:s0+$0xD850] =	vst v25  }
0x316: {  	v14 =	vmul.f32 v14, v13;
	v18 =	vmul.f32 v18, v13;
	v25 =	vld [tilespmem:s0+$0xD410];
	[tilespmem:s0+$0xD830] =	vst v24  }
0x317: {  	v15 =	vmul.f32 v15, v13;
	v23 =	vmul.f32 v23, v13;
	v24 =	vld [tilespmem:s0+$0xD450];
	[tilespmem:s0+$0xD820] =	vst v19  }
0x318: {  	v8 =	vmul.f32 v8, v13;
	v11 =	vmul.f32 v11, v13;
	[tilespmem:s0+$0xD860] =	vst v21  }
0x319: {  	v21 =	vmul.f32 v28, v13;
	[tilespmem:s0+$0xD020] =	vst v22;
	v19 =	vmul.f32 v26, v13  }
0x31a: {  	v12 =	vmul.f32 v12, v13;
	v22 =	vmul.f32 v27, v13;
	[tilespmem:s0+$0xD470] =	vst v14  }
0x31b: {  	v10 =	vmul.f32 v10, v13;
	v14 =	vmul.f32 v25, v13;
	[tilespmem:s0+$0xD460] =	vst v15  }
0x31c: {  	v9 =	vmul.f32 v9, v13;
	[tilespmem:s0+$0xD070] =	vst v12;
	v12 =	vmul.f32 v24, v13  }
0x31d: {  	[tilespmem:s0+$0xD800] =	vst v11  }
0x31e: {  	[tilespmem:s0+$0xD010] =	vst v16  }
0x31f: {  	[tilespmem:s0+$0xD810] =	vst v9  }
0x320: {  	[tilespmem:s0+$0xD060] =	vst v23  }
0x321: {  	[tilespmem:s0+$0xD440] =	vst v10  }
0x322: {  	[tilespmem:s0+$0xD030] =	vst v20  }
0x323: {  	[tilespmem:s0+$0xD840] =	vst v17  }
0x324: {  	s3 =	sshrl.u32 s3, $0x3;
	[tilespmem:s0+$0xD410] =	vst v14  }
0x325: {  	s3 =	smul.u32 $0x3000, s3;
	[tilespmem:s0+$0xD040] =	vst v18  }
0x326: {  	[tilespmem:s0+$0xD050] =	vst v22  }
0x327: {  	s15 =	sand.u32 $0x380, s2;
	s3 =	sshra.s32 s3, $0x2;
	[tilespmem:s0+$0xD450] =	vst v12  }
0x328: {  	s3 =	sor.u32 s15, s3;
	[tilespmem:s0+$0xD400] =	vst v8  }
0x329: {  	v8 =	vld [tilespmem:s3+$0xD400];
	[tilespmem:s0+$0xD430] =	vst v21  }
0x32a: {  	v11 =	vld [tilespmem:s3+$0xD800];
	[tilespmem:s0+$0xD420] =	vst v19;
	s0 =	smov.u32 s3  }
0x32b: {  	v13 =	vld [tilespmem:s13+$0x0]  }
0x32c: {  	v9 =	vld [tilespmem:s0+$0xD810]  }
0x32d: {  	v22 =	vld [tilespmem:s0+$0xD020]  }
0x32e: {  	v10 =	vld [tilespmem:s0+$0xD440]  }
0x32f: {  	v12 =	vld [tilespmem:s0+$0xD070]  }
0x330: {  	v13 =	vmax.f32 v13, $1.000000000e+00;
	v14 =	vld [tilespmem:s0+$0xD470]  }
0x331: {  	v16 =	vld [tilespmem:s0+$0xD010];
	(erf) = vrcp.f32 v13  }
0x332: {  	v15 =	vld [tilespmem:s0+$0xD460]  }
0x333: {  	v19 =	vld [tilespmem:s0+$0xD820]  }
0x334: {  	v21 =	vld [tilespmem:s0+$0xD860]  }
0x335: {  	v23 =	vld [tilespmem:s0+$0xD870]  }
0x336: {  	v18 =	vld [tilespmem:s0+$0xD000]  }
0x337: {  	v25 =	vld [tilespmem:s0+$0xD850]  }
.Ltmp23:
0x338: {  	v24 =	vld [tilespmem:s0+$0xD830];
	(pc) =	sbr.rel @p0 .LBB2_28-.Ltmp23, $4  }
0x339: {  	v20 =	vld [tilespmem:s0+$0xD030]  }
0x33a: {  	v17 =	vld [tilespmem:s0+$0xD840];
	v13 =	vpop (erf)  }
0x33b: {  	v26 =	vmul.f32 v13, v18;
	v18 =	vld [tilespmem:s0+$0xD040];
	v27 =	vmul.f32 v23, v13  }
0x33c: {  	v22 =	vmul.f32 v22, v13;
	v23 =	vld [tilespmem:s0+$0xD060];
	v25 =	vmul.f32 v25, v13  }
0x33d: {  	[tilespmem:s0+$0xD870] =	vst v27  }
0x33e: {  	[tilespmem:s0+$0xD000] =	vst v26  }
0x33f: {  	v24 =	vmul.f32 v24, v13;
	[tilespmem:s0+$0xD850] =	vst v25  }
0x340: {  	v19 =	vmul.f32 v19, v13;
	[tilespmem:s0+$0xD020] =	vst v22  }
0x341: {  	v21 =	vmul.f32 v21, v13;
	[tilespmem:s0+$0xD830] =	vst v24  }
0x342: {  	v14 =	vmul.f32 v14, v13;
	[tilespmem:s0+$0xD820] =	vst v19  }
0x343: {  	v15 =	vmul.f32 v15, v13;
	[tilespmem:s0+$0xD860] =	vst v21  }
0x344: {  	v12 =	vmul.f32 v12, v13;
	[tilespmem:s0+$0xD470] =	vst v14  }
0x345: {  	v11 =	vmul.f32 v11, v13;
	[tilespmem:s0+$0xD460] =	vst v15  }
0x346: {  	v54 =	vmul.f32 v16, v13;
	[tilespmem:s0+$0xD070] =	vst v12  }
0x347: {  	v9 =	vmul.f32 v9, v13;
	[tilespmem:s0+$0xD800] =	vst v11  }
0x348: {  	v10 =	vmul.f32 v10, v13;
	[tilespmem:s0+$0xD010] =	vst v54  }
0x349: {  	v52 =	vld [tilespmem:s0+$0xD410];
	v8 =	vmul.f32 v8, v13;
	[tilespmem:s0+$0xD810] =	vst v9  }
0x34a: {  	v51 =	vld [tilespmem:s0+$0xD050];
	v56 =	vmul.f32 v20, v13;
	[tilespmem:s0+$0xD440] =	vst v10  }
0x34b: {  	v53 =	vld [tilespmem:s0+$0xD450];
	v57 =	vmul.f32 v17, v13;
	[tilespmem:s0+$0xD400] =	vst v8  }
0x34c: {  	v28 =	vld [tilespmem:s0+$0xD430];
	[tilespmem:s0+$0xD030] =	vst v56;
	v59 =	vmul.f32 v18, v13  }
0x34d: {  	v50 =	vld [tilespmem:s0+$0xD420];
	v55 =	vmul.f32 v23, v13;
	[tilespmem:s0+$0xD840] =	vst v57  }
0x34e: {  	v58 =	vmul.f32 v52, v13;
	[tilespmem:s0+$0xD040] =	vst v59  }
0x34f: {  	v60 =	vmul.f32 v51, v13;
	[tilespmem:s0+$0xD060] =	vst v55  }
0x350: {  	v61 =	vmul.f32 v53, v13;
	[tilespmem:s0+$0xD410] =	vst v58  }
0x351: {  	v62 =	vmul.f32 v28, v13;
	[tilespmem:s0+$0xD050] =	vst v60  }
0x352: {  	v63 =	vmul.f32 v50, v13;
	[tilespmem:s0+$0xD450] =	vst v61  }
0x353: {  	[tilespmem:s0+$0xD430] =	vst v62  }
0x354: {  	s31 =	simm.s32 $0x13000;
	s23 =	sadd.s32 $0x1, s23;
	[tilespmem:s0+$0xD420] =	vst v63  }
0x355: {  	[hbm4b:s9+s11] =	stream.strided.scatter [tilespmem:s31], [sflag:$0x4], $0x6000, s12, s11, $0x38;
	[tilespmem:$0x1D100] =	vst v63  }
0x356: {  	p0 =	sne.s32 s23, s10;
	_ =	swait.ge [sflag:s22], $0x6000  }
.Ltmp24:
0x357: {  	[sflag:s22] =	ssyncset.done $0x0;
	(pc) =	sbr.rel @p0 .LBB2_1-.Ltmp24, $4  }
0x358: {  	[sflag:s22] =	ssyncadd.s32 $0xFFFFA000  }
0x359: {  	_ =	swait.ge [sflag:s16], $0x6000  }
0x35a: {  	[sflag:s16] =	ssyncset.done $0x0  }
0x35b: {  	[sflag:s16] =	ssyncadd.s32 $0xFFFFA000  }
0x35c: {  	_ =	sfence.sel $0x180000  }
0x35d: {  	[bflag:$0x0] =	sbarrier.arrive $0xFFFF  }
0x35e: {  	_ =	strace $0x90000047  }
0x35f: {  	s0 =	stileid.u32;
	[bflag:$0x2] =	sbarrier.arrive $0xFFFF  }
0x360: {  	p0 =	sne.s32 s0, $0x0;
	s0 =	rddreg [dreg:$0x3]  }
0x361: {  	s0 =	sadd.s32 @!p0 $0x100000, s0  }
0x362: {  	[sflag:s0] =	ssyncadd.tile.s32 @!p0 $0x1;
	_ =	shalt  }
.Lfunc_end2:
_tile_overlayer_lowered:
.L_overlay_start_2:
0x363: {  	(tag) =	ssettag $0x2  }
0x364: {  	s0 =	rddreg [dreg:$0x0];
	s2 =	stileid.u32  }
0x365: {  	s1 =	rddreg [dreg:$0x1];
	p0 =	sne.s32 s2, $0x0  }
0x366: {  	s3 =	rddreg [dreg:$0x2];
	[bflag:$0x3] =	sbarrier.arrive $0xFFFF;
	s2 =	simm.s32 @!p0 $0x1C04  }
0x367: {  	[timem:s3], [sflag:s2] =	dma.local @!p0 [hbm:s0], s1  }
0x368: {  	s0 =	simm.s32 @!p0 $0x4  }
0x369: {  	_ =	swait.ge @!p0 [sflag:s0], s1  }
0x36a: {  	s1 =	ssub.s32 @!p0 $0x0, s1;
	[sflag:s0] =	ssyncset.done @!p0 $0x0  }
0x36b: {  	[sflag:s0] =	ssyncadd.s32 @!p0 s1  }
0x36c: {  	[bflag:$0x3] =	sbarrier.arrive $0xFFFF  }
0x36d: {  	_ =	shalt  }

</sc_bundles>
